<compile_context>
chip_gen: v7x
topology: tpu7x:2x2x1
jax: 0.10.2.dev20260603
libtpu: 0.0.44.dev20260713+nightly
codegen_flags: <defaults>
</compile_context>

<pallas_src>
import functools

import jax
import jax.numpy as jnp
from jax import lax
from jax.experimental import pallas as pl
from jax.experimental.pallas import tpu as pltpu
from jax.experimental.pallas import tpu_sc as plsc

_N, _D, _E, _H, _K = 2048, 768, 64, 128, 2
_B = 64
_NPB = _N * _K // _B + _E - 1
_NPB_PAD = 128
_P = _NPB_PAD * _B


def _routing_body(x_ref, Wg_ref, dst_ref, wv_ref, bexp_ref, nact_ref):
    x = x_ref[...]
    N, E, B = _N, _E, _B
    logits = lax.dot_general(x, Wg_ref[...], (((1,), (1,)), ((), ())),
                             preferred_element_type=jnp.float32)
    s = jax.nn.sigmoid(logits)
    lane = lax.broadcasted_iota(jnp.int32, s.shape, 1)
    m1 = jnp.max(s, axis=1, keepdims=True)
    i1 = jnp.min(jnp.where(s >= m1, lane, E), axis=1, keepdims=True)
    mask1 = lane == i1
    s2 = jnp.where(mask1, -1.0, s)
    m2 = jnp.max(s2, axis=1, keepdims=True)
    i2 = jnp.min(jnp.where(s2 >= m2, lane, E), axis=1, keepdims=True)
    mask2 = lane == i2

    histf = mask1.astype(jnp.float32) + mask2.astype(jnp.float32)
    G, GS = 16, N // 16
    r0 = lax.broadcasted_iota(jnp.int32, (GS, GS), 0)
    c0 = lax.broadcasted_iota(jnp.int32, (GS, GS), 1)
    ltri = (r0 >= c0).astype(jnp.float32)
    within = [
        lax.dot_general(ltri, histf[gi * GS:(gi + 1) * GS],
                        (((1,), (0,)), ((), ())),
                        preferred_element_type=jnp.float32)
        for gi in range(G)
    ]
    gtot = jnp.concatenate([w[GS - 1:GS] for w in within], axis=0)
    rg = lax.broadcasted_iota(jnp.int32, (G, G), 0)
    cg = lax.broadcasted_iota(jnp.int32, (G, G), 1)
    sltri = (rg > cg).astype(jnp.float32)
    goff = lax.dot_general(sltri, gtot, (((1,), (0,)), ((), ())),
                           preferred_element_type=jnp.float32)
    c = jnp.concatenate(
        [within[gi] + goff[gi:gi + 1] for gi in range(G)], axis=0)
    cum_excl = (c - histf).astype(jnp.int32)
    counts = goff[G - 1:G] + gtot[G - 1:G]
    nb = ((counts + (B - 1)) // B).astype(jnp.float32)
    re = lax.broadcasted_iota(jnp.int32, (E, E), 0)
    ce = lax.broadcasted_iota(jnp.int32, (E, E), 1)
    utri = (re <= ce).astype(jnp.float32)
    cnb = lax.dot_general(nb, utri, (((1,), (0,)), ((), ())),
                          preferred_element_type=jnp.float32)
    nbo = (cnb - nb).astype(jnp.int32)
    cnb = cnb.astype(jnp.int32)
    nb = nb.astype(jnp.int32)
    nact = jnp.max(cnb, axis=1, keepdims=True)
    poff = B * nbo

    z = jnp.zeros_like(cum_excl)
    rank0 = jnp.sum(jnp.where(mask1, cum_excl, z), axis=1, keepdims=True)
    rank1 = jnp.sum(jnp.where(mask2, cum_excl, z), axis=1, keepdims=True)
    poffb = jnp.broadcast_to(poff, (N, E))
    off0 = jnp.sum(jnp.where(mask1, poffb, z), axis=1, keepdims=True)
    off1 = jnp.sum(jnp.where(mask2, poffb, z), axis=1, keepdims=True)
    dst_ref[...] = jnp.concatenate([off0 + rank0, off1 + rank1], axis=1)
    wv_ref[...] = jnp.concatenate([m1, m2], axis=1)

    bb = lax.broadcasted_iota(jnp.int32, (_NPB_PAD, E), 0)
    bbc = jnp.minimum(bb, nact - 1)
    cmp = jnp.broadcast_to(cnb, (_NPB_PAD, E)) <= bbc
    bexp_ref[...] = jnp.sum(cmp.astype(jnp.int32), axis=1, keepdims=True)
    nact_ref[...] = nact


def _routing(x, Wg):
    return pl.pallas_call(
        _routing_body,
        out_shape=[
            jax.ShapeDtypeStruct((_N, _K), jnp.int32),
            jax.ShapeDtypeStruct((_N, _K), jnp.float32),
            jax.ShapeDtypeStruct((_NPB_PAD, 1), jnp.int32),
            jax.ShapeDtypeStruct((1, 1), jnp.int32),
        ],
    )(x, Wg)


def _ffn_body(bexp_s, nact_s, xs_ref, ws_ref, W1_ref, b1_ref, W2_ref,
              b2_ref, ys_ref):
    b = pl.program_id(0)

    @pl.when(b < nact_s[0])
    def _():
        w = ws_ref[0]
        h = jnp.maximum(
            lax.dot_general(xs_ref[...], W1_ref[0],
                            (((1,), (0,)), ((), ())),
                            preferred_element_type=jnp.float32)
            + b1_ref[0], 0.0)
        ys_ref[...] = (
            lax.dot_general(h * w, W2_ref[0], (((1,), (0,)), ((), ())),
                            preferred_element_type=jnp.float32)
            + w * b2_ref[0])


def _grouped_ffn(bexp, nact, xs, ws, W1, b1, W2, b2):
    D, H = _D, _H
    grid_spec = pltpu.PrefetchScalarGridSpec(
        num_scalar_prefetch=2,
        grid=(_NPB_PAD,),
        in_specs=[
            pl.BlockSpec((_B, D),
                         lambda b, be, na: (jnp.minimum(b, na[0] - 1), 0)),
            pl.BlockSpec((1, _B, 1),
                         lambda b, be, na: (jnp.minimum(b, na[0] - 1), 0, 0)),
            pl.BlockSpec((1, D, H), lambda b, be, na: (be[b], 0, 0)),
            pl.BlockSpec((1, 1, H), lambda b, be, na: (be[b], 0, 0)),
            pl.BlockSpec((1, H, D), lambda b, be, na: (be[b], 0, 0)),
            pl.BlockSpec((1, 1, D), lambda b, be, na: (be[b], 0, 0)),
        ],
        out_specs=pl.BlockSpec(
            (_B, D), lambda b, be, na: (jnp.minimum(b, na[0] - 1), 0)),
    )
    return pl.pallas_call(
        _ffn_body,
        grid_spec=grid_spec,
        out_shape=jax.ShapeDtypeStruct((_P, D), jnp.float32),
        compiler_params=pltpu.CompilerParams(
            dimension_semantics=("arbitrary",)),
    )(bexp, nact, xs, ws.reshape(_NPB_PAD, _B, 1), W1,
      b1.reshape(_E, 1, H), W2, b2.reshape(_E, 1, D))


def _mesh():
    return plsc.VectorSubcoreMesh(core_axis_name="c", subcore_axis_name="s")


_NT = 16
_NC = 2
_NW = _NT * _NC


def _scatter_kernel(dst3, wv3):
    a_per_t = _N * _K // _NT
    sl = _P // _NT

    @functools.partial(
        pl.kernel, mesh=_mesh(),
        out_type=[jax.ShapeDtypeStruct((_P,), jnp.int32),
                  jax.ShapeDtypeStruct((_P,), jnp.float32)],
        scratch_types=[
            pltpu.VMEM((sl,), jnp.int32),
            pltpu.VMEM((sl,), jnp.float32),
            pltpu.VMEM((2, 128), jnp.int32),
            pltpu.VMEM((128,), jnp.int32),
            pltpu.VMEM((2, 128), jnp.float32),
            pltpu.VMEM_SHARED((_P,), jnp.int32),
            pltpu.VMEM_SHARED((_P,), jnp.float32),
        ],
    )
    def k(dst_h, wv_h, ts_h, ws_h, zbi, zbf, idx2, tidv, wval2, ts_sp, ws_sp):
        c = lax.axis_index("c")
        s = lax.axis_index("s")

        @pl.when(c == 0)
        def _():
            def zero16(i, _):
                zbi[pl.ds(i * 16, 16)] = jnp.zeros((16,), jnp.int32)
                return 0
            lax.fori_loop(0, sl // 16, zero16, 0)
            pltpu.sync_copy(zbi, ts_sp.at[pl.ds(pl.multiple_of(s * sl, sl), sl)])

        @pl.when(c == 1)
        def _():
            def zero16(i, _):
                zbf[pl.ds(i * 16, 16)] = jnp.zeros((16,), jnp.float32)
                return 0
            lax.fori_loop(0, sl // 16, zero16, 0)
            pltpu.sync_copy(zbf, ws_sp.at[pl.ds(pl.multiple_of(s * sl, sl), sl)])

        plsc.subcore_barrier()
        pltpu.sync_copy(dst_h.at[s], idx2)

        @pl.when(c == 0)
        def _():
            for j in range(2):
                def fill(i, _):
                    base = s * a_per_t + j * 128 + i * 16
                    tidv[pl.ds(i * 16, 16)] = (
                        (base + lax.iota(jnp.int32, 16)) >> 1)
                    return 0
                lax.fori_loop(0, 8, fill, 0)
                pltpu.sync_copy(tidv, ts_sp.at[idx2.at[j]], add=True)

        @pl.when(c == 1)
        def _():
            pltpu.sync_copy(wv_h.at[s], wval2)
            for j in range(2):
                pltpu.sync_copy(wval2.at[j], ws_sp.at[idx2.at[j]], add=True)

        plsc.subcore_barrier()

        @pl.when(c == 0)
        def _():
            pltpu.sync_copy(ts_sp.at[pl.ds(pl.multiple_of(s * sl, sl), sl)],
                            ts_h.at[pl.ds(pl.multiple_of(s * sl, sl), sl)])

        @pl.when(c == 1)
        def _():
            pltpu.sync_copy(ws_sp.at[pl.ds(pl.multiple_of(s * sl, sl), sl)],
                            ws_h.at[pl.ds(pl.multiple_of(s * sl, sl), sl)])

    return k(dst3, wv3)


def _dispatch_gather(x, ts3, na16):
    rpc = 64
    n_chunks = _P // rpc
    cpt = n_chunks // _NW

    @functools.partial(
        pl.kernel, mesh=_mesh(),
        out_type=jax.ShapeDtypeStruct((n_chunks, rpc, _D), jnp.float32),
        scratch_types=[
            pltpu.VMEM((cpt, rpc), jnp.int32),
            pltpu.VMEM((2, rpc, _D), jnp.float32),
            pltpu.VMEM((16,), jnp.int32),
            pltpu.SemaphoreType.DMA,
            pltpu.SemaphoreType.DMA,
        ],
    )
    def k(x_h, ts_h, na_h, xs_h, idx_v, rows_v, na_v, gsem, wsem):
        c = lax.axis_index("c")
        s = lax.axis_index("s")
        wid = s * _NC + c
        pltpu.sync_copy(na_h, na_v)
        pltpu.sync_copy(ts_h.at[wid], idx_v)
        rows_lim = na_v[...][0] * _B
        for ci in range(cpt):
            m = ci * _NW + wid

            @pl.when(m * rpc < rows_lim)
            def _(ci=ci, m=m):
                pltpu.async_copy(x_h.at[idx_v.at[ci]], rows_v.at[ci % 2],
                                 gsem).wait()
                pltpu.async_copy(rows_v.at[ci % 2], xs_h.at[m], wsem).wait()

    return k(x, ts3, na16)


def _combine(ys, dstA, dstB):
    tpc = 32
    n_chunks = _N // tpc

    @functools.partial(
        pl.kernel, mesh=_mesh(),
        out_type=jax.ShapeDtypeStruct((_N, _D), jnp.float32),
        scratch_types=[
            pltpu.VMEM((tpc,), jnp.int32),
            pltpu.VMEM((tpc,), jnp.int32),
            pltpu.VMEM((tpc, _D), jnp.float32),
            pltpu.VMEM((tpc, _D), jnp.float32),
            pltpu.VMEM((tpc, _D), jnp.float32),
            pltpu.SemaphoreType.DMA,
        ],
    )
    def k(ys_h, dA_h, dB_h, out_h, ia_v, ib_v, ra_v, rb_v, ro_v, sem):
        c = lax.axis_index("c")
        s = lax.axis_index("s")
        wid = s * _NC + c
        for h in range(_N // tpc // _NW):
            q = wid * 2 + h
            pltpu.sync_copy(dA_h.at[q], ia_v)
            pltpu.sync_copy(dB_h.at[q], ib_v)
            ga = pltpu.async_copy(ys_h.at[ia_v], ra_v, sem)
            gb = pltpu.async_copy(ys_h.at[ib_v], rb_v, sem)
            ga.wait()
            gb.wait()

            def addrow(r, _):
                for j in range(_D // 16):
                    ro_v[r, pl.ds(j * 16, 16)] = (
                        ra_v[r, pl.ds(j * 16, 16)]
                        + rb_v[r, pl.ds(j * 16, 16)])
                return 0

            lax.fori_loop(0, tpc, addrow, 0)
            pltpu.sync_copy(ro_v, out_h.at[pl.ds(pl.multiple_of(q * tpc, tpc), tpc)])

    return k(ys, dstA, dstB)


def kernel(x, Wg, W1, b1, W2, b2):
    dst, wv, bexp, nact = _routing(x, Wg)

    dst3 = dst.reshape(_NT, 2, 128)
    wv3 = wv.reshape(_NT, 2, 128)
    ts, ws = _scatter_kernel(dst3, wv3)
    na16 = jnp.broadcast_to(nact.reshape(1), (16,))
    cpt = _P // _NW // 64
    ts4 = ts.reshape(cpt, _NW, 64).transpose(1, 0, 2)
    xs = _dispatch_gather(x, ts4, na16)

    ys = _grouped_ffn(bexp.reshape(-1), nact.reshape(-1), xs.reshape(_P, _D),
                      ws, W1, b1, W2, b2)

    dstA = dst[:, 0].reshape(_N // 32, 32)
    dstB = dst[:, 1].reshape(_N // 32, 32)
    return _combine(ys, dstA, dstB)

# --- scband reference (transcript-rebuilt; emitter-appended) ---
"""Pipeline reference for scband-mo-e-84361747628175 (READ-ONLY COPY).

The authoritative reference and input builder live on the scoring server;
editing this copy changes nothing except your own understanding.
"""

import jax, jax.numpy as jnp
import numpy as np

N = 2048
D = 768
E = 64
H = 128
K = 2

def setup_inputs(seed: int = 0) -> dict:
    key = jax.random.key(seed)
    k1, k2, k3, k4 = jax.random.split(key, 4)
    x = jax.random.normal(k1, (N, D), dtype=jnp.float32)
    # gate.weight: nn.Linear(dmodel, n_experts, bias=False), init normal(0, 0.02)
    Wg = jax.random.normal(k2, (E, D), dtype=jnp.float32) * 0.02
    # expert weights: init normal(0, expert_size**-0.5 * weight_scale), biases zero
    std = H ** (-0.5)
    W1 = jax.random.normal(k3, (E, D, H), dtype=jnp.float32) * std
    b1 = jnp.zeros((E, H), dtype=jnp.float32)
    W2 = jax.random.normal(k4, (E, H, D), dtype=jnp.float32) * std
    b2 = jnp.zeros((E, D), dtype=jnp.float32)
    return {"x": x, "Wg": Wg, "W1": W1, "b1": b1, "W2": W2, "b2": b2}

def reference(x, Wg, W1, b1, W2, b2):
    # gate logits and sigmoid selection (selection_mode='sigmoid')
    gate_logits = x @ Wg.T                      # [N, E]
    scores = jax.nn.sigmoid(gate_logits)        # [N, E]
    topv, topi = jax.lax.top_k(scores, K)       # [N, K]
    n = x.shape[0]
    # scatter top-k sigmoid weights into dense combine matrix [N, E]
    combine = jnp.zeros((n, Wg.shape[0]), dtype=x.dtype)
    combine = combine.at[jnp.arange(n)[:, None], topi].set(topv)
    # expert MLPs: Linear(D->H) + ReLU + Linear(H->D)
    h = jax.nn.relu(jnp.einsum('nd,edh->neh', x, W1) + b1[None, :, :])  # [N, E, H]
    hw = h * combine[:, :, None]
    out = jnp.einsum('neh,ehd->nd', hw, W2) + combine @ b2              # [N, D]
    return out

if __name__ == "__main__":
    import jax
    _d = setup_inputs()
    print(jax.jit(kernel)(*tuple(_d.values())))

</pallas_src>

<mosaic_0001>
#map = affine_map<(d0, d1) -> (0, 0)>
#map1 = affine_map<(d0, d1) -> (0, 0, 0)>
#map2 = affine_map<(d0, d1) -> (0)>
module attributes {stable_mosaic.version = 14 : i64} {
  func.func @k(%arg0: i32, %arg1: i32, %arg2: memref<2048x768xf32, #tpu.memory_space<hbm>>, %arg3: memref<32x4x64xi32, #tpu.memory_space<hbm>>, %arg4: memref<16xi32, #tpu.memory_space<hbm>>, %arg5: memref<128x64x768xf32, #tpu.memory_space<hbm>>, %arg6: memref<4x64xi32, #tpu.memory_space<vmem>>, %arg7: memref<2x64x768xf32, #tpu.memory_space<vmem>>, %arg8: memref<16xi32, #tpu.memory_space<vmem>>, %arg9: memref<!tpu.dma_semaphore, #tpu.memory_space<semaphore_mem>>, %arg10: memref<!tpu.dma_semaphore, #tpu.memory_space<semaphore_mem>>) attributes {dimension_semantics = [#tpu.dimension_semantics<core_parallel>, #tpu.dimension_semantics<subcore_parallel>], iteration_bounds = array<i64: 2, 16>, scalar_prefetch = 0 : i64, scratch_operands = 5 : i64, tpu.core_type = #tpu.core_type<sc_vector_subcore>, window_params = [{transform_indices = #map}, {transform_indices = #map1}, {transform_indices = #map2}, {transform_indices = #map1}]} {
    %mul3A = arith.constant 2 : i32
    %mul3A_0 = arith.muli %arg1, %mul3A : i32
    %add3A = arith.addi %mul3A_0, %arg0 : i32
    "tpu.region"() ({
      %run_scoped3A = tpu.sem_alloc : memref<!tpu.dma_semaphore, #tpu.memory_space<semaphore_mem>>
      tpu.enqueue_dma source(%arg4 : memref<16xi32, #tpu.memory_space<hbm>>) target(%arg8 : memref<16xi32, #tpu.memory_space<vmem>>) target_semaphore(%run_scoped3A : memref<!tpu.dma_semaphore, #tpu.memory_space<semaphore_mem>>)
      tpu.wait_dma2 semaphore(%run_scoped3A : memref<!tpu.dma_semaphore, #tpu.memory_space<semaphore_mem>>) src(%arg4 : memref<16xi32, #tpu.memory_space<hbm>>) dst(%arg8 : memref<16xi32, #tpu.memory_space<vmem>>)
      tpu.yield
    }) : () -> ()
    "tpu.region"() ({
      %run_scoped3A = tpu.sem_alloc : memref<!tpu.dma_semaphore, #tpu.memory_space<semaphore_mem>>
      %dma_start3A = arith.constant 0 : i32
      %dma_start3A_34 = arith.constant 0 : i32
      %dma_start3A_35 = tpu.memref_slice %arg3[%add3A, %dma_start3A, %dma_start3A_34] : memref<32x4x64xi32, #tpu.memory_space<hbm>> -> memref<1x4x64xi32, #tpu.memory_space<hbm>>
      %dma_start3A_36 = tpu.memref_squeeze %dma_start3A_35 : memref<1x4x64xi32, #tpu.memory_space<hbm>> -> memref<4x64xi32, #tpu.memory_space<hbm>>
      %dma_start3A_37 = arith.constant 0 : i32
      %dma_start3A_38 = arith.constant 0 : i32
      %dma_start3A_39 = tpu.memref_slice %arg3[%add3A, %dma_start3A_37, %dma_start3A_38] : memref<32x4x64xi32, #tpu.memory_space<hbm>> -> memref<1x4x64xi32, #tpu.memory_space<hbm>>
      %dma_start3A_40 = tpu.memref_squeeze %dma_start3A_39 : memref<1x4x64xi32, #tpu.memory_space<hbm>> -> memref<4x64xi32, #tpu.memory_space<hbm>>
      tpu.enqueue_dma source(%dma_start3A_40 : memref<4x64xi32, #tpu.memory_space<hbm>>) target(%arg6 : memref<4x64xi32, #tpu.memory_space<vmem>>) target_semaphore(%run_scoped3A : memref<!tpu.dma_semaphore, #tpu.memory_space<semaphore_mem>>)
      %dma_wait3A = arith.constant 0 : i32
      %dma_wait3A_41 = arith.constant 0 : i32
      %dma_wait3A_42 = tpu.memref_slice %arg3[%add3A, %dma_wait3A, %dma_wait3A_41] : memref<32x4x64xi32, #tpu.memory_space<hbm>> -> memref<1x4x64xi32, #tpu.memory_space<hbm>>
      %dma_wait3A_43 = tpu.memref_squeeze %dma_wait3A_42 : memref<1x4x64xi32, #tpu.memory_space<hbm>> -> memref<4x64xi32, #tpu.memory_space<hbm>>
      %dma_wait3A_44 = arith.constant 0 : i32
      %dma_wait3A_45 = arith.constant 0 : i32
      %dma_wait3A_46 = tpu.memref_slice %arg3[%add3A, %dma_wait3A_44, %dma_wait3A_45] : memref<32x4x64xi32, #tpu.memory_space<hbm>> -> memref<1x4x64xi32, #tpu.memory_space<hbm>>
      %dma_wait3A_47 = tpu.memref_squeeze %dma_wait3A_46 : memref<1x4x64xi32, #tpu.memory_space<hbm>> -> memref<4x64xi32, #tpu.memory_space<hbm>>
      tpu.wait_dma2 semaphore(%run_scoped3A : memref<!tpu.dma_semaphore, #tpu.memory_space<semaphore_mem>>) src(%dma_wait3A_47 : memref<4x64xi32, #tpu.memory_space<hbm>>) dst(%arg6 : memref<4x64xi32, #tpu.memory_space<vmem>>)
      tpu.yield
    }) : () -> ()
    %get3A = arith.constant 0 : index
    %get3A_1 = tpu.vector_load %arg8[%get3A] {strides = array<i32>} : memref<16xi32, #tpu.memory_space<vmem>>, vector<16xi32>,
    %get3A_2 = vector.shape_cast %get3A_1 : vector<16xi32> to vector<16xi32>
    %slice3A = vector.extract_strided_slice %get3A_2 {offsets = [0], sizes = [1], strides = [1]} : vector<16xi32> to vector<1xi32>
    %squeeze3A = vector.extract %slice3A[0] : i32 from vector<1xi32>
    %mul3A_3 = arith.constant 64 : i32
    %mul3A_4 = arith.muli %squeeze3A, %mul3A_3 : i32
    %add3A_5 = arith.constant 0 : i32
    %add3A_6 = arith.addi %add3A_5, %add3A : i32
    %mul3A_7 = arith.constant 64 : i32
    %mul3A_8 = arith.muli %add3A_6, %mul3A_7 : i32
    %lt3A = arith.cmpi slt, %mul3A_8, %mul3A_4 : i32
    %convert_element_type3A = arith.extui %lt3A : i1 to i32
    %cond3A = arith.constant 0 : i32
    %cond3A_9 = arith.cmpi ne, %convert_element_type3A, %cond3A : i32
    scf.if %cond3A_9 {
      %dma_start3A = arith.constant 0 : i32
      %dma_start3A_34 = arith.constant 0 : i32
      %dma_start3A_35 = arith.constant 0 : i32
      %dma_start3A_36 = arith.constant 0 : i32
      %dma_start3A_37 = tpu.memref_slice %arg7[%dma_start3A_34, %dma_start3A_35, %dma_start3A_36] : memref<2x64x768xf32, #tpu.memory_space<vmem>> -> memref<1x64x768xf32, #tpu.memory_space<vmem>>
      %dma_start3A_38 = tpu.memref_squeeze %dma_start3A_37 : memref<1x64x768xf32, #tpu.memory_space<vmem>> -> memref<64x768xf32, #tpu.memory_space<vmem>>
      %dma_start3A_39 = arith.constant 0 : i32
      %dma_start3A_40 = tpu.memref_slice %arg6[%dma_start3A, %dma_start3A_39] : memref<4x64xi32, #tpu.memory_space<vmem>> -> memref<1x64xi32, #tpu.memory_space<vmem>>
      %dma_start3A_41 = tpu.memref_squeeze %dma_start3A_40 : memref<1x64xi32, #tpu.memory_space<vmem>> -> memref<64xi32, #tpu.memory_space<vmem>>
      %dma_start3A_42 = arith.constant 0 : i32
      %dma_start3A_43 = arith.constant 0 : i32
      %dma_start3A_44 = tpu.memref_slice %arg2[%dma_start3A_42, %dma_start3A_43] : memref<2048x768xf32, #tpu.memory_space<hbm>> -> memref<2048x768xf32, #tpu.memory_space<hbm>>
      tpu.enqueue_indirect_dma source(%dma_start3A_44 : memref<2048x768xf32, #tpu.memory_space<hbm>>) target(%dma_start3A_38 : memref<64x768xf32, #tpu.memory_space<vmem>>) offsets(%dma_start3A_41 : memref<64xi32, #tpu.memory_space<vmem>>) semaphore(%arg9 : memref<!tpu.dma_semaphore, #tpu.memory_space<semaphore_mem>>)
      %dma_wait3A = arith.constant 0 : i32
      %dma_wait3A_45 = arith.constant 0 : i32
      %dma_wait3A_46 = arith.constant 0 : i32
      %dma_wait3A_47 = arith.constant 0 : i32
      %dma_wait3A_48 = tpu.memref_slice %arg7[%dma_wait3A_45, %dma_wait3A_46, %dma_wait3A_47] : memref<2x64x768xf32, #tpu.memory_space<vmem>> -> memref<1x64x768xf32, #tpu.memory_space<vmem>>
      %dma_wait3A_49 = tpu.memref_squeeze %dma_wait3A_48 : memref<1x64x768xf32, #tpu.memory_space<vmem>> -> memref<64x768xf32, #tpu.memory_space<vmem>>
      %dma_wait3A_50 = arith.constant 0 : i32
      %dma_wait3A_51 = tpu.memref_slice %arg6[%dma_wait3A, %dma_wait3A_50] : memref<4x64xi32, #tpu.memory_space<vmem>> -> memref<1x64xi32, #tpu.memory_space<vmem>>
      %dma_wait3A_52 = tpu.memref_squeeze %dma_wait3A_51 : memref<1x64xi32, #tpu.memory_space<vmem>> -> memref<64xi32, #tpu.memory_space<vmem>>
      %dma_wait3A_53 = arith.constant 0 : i32
      %dma_wait3A_54 = arith.constant 0 : i32
      %dma_wait3A_55 = tpu.memref_slice %arg2[%dma_wait3A_53, %dma_wait3A_54] : memref<2048x768xf32, #tpu.memory_space<hbm>> -> memref<2048x768xf32, #tpu.memory_space<hbm>>
      tpu.wait_indirect_dma semaphore(%arg9 : memref<!tpu.dma_semaphore, #tpu.memory_space<semaphore_mem>>) src(%dma_wait3A_55 : memref<2048x768xf32, #tpu.memory_space<hbm>>) dst(%dma_wait3A_49 : memref<64x768xf32, #tpu.memory_space<vmem>>)
      %dma_start3A_56 = arith.constant 0 : i32
      %dma_start3A_57 = arith.constant 0 : i32
      %dma_start3A_58 = arith.constant 0 : i32
      %dma_start3A_59 = tpu.memref_slice %arg7[%dma_start3A_56, %dma_start3A_57, %dma_start3A_58] : memref<2x64x768xf32, #tpu.memory_space<vmem>> -> memref<1x64x768xf32, #tpu.memory_space<vmem>>
      %dma_start3A_60 = tpu.memref_squeeze %dma_start3A_59 : memref<1x64x768xf32, #tpu.memory_space<vmem>> -> memref<64x768xf32, #tpu.memory_space<vmem>>
      %dma_start3A_61 = arith.constant 0 : i32
      %dma_start3A_62 = arith.constant 0 : i32
      %dma_start3A_63 = tpu.memref_slice %arg5[%add3A_6, %dma_start3A_61, %dma_start3A_62] : memref<128x64x768xf32, #tpu.memory_space<hbm>> -> memref<1x64x768xf32, #tpu.memory_space<hbm>>
      %dma_start3A_64 = tpu.memref_squeeze %dma_start3A_63 : memref<1x64x768xf32, #tpu.memory_space<hbm>> -> memref<64x768xf32, #tpu.memory_space<hbm>>
      %dma_start3A_65 = arith.constant 0 : i32
      %dma_start3A_66 = arith.constant 0 : i32
      %dma_start3A_67 = tpu.memref_slice %arg5[%add3A_6, %dma_start3A_65, %dma_start3A_66] : memref<128x64x768xf32, #tpu.memory_space<hbm>> -> memref<1x64x768xf32, #tpu.memory_space<hbm>>
      %dma_start3A_68 = tpu.memref_squeeze %dma_start3A_67 : memref<1x64x768xf32, #tpu.memory_space<hbm>> -> memref<64x768xf32, #tpu.memory_space<hbm>>
      %dma_start3A_69 = arith.constant 0 : i32
      %dma_start3A_70 = arith.constant 0 : i32
      %dma_start3A_71 = tpu.memref_slice %arg7[%dma_start3A_56, %dma_start3A_69, %dma_start3A_70] : memref<2x64x768xf32, #tpu.memory_space<vmem>> -> memref<1x64x768xf32, #tpu.memory_space<vmem>>
      %dma_start3A_72 = tpu.memref_squeeze %dma_start3A_71 : memref<1x64x768xf32, #tpu.memory_space<vmem>> -> memref<64x768xf32, #tpu.memory_space<vmem>>
      tpu.enqueue_dma source(%dma_start3A_72 : memref<64x768xf32, #tpu.memory_space<vmem>>) target(%dma_start3A_68 : memref<64x768xf32, #tpu.memory_space<hbm>>) target_semaphore(%arg10 : memref<!tpu.dma_semaphore, #tpu.memory_space<semaphore_mem>>)
      %dma_wait3A_73 = arith.constant 0 : i32
      %dma_wait3A_74 = arith.constant 0 : i32
      %dma_wait3A_75 = arith.constant 0 : i32
      %dma_wait3A_76 = tpu.memref_slice %arg7[%dma_wait3A_73, %dma_wait3A_74, %dma_wait3A_75] : memref<2x64x768xf32, #tpu.memory_space<vmem>> -> memref<1x64x768xf32, #tpu.memory_space<vmem>>
      %dma_wait3A_77 = tpu.memref_squeeze %dma_wait3A_76 : memref<1x64x768xf32, #tpu.memory_space<vmem>> -> memref<64x768xf32, #tpu.memory_space<vmem>>
      %dma_wait3A_78 = arith.constant 0 : i32
      %dma_wait3A_79 = arith.constant 0 : i32
      %dma_wait3A_80 = tpu.memref_slice %arg5[%add3A_6, %dma_wait3A_78, %dma_wait3A_79] : memref<128x64x768xf32, #tpu.memory_space<hbm>> -> memref<1x64x768xf32, #tpu.memory_space<hbm>>
      %dma_wait3A_81 = tpu.memref_squeeze %dma_wait3A_80 : memref<1x64x768xf32, #tpu.memory_space<hbm>> -> memref<64x768xf32, #tpu.memory_space<hbm>>
      %dma_wait3A_82 = arith.constant 0 : i32
      %dma_wait3A_83 = arith.constant 0 : i32
      %dma_wait3A_84 = tpu.memref_slice %arg5[%add3A_6, %dma_wait3A_82, %dma_wait3A_83] : memref<128x64x768xf32, #tpu.memory_space<hbm>> -> memref<1x64x768xf32, #tpu.memory_space<hbm>>
      %dma_wait3A_85 = tpu.memref_squeeze %dma_wait3A_84 : memref<1x64x768xf32, #tpu.memory_space<hbm>> -> memref<64x768xf32, #tpu.memory_space<hbm>>
      %dma_wait3A_86 = arith.constant 0 : i32
      %dma_wait3A_87 = arith.constant 0 : i32
      %dma_wait3A_88 = tpu.memref_slice %arg7[%dma_wait3A_73, %dma_wait3A_86, %dma_wait3A_87] : memref<2x64x768xf32, #tpu.memory_space<vmem>> -> memref<1x64x768xf32, #tpu.memory_space<vmem>>
      %dma_wait3A_89 = tpu.memref_squeeze %dma_wait3A_88 : memref<1x64x768xf32, #tpu.memory_space<vmem>> -> memref<64x768xf32, #tpu.memory_space<vmem>>
      tpu.wait_dma2 semaphore(%arg10 : memref<!tpu.dma_semaphore, #tpu.memory_space<semaphore_mem>>) src(%dma_wait3A_89 : memref<64x768xf32, #tpu.memory_space<vmem>>) dst(%dma_wait3A_85 : memref<64x768xf32, #tpu.memory_space<hbm>>)
    } else {
    }
    %add3A_10 = arith.constant 32 : i32
    %add3A_11 = arith.addi %add3A_10, %add3A : i32
    %mul3A_12 = arith.constant 64 : i32
    %mul3A_13 = arith.muli %add3A_11, %mul3A_12 : i32
    %lt3A_14 = arith.cmpi slt, %mul3A_13, %mul3A_4 : i32
    %convert_element_type3A_15 = arith.extui %lt3A_14 : i1 to i32
    %cond3A_16 = arith.constant 0 : i32
    %cond3A_17 = arith.cmpi ne, %convert_element_type3A_15, %cond3A_16 : i32
    scf.if %cond3A_17 {
      %dma_start3A = arith.constant 1 : i32
      %dma_start3A_34 = arith.constant 1 : i32
      %dma_start3A_35 = arith.constant 0 : i32
      %dma_start3A_36 = arith.constant 0 : i32
      %dma_start3A_37 = tpu.memref_slice %arg7[%dma_start3A_34, %dma_start3A_35, %dma_start3A_36] : memref<2x64x768xf32, #tpu.memory_space<vmem>> -> memref<1x64x768xf32, #tpu.memory_space<vmem>>
      %dma_start3A_38 = tpu.memref_squeeze %dma_start3A_37 : memref<1x64x768xf32, #tpu.memory_space<vmem>> -> memref<64x768xf32, #tpu.memory_space<vmem>>
      %dma_start3A_39 = arith.constant 0 : i32
      %dma_start3A_40 = tpu.memref_slice %arg6[%dma_start3A, %dma_start3A_39] : memref<4x64xi32, #tpu.memory_space<vmem>> -> memref<1x64xi32, #tpu.memory_space<vmem>>
      %dma_start3A_41 = tpu.memref_squeeze %dma_start3A_40 : memref<1x64xi32, #tpu.memory_space<vmem>> -> memref<64xi32, #tpu.memory_space<vmem>>
      %dma_start3A_42 = arith.constant 0 : i32
      %dma_start3A_43 = arith.constant 0 : i32
      %dma_start3A_44 = tpu.memref_slice %arg2[%dma_start3A_42, %dma_start3A_43] : memref<2048x768xf32, #tpu.memory_space<hbm>> -> memref<2048x768xf32, #tpu.memory_space<hbm>>
      tpu.enqueue_indirect_dma source(%dma_start3A_44 : memref<2048x768xf32, #tpu.memory_space<hbm>>) target(%dma_start3A_38 : memref<64x768xf32, #tpu.memory_space<vmem>>) offsets(%dma_start3A_41 : memref<64xi32, #tpu.memory_space<vmem>>) semaphore(%arg9 : memref<!tpu.dma_semaphore, #tpu.memory_space<semaphore_mem>>)
      %dma_wait3A = arith.constant 1 : i32
      %dma_wait3A_45 = arith.constant 1 : i32
      %dma_wait3A_46 = arith.constant 0 : i32
      %dma_wait3A_47 = arith.constant 0 : i32
      %dma_wait3A_48 = tpu.memref_slice %arg7[%dma_wait3A_45, %dma_wait3A_46, %dma_wait3A_47] : memref<2x64x768xf32, #tpu.memory_space<vmem>> -> memref<1x64x768xf32, #tpu.memory_space<vmem>>
      %dma_wait3A_49 = tpu.memref_squeeze %dma_wait3A_48 : memref<1x64x768xf32, #tpu.memory_space<vmem>> -> memref<64x768xf32, #tpu.memory_space<vmem>>
      %dma_wait3A_50 = arith.constant 0 : i32
      %dma_wait3A_51 = tpu.memref_slice %arg6[%dma_wait3A, %dma_wait3A_50] : memref<4x64xi32, #tpu.memory_space<vmem>> -> memref<1x64xi32, #tpu.memory_space<vmem>>
      %dma_wait3A_52 = tpu.memref_squeeze %dma_wait3A_51 : memref<1x64xi32, #tpu.memory_space<vmem>> -> memref<64xi32, #tpu.memory_space<vmem>>
      %dma_wait3A_53 = arith.constant 0 : i32
      %dma_wait3A_54 = arith.constant 0 : i32
      %dma_wait3A_55 = tpu.memref_slice %arg2[%dma_wait3A_53, %dma_wait3A_54] : memref<2048x768xf32, #tpu.memory_space<hbm>> -> memref<2048x768xf32, #tpu.memory_space<hbm>>
      tpu.wait_indirect_dma semaphore(%arg9 : memref<!tpu.dma_semaphore, #tpu.memory_space<semaphore_mem>>) src(%dma_wait3A_55 : memref<2048x768xf32, #tpu.memory_space<hbm>>) dst(%dma_wait3A_49 : memref<64x768xf32, #tpu.memory_space<vmem>>)
      %dma_start3A_56 = arith.constant 1 : i32
      %dma_start3A_57 = arith.constant 0 : i32
      %dma_start3A_58 = arith.constant 0 : i32
      %dma_start3A_59 = tpu.memref_slice %arg7[%dma_start3A_56, %dma_start3A_57, %dma_start3A_58] : memref<2x64x768xf32, #tpu.memory_space<vmem>> -> memref<1x64x768xf32, #tpu.memory_space<vmem>>
      %dma_start3A_60 = tpu.memref_squeeze %dma_start3A_59 : memref<1x64x768xf32, #tpu.memory_space<vmem>> -> memref<64x768xf32, #tpu.memory_space<vmem>>
      %dma_start3A_61 = arith.constant 0 : i32
      %dma_start3A_62 = arith.constant 0 : i32
      %dma_start3A_63 = tpu.memref_slice %arg5[%add3A_11, %dma_start3A_61, %dma_start3A_62] : memref<128x64x768xf32, #tpu.memory_space<hbm>> -> memref<1x64x768xf32, #tpu.memory_space<hbm>>
      %dma_start3A_64 = tpu.memref_squeeze %dma_start3A_63 : memref<1x64x768xf32, #tpu.memory_space<hbm>> -> memref<64x768xf32, #tpu.memory_space<hbm>>
      %dma_start3A_65 = arith.constant 0 : i32
      %dma_start3A_66 = arith.constant 0 : i32
      %dma_start3A_67 = tpu.memref_slice %arg5[%add3A_11, %dma_start3A_65, %dma_start3A_66] : memref<128x64x768xf32, #tpu.memory_space<hbm>> -> memref<1x64x768xf32, #tpu.memory_space<hbm>>
      %dma_start3A_68 = tpu.memref_squeeze %dma_start3A_67 : memref<1x64x768xf32, #tpu.memory_space<hbm>> -> memref<64x768xf32, #tpu.memory_space<hbm>>
      %dma_start3A_69 = arith.constant 0 : i32
      %dma_start3A_70 = arith.constant 0 : i32
      %dma_start3A_71 = tpu.memref_slice %arg7[%dma_start3A_56, %dma_start3A_69, %dma_start3A_70] : memref<2x64x768xf32, #tpu.memory_space<vmem>> -> memref<1x64x768xf32, #tpu.memory_space<vmem>>
      %dma_start3A_72 = tpu.memref_squeeze %dma_start3A_71 : memref<1x64x768xf32, #tpu.memory_space<vmem>> -> memref<64x768xf32, #tpu.memory_space<vmem>>
      tpu.enqueue_dma source(%dma_start3A_72 : memref<64x768xf32, #tpu.memory_space<vmem>>) target(%dma_start3A_68 : memref<64x768xf32, #tpu.memory_space<hbm>>) target_semaphore(%arg10 : memref<!tpu.dma_semaphore, #tpu.memory_space<semaphore_mem>>)
      %dma_wait3A_73 = arith.constant 1 : i32
      %dma_wait3A_74 = arith.constant 0 : i32
      %dma_wait3A_75 = arith.constant 0 : i32
      %dma_wait3A_76 = tpu.memref_slice %arg7[%dma_wait3A_73, %dma_wait3A_74, %dma_wait3A_75] : memref<2x64x768xf32, #tpu.memory_space<vmem>> -> memref<1x64x768xf32, #tpu.memory_space<vmem>>
      %dma_wait3A_77 = tpu.memref_squeeze %dma_wait3A_76 : memref<1x64x768xf32, #tpu.memory_space<vmem>> -> memref<64x768xf32, #tpu.memory_space<vmem>>
      %dma_wait3A_78 = arith.constant 0 : i32
      %dma_wait3A_79 = arith.constant 0 : i32
      %dma_wait3A_80 = tpu.memref_slice %arg5[%add3A_11, %dma_wait3A_78, %dma_wait3A_79] : memref<128x64x768xf32, #tpu.memory_space<hbm>> -> memref<1x64x768xf32, #tpu.memory_space<hbm>>
      %dma_wait3A_81 = tpu.memref_squeeze %dma_wait3A_80 : memref<1x64x768xf32, #tpu.memory_space<hbm>> -> memref<64x768xf32, #tpu.memory_space<hbm>>
      %dma_wait3A_82 = arith.constant 0 : i32
      %dma_wait3A_83 = arith.constant 0 : i32
      %dma_wait3A_84 = tpu.memref_slice %arg5[%add3A_11, %dma_wait3A_82, %dma_wait3A_83] : memref<128x64x768xf32, #tpu.memory_space<hbm>> -> memref<1x64x768xf32, #tpu.memory_space<hbm>>
      %dma_wait3A_85 = tpu.memref_squeeze %dma_wait3A_84 : memref<1x64x768xf32, #tpu.memory_space<hbm>> -> memref<64x768xf32, #tpu.memory_space<hbm>>
      %dma_wait3A_86 = arith.constant 0 : i32
      %dma_wait3A_87 = arith.constant 0 : i32
      %dma_wait3A_88 = tpu.memref_slice %arg7[%dma_wait3A_73, %dma_wait3A_86, %dma_wait3A_87] : memref<2x64x768xf32, #tpu.memory_space<vmem>> -> memref<1x64x768xf32, #tpu.memory_space<vmem>>
      %dma_wait3A_89 = tpu.memref_squeeze %dma_wait3A_88 : memref<1x64x768xf32, #tpu.memory_space<vmem>> -> memref<64x768xf32, #tpu.memory_space<vmem>>
      tpu.wait_dma2 semaphore(%arg10 : memref<!tpu.dma_semaphore, #tpu.memory_space<semaphore_mem>>) src(%dma_wait3A_89 : memref<64x768xf32, #tpu.memory_space<vmem>>) dst(%dma_wait3A_85 : memref<64x768xf32, #tpu.memory_space<hbm>>)
    } else {
    }
    %add3A_18 = arith.constant 64 : i32
    %add3A_19 = arith.addi %add3A_18, %add3A : i32
    %mul3A_20 = arith.constant 64 : i32
    %mul3A_21 = arith.muli %add3A_19, %mul3A_20 : i32
    %lt3A_22 = arith.cmpi slt, %mul3A_21, %mul3A_4 : i32
    %convert_element_type3A_23 = arith.extui %lt3A_22 : i1 to i32
    %cond3A_24 = arith.constant 0 : i32
    %cond3A_25 = arith.cmpi ne, %convert_element_type3A_23, %cond3A_24 : i32
    scf.if %cond3A_25 {
      %dma_start3A = arith.constant 2 : i32
      %dma_start3A_34 = arith.constant 0 : i32
      %dma_start3A_35 = arith.constant 0 : i32
      %dma_start3A_36 = arith.constant 0 : i32
      %dma_start3A_37 = tpu.memref_slice %arg7[%dma_start3A_34, %dma_start3A_35, %dma_start3A_36] : memref<2x64x768xf32, #tpu.memory_space<vmem>> -> memref<1x64x768xf32, #tpu.memory_space<vmem>>
      %dma_start3A_38 = tpu.memref_squeeze %dma_start3A_37 : memref<1x64x768xf32, #tpu.memory_space<vmem>> -> memref<64x768xf32, #tpu.memory_space<vmem>>
      %dma_start3A_39 = arith.constant 0 : i32
      %dma_start3A_40 = tpu.memref_slice %arg6[%dma_start3A, %dma_start3A_39] : memref<4x64xi32, #tpu.memory_space<vmem>> -> memref<1x64xi32, #tpu.memory_space<vmem>>
      %dma_start3A_41 = tpu.memref_squeeze %dma_start3A_40 : memref<1x64xi32, #tpu.memory_space<vmem>> -> memref<64xi32, #tpu.memory_space<vmem>>
      %dma_start3A_42 = arith.constant 0 : i32
      %dma_start3A_43 = arith.constant 0 : i32
      %dma_start3A_44 = tpu.memref_slice %arg2[%dma_start3A_42, %dma_start3A_43] : memref<2048x768xf32, #tpu.memory_space<hbm>> -> memref<2048x768xf32, #tpu.memory_space<hbm>>
      tpu.enqueue_indirect_dma source(%dma_start3A_44 : memref<2048x768xf32, #tpu.memory_space<hbm>>) target(%dma_start3A_38 : memref<64x768xf32, #tpu.memory_space<vmem>>) offsets(%dma_start3A_41 : memref<64xi32, #tpu.memory_space<vmem>>) semaphore(%arg9 : memref<!tpu.dma_semaphore, #tpu.memory_space<semaphore_mem>>)
      %dma_wait3A = arith.constant 2 : i32
      %dma_wait3A_45 = arith.constant 0 : i32
      %dma_wait3A_46 = arith.constant 0 : i32
      %dma_wait3A_47 = arith.constant 0 : i32
      %dma_wait3A_48 = tpu.memref_slice %arg7[%dma_wait3A_45, %dma_wait3A_46, %dma_wait3A_47] : memref<2x64x768xf32, #tpu.memory_space<vmem>> -> memref<1x64x768xf32, #tpu.memory_space<vmem>>
      %dma_wait3A_49 = tpu.memref_squeeze %dma_wait3A_48 : memref<1x64x768xf32, #tpu.memory_space<vmem>> -> memref<64x768xf32, #tpu.memory_space<vmem>>
      %dma_wait3A_50 = arith.constant 0 : i32
      %dma_wait3A_51 = tpu.memref_slice %arg6[%dma_wait3A, %dma_wait3A_50] : memref<4x64xi32, #tpu.memory_space<vmem>> -> memref<1x64xi32, #tpu.memory_space<vmem>>
      %dma_wait3A_52 = tpu.memref_squeeze %dma_wait3A_51 : memref<1x64xi32, #tpu.memory_space<vmem>> -> memref<64xi32, #tpu.memory_space<vmem>>
      %dma_wait3A_53 = arith.constant 0 : i32
      %dma_wait3A_54 = arith.constant 0 : i32
      %dma_wait3A_55 = tpu.memref_slice %arg2[%dma_wait3A_53, %dma_wait3A_54] : memref<2048x768xf32, #tpu.memory_space<hbm>> -> memref<2048x768xf32, #tpu.memory_space<hbm>>
      tpu.wait_indirect_dma semaphore(%arg9 : memref<!tpu.dma_semaphore, #tpu.memory_space<semaphore_mem>>) src(%dma_wait3A_55 : memref<2048x768xf32, #tpu.memory_space<hbm>>) dst(%dma_wait3A_49 : memref<64x768xf32, #tpu.memory_space<vmem>>)
      %dma_start3A_56 = arith.constant 0 : i32
      %dma_start3A_57 = arith.constant 0 : i32
      %dma_start3A_58 = arith.constant 0 : i32
      %dma_start3A_59 = tpu.memref_slice %arg7[%dma_start3A_56, %dma_start3A_57, %dma_start3A_58] : memref<2x64x768xf32, #tpu.memory_space<vmem>> -> memref<1x64x768xf32, #tpu.memory_space<vmem>>
      %dma_start3A_60 = tpu.memref_squeeze %dma_start3A_59 : memref<1x64x768xf32, #tpu.memory_space<vmem>> -> memref<64x768xf32, #tpu.memory_space<vmem>>
      %dma_start3A_61 = arith.constant 0 : i32
      %dma_start3A_62 = arith.constant 0 : i32
      %dma_start3A_63 = tpu.memref_slice %arg5[%add3A_19, %dma_start3A_61, %dma_start3A_62] : memref<128x64x768xf32, #tpu.memory_space<hbm>> -> memref<1x64x768xf32, #tpu.memory_space<hbm>>
      %dma_start3A_64 = tpu.memref_squeeze %dma_start3A_63 : memref<1x64x768xf32, #tpu.memory_space<hbm>> -> memref<64x768xf32, #tpu.memory_space<hbm>>
      %dma_start3A_65 = arith.constant 0 : i32
      %dma_start3A_66 = arith.constant 0 : i32
      %dma_start3A_67 = tpu.memref_slice %arg5[%add3A_19, %dma_start3A_65, %dma_start3A_66] : memref<128x64x768xf32, #tpu.memory_space<hbm>> -> memref<1x64x768xf32, #tpu.memory_space<hbm>>
      %dma_start3A_68 = tpu.memref_squeeze %dma_start3A_67 : memref<1x64x768xf32, #tpu.memory_space<hbm>> -> memref<64x768xf32, #tpu.memory_space<hbm>>
      %dma_start3A_69 = arith.constant 0 : i32
      %dma_start3A_70 = arith.constant 0 : i32
      %dma_start3A_71 = tpu.memref_slice %arg7[%dma_start3A_56, %dma_start3A_69, %dma_start3A_70] : memref<2x64x768xf32, #tpu.memory_space<vmem>> -> memref<1x64x768xf32, #tpu.memory_space<vmem>>
      %dma_start3A_72 = tpu.memref_squeeze %dma_start3A_71 : memref<1x64x768xf32, #tpu.memory_space<vmem>> -> memref<64x768xf32, #tpu.memory_space<vmem>>
      tpu.enqueue_dma source(%dma_start3A_72 : memref<64x768xf32, #tpu.memory_space<vmem>>) target(%dma_start3A_68 : memref<64x768xf32, #tpu.memory_space<hbm>>) target_semaphore(%arg10 : memref<!tpu.dma_semaphore, #tpu.memory_space<semaphore_mem>>)
      %dma_wait3A_73 = arith.constant 0 : i32
      %dma_wait3A_74 = arith.constant 0 : i32
      %dma_wait3A_75 = arith.constant 0 : i32
      %dma_wait3A_76 = tpu.memref_slice %arg7[%dma_wait3A_73, %dma_wait3A_74, %dma_wait3A_75] : memref<2x64x768xf32, #tpu.memory_space<vmem>> -> memref<1x64x768xf32, #tpu.memory_space<vmem>>
      %dma_wait3A_77 = tpu.memref_squeeze %dma_wait3A_76 : memref<1x64x768xf32, #tpu.memory_space<vmem>> -> memref<64x768xf32, #tpu.memory_space<vmem>>
      %dma_wait3A_78 = arith.constant 0 : i32
      %dma_wait3A_79 = arith.constant 0 : i32
      %dma_wait3A_80 = tpu.memref_slice %arg5[%add3A_19, %dma_wait3A_78, %dma_wait3A_79] : memref<128x64x768xf32, #tpu.memory_space<hbm>> -> memref<1x64x768xf32, #tpu.memory_space<hbm>>
      %dma_wait3A_81 = tpu.memref_squeeze %dma_wait3A_80 : memref<1x64x768xf32, #tpu.memory_space<hbm>> -> memref<64x768xf32, #tpu.memory_space<hbm>>
      %dma_wait3A_82 = arith.constant 0 : i32
      %dma_wait3A_83 = arith.constant 0 : i32
      %dma_wait3A_84 = tpu.memref_slice %arg5[%add3A_19, %dma_wait3A_82, %dma_wait3A_83] : memref<128x64x768xf32, #tpu.memory_space<hbm>> -> memref<1x64x768xf32, #tpu.memory_space<hbm>>
      %dma_wait3A_85 = tpu.memref_squeeze %dma_wait3A_84 : memref<1x64x768xf32, #tpu.memory_space<hbm>> -> memref<64x768xf32, #tpu.memory_space<hbm>>
      %dma_wait3A_86 = arith.constant 0 : i32
      %dma_wait3A_87 = arith.constant 0 : i32
      %dma_wait3A_88 = tpu.memref_slice %arg7[%dma_wait3A_73, %dma_wait3A_86, %dma_wait3A_87] : memref<2x64x768xf32, #tpu.memory_space<vmem>> -> memref<1x64x768xf32, #tpu.memory_space<vmem>>
      %dma_wait3A_89 = tpu.memref_squeeze %dma_wait3A_88 : memref<1x64x768xf32, #tpu.memory_space<vmem>> -> memref<64x768xf32, #tpu.memory_space<vmem>>
      tpu.wait_dma2 semaphore(%arg10 : memref<!tpu.dma_semaphore, #tpu.memory_space<semaphore_mem>>) src(%dma_wait3A_89 : memref<64x768xf32, #tpu.memory_space<vmem>>) dst(%dma_wait3A_85 : memref<64x768xf32, #tpu.memory_space<hbm>>)
    } else {
    }
    %add3A_26 = arith.constant 96 : i32
    %add3A_27 = arith.addi %add3A_26, %add3A : i32
    %mul3A_28 = arith.constant 64 : i32
    %mul3A_29 = arith.muli %add3A_27, %mul3A_28 : i32
    %lt3A_30 = arith.cmpi slt, %mul3A_29, %mul3A_4 : i32
    %convert_element_type3A_31 = arith.extui %lt3A_30 : i1 to i32
    %cond3A_32 = arith.constant 0 : i32
    %cond3A_33 = arith.cmpi ne, %convert_element_type3A_31, %cond3A_32 : i32
    scf.if %cond3A_33 {
      %dma_start3A = arith.constant 3 : i32
      %dma_start3A_34 = arith.constant 1 : i32
      %dma_start3A_35 = arith.constant 0 : i32
      %dma_start3A_36 = arith.constant 0 : i32
      %dma_start3A_37 = tpu.memref_slice %arg7[%dma_start3A_34, %dma_start3A_35, %dma_start3A_36] : memref<2x64x768xf32, #tpu.memory_space<vmem>> -> memref<1x64x768xf32, #tpu.memory_space<vmem>>
      %dma_start3A_38 = tpu.memref_squeeze %dma_start3A_37 : memref<1x64x768xf32, #tpu.memory_space<vmem>> -> memref<64x768xf32, #tpu.memory_space<vmem>>
      %dma_start3A_39 = arith.constant 0 : i32
      %dma_start3A_40 = tpu.memref_slice %arg6[%dma_start3A, %dma_start3A_39] : memref<4x64xi32, #tpu.memory_space<vmem>> -> memref<1x64xi32, #tpu.memory_space<vmem>>
      %dma_start3A_41 = tpu.memref_squeeze %dma_start3A_40 : memref<1x64xi32, #tpu.memory_space<vmem>> -> memref<64xi32, #tpu.memory_space<vmem>>
      %dma_start3A_42 = arith.constant 0 : i32
      %dma_start3A_43 = arith.constant 0 : i32
      %dma_start3A_44 = tpu.memref_slice %arg2[%dma_start3A_42, %dma_start3A_43] : memref<2048x768xf32, #tpu.memory_space<hbm>> -> memref<2048x768xf32, #tpu.memory_space<hbm>>
      tpu.enqueue_indirect_dma source(%dma_start3A_44 : memref<2048x768xf32, #tpu.memory_space<hbm>>) target(%dma_start3A_38 : memref<64x768xf32, #tpu.memory_space<vmem>>) offsets(%dma_start3A_41 : memref<64xi32, #tpu.memory_space<vmem>>) semaphore(%arg9 : memref<!tpu.dma_semaphore, #tpu.memory_space<semaphore_mem>>)
      %dma_wait3A = arith.constant 3 : i32
      %dma_wait3A_45 = arith.constant 1 : i32
      %dma_wait3A_46 = arith.constant 0 : i32
      %dma_wait3A_47 = arith.constant 0 : i32
      %dma_wait3A_48 = tpu.memref_slice %arg7[%dma_wait3A_45, %dma_wait3A_46, %dma_wait3A_47] : memref<2x64x768xf32, #tpu.memory_space<vmem>> -> memref<1x64x768xf32, #tpu.memory_space<vmem>>
      %dma_wait3A_49 = tpu.memref_squeeze %dma_wait3A_48 : memref<1x64x768xf32, #tpu.memory_space<vmem>> -> memref<64x768xf32, #tpu.memory_space<vmem>>
      %dma_wait3A_50 = arith.constant 0 : i32
      %dma_wait3A_51 = tpu.memref_slice %arg6[%dma_wait3A, %dma_wait3A_50] : memref<4x64xi32, #tpu.memory_space<vmem>> -> memref<1x64xi32, #tpu.memory_space<vmem>>
      %dma_wait3A_52 = tpu.memref_squeeze %dma_wait3A_51 : memref<1x64xi32, #tpu.memory_space<vmem>> -> memref<64xi32, #tpu.memory_space<vmem>>
      %dma_wait3A_53 = arith.constant 0 : i32
      %dma_wait3A_54 = arith.constant 0 : i32
      %dma_wait3A_55 = tpu.memref_slice %arg2[%dma_wait3A_53, %dma_wait3A_54] : memref<2048x768xf32, #tpu.memory_space<hbm>> -> memref<2048x768xf32, #tpu.memory_space<hbm>>
      tpu.wait_indirect_dma semaphore(%arg9 : memref<!tpu.dma_semaphore, #tpu.memory_space<semaphore_mem>>) src(%dma_wait3A_55 : memref<2048x768xf32, #tpu.memory_space<hbm>>) dst(%dma_wait3A_49 : memref<64x768xf32, #tpu.memory_space<vmem>>)
      %dma_start3A_56 = arith.constant 1 : i32
      %dma_start3A_57 = arith.constant 0 : i32
      %dma_start3A_58 = arith.constant 0 : i32
      %dma_start3A_59 = tpu.memref_slice %arg7[%dma_start3A_56, %dma_start3A_57, %dma_start3A_58] : memref<2x64x768xf32, #tpu.memory_space<vmem>> -> memref<1x64x768xf32, #tpu.memory_space<vmem>>
      %dma_start3A_60 = tpu.memref_squeeze %dma_start3A_59 : memref<1x64x768xf32, #tpu.memory_space<vmem>> -> memref<64x768xf32, #tpu.memory_space<vmem>>
      %dma_start3A_61 = arith.constant 0 : i32
      %dma_start3A_62 = arith.constant 0 : i32
      %dma_start3A_63 = tpu.memref_slice %arg5[%add3A_27, %dma_start3A_61, %dma_start3A_62] : memref<128x64x768xf32, #tpu.memory_space<hbm>> -> memref<1x64x768xf32, #tpu.memory_space<hbm>>
      %dma_start3A_64 = tpu.memref_squeeze %dma_start3A_63 : memref<1x64x768xf32, #tpu.memory_space<hbm>> -> memref<64x768xf32, #tpu.memory_space<hbm>>
      %dma_start3A_65 = arith.constant 0 : i32
      %dma_start3A_66 = arith.constant 0 : i32
      %dma_start3A_67 = tpu.memref_slice %arg5[%add3A_27, %dma_start3A_65, %dma_start3A_66] : memref<128x64x768xf32, #tpu.memory_space<hbm>> -> memref<1x64x768xf32, #tpu.memory_space<hbm>>
      %dma_start3A_68 = tpu.memref_squeeze %dma_start3A_67 : memref<1x64x768xf32, #tpu.memory_space<hbm>> -> memref<64x768xf32, #tpu.memory_space<hbm>>
      %dma_start3A_69 = arith.constant 0 : i32
      %dma_start3A_70 = arith.constant 0 : i32
      %dma_start3A_71 = tpu.memref_slice %arg7[%dma_start3A_56, %dma_start3A_69, %dma_start3A_70] : memref<2x64x768xf32, #tpu.memory_space<vmem>> -> memref<1x64x768xf32, #tpu.memory_space<vmem>>
      %dma_start3A_72 = tpu.memref_squeeze %dma_start3A_71 : memref<1x64x768xf32, #tpu.memory_space<vmem>> -> memref<64x768xf32, #tpu.memory_space<vmem>>
      tpu.enqueue_dma source(%dma_start3A_72 : memref<64x768xf32, #tpu.memory_space<vmem>>) target(%dma_start3A_68 : memref<64x768xf32, #tpu.memory_space<hbm>>) target_semaphore(%arg10 : memref<!tpu.dma_semaphore, #tpu.memory_space<semaphore_mem>>)
      %dma_wait3A_73 = arith.constant 1 : i32
      %dma_wait3A_74 = arith.constant 0 : i32
      %dma_wait3A_75 = arith.constant 0 : i32
      %dma_wait3A_76 = tpu.memref_slice %arg7[%dma_wait3A_73, %dma_wait3A_74, %dma_wait3A_75] : memref<2x64x768xf32, #tpu.memory_space<vmem>> -> memref<1x64x768xf32, #tpu.memory_space<vmem>>
      %dma_wait3A_77 = tpu.memref_squeeze %dma_wait3A_76 : memref<1x64x768xf32, #tpu.memory_space<vmem>> -> memref<64x768xf32, #tpu.memory_space<vmem>>
      %dma_wait3A_78 = arith.constant 0 : i32
      %dma_wait3A_79 = arith.constant 0 : i32
      %dma_wait3A_80 = tpu.memref_slice %arg5[%add3A_27, %dma_wait3A_78, %dma_wait3A_79] : memref<128x64x768xf32, #tpu.memory_space<hbm>> -> memref<1x64x768xf32, #tpu.memory_space<hbm>>
      %dma_wait3A_81 = tpu.memref_squeeze %dma_wait3A_80 : memref<1x64x768xf32, #tpu.memory_space<hbm>> -> memref<64x768xf32, #tpu.memory_space<hbm>>
      %dma_wait3A_82 = arith.constant 0 : i32
      %dma_wait3A_83 = arith.constant 0 : i32
      %dma_wait3A_84 = tpu.memref_slice %arg5[%add3A_27, %dma_wait3A_82, %dma_wait3A_83] : memref<128x64x768xf32, #tpu.memory_space<hbm>> -> memref<1x64x768xf32, #tpu.memory_space<hbm>>
      %dma_wait3A_85 = tpu.memref_squeeze %dma_wait3A_84 : memref<1x64x768xf32, #tpu.memory_space<hbm>> -> memref<64x768xf32, #tpu.memory_space<hbm>>
      %dma_wait3A_86 = arith.constant 0 : i32
      %dma_wait3A_87 = arith.constant 0 : i32
      %dma_wait3A_88 = tpu.memref_slice %arg7[%dma_wait3A_73, %dma_wait3A_86, %dma_wait3A_87] : memref<2x64x768xf32, #tpu.memory_space<vmem>> -> memref<1x64x768xf32, #tpu.memory_space<vmem>>
      %dma_wait3A_89 = tpu.memref_squeeze %dma_wait3A_88 : memref<1x64x768xf32, #tpu.memory_space<vmem>> -> memref<64x768xf32, #tpu.memory_space<vmem>>
      tpu.wait_dma2 semaphore(%arg10 : memref<!tpu.dma_semaphore, #tpu.memory_space<semaphore_mem>>) src(%dma_wait3A_89 : memref<64x768xf32, #tpu.memory_space<vmem>>) dst(%dma_wait3A_85 : memref<64x768xf32, #tpu.memory_space<hbm>>)
    } else {
    }
    return
  }
}

#map = affine_map<(d0, d1) -> (0, 0, 0)>
#map1 = affine_map<(d0, d1) -> (0)>
module attributes {stable_mosaic.version = 14 : i64} {
  func.func @k(%arg0: i32, %arg1: i32, %arg2: memref<16x2x128xi32, #tpu.memory_space<hbm>>, %arg3: memref<16x2x128xf32, #tpu.memory_space<hbm>>, %arg4: memref<8192xi32, #tpu.memory_space<hbm>>, %arg5: memref<8192xf32, #tpu.memory_space<hbm>>, %arg6: memref<512xi32, #tpu.memory_space<vmem>>, %arg7: memref<512xf32, #tpu.memory_space<vmem>>, %arg8: memref<2x128xi32, #tpu.memory_space<vmem>>, %arg9: memref<128xi32, #tpu.memory_space<vmem>>, %arg10: memref<2x128xf32, #tpu.memory_space<vmem>>, %arg11: memref<8192xi32, #tpu.memory_space<vmem_shared>>, %arg12: memref<8192xf32, #tpu.memory_space<vmem_shared>>) attributes {dimension_semantics = [#tpu.dimension_semantics<core_parallel>, #tpu.dimension_semantics<subcore_parallel>], iteration_bounds = array<i64: 2, 16>, scalar_prefetch = 0 : i64, scratch_operands = 7 : i64, tpu.core_type = #tpu.core_type<sc_vector_subcore>, window_params = [{transform_indices = #map}, {transform_indices = #map}, {transform_indices = #map1}, {transform_indices = #map1}]} {
    %eq3A = arith.constant 0 : i32
    %eq3A_0 = arith.cmpi eq, %arg0, %eq3A : i32
    %convert_element_type3A = arith.extui %eq3A_0 : i1 to i32
    %cond3A = arith.constant 0 : i32
    %cond3A_1 = arith.cmpi ne, %convert_element_type3A, %cond3A : i32
    scf.if %cond3A_1 {
      %scan3A = arith.constant 0 : i32
      %scan3A_28 = arith.constant 0 : i32
      %scan3A_29 = arith.constant 32 : i32
      %scan3A_30 = arith.addi %scan3A_28, %scan3A_29 : i32
      %scan3A_31 = arith.constant 1 : i32
      %scan3A_32 = scf.for %scan3A_35 = %scan3A_28 to %scan3A_30 step %scan3A_31 iter_args(%scan3A_36 = %scan3A) -> (i32)  : i32 {
        %broadcast_in_dim3A = arith.constant 0 : i32
        %broadcast_in_dim3A_37 = vector.broadcast %broadcast_in_dim3A : i32 to vector<16xi32>
        %mul3A_38 = arith.constant 16 : i32
        %mul3A_39 = arith.muli %scan3A_35, %mul3A_38 : i32
        %swap3A = arith.index_cast %mul3A_39 : i32 to index
        %swap3A_40 = tpu.vector_load %arg6[%swap3A] {strides = array<i32>} : memref<512xi32, #tpu.memory_space<vmem>>, vector<16xi32>,
        %swap3A_41 = vector.shape_cast %swap3A_40 : vector<16xi32> to vector<16xi32>
        %swap3A_42 = vector.shape_cast %broadcast_in_dim3A_37 : vector<16xi32> to vector<16xi32>
        tpu.vector_store %arg6[%swap3A], %swap3A_42 {strides = array<i32>} : memref<512xi32, #tpu.memory_space<vmem>>, vector<16xi32>,
        %scan3A_43 = arith.constant 0 : i32
        scf.yield %scan3A_43 : i32
      }
      %scan3A_33 = arith.constant 32 : i32
      %mul3A = arith.constant 512 : i32
      %mul3A_34 = arith.muli %arg1, %mul3A : i32
      %multiple_of3A = tpu.assume_multiple %mul3A_34, 512 : i32
      "tpu.region"() ({
        %run_scoped3A = tpu.sem_alloc : memref<!tpu.dma_semaphore, #tpu.memory_space<semaphore_mem>>
        %dma_start3A = tpu.memref_slice %arg11[%multiple_of3A] : memref<8192xi32, #tpu.memory_space<vmem_shared>> -> memref<512xi32, #tpu.memory_space<vmem_shared>>
        %dma_start3A_35 = tpu.memref_slice %arg11[%multiple_of3A] : memref<8192xi32, #tpu.memory_space<vmem_shared>> -> memref<512xi32, #tpu.memory_space<vmem_shared>>
        tpu.enqueue_dma source(%arg6 : memref<512xi32, #tpu.memory_space<vmem>>) target(%dma_start3A_35 : memref<512xi32, #tpu.memory_space<vmem_shared>>) target_semaphore(%run_scoped3A : memref<!tpu.dma_semaphore, #tpu.memory_space<semaphore_mem>>)
        %dma_wait3A = tpu.memref_slice %arg11[%multiple_of3A] : memref<8192xi32, #tpu.memory_space<vmem_shared>> -> memref<512xi32, #tpu.memory_space<vmem_shared>>
        %dma_wait3A_36 = tpu.memref_slice %arg11[%multiple_of3A] : memref<8192xi32, #tpu.memory_space<vmem_shared>> -> memref<512xi32, #tpu.memory_space<vmem_shared>>
        tpu.wait_dma2 semaphore(%run_scoped3A : memref<!tpu.dma_semaphore, #tpu.memory_space<semaphore_mem>>) src(%arg6 : memref<512xi32, #tpu.memory_space<vmem>>) dst(%dma_wait3A_36 : memref<512xi32, #tpu.memory_space<vmem_shared>>)
        tpu.yield
      }) : () -> ()
    } else {
    }
    %eq3A_2 = arith.constant 1 : i32
    %eq3A_3 = arith.cmpi eq, %arg0, %eq3A_2 : i32
    %convert_element_type3A_4 = arith.extui %eq3A_3 : i1 to i32
    %cond3A_5 = arith.constant 0 : i32
    %cond3A_6 = arith.cmpi ne, %convert_element_type3A_4, %cond3A_5 : i32
    scf.if %cond3A_6 {
      %scan3A = arith.constant 0 : i32
      %scan3A_28 = arith.constant 0 : i32
      %scan3A_29 = arith.constant 32 : i32
      %scan3A_30 = arith.addi %scan3A_28, %scan3A_29 : i32
      %scan3A_31 = arith.constant 1 : i32
      %scan3A_32 = scf.for %scan3A_35 = %scan3A_28 to %scan3A_30 step %scan3A_31 iter_args(%scan3A_36 = %scan3A) -> (i32)  : i32 {
        %broadcast_in_dim3A = arith.constant 0.000000e+00 : f32
        %broadcast_in_dim3A_37 = vector.broadcast %broadcast_in_dim3A : f32 to vector<16xf32>
        %mul3A_38 = arith.constant 16 : i32
        %mul3A_39 = arith.muli %scan3A_35, %mul3A_38 : i32
        %swap3A = arith.index_cast %mul3A_39 : i32 to index
        %swap3A_40 = tpu.vector_load %arg7[%swap3A] {strides = array<i32>} : memref<512xf32, #tpu.memory_space<vmem>>, vector<16xf32>,
        %swap3A_41 = vector.shape_cast %swap3A_40 : vector<16xf32> to vector<16xf32>
        %swap3A_42 = vector.shape_cast %broadcast_in_dim3A_37 : vector<16xf32> to vector<16xf32>
        tpu.vector_store %arg7[%swap3A], %swap3A_42 {strides = array<i32>} : memref<512xf32, #tpu.memory_space<vmem>>, vector<16xf32>,
        %scan3A_43 = arith.constant 0 : i32
        scf.yield %scan3A_43 : i32
      }
      %scan3A_33 = arith.constant 32 : i32
      %mul3A = arith.constant 512 : i32
      %mul3A_34 = arith.muli %arg1, %mul3A : i32
      %multiple_of3A = tpu.assume_multiple %mul3A_34, 512 : i32
      "tpu.region"() ({
        %run_scoped3A = tpu.sem_alloc : memref<!tpu.dma_semaphore, #tpu.memory_space<semaphore_mem>>
        %dma_start3A = tpu.memref_slice %arg12[%multiple_of3A] : memref<8192xf32, #tpu.memory_space<vmem_shared>> -> memref<512xf32, #tpu.memory_space<vmem_shared>>
        %dma_start3A_35 = tpu.memref_slice %arg12[%multiple_of3A] : memref<8192xf32, #tpu.memory_space<vmem_shared>> -> memref<512xf32, #tpu.memory_space<vmem_shared>>
        tpu.enqueue_dma source(%arg7 : memref<512xf32, #tpu.memory_space<vmem>>) target(%dma_start3A_35 : memref<512xf32, #tpu.memory_space<vmem_shared>>) target_semaphore(%run_scoped3A : memref<!tpu.dma_semaphore, #tpu.memory_space<semaphore_mem>>)
        %dma_wait3A = tpu.memref_slice %arg12[%multiple_of3A] : memref<8192xf32, #tpu.memory_space<vmem_shared>> -> memref<512xf32, #tpu.memory_space<vmem_shared>>
        %dma_wait3A_36 = tpu.memref_slice %arg12[%multiple_of3A] : memref<8192xf32, #tpu.memory_space<vmem_shared>> -> memref<512xf32, #tpu.memory_space<vmem_shared>>
        tpu.wait_dma2 semaphore(%run_scoped3A : memref<!tpu.dma_semaphore, #tpu.memory_space<semaphore_mem>>) src(%arg7 : memref<512xf32, #tpu.memory_space<vmem>>) dst(%dma_wait3A_36 : memref<512xf32, #tpu.memory_space<vmem_shared>>)
        tpu.yield
      }) : () -> ()
    } else {
    }
    %barrier3A = arith.constant 0 : index
    tpu.barrier barrier_id(%barrier3A)
    "tpu.region"() ({
      %run_scoped3A = tpu.sem_alloc : memref<!tpu.dma_semaphore, #tpu.memory_space<semaphore_mem>>
      %dma_start3A = arith.constant 0 : i32
      %dma_start3A_28 = arith.constant 0 : i32
      %dma_start3A_29 = tpu.memref_slice %arg2[%arg1, %dma_start3A, %dma_start3A_28] : memref<16x2x128xi32, #tpu.memory_space<hbm>> -> memref<1x2x128xi32, #tpu.memory_space<hbm>>
      %dma_start3A_30 = tpu.memref_squeeze %dma_start3A_29 : memref<1x2x128xi32, #tpu.memory_space<hbm>> -> memref<2x128xi32, #tpu.memory_space<hbm>>
      %dma_start3A_31 = arith.constant 0 : i32
      %dma_start3A_32 = arith.constant 0 : i32
      %dma_start3A_33 = tpu.memref_slice %arg2[%arg1, %dma_start3A_31, %dma_start3A_32] : memref<16x2x128xi32, #tpu.memory_space<hbm>> -> memref<1x2x128xi32, #tpu.memory_space<hbm>>
      %dma_start3A_34 = tpu.memref_squeeze %dma_start3A_33 : memref<1x2x128xi32, #tpu.memory_space<hbm>> -> memref<2x128xi32, #tpu.memory_space<hbm>>
      tpu.enqueue_dma source(%dma_start3A_34 : memref<2x128xi32, #tpu.memory_space<hbm>>) target(%arg8 : memref<2x128xi32, #tpu.memory_space<vmem>>) target_semaphore(%run_scoped3A : memref<!tpu.dma_semaphore, #tpu.memory_space<semaphore_mem>>)
      %dma_wait3A = arith.constant 0 : i32
      %dma_wait3A_35 = arith.constant 0 : i32
      %dma_wait3A_36 = tpu.memref_slice %arg2[%arg1, %dma_wait3A, %dma_wait3A_35] : memref<16x2x128xi32, #tpu.memory_space<hbm>> -> memref<1x2x128xi32, #tpu.memory_space<hbm>>
      %dma_wait3A_37 = tpu.memref_squeeze %dma_wait3A_36 : memref<1x2x128xi32, #tpu.memory_space<hbm>> -> memref<2x128xi32, #tpu.memory_space<hbm>>
      %dma_wait3A_38 = arith.constant 0 : i32
      %dma_wait3A_39 = arith.constant 0 : i32
      %dma_wait3A_40 = tpu.memref_slice %arg2[%arg1, %dma_wait3A_38, %dma_wait3A_39] : memref<16x2x128xi32, #tpu.memory_space<hbm>> -> memref<1x2x128xi32, #tpu.memory_space<hbm>>
      %dma_wait3A_41 = tpu.memref_squeeze %dma_wait3A_40 : memref<1x2x128xi32, #tpu.memory_space<hbm>> -> memref<2x128xi32, #tpu.memory_space<hbm>>
      tpu.wait_dma2 semaphore(%run_scoped3A : memref<!tpu.dma_semaphore, #tpu.memory_space<semaphore_mem>>) src(%dma_wait3A_41 : memref<2x128xi32, #tpu.memory_space<hbm>>) dst(%arg8 : memref<2x128xi32, #tpu.memory_space<vmem>>)
      tpu.yield
    }) : () -> ()
    %eq3A_7 = arith.constant 0 : i32
    %eq3A_8 = arith.cmpi eq, %arg0, %eq3A_7 : i32
    %convert_element_type3A_9 = arith.extui %eq3A_8 : i1 to i32
    %cond3A_10 = arith.constant 0 : i32
    %cond3A_11 = arith.cmpi ne, %convert_element_type3A_9, %cond3A_10 : i32
    scf.if %cond3A_11 {
      %scan3A = arith.constant 0 : i32
      %scan3A_28 = arith.constant 0 : i32
      %scan3A_29 = arith.constant 8 : i32
      %scan3A_30 = arith.addi %scan3A_28, %scan3A_29 : i32
      %scan3A_31 = arith.constant 1 : i32
      %scan3A_32 = scf.for %scan3A_42 = %scan3A_28 to %scan3A_30 step %scan3A_31 iter_args(%scan3A_43 = %scan3A) -> (i32)  : i32 {
        %mul3A = arith.constant 256 : i32
        %mul3A_44 = arith.muli %arg1, %mul3A : i32
        %add3A = arith.constant 0 : i32
        %add3A_45 = arith.addi %mul3A_44, %add3A : i32
        %mul3A_46 = arith.constant 16 : i32
        %mul3A_47 = arith.muli %scan3A_42, %mul3A_46 : i32
        %add3A_48 = arith.addi %add3A_45, %mul3A_47 : i32
        %iota3A = tpu.iota {dimensions = array<i32: 0>} : vector<16xi32>
        %add3A_49 = vector.broadcast %add3A_48 : i32 to vector<16xi32>
        %add3A_50 = arith.addi %add3A_49, %iota3A : vector<16xi32>
        %shift_right_arithmetic3A = arith.constant 1 : i32
        %shift_right_arithmetic3A_51 = vector.broadcast %shift_right_arithmetic3A : i32 to vector<16xi32>
        %shift_right_arithmetic3A_52 = arith.shrsi %add3A_50, %shift_right_arithmetic3A_51 : vector<16xi32>
        %mul3A_53 = arith.constant 16 : i32
        %mul3A_54 = arith.muli %scan3A_42, %mul3A_53 : i32
        %swap3A = arith.index_cast %mul3A_54 : i32 to index
        %swap3A_55 = tpu.vector_load %arg9[%swap3A] {strides = array<i32>} : memref<128xi32, #tpu.memory_space<vmem>>, vector<16xi32>,
        %swap3A_56 = vector.shape_cast %swap3A_55 : vector<16xi32> to vector<16xi32>
        %swap3A_57 = vector.shape_cast %shift_right_arithmetic3A_52 : vector<16xi32> to vector<16xi32>
        tpu.vector_store %arg9[%swap3A], %swap3A_57 {strides = array<i32>} : memref<128xi32, #tpu.memory_space<vmem>>, vector<16xi32>,
        %scan3A_58 = arith.constant 0 : i32
        scf.yield %scan3A_58 : i32
      }
      %scan3A_33 = arith.constant 8 : i32
      %run_scoped3A = arith.constant 0 : i32
      "tpu.region"() ({
        %run_scoped3A_42 = tpu.sem_alloc : memref<!tpu.dma_semaphore, #tpu.memory_space<semaphore_mem>>
        %dma_start3A = arith.constant 0 : i32
        %dma_start3A_43 = tpu.memref_slice %arg8[%run_scoped3A, %dma_start3A] : memref<2x128xi32, #tpu.memory_space<vmem>> -> memref<1x128xi32, #tpu.memory_space<vmem>>
        %dma_start3A_44 = tpu.memref_squeeze %dma_start3A_43 : memref<1x128xi32, #tpu.memory_space<vmem>> -> memref<128xi32, #tpu.memory_space<vmem>>
        %dma_start3A_45 = arith.constant 0 : i32
        %dma_start3A_46 = tpu.memref_slice %arg11[%dma_start3A_45] : memref<8192xi32, #tpu.memory_space<vmem_shared>> -> memref<8192xi32, #tpu.memory_space<vmem_shared>>
        tpu.enqueue_indirect_dma source(%arg9 : memref<128xi32, #tpu.memory_space<vmem>>) target(%dma_start3A_46 : memref<8192xi32, #tpu.memory_space<vmem_shared>>) offsets(%dma_start3A_44 : memref<128xi32, #tpu.memory_space<vmem>>) semaphore(%run_scoped3A_42 : memref<!tpu.dma_semaphore, #tpu.memory_space<semaphore_mem>>) {add = true}
        %dma_wait3A = arith.constant 0 : i32
        %dma_wait3A_47 = tpu.memref_slice %arg8[%run_scoped3A, %dma_wait3A] : memref<2x128xi32, #tpu.memory_space<vmem>> -> memref<1x128xi32, #tpu.memory_space<vmem>>
        %dma_wait3A_48 = tpu.memref_squeeze %dma_wait3A_47 : memref<1x128xi32, #tpu.memory_space<vmem>> -> memref<128xi32, #tpu.memory_space<vmem>>
        %dma_wait3A_49 = arith.constant 0 : i32
        %dma_wait3A_50 = tpu.memref_slice %arg11[%dma_wait3A_49] : memref<8192xi32, #tpu.memory_space<vmem_shared>> -> memref<8192xi32, #tpu.memory_space<vmem_shared>>
        tpu.wait_indirect_dma semaphore(%run_scoped3A_42 : memref<!tpu.dma_semaphore, #tpu.memory_space<semaphore_mem>>) src(%arg9 : memref<128xi32, #tpu.memory_space<vmem>>) dst(%dma_wait3A_50 : memref<8192xi32, #tpu.memory_space<vmem_shared>>)
        tpu.yield
      }) : () -> ()
      %scan3A_34 = arith.constant 0 : i32
      %scan3A_35 = arith.constant 0 : i32
      %scan3A_36 = arith.constant 8 : i32
      %scan3A_37 = arith.addi %scan3A_35, %scan3A_36 : i32
      %scan3A_38 = arith.constant 1 : i32
      %scan3A_39 = scf.for %scan3A_42 = %scan3A_35 to %scan3A_37 step %scan3A_38 iter_args(%scan3A_43 = %scan3A_34) -> (i32)  : i32 {
        %mul3A = arith.constant 256 : i32
        %mul3A_44 = arith.muli %arg1, %mul3A : i32
        %add3A = arith.constant 128 : i32
        %add3A_45 = arith.addi %mul3A_44, %add3A : i32
        %mul3A_46 = arith.constant 16 : i32
        %mul3A_47 = arith.muli %scan3A_42, %mul3A_46 : i32
        %add3A_48 = arith.addi %add3A_45, %mul3A_47 : i32
        %iota3A = tpu.iota {dimensions = array<i32: 0>} : vector<16xi32>
        %add3A_49 = vector.broadcast %add3A_48 : i32 to vector<16xi32>
        %add3A_50 = arith.addi %add3A_49, %iota3A : vector<16xi32>
        %shift_right_arithmetic3A = arith.constant 1 : i32
        %shift_right_arithmetic3A_51 = vector.broadcast %shift_right_arithmetic3A : i32 to vector<16xi32>
        %shift_right_arithmetic3A_52 = arith.shrsi %add3A_50, %shift_right_arithmetic3A_51 : vector<16xi32>
        %mul3A_53 = arith.constant 16 : i32
        %mul3A_54 = arith.muli %scan3A_42, %mul3A_53 : i32
        %swap3A = arith.index_cast %mul3A_54 : i32 to index
        %swap3A_55 = tpu.vector_load %arg9[%swap3A] {strides = array<i32>} : memref<128xi32, #tpu.memory_space<vmem>>, vector<16xi32>,
        %swap3A_56 = vector.shape_cast %swap3A_55 : vector<16xi32> to vector<16xi32>
        %swap3A_57 = vector.shape_cast %shift_right_arithmetic3A_52 : vector<16xi32> to vector<16xi32>
        tpu.vector_store %arg9[%swap3A], %swap3A_57 {strides = array<i32>} : memref<128xi32, #tpu.memory_space<vmem>>, vector<16xi32>,
        %scan3A_58 = arith.constant 0 : i32
        scf.yield %scan3A_58 : i32
      }
      %scan3A_40 = arith.constant 8 : i32
      %run_scoped3A_41 = arith.constant 1 : i32
      "tpu.region"() ({
        %run_scoped3A_42 = tpu.sem_alloc : memref<!tpu.dma_semaphore, #tpu.memory_space<semaphore_mem>>
        %dma_start3A = arith.constant 0 : i32
        %dma_start3A_43 = tpu.memref_slice %arg8[%run_scoped3A_41, %dma_start3A] : memref<2x128xi32, #tpu.memory_space<vmem>> -> memref<1x128xi32, #tpu.memory_space<vmem>>
        %dma_start3A_44 = tpu.memref_squeeze %dma_start3A_43 : memref<1x128xi32, #tpu.memory_space<vmem>> -> memref<128xi32, #tpu.memory_space<vmem>>
        %dma_start3A_45 = arith.constant 0 : i32
        %dma_start3A_46 = tpu.memref_slice %arg11[%dma_start3A_45] : memref<8192xi32, #tpu.memory_space<vmem_shared>> -> memref<8192xi32, #tpu.memory_space<vmem_shared>>
        tpu.enqueue_indirect_dma source(%arg9 : memref<128xi32, #tpu.memory_space<vmem>>) target(%dma_start3A_46 : memref<8192xi32, #tpu.memory_space<vmem_shared>>) offsets(%dma_start3A_44 : memref<128xi32, #tpu.memory_space<vmem>>) semaphore(%run_scoped3A_42 : memref<!tpu.dma_semaphore, #tpu.memory_space<semaphore_mem>>) {add = true}
        %dma_wait3A = arith.constant 0 : i32
        %dma_wait3A_47 = tpu.memref_slice %arg8[%run_scoped3A_41, %dma_wait3A] : memref<2x128xi32, #tpu.memory_space<vmem>> -> memref<1x128xi32, #tpu.memory_space<vmem>>
        %dma_wait3A_48 = tpu.memref_squeeze %dma_wait3A_47 : memref<1x128xi32, #tpu.memory_space<vmem>> -> memref<128xi32, #tpu.memory_space<vmem>>
        %dma_wait3A_49 = arith.constant 0 : i32
        %dma_wait3A_50 = tpu.memref_slice %arg11[%dma_wait3A_49] : memref<8192xi32, #tpu.memory_space<vmem_shared>> -> memref<8192xi32, #tpu.memory_space<vmem_shared>>
        tpu.wait_indirect_dma semaphore(%run_scoped3A_42 : memref<!tpu.dma_semaphore, #tpu.memory_space<semaphore_mem>>) src(%arg9 : memref<128xi32, #tpu.memory_space<vmem>>) dst(%dma_wait3A_50 : memref<8192xi32, #tpu.memory_space<vmem_shared>>)
        tpu.yield
      }) : () -> ()
    } else {
    }
    %eq3A_12 = arith.constant 1 : i32
    %eq3A_13 = arith.cmpi eq, %arg0, %eq3A_12 : i32
    %convert_element_type3A_14 = arith.extui %eq3A_13 : i1 to i32
    %cond3A_15 = arith.constant 0 : i32
    %cond3A_16 = arith.cmpi ne, %convert_element_type3A_14, %cond3A_15 : i32
    scf.if %cond3A_16 {
      "tpu.region"() ({
        %run_scoped3A_31 = tpu.sem_alloc : memref<!tpu.dma_semaphore, #tpu.memory_space<semaphore_mem>>
        %dma_start3A = arith.constant 0 : i32
        %dma_start3A_32 = arith.constant 0 : i32
        %dma_start3A_33 = tpu.memref_slice %arg3[%arg1, %dma_start3A, %dma_start3A_32] : memref<16x2x128xf32, #tpu.memory_space<hbm>> -> memref<1x2x128xf32, #tpu.memory_space<hbm>>
        %dma_start3A_34 = tpu.memref_squeeze %dma_start3A_33 : memref<1x2x128xf32, #tpu.memory_space<hbm>> -> memref<2x128xf32, #tpu.memory_space<hbm>>
        %dma_start3A_35 = arith.constant 0 : i32
        %dma_start3A_36 = arith.constant 0 : i32
        %dma_start3A_37 = tpu.memref_slice %arg3[%arg1, %dma_start3A_35, %dma_start3A_36] : memref<16x2x128xf32, #tpu.memory_space<hbm>> -> memref<1x2x128xf32, #tpu.memory_space<hbm>>
        %dma_start3A_38 = tpu.memref_squeeze %dma_start3A_37 : memref<1x2x128xf32, #tpu.memory_space<hbm>> -> memref<2x128xf32, #tpu.memory_space<hbm>>
        tpu.enqueue_dma source(%dma_start3A_38 : memref<2x128xf32, #tpu.memory_space<hbm>>) target(%arg10 : memref<2x128xf32, #tpu.memory_space<vmem>>) target_semaphore(%run_scoped3A_31 : memref<!tpu.dma_semaphore, #tpu.memory_space<semaphore_mem>>)
        %dma_wait3A = arith.constant 0 : i32
        %dma_wait3A_39 = arith.constant 0 : i32
        %dma_wait3A_40 = tpu.memref_slice %arg3[%arg1, %dma_wait3A, %dma_wait3A_39] : memref<16x2x128xf32, #tpu.memory_space<hbm>> -> memref<1x2x128xf32, #tpu.memory_space<hbm>>
        %dma_wait3A_41 = tpu.memref_squeeze %dma_wait3A_40 : memref<1x2x128xf32, #tpu.memory_space<hbm>> -> memref<2x128xf32, #tpu.memory_space<hbm>>
        %dma_wait3A_42 = arith.constant 0 : i32
        %dma_wait3A_43 = arith.constant 0 : i32
        %dma_wait3A_44 = tpu.memref_slice %arg3[%arg1, %dma_wait3A_42, %dma_wait3A_43] : memref<16x2x128xf32, #tpu.memory_space<hbm>> -> memref<1x2x128xf32, #tpu.memory_space<hbm>>
        %dma_wait3A_45 = tpu.memref_squeeze %dma_wait3A_44 : memref<1x2x128xf32, #tpu.memory_space<hbm>> -> memref<2x128xf32, #tpu.memory_space<hbm>>
        tpu.wait_dma2 semaphore(%run_scoped3A_31 : memref<!tpu.dma_semaphore, #tpu.memory_space<semaphore_mem>>) src(%dma_wait3A_45 : memref<2x128xf32, #tpu.memory_space<hbm>>) dst(%arg10 : memref<2x128xf32, #tpu.memory_space<vmem>>)
        tpu.yield
      }) : () -> ()
      %run_scoped3A = arith.constant 0 : i32
      %run_scoped3A_28 = arith.constant 0 : i32
      "tpu.region"() ({
        %run_scoped3A_31 = tpu.sem_alloc : memref<!tpu.dma_semaphore, #tpu.memory_space<semaphore_mem>>
        %dma_start3A = arith.constant 0 : i32
        %dma_start3A_32 = tpu.memref_slice %arg10[%run_scoped3A, %dma_start3A] : memref<2x128xf32, #tpu.memory_space<vmem>> -> memref<1x128xf32, #tpu.memory_space<vmem>>
        %dma_start3A_33 = tpu.memref_squeeze %dma_start3A_32 : memref<1x128xf32, #tpu.memory_space<vmem>> -> memref<128xf32, #tpu.memory_space<vmem>>
        %dma_start3A_34 = arith.constant 0 : i32
        %dma_start3A_35 = tpu.memref_slice %arg8[%run_scoped3A_28, %dma_start3A_34] : memref<2x128xi32, #tpu.memory_space<vmem>> -> memref<1x128xi32, #tpu.memory_space<vmem>>
        %dma_start3A_36 = tpu.memref_squeeze %dma_start3A_35 : memref<1x128xi32, #tpu.memory_space<vmem>> -> memref<128xi32, #tpu.memory_space<vmem>>
        %dma_start3A_37 = arith.constant 0 : i32
        %dma_start3A_38 = tpu.memref_slice %arg12[%dma_start3A_37] : memref<8192xf32, #tpu.memory_space<vmem_shared>> -> memref<8192xf32, #tpu.memory_space<vmem_shared>>
        tpu.enqueue_indirect_dma source(%dma_start3A_33 : memref<128xf32, #tpu.memory_space<vmem>>) target(%dma_start3A_38 : memref<8192xf32, #tpu.memory_space<vmem_shared>>) offsets(%dma_start3A_36 : memref<128xi32, #tpu.memory_space<vmem>>) semaphore(%run_scoped3A_31 : memref<!tpu.dma_semaphore, #tpu.memory_space<semaphore_mem>>) {add = true}
        %dma_wait3A = arith.constant 0 : i32
        %dma_wait3A_39 = tpu.memref_slice %arg10[%run_scoped3A, %dma_wait3A] : memref<2x128xf32, #tpu.memory_space<vmem>> -> memref<1x128xf32, #tpu.memory_space<vmem>>
        %dma_wait3A_40 = tpu.memref_squeeze %dma_wait3A_39 : memref<1x128xf32, #tpu.memory_space<vmem>> -> memref<128xf32, #tpu.memory_space<vmem>>
        %dma_wait3A_41 = arith.constant 0 : i32
        %dma_wait3A_42 = tpu.memref_slice %arg8[%run_scoped3A_28, %dma_wait3A_41] : memref<2x128xi32, #tpu.memory_space<vmem>> -> memref<1x128xi32, #tpu.memory_space<vmem>>
        %dma_wait3A_43 = tpu.memref_squeeze %dma_wait3A_42 : memref<1x128xi32, #tpu.memory_space<vmem>> -> memref<128xi32, #tpu.memory_space<vmem>>
        %dma_wait3A_44 = arith.constant 0 : i32
        %dma_wait3A_45 = tpu.memref_slice %arg12[%dma_wait3A_44] : memref<8192xf32, #tpu.memory_space<vmem_shared>> -> memref<8192xf32, #tpu.memory_space<vmem_shared>>
        tpu.wait_indirect_dma semaphore(%run_scoped3A_31 : memref<!tpu.dma_semaphore, #tpu.memory_space<semaphore_mem>>) src(%dma_wait3A_40 : memref<128xf32, #tpu.memory_space<vmem>>) dst(%dma_wait3A_45 : memref<8192xf32, #tpu.memory_space<vmem_shared>>)
        tpu.yield
      }) : () -> ()
      %run_scoped3A_29 = arith.constant 1 : i32
      %run_scoped3A_30 = arith.constant 1 : i32
      "tpu.region"() ({
        %run_scoped3A_31 = tpu.sem_alloc : memref<!tpu.dma_semaphore, #tpu.memory_space<semaphore_mem>>
        %dma_start3A = arith.constant 0 : i32
        %dma_start3A_32 = tpu.memref_slice %arg10[%run_scoped3A_29, %dma_start3A] : memref<2x128xf32, #tpu.memory_space<vmem>> -> memref<1x128xf32, #tpu.memory_space<vmem>>
        %dma_start3A_33 = tpu.memref_squeeze %dma_start3A_32 : memref<1x128xf32, #tpu.memory_space<vmem>> -> memref<128xf32, #tpu.memory_space<vmem>>
        %dma_start3A_34 = arith.constant 0 : i32
        %dma_start3A_35 = tpu.memref_slice %arg8[%run_scoped3A_30, %dma_start3A_34] : memref<2x128xi32, #tpu.memory_space<vmem>> -> memref<1x128xi32, #tpu.memory_space<vmem>>
        %dma_start3A_36 = tpu.memref_squeeze %dma_start3A_35 : memref<1x128xi32, #tpu.memory_space<vmem>> -> memref<128xi32, #tpu.memory_space<vmem>>
        %dma_start3A_37 = arith.constant 0 : i32
        %dma_start3A_38 = tpu.memref_slice %arg12[%dma_start3A_37] : memref<8192xf32, #tpu.memory_space<vmem_shared>> -> memref<8192xf32, #tpu.memory_space<vmem_shared>>
        tpu.enqueue_indirect_dma source(%dma_start3A_33 : memref<128xf32, #tpu.memory_space<vmem>>) target(%dma_start3A_38 : memref<8192xf32, #tpu.memory_space<vmem_shared>>) offsets(%dma_start3A_36 : memref<128xi32, #tpu.memory_space<vmem>>) semaphore(%run_scoped3A_31 : memref<!tpu.dma_semaphore, #tpu.memory_space<semaphore_mem>>) {add = true}
        %dma_wait3A = arith.constant 0 : i32
        %dma_wait3A_39 = tpu.memref_slice %arg10[%run_scoped3A_29, %dma_wait3A] : memref<2x128xf32, #tpu.memory_space<vmem>> -> memref<1x128xf32, #tpu.memory_space<vmem>>
        %dma_wait3A_40 = tpu.memref_squeeze %dma_wait3A_39 : memref<1x128xf32, #tpu.memory_space<vmem>> -> memref<128xf32, #tpu.memory_space<vmem>>
        %dma_wait3A_41 = arith.constant 0 : i32
        %dma_wait3A_42 = tpu.memref_slice %arg8[%run_scoped3A_30, %dma_wait3A_41] : memref<2x128xi32, #tpu.memory_space<vmem>> -> memref<1x128xi32, #tpu.memory_space<vmem>>
        %dma_wait3A_43 = tpu.memref_squeeze %dma_wait3A_42 : memref<1x128xi32, #tpu.memory_space<vmem>> -> memref<128xi32, #tpu.memory_space<vmem>>
        %dma_wait3A_44 = arith.constant 0 : i32
        %dma_wait3A_45 = tpu.memref_slice %arg12[%dma_wait3A_44] : memref<8192xf32, #tpu.memory_space<vmem_shared>> -> memref<8192xf32, #tpu.memory_space<vmem_shared>>
        tpu.wait_indirect_dma semaphore(%run_scoped3A_31 : memref<!tpu.dma_semaphore, #tpu.memory_space<semaphore_mem>>) src(%dma_wait3A_40 : memref<128xf32, #tpu.memory_space<vmem>>) dst(%dma_wait3A_45 : memref<8192xf32, #tpu.memory_space<vmem_shared>>)
        tpu.yield
      }) : () -> ()
    } else {
    }
    %barrier3A_17 = arith.constant 0 : index
    tpu.barrier barrier_id(%barrier3A_17)
    %eq3A_18 = arith.constant 0 : i32
    %eq3A_19 = arith.cmpi eq, %arg0, %eq3A_18 : i32
    %convert_element_type3A_20 = arith.extui %eq3A_19 : i1 to i32
    %cond3A_21 = arith.constant 0 : i32
    %cond3A_22 = arith.cmpi ne, %convert_element_type3A_20, %cond3A_21 : i32
    scf.if %cond3A_22 {
      %mul3A = arith.constant 512 : i32
      %mul3A_28 = arith.muli %arg1, %mul3A : i32
      %multiple_of3A = tpu.assume_multiple %mul3A_28, 512 : i32
      %mul3A_29 = arith.constant 512 : i32
      %mul3A_30 = arith.muli %arg1, %mul3A_29 : i32
      %multiple_of3A_31 = tpu.assume_multiple %mul3A_30, 512 : i32
      "tpu.region"() ({
        %run_scoped3A = tpu.sem_alloc : memref<!tpu.dma_semaphore, #tpu.memory_space<semaphore_mem>>
        %dma_start3A = tpu.memref_slice %arg4[%multiple_of3A_31] : memref<8192xi32, #tpu.memory_space<hbm>> -> memref<512xi32, #tpu.memory_space<hbm>>
        %dma_start3A_32 = tpu.memref_slice %arg11[%multiple_of3A] : memref<8192xi32, #tpu.memory_space<vmem_shared>> -> memref<512xi32, #tpu.memory_space<vmem_shared>>
        tpu.enqueue_dma source(%dma_start3A_32 : memref<512xi32, #tpu.memory_space<vmem_shared>>) target(%dma_start3A : memref<512xi32, #tpu.memory_space<hbm>>) target_semaphore(%run_scoped3A : memref<!tpu.dma_semaphore, #tpu.memory_space<semaphore_mem>>)
        %dma_wait3A = tpu.memref_slice %arg4[%multiple_of3A_31] : memref<8192xi32, #tpu.memory_space<hbm>> -> memref<512xi32, #tpu.memory_space<hbm>>
        %dma_wait3A_33 = tpu.memref_slice %arg11[%multiple_of3A] : memref<8192xi32, #tpu.memory_space<vmem_shared>> -> memref<512xi32, #tpu.memory_space<vmem_shared>>
        tpu.wait_dma2 semaphore(%run_scoped3A : memref<!tpu.dma_semaphore, #tpu.memory_space<semaphore_mem>>) src(%dma_wait3A_33 : memref<512xi32, #tpu.memory_space<vmem_shared>>) dst(%dma_wait3A : memref<512xi32, #tpu.memory_space<hbm>>)
        tpu.yield
      }) : () -> ()
    } else {
    }
    %eq3A_23 = arith.constant 1 : i32
    %eq3A_24 = arith.cmpi eq, %arg0, %eq3A_23 : i32
    %convert_element_type3A_25 = arith.extui %eq3A_24 : i1 to i32
    %cond3A_26 = arith.constant 0 : i32
    %cond3A_27 = arith.cmpi ne, %convert_element_type3A_25, %cond3A_26 : i32
    scf.if %cond3A_27 {
      %mul3A = arith.constant 512 : i32
      %mul3A_28 = arith.muli %arg1, %mul3A : i32
      %multiple_of3A = tpu.assume_multiple %mul3A_28, 512 : i32
      %mul3A_29 = arith.constant 512 : i32
      %mul3A_30 = arith.muli %arg1, %mul3A_29 : i32
      %multiple_of3A_31 = tpu.assume_multiple %mul3A_30, 512 : i32
      "tpu.region"() ({
        %run_scoped3A = tpu.sem_alloc : memref<!tpu.dma_semaphore, #tpu.memory_space<semaphore_mem>>
        %dma_start3A = tpu.memref_slice %arg5[%multiple_of3A_31] : memref<8192xf32, #tpu.memory_space<hbm>> -> memref<512xf32, #tpu.memory_space<hbm>>
        %dma_start3A_32 = tpu.memref_slice %arg12[%multiple_of3A] : memref<8192xf32, #tpu.memory_space<vmem_shared>> -> memref<512xf32, #tpu.memory_space<vmem_shared>>
        tpu.enqueue_dma source(%dma_start3A_32 : memref<512xf32, #tpu.memory_space<vmem_shared>>) target(%dma_start3A : memref<512xf32, #tpu.memory_space<hbm>>) target_semaphore(%run_scoped3A : memref<!tpu.dma_semaphore, #tpu.memory_space<semaphore_mem>>)
        %dma_wait3A = tpu.memref_slice %arg5[%multiple_of3A_31] : memref<8192xf32, #tpu.memory_space<hbm>> -> memref<512xf32, #tpu.memory_space<hbm>>
        %dma_wait3A_33 = tpu.memref_slice %arg12[%multiple_of3A] : memref<8192xf32, #tpu.memory_space<vmem_shared>> -> memref<512xf32, #tpu.memory_space<vmem_shared>>
        tpu.wait_dma2 semaphore(%run_scoped3A : memref<!tpu.dma_semaphore, #tpu.memory_space<semaphore_mem>>) src(%dma_wait3A_33 : memref<512xf32, #tpu.memory_space<vmem_shared>>) dst(%dma_wait3A : memref<512xf32, #tpu.memory_space<hbm>>)
        tpu.yield
      }) : () -> ()
    } else {
    }
    return
  }
}

#map = affine_map<(d0, d1) -> (0, 0)>
module attributes {stable_mosaic.version = 14 : i64} {
  func.func @k(%arg0: i32, %arg1: i32, %arg2: memref<8192x768xf32, #tpu.memory_space<hbm>>, %arg3: memref<64x32xi32, #tpu.memory_space<hbm>>, %arg4: memref<64x32xi32, #tpu.memory_space<hbm>>, %arg5: memref<2048x768xf32, #tpu.memory_space<hbm>>, %arg6: memref<32xi32, #tpu.memory_space<vmem>>, %arg7: memref<32xi32, #tpu.memory_space<vmem>>, %arg8: memref<32x768xf32, #tpu.memory_space<vmem>>, %arg9: memref<32x768xf32, #tpu.memory_space<vmem>>, %arg10: memref<32x768xf32, #tpu.memory_space<vmem>>, %arg11: memref<!tpu.dma_semaphore, #tpu.memory_space<semaphore_mem>>) attributes {dimension_semantics = [#tpu.dimension_semantics<core_parallel>, #tpu.dimension_semantics<subcore_parallel>], iteration_bounds = array<i64: 2, 16>, scalar_prefetch = 0 : i64, scratch_operands = 6 : i64, tpu.core_type = #tpu.core_type<sc_vector_subcore>, window_params = [{transform_indices = #map}, {transform_indices = #map}, {transform_indices = #map}, {transform_indices = #map}]} {
    %mul3A = arith.constant 2 : i32
    %mul3A_0 = arith.muli %arg1, %mul3A : i32
    %add3A = arith.addi %mul3A_0, %arg0 : i32
    %mul3A_1 = arith.constant 2 : i32
    %mul3A_2 = arith.muli %add3A, %mul3A_1 : i32
    %add3A_3 = arith.constant 0 : i32
    %add3A_4 = arith.addi %mul3A_2, %add3A_3 : i32
    "tpu.region"() ({
      %run_scoped3A = tpu.sem_alloc : memref<!tpu.dma_semaphore, #tpu.memory_space<semaphore_mem>>
      %dma_start3A_49 = arith.constant 0 : i32
      %dma_start3A_50 = tpu.memref_slice %arg3[%add3A_4, %dma_start3A_49] : memref<64x32xi32, #tpu.memory_space<hbm>> -> memref<1x32xi32, #tpu.memory_space<hbm>>
      %dma_start3A_51 = tpu.memref_squeeze %dma_start3A_50 : memref<1x32xi32, #tpu.memory_space<hbm>> -> memref<32xi32, #tpu.memory_space<hbm>>
      %dma_start3A_52 = arith.constant 0 : i32
      %dma_start3A_53 = tpu.memref_slice %arg3[%add3A_4, %dma_start3A_52] : memref<64x32xi32, #tpu.memory_space<hbm>> -> memref<1x32xi32, #tpu.memory_space<hbm>>
      %dma_start3A_54 = tpu.memref_squeeze %dma_start3A_53 : memref<1x32xi32, #tpu.memory_space<hbm>> -> memref<32xi32, #tpu.memory_space<hbm>>
      tpu.enqueue_dma source(%dma_start3A_54 : memref<32xi32, #tpu.memory_space<hbm>>) target(%arg6 : memref<32xi32, #tpu.memory_space<vmem>>) target_semaphore(%run_scoped3A : memref<!tpu.dma_semaphore, #tpu.memory_space<semaphore_mem>>)
      %dma_wait3A_55 = arith.constant 0 : i32
      %dma_wait3A_56 = tpu.memref_slice %arg3[%add3A_4, %dma_wait3A_55] : memref<64x32xi32, #tpu.memory_space<hbm>> -> memref<1x32xi32, #tpu.memory_space<hbm>>
      %dma_wait3A_57 = tpu.memref_squeeze %dma_wait3A_56 : memref<1x32xi32, #tpu.memory_space<hbm>> -> memref<32xi32, #tpu.memory_space<hbm>>
      %dma_wait3A_58 = arith.constant 0 : i32
      %dma_wait3A_59 = tpu.memref_slice %arg3[%add3A_4, %dma_wait3A_58] : memref<64x32xi32, #tpu.memory_space<hbm>> -> memref<1x32xi32, #tpu.memory_space<hbm>>
      %dma_wait3A_60 = tpu.memref_squeeze %dma_wait3A_59 : memref<1x32xi32, #tpu.memory_space<hbm>> -> memref<32xi32, #tpu.memory_space<hbm>>
      tpu.wait_dma2 semaphore(%run_scoped3A : memref<!tpu.dma_semaphore, #tpu.memory_space<semaphore_mem>>) src(%dma_wait3A_60 : memref<32xi32, #tpu.memory_space<hbm>>) dst(%arg6 : memref<32xi32, #tpu.memory_space<vmem>>)
      tpu.yield
    }) : () -> ()
    "tpu.region"() ({
      %run_scoped3A = tpu.sem_alloc : memref<!tpu.dma_semaphore, #tpu.memory_space<semaphore_mem>>
      %dma_start3A_49 = arith.constant 0 : i32
      %dma_start3A_50 = tpu.memref_slice %arg4[%add3A_4, %dma_start3A_49] : memref<64x32xi32, #tpu.memory_space<hbm>> -> memref<1x32xi32, #tpu.memory_space<hbm>>
      %dma_start3A_51 = tpu.memref_squeeze %dma_start3A_50 : memref<1x32xi32, #tpu.memory_space<hbm>> -> memref<32xi32, #tpu.memory_space<hbm>>
      %dma_start3A_52 = arith.constant 0 : i32
      %dma_start3A_53 = tpu.memref_slice %arg4[%add3A_4, %dma_start3A_52] : memref<64x32xi32, #tpu.memory_space<hbm>> -> memref<1x32xi32, #tpu.memory_space<hbm>>
      %dma_start3A_54 = tpu.memref_squeeze %dma_start3A_53 : memref<1x32xi32, #tpu.memory_space<hbm>> -> memref<32xi32, #tpu.memory_space<hbm>>
      tpu.enqueue_dma source(%dma_start3A_54 : memref<32xi32, #tpu.memory_space<hbm>>) target(%arg7 : memref<32xi32, #tpu.memory_space<vmem>>) target_semaphore(%run_scoped3A : memref<!tpu.dma_semaphore, #tpu.memory_space<semaphore_mem>>)
      %dma_wait3A_55 = arith.constant 0 : i32
      %dma_wait3A_56 = tpu.memref_slice %arg4[%add3A_4, %dma_wait3A_55] : memref<64x32xi32, #tpu.memory_space<hbm>> -> memref<1x32xi32, #tpu.memory_space<hbm>>
      %dma_wait3A_57 = tpu.memref_squeeze %dma_wait3A_56 : memref<1x32xi32, #tpu.memory_space<hbm>> -> memref<32xi32, #tpu.memory_space<hbm>>
      %dma_wait3A_58 = arith.constant 0 : i32
      %dma_wait3A_59 = tpu.memref_slice %arg4[%add3A_4, %dma_wait3A_58] : memref<64x32xi32, #tpu.memory_space<hbm>> -> memref<1x32xi32, #tpu.memory_space<hbm>>
      %dma_wait3A_60 = tpu.memref_squeeze %dma_wait3A_59 : memref<1x32xi32, #tpu.memory_space<hbm>> -> memref<32xi32, #tpu.memory_space<hbm>>
      tpu.wait_dma2 semaphore(%run_scoped3A : memref<!tpu.dma_semaphore, #tpu.memory_space<semaphore_mem>>) src(%dma_wait3A_60 : memref<32xi32, #tpu.memory_space<hbm>>) dst(%arg7 : memref<32xi32, #tpu.memory_space<vmem>>)
      tpu.yield
    }) : () -> ()
    %dma_start3A = arith.constant 0 : i32
    %dma_start3A_5 = arith.constant 0 : i32
    %dma_start3A_6 = tpu.memref_slice %arg2[%dma_start3A, %dma_start3A_5] : memref<8192x768xf32, #tpu.memory_space<hbm>> -> memref<8192x768xf32, #tpu.memory_space<hbm>>
    tpu.enqueue_indirect_dma source(%dma_start3A_6 : memref<8192x768xf32, #tpu.memory_space<hbm>>) target(%arg8 : memref<32x768xf32, #tpu.memory_space<vmem>>) offsets(%arg6 : memref<32xi32, #tpu.memory_space<vmem>>) semaphore(%arg11 : memref<!tpu.dma_semaphore, #tpu.memory_space<semaphore_mem>>)
    %dma_start3A_7 = arith.constant 0 : i32
    %dma_start3A_8 = arith.constant 0 : i32
    %dma_start3A_9 = tpu.memref_slice %arg2[%dma_start3A_7, %dma_start3A_8] : memref<8192x768xf32, #tpu.memory_space<hbm>> -> memref<8192x768xf32, #tpu.memory_space<hbm>>
    tpu.enqueue_indirect_dma source(%dma_start3A_9 : memref<8192x768xf32, #tpu.memory_space<hbm>>) target(%arg9 : memref<32x768xf32, #tpu.memory_space<vmem>>) offsets(%arg7 : memref<32xi32, #tpu.memory_space<vmem>>) semaphore(%arg11 : memref<!tpu.dma_semaphore, #tpu.memory_space<semaphore_mem>>)
    %dma_wait3A = arith.constant 0 : i32
    %dma_wait3A_10 = arith.constant 0 : i32
    %dma_wait3A_11 = tpu.memref_slice %arg2[%dma_wait3A, %dma_wait3A_10] : memref<8192x768xf32, #tpu.memory_space<hbm>> -> memref<8192x768xf32, #tpu.memory_space<hbm>>
    tpu.wait_indirect_dma semaphore(%arg11 : memref<!tpu.dma_semaphore, #tpu.memory_space<semaphore_mem>>) src(%dma_wait3A_11 : memref<8192x768xf32, #tpu.memory_space<hbm>>) dst(%arg8 : memref<32x768xf32, #tpu.memory_space<vmem>>)
    %dma_wait3A_12 = arith.constant 0 : i32
    %dma_wait3A_13 = arith.constant 0 : i32
    %dma_wait3A_14 = tpu.memref_slice %arg2[%dma_wait3A_12, %dma_wait3A_13] : memref<8192x768xf32, #tpu.memory_space<hbm>> -> memref<8192x768xf32, #tpu.memory_space<hbm>>
    tpu.wait_indirect_dma semaphore(%arg11 : memref<!tpu.dma_semaphore, #tpu.memory_space<semaphore_mem>>) src(%dma_wait3A_14 : memref<8192x768xf32, #tpu.memory_space<hbm>>) dst(%arg9 : memref<32x768xf32, #tpu.memory_space<vmem>>)
    %scan3A = arith.constant 0 : i32
    %scan3A_15 = arith.constant 0 : i32
    %scan3A_16 = arith.constant 32 : i32
    %scan3A_17 = arith.addi %scan3A_15, %scan3A_16 : i32
    %scan3A_18 = arith.constant 1 : i32
    %scan3A_19 = scf.for %scan3A_49 = %scan3A_15 to %scan3A_17 step %scan3A_18 iter_args(%scan3A_50 = %scan3A) -> (i32)  : i32 {
      %get3A = arith.index_cast %scan3A_49 : i32 to index
      %get3A_51 = arith.constant 0 : index
      %get3A_52 = tpu.vector_load %arg8[%get3A, %get3A_51] {strides = array<i32>} : memref<32x768xf32, #tpu.memory_space<vmem>>, vector<1x16xf32>,
      %get3A_53 = vector.shape_cast %get3A_52 : vector<1x16xf32> to vector<16xf32>
      %get3A_54 = arith.index_cast %scan3A_49 : i32 to index
      %get3A_55 = arith.constant 0 : index
      %get3A_56 = tpu.vector_load %arg9[%get3A_54, %get3A_55] {strides = array<i32>} : memref<32x768xf32, #tpu.memory_space<vmem>>, vector<1x16xf32>,
      %get3A_57 = vector.shape_cast %get3A_56 : vector<1x16xf32> to vector<16xf32>
      %add3A_58 = arith.addf %get3A_53, %get3A_57 : vector<16xf32>
      %swap3A = arith.index_cast %scan3A_49 : i32 to index
      %swap3A_59 = arith.constant 0 : index
      %swap3A_60 = tpu.vector_load %arg10[%swap3A, %swap3A_59] {strides = array<i32>} : memref<32x768xf32, #tpu.memory_space<vmem>>, vector<1x16xf32>,
      %swap3A_61 = vector.shape_cast %swap3A_60 : vector<1x16xf32> to vector<16xf32>
      %swap3A_62 = vector.shape_cast %add3A_58 : vector<16xf32> to vector<1x16xf32>
      tpu.vector_store %arg10[%swap3A, %swap3A_59], %swap3A_62 {strides = array<i32>} : memref<32x768xf32, #tpu.memory_space<vmem>>, vector<1x16xf32>,
      %get3A_63 = arith.index_cast %scan3A_49 : i32 to index
      %get3A_64 = arith.constant 16 : index
      %get3A_65 = tpu.vector_load %arg8[%get3A_63, %get3A_64] {strides = array<i32>} : memref<32x768xf32, #tpu.memory_space<vmem>>, vector<1x16xf32>,
      %get3A_66 = vector.shape_cast %get3A_65 : vector<1x16xf32> to vector<16xf32>
      %get3A_67 = arith.index_cast %scan3A_49 : i32 to index
      %get3A_68 = arith.constant 16 : index
      %get3A_69 = tpu.vector_load %arg9[%get3A_67, %get3A_68] {strides = array<i32>} : memref<32x768xf32, #tpu.memory_space<vmem>>, vector<1x16xf32>,
      %get3A_70 = vector.shape_cast %get3A_69 : vector<1x16xf32> to vector<16xf32>
      %add3A_71 = arith.addf %get3A_66, %get3A_70 : vector<16xf32>
      %swap3A_72 = arith.index_cast %scan3A_49 : i32 to index
      %swap3A_73 = arith.constant 16 : index
      %swap3A_74 = tpu.vector_load %arg10[%swap3A_72, %swap3A_73] {strides = array<i32>} : memref<32x768xf32, #tpu.memory_space<vmem>>, vector<1x16xf32>,
      %swap3A_75 = vector.shape_cast %swap3A_74 : vector<1x16xf32> to vector<16xf32>
      %swap3A_76 = vector.shape_cast %add3A_71 : vector<16xf32> to vector<1x16xf32>
      tpu.vector_store %arg10[%swap3A_72, %swap3A_73], %swap3A_76 {strides = array<i32>} : memref<32x768xf32, #tpu.memory_space<vmem>>, vector<1x16xf32>,
      %get3A_77 = arith.index_cast %scan3A_49 : i32 to index
      %get3A_78 = arith.constant 32 : index
      %get3A_79 = tpu.vector_load %arg8[%get3A_77, %get3A_78] {strides = array<i32>} : memref<32x768xf32, #tpu.memory_space<vmem>>, vector<1x16xf32>,
      %get3A_80 = vector.shape_cast %get3A_79 : vector<1x16xf32> to vector<16xf32>
      %get3A_81 = arith.index_cast %scan3A_49 : i32 to index
      %get3A_82 = arith.constant 32 : index
      %get3A_83 = tpu.vector_load %arg9[%get3A_81, %get3A_82] {strides = array<i32>} : memref<32x768xf32, #tpu.memory_space<vmem>>, vector<1x16xf32>,
      %get3A_84 = vector.shape_cast %get3A_83 : vector<1x16xf32> to vector<16xf32>
      %add3A_85 = arith.addf %get3A_80, %get3A_84 : vector<16xf32>
      %swap3A_86 = arith.index_cast %scan3A_49 : i32 to index
      %swap3A_87 = arith.constant 32 : index
      %swap3A_88 = tpu.vector_load %arg10[%swap3A_86, %swap3A_87] {strides = array<i32>} : memref<32x768xf32, #tpu.memory_space<vmem>>, vector<1x16xf32>,
      %swap3A_89 = vector.shape_cast %swap3A_88 : vector<1x16xf32> to vector<16xf32>
      %swap3A_90 = vector.shape_cast %add3A_85 : vector<16xf32> to vector<1x16xf32>
      tpu.vector_store %arg10[%swap3A_86, %swap3A_87], %swap3A_90 {strides = array<i32>} : memref<32x768xf32, #tpu.memory_space<vmem>>, vector<1x16xf32>,
      %get3A_91 = arith.index_cast %scan3A_49 : i32 to index
      %get3A_92 = arith.constant 48 : index
      %get3A_93 = tpu.vector_load %arg8[%get3A_91, %get3A_92] {strides = array<i32>} : memref<32x768xf32, #tpu.memory_space<vmem>>, vector<1x16xf32>,
      %get3A_94 = vector.shape_cast %get3A_93 : vector<1x16xf32> to vector<16xf32>
      %get3A_95 = arith.index_cast %scan3A_49 : i32 to index
      %get3A_96 = arith.constant 48 : index
      %get3A_97 = tpu.vector_load %arg9[%get3A_95, %get3A_96] {strides = array<i32>} : memref<32x768xf32, #tpu.memory_space<vmem>>, vector<1x16xf32>,
      %get3A_98 = vector.shape_cast %get3A_97 : vector<1x16xf32> to vector<16xf32>
      %add3A_99 = arith.addf %get3A_94, %get3A_98 : vector<16xf32>
      %swap3A_100 = arith.index_cast %scan3A_49 : i32 to index
      %swap3A_101 = arith.constant 48 : index
      %swap3A_102 = tpu.vector_load %arg10[%swap3A_100, %swap3A_101] {strides = array<i32>} : memref<32x768xf32, #tpu.memory_space<vmem>>, vector<1x16xf32>,
      %swap3A_103 = vector.shape_cast %swap3A_102 : vector<1x16xf32> to vector<16xf32>
      %swap3A_104 = vector.shape_cast %add3A_99 : vector<16xf32> to vector<1x16xf32>
      tpu.vector_store %arg10[%swap3A_100, %swap3A_101], %swap3A_104 {strides = array<i32>} : memref<32x768xf32, #tpu.memory_space<vmem>>, vector<1x16xf32>,
      %get3A_105 = arith.index_cast %scan3A_49 : i32 to index
      %get3A_106 = arith.constant 64 : index
      %get3A_107 = tpu.vector_load %arg8[%get3A_105, %get3A_106] {strides = array<i32>} : memref<32x768xf32, #tpu.memory_space<vmem>>, vector<1x16xf32>,
      %get3A_108 = vector.shape_cast %get3A_107 : vector<1x16xf32> to vector<16xf32>
      %get3A_109 = arith.index_cast %scan3A_49 : i32 to index
      %get3A_110 = arith.constant 64 : index
      %get3A_111 = tpu.vector_load %arg9[%get3A_109, %get3A_110] {strides = array<i32>} : memref<32x768xf32, #tpu.memory_space<vmem>>, vector<1x16xf32>,
      %get3A_112 = vector.shape_cast %get3A_111 : vector<1x16xf32> to vector<16xf32>
      %add3A_113 = arith.addf %get3A_108, %get3A_112 : vector<16xf32>
      %swap3A_114 = arith.index_cast %scan3A_49 : i32 to index
      %swap3A_115 = arith.constant 64 : index
      %swap3A_116 = tpu.vector_load %arg10[%swap3A_114, %swap3A_115] {strides = array<i32>} : memref<32x768xf32, #tpu.memory_space<vmem>>, vector<1x16xf32>,
      %swap3A_117 = vector.shape_cast %swap3A_116 : vector<1x16xf32> to vector<16xf32>
      %swap3A_118 = vector.shape_cast %add3A_113 : vector<16xf32> to vector<1x16xf32>
      tpu.vector_store %arg10[%swap3A_114, %swap3A_115], %swap3A_118 {strides = array<i32>} : memref<32x768xf32, #tpu.memory_space<vmem>>, vector<1x16xf32>,
      %get3A_119 = arith.index_cast %scan3A_49 : i32 to index
      %get3A_120 = arith.constant 80 : index
      %get3A_121 = tpu.vector_load %arg8[%get3A_119, %get3A_120] {strides = array<i32>} : memref<32x768xf32, #tpu.memory_space<vmem>>, vector<1x16xf32>,
      %get3A_122 = vector.shape_cast %get3A_121 : vector<1x16xf32> to vector<16xf32>
      %get3A_123 = arith.index_cast %scan3A_49 : i32 to index
      %get3A_124 = arith.constant 80 : index
      %get3A_125 = tpu.vector_load %arg9[%get3A_123, %get3A_124] {strides = array<i32>} : memref<32x768xf32, #tpu.memory_space<vmem>>, vector<1x16xf32>,
      %get3A_126 = vector.shape_cast %get3A_125 : vector<1x16xf32> to vector<16xf32>
      %add3A_127 = arith.addf %get3A_122, %get3A_126 : vector<16xf32>
      %swap3A_128 = arith.index_cast %scan3A_49 : i32 to index
      %swap3A_129 = arith.constant 80 : index
      %swap3A_130 = tpu.vector_load %arg10[%swap3A_128, %swap3A_129] {strides = array<i32>} : memref<32x768xf32, #tpu.memory_space<vmem>>, vector<1x16xf32>,
      %swap3A_131 = vector.shape_cast %swap3A_130 : vector<1x16xf32> to vector<16xf32>
      %swap3A_132 = vector.shape_cast %add3A_127 : vector<16xf32> to vector<1x16xf32>
      tpu.vector_store %arg10[%swap3A_128, %swap3A_129], %swap3A_132 {strides = array<i32>} : memref<32x768xf32, #tpu.memory_space<vmem>>, vector<1x16xf32>,
      %get3A_133 = arith.index_cast %scan3A_49 : i32 to index
      %get3A_134 = arith.constant 96 : index
      %get3A_135 = tpu.vector_load %arg8[%get3A_133, %get3A_134] {strides = array<i32>} : memref<32x768xf32, #tpu.memory_space<vmem>>, vector<1x16xf32>,
      %get3A_136 = vector.shape_cast %get3A_135 : vector<1x16xf32> to vector<16xf32>
      %get3A_137 = arith.index_cast %scan3A_49 : i32 to index
      %get3A_138 = arith.constant 96 : index
      %get3A_139 = tpu.vector_load %arg9[%get3A_137, %get3A_138] {strides = array<i32>} : memref<32x768xf32, #tpu.memory_space<vmem>>, vector<1x16xf32>,
      %get3A_140 = vector.shape_cast %get3A_139 : vector<1x16xf32> to vector<16xf32>
      %add3A_141 = arith.addf %get3A_136, %get3A_140 : vector<16xf32>
      %swap3A_142 = arith.index_cast %scan3A_49 : i32 to index
      %swap3A_143 = arith.constant 96 : index
      %swap3A_144 = tpu.vector_load %arg10[%swap3A_142, %swap3A_143] {strides = array<i32>} : memref<32x768xf32, #tpu.memory_space<vmem>>, vector<1x16xf32>,
      %swap3A_145 = vector.shape_cast %swap3A_144 : vector<1x16xf32> to vector<16xf32>
      %swap3A_146 = vector.shape_cast %add3A_141 : vector<16xf32> to vector<1x16xf32>
      tpu.vector_store %arg10[%swap3A_142, %swap3A_143], %swap3A_146 {strides = array<i32>} : memref<32x768xf32, #tpu.memory_space<vmem>>, vector<1x16xf32>,
      %get3A_147 = arith.index_cast %scan3A_49 : i32 to index
      %get3A_148 = arith.constant 112 : index
      %get3A_149 = tpu.vector_load %arg8[%get3A_147, %get3A_148] {strides = array<i32>} : memref<32x768xf32, #tpu.memory_space<vmem>>, vector<1x16xf32>,
      %get3A_150 = vector.shape_cast %get3A_149 : vector<1x16xf32> to vector<16xf32>
      %get3A_151 = arith.index_cast %scan3A_49 : i32 to index
      %get3A_152 = arith.constant 112 : index
      %get3A_153 = tpu.vector_load %arg9[%get3A_151, %get3A_152] {strides = array<i32>} : memref<32x768xf32, #tpu.memory_space<vmem>>, vector<1x16xf32>,
      %get3A_154 = vector.shape_cast %get3A_153 : vector<1x16xf32> to vector<16xf32>
      %add3A_155 = arith.addf %get3A_150, %get3A_154 : vector<16xf32>
      %swap3A_156 = arith.index_cast %scan3A_49 : i32 to index
      %swap3A_157 = arith.constant 112 : index
      %swap3A_158 = tpu.vector_load %arg10[%swap3A_156, %swap3A_157] {strides = array<i32>} : memref<32x768xf32, #tpu.memory_space<vmem>>, vector<1x16xf32>,
      %swap3A_159 = vector.shape_cast %swap3A_158 : vector<1x16xf32> to vector<16xf32>
      %swap3A_160 = vector.shape_cast %add3A_155 : vector<16xf32> to vector<1x16xf32>
      tpu.vector_store %arg10[%swap3A_156, %swap3A_157], %swap3A_160 {strides = array<i32>} : memref<32x768xf32, #tpu.memory_space<vmem>>, vector<1x16xf32>,
      %get3A_161 = arith.index_cast %scan3A_49 : i32 to index
      %get3A_162 = arith.constant 128 : index
      %get3A_163 = tpu.vector_load %arg8[%get3A_161, %get3A_162] {strides = array<i32>} : memref<32x768xf32, #tpu.memory_space<vmem>>, vector<1x16xf32>,
      %get3A_164 = vector.shape_cast %get3A_163 : vector<1x16xf32> to vector<16xf32>
      %get3A_165 = arith.index_cast %scan3A_49 : i32 to index
      %get3A_166 = arith.constant 128 : index
      %get3A_167 = tpu.vector_load %arg9[%get3A_165, %get3A_166] {strides = array<i32>} : memref<32x768xf32, #tpu.memory_space<vmem>>, vector<1x16xf32>,
      %get3A_168 = vector.shape_cast %get3A_167 : vector<1x16xf32> to vector<16xf32>
      %add3A_169 = arith.addf %get3A_164, %get3A_168 : vector<16xf32>
      %swap3A_170 = arith.index_cast %scan3A_49 : i32 to index
      %swap3A_171 = arith.constant 128 : index
      %swap3A_172 = tpu.vector_load %arg10[%swap3A_170, %swap3A_171] {strides = array<i32>} : memref<32x768xf32, #tpu.memory_space<vmem>>, vector<1x16xf32>,
      %swap3A_173 = vector.shape_cast %swap3A_172 : vector<1x16xf32> to vector<16xf32>
      %swap3A_174 = vector.shape_cast %add3A_169 : vector<16xf32> to vector<1x16xf32>
      tpu.vector_store %arg10[%swap3A_170, %swap3A_171], %swap3A_174 {strides = array<i32>} : memref<32x768xf32, #tpu.memory_space<vmem>>, vector<1x16xf32>,
      %get3A_175 = arith.index_cast %scan3A_49 : i32 to index
      %get3A_176 = arith.constant 144 : index
      %get3A_177 = tpu.vector_load %arg8[%get3A_175, %get3A_176] {strides = array<i32>} : memref<32x768xf32, #tpu.memory_space<vmem>>, vector<1x16xf32>,
      %get3A_178 = vector.shape_cast %get3A_177 : vector<1x16xf32> to vector<16xf32>
      %get3A_179 = arith.index_cast %scan3A_49 : i32 to index
      %get3A_180 = arith.constant 144 : index
      %get3A_181 = tpu.vector_load %arg9[%get3A_179, %get3A_180] {strides = array<i32>} : memref<32x768xf32, #tpu.memory_space<vmem>>, vector<1x16xf32>,
      %get3A_182 = vector.shape_cast %get3A_181 : vector<1x16xf32> to vector<16xf32>
      %add3A_183 = arith.addf %get3A_178, %get3A_182 : vector<16xf32>
      %swap3A_184 = arith.index_cast %scan3A_49 : i32 to index
      %swap3A_185 = arith.constant 144 : index
      %swap3A_186 = tpu.vector_load %arg10[%swap3A_184, %swap3A_185] {strides = array<i32>} : memref<32x768xf32, #tpu.memory_space<vmem>>, vector<1x16xf32>,
      %swap3A_187 = vector.shape_cast %swap3A_186 : vector<1x16xf32> to vector<16xf32>
      %swap3A_188 = vector.shape_cast %add3A_183 : vector<16xf32> to vector<1x16xf32>
      tpu.vector_store %arg10[%swap3A_184, %swap3A_185], %swap3A_188 {strides = array<i32>} : memref<32x768xf32, #tpu.memory_space<vmem>>, vector<1x16xf32>,
      %get3A_189 = arith.index_cast %scan3A_49 : i32 to index
      %get3A_190 = arith.constant 160 : index
      %get3A_191 = tpu.vector_load %arg8[%get3A_189, %get3A_190] {strides = array<i32>} : memref<32x768xf32, #tpu.memory_space<vmem>>, vector<1x16xf32>,
      %get3A_192 = vector.shape_cast %get3A_191 : vector<1x16xf32> to vector<16xf32>
      %get3A_193 = arith.index_cast %scan3A_49 : i32 to index
      %get3A_194 = arith.constant 160 : index
      %get3A_195 = tpu.vector_load %arg9[%get3A_193, %get3A_194] {strides = array<i32>} : memref<32x768xf32, #tpu.memory_space<vmem>>, vector<1x16xf32>,
      %get3A_196 = vector.shape_cast %get3A_195 : vector<1x16xf32> to vector<16xf32>
      %add3A_197 = arith.addf %get3A_192, %get3A_196 : vector<16xf32>
      %swap3A_198 = arith.index_cast %scan3A_49 : i32 to index
      %swap3A_199 = arith.constant 160 : index
      %swap3A_200 = tpu.vector_load %arg10[%swap3A_198, %swap3A_199] {strides = array<i32>} : memref<32x768xf32, #tpu.memory_space<vmem>>, vector<1x16xf32>,
      %swap3A_201 = vector.shape_cast %swap3A_200 : vector<1x16xf32> to vector<16xf32>
      %swap3A_202 = vector.shape_cast %add3A_197 : vector<16xf32> to vector<1x16xf32>
      tpu.vector_store %arg10[%swap3A_198, %swap3A_199], %swap3A_202 {strides = array<i32>} : memref<32x768xf32, #tpu.memory_space<vmem>>, vector<1x16xf32>,
      %get3A_203 = arith.index_cast %scan3A_49 : i32 to index
      %get3A_204 = arith.constant 176 : index
      %get3A_205 = tpu.vector_load %arg8[%get3A_203, %get3A_204] {strides = array<i32>} : memref<32x768xf32, #tpu.memory_space<vmem>>, vector<1x16xf32>,
      %get3A_206 = vector.shape_cast %get3A_205 : vector<1x16xf32> to vector<16xf32>
      %get3A_207 = arith.index_cast %scan3A_49 : i32 to index
      %get3A_208 = arith.constant 176 : index
      %get3A_209 = tpu.vector_load %arg9[%get3A_207, %get3A_208] {strides = array<i32>} : memref<32x768xf32, #tpu.memory_space<vmem>>, vector<1x16xf32>,
      %get3A_210 = vector.shape_cast %get3A_209 : vector<1x16xf32> to vector<16xf32>
      %add3A_211 = arith.addf %get3A_206, %get3A_210 : vector<16xf32>
      %swap3A_212 = arith.index_cast %scan3A_49 : i32 to index
      %swap3A_213 = arith.constant 176 : index
      %swap3A_214 = tpu.vector_load %arg10[%swap3A_212, %swap3A_213] {strides = array<i32>} : memref<32x768xf32, #tpu.memory_space<vmem>>, vector<1x16xf32>,
      %swap3A_215 = vector.shape_cast %swap3A_214 : vector<1x16xf32> to vector<16xf32>
      %swap3A_216 = vector.shape_cast %add3A_211 : vector<16xf32> to vector<1x16xf32>
      tpu.vector_store %arg10[%swap3A_212, %swap3A_213], %swap3A_216 {strides = array<i32>} : memref<32x768xf32, #tpu.memory_space<vmem>>, vector<1x16xf32>,
      %get3A_217 = arith.index_cast %scan3A_49 : i32 to index
      %get3A_218 = arith.constant 192 : index
      %get3A_219 = tpu.vector_load %arg8[%get3A_217, %get3A_218] {strides = array<i32>} : memref<32x768xf32, #tpu.memory_space<vmem>>, vector<1x16xf32>,
      %get3A_220 = vector.shape_cast %get3A_219 : vector<1x16xf32> to vector<16xf32>
      %get3A_221 = arith.index_cast %scan3A_49 : i32 to index
      %get3A_222 = arith.constant 192 : index
      %get3A_223 = tpu.vector_load %arg9[%get3A_221, %get3A_222] {strides = array<i32>} : memref<32x768xf32, #tpu.memory_space<vmem>>, vector<1x16xf32>,
      %get3A_224 = vector.shape_cast %get3A_223 : vector<1x16xf32> to vector<16xf32>
      %add3A_225 = arith.addf %get3A_220, %get3A_224 : vector<16xf32>
      %swap3A_226 = arith.index_cast %scan3A_49 : i32 to index
      %swap3A_227 = arith.constant 192 : index
      %swap3A_228 = tpu.vector_load %arg10[%swap3A_226, %swap3A_227] {strides = array<i32>} : memref<32x768xf32, #tpu.memory_space<vmem>>, vector<1x16xf32>,
      %swap3A_229 = vector.shape_cast %swap3A_228 : vector<1x16xf32> to vector<16xf32>
      %swap3A_230 = vector.shape_cast %add3A_225 : vector<16xf32> to vector<1x16xf32>
      tpu.vector_store %arg10[%swap3A_226, %swap3A_227], %swap3A_230 {strides = array<i32>} : memref<32x768xf32, #tpu.memory_space<vmem>>, vector<1x16xf32>,
      %get3A_231 = arith.index_cast %scan3A_49 : i32 to index
      %get3A_232 = arith.constant 208 : index
      %get3A_233 = tpu.vector_load %arg8[%get3A_231, %get3A_232] {strides = array<i32>} : memref<32x768xf32, #tpu.memory_space<vmem>>, vector<1x16xf32>,
      %get3A_234 = vector.shape_cast %get3A_233 : vector<1x16xf32> to vector<16xf32>
      %get3A_235 = arith.index_cast %scan3A_49 : i32 to index
      %get3A_236 = arith.constant 208 : index
      %get3A_237 = tpu.vector_load %arg9[%get3A_235, %get3A_236] {strides = array<i32>} : memref<32x768xf32, #tpu.memory_space<vmem>>, vector<1x16xf32>,
      %get3A_238 = vector.shape_cast %get3A_237 : vector<1x16xf32> to vector<16xf32>
      %add3A_239 = arith.addf %get3A_234, %get3A_238 : vector<16xf32>
      %swap3A_240 = arith.index_cast %scan3A_49 : i32 to index
      %swap3A_241 = arith.constant 208 : index
      %swap3A_242 = tpu.vector_load %arg10[%swap3A_240, %swap3A_241] {strides = array<i32>} : memref<32x768xf32, #tpu.memory_space<vmem>>, vector<1x16xf32>,
      %swap3A_243 = vector.shape_cast %swap3A_242 : vector<1x16xf32> to vector<16xf32>
      %swap3A_244 = vector.shape_cast %add3A_239 : vector<16xf32> to vector<1x16xf32>
      tpu.vector_store %arg10[%swap3A_240, %swap3A_241], %swap3A_244 {strides = array<i32>} : memref<32x768xf32, #tpu.memory_space<vmem>>, vector<1x16xf32>,
      %get3A_245 = arith.index_cast %scan3A_49 : i32 to index
      %get3A_246 = arith.constant 224 : index
      %get3A_247 = tpu.vector_load %arg8[%get3A_245, %get3A_246] {strides = array<i32>} : memref<32x768xf32, #tpu.memory_space<vmem>>, vector<1x16xf32>,
      %get3A_248 = vector.shape_cast %get3A_247 : vector<1x16xf32> to vector<16xf32>
      %get3A_249 = arith.index_cast %scan3A_49 : i32 to index
      %get3A_250 = arith.constant 224 : index
      %get3A_251 = tpu.vector_load %arg9[%get3A_249, %get3A_250] {strides = array<i32>} : memref<32x768xf32, #tpu.memory_space<vmem>>, vector<1x16xf32>,
      %get3A_252 = vector.shape_cast %get3A_251 : vector<1x16xf32> to vector<16xf32>
      %add3A_253 = arith.addf %get3A_248, %get3A_252 : vector<16xf32>
      %swap3A_254 = arith.index_cast %scan3A_49 : i32 to index
      %swap3A_255 = arith.constant 224 : index
      %swap3A_256 = tpu.vector_load %arg10[%swap3A_254, %swap3A_255] {strides = array<i32>} : memref<32x768xf32, #tpu.memory_space<vmem>>, vector<1x16xf32>,
      %swap3A_257 = vector.shape_cast %swap3A_256 : vector<1x16xf32> to vector<16xf32>
      %swap3A_258 = vector.shape_cast %add3A_253 : vector<16xf32> to vector<1x16xf32>
      tpu.vector_store %arg10[%swap3A_254, %swap3A_255], %swap3A_258 {strides = array<i32>} : memref<32x768xf32, #tpu.memory_space<vmem>>, vector<1x16xf32>,
      %get3A_259 = arith.index_cast %scan3A_49 : i32 to index
      %get3A_260 = arith.constant 240 : index
      %get3A_261 = tpu.vector_load %arg8[%get3A_259, %get3A_260] {strides = array<i32>} : memref<32x768xf32, #tpu.memory_space<vmem>>, vector<1x16xf32>,
      %get3A_262 = vector.shape_cast %get3A_261 : vector<1x16xf32> to vector<16xf32>
      %get3A_263 = arith.index_cast %scan3A_49 : i32 to index
      %get3A_264 = arith.constant 240 : index
      %get3A_265 = tpu.vector_load %arg9[%get3A_263, %get3A_264] {strides = array<i32>} : memref<32x768xf32, #tpu.memory_space<vmem>>, vector<1x16xf32>,
      %get3A_266 = vector.shape_cast %get3A_265 : vector<1x16xf32> to vector<16xf32>
      %add3A_267 = arith.addf %get3A_262, %get3A_266 : vector<16xf32>
      %swap3A_268 = arith.index_cast %scan3A_49 : i32 to index
      %swap3A_269 = arith.constant 240 : index
      %swap3A_270 = tpu.vector_load %arg10[%swap3A_268, %swap3A_269] {strides = array<i32>} : memref<32x768xf32, #tpu.memory_space<vmem>>, vector<1x16xf32>,
      %swap3A_271 = vector.shape_cast %swap3A_270 : vector<1x16xf32> to vector<16xf32>
      %swap3A_272 = vector.shape_cast %add3A_267 : vector<16xf32> to vector<1x16xf32>
      tpu.vector_store %arg10[%swap3A_268, %swap3A_269], %swap3A_272 {strides = array<i32>} : memref<32x768xf32, #tpu.memory_space<vmem>>, vector<1x16xf32>,
      %get3A_273 = arith.index_cast %scan3A_49 : i32 to index
      %get3A_274 = arith.constant 256 : index
      %get3A_275 = tpu.vector_load %arg8[%get3A_273, %get3A_274] {strides = array<i32>} : memref<32x768xf32, #tpu.memory_space<vmem>>, vector<1x16xf32>,
      %get3A_276 = vector.shape_cast %get3A_275 : vector<1x16xf32> to vector<16xf32>
      %get3A_277 = arith.index_cast %scan3A_49 : i32 to index
      %get3A_278 = arith.constant 256 : index
      %get3A_279 = tpu.vector_load %arg9[%get3A_277, %get3A_278] {strides = array<i32>} : memref<32x768xf32, #tpu.memory_space<vmem>>, vector<1x16xf32>,
      %get3A_280 = vector.shape_cast %get3A_279 : vector<1x16xf32> to vector<16xf32>
      %add3A_281 = arith.addf %get3A_276, %get3A_280 : vector<16xf32>
      %swap3A_282 = arith.index_cast %scan3A_49 : i32 to index
      %swap3A_283 = arith.constant 256 : index
      %swap3A_284 = tpu.vector_load %arg10[%swap3A_282, %swap3A_283] {strides = array<i32>} : memref<32x768xf32, #tpu.memory_space<vmem>>, vector<1x16xf32>,
      %swap3A_285 = vector.shape_cast %swap3A_284 : vector<1x16xf32> to vector<16xf32>
      %swap3A_286 = vector.shape_cast %add3A_281 : vector<16xf32> to vector<1x16xf32>
      tpu.vector_store %arg10[%swap3A_282, %swap3A_283], %swap3A_286 {strides = array<i32>} : memref<32x768xf32, #tpu.memory_space<vmem>>, vector<1x16xf32>,
      %get3A_287 = arith.index_cast %scan3A_49 : i32 to index
      %get3A_288 = arith.constant 272 : index
      %get3A_289 = tpu.vector_load %arg8[%get3A_287, %get3A_288] {strides = array<i32>} : memref<32x768xf32, #tpu.memory_space<vmem>>, vector<1x16xf32>,
      %get3A_290 = vector.shape_cast %get3A_289 : vector<1x16xf32> to vector<16xf32>
      %get3A_291 = arith.index_cast %scan3A_49 : i32 to index
      %get3A_292 = arith.constant 272 : index
      %get3A_293 = tpu.vector_load %arg9[%get3A_291, %get3A_292] {strides = array<i32>} : memref<32x768xf32, #tpu.memory_space<vmem>>, vector<1x16xf32>,
      %get3A_294 = vector.shape_cast %get3A_293 : vector<1x16xf32> to vector<16xf32>
      %add3A_295 = arith.addf %get3A_290, %get3A_294 : vector<16xf32>
      %swap3A_296 = arith.index_cast %scan3A_49 : i32 to index
      %swap3A_297 = arith.constant 272 : index
      %swap3A_298 = tpu.vector_load %arg10[%swap3A_296, %swap3A_297] {strides = array<i32>} : memref<32x768xf32, #tpu.memory_space<vmem>>, vector<1x16xf32>,
      %swap3A_299 = vector.shape_cast %swap3A_298 : vector<1x16xf32> to vector<16xf32>
      %swap3A_300 = vector.shape_cast %add3A_295 : vector<16xf32> to vector<1x16xf32>
      tpu.vector_store %arg10[%swap3A_296, %swap3A_297], %swap3A_300 {strides = array<i32>} : memref<32x768xf32, #tpu.memory_space<vmem>>, vector<1x16xf32>,
      %get3A_301 = arith.index_cast %scan3A_49 : i32 to index
      %get3A_302 = arith.constant 288 : index
      %get3A_303 = tpu.vector_load %arg8[%get3A_301, %get3A_302] {strides = array<i32>} : memref<32x768xf32, #tpu.memory_space<vmem>>, vector<1x16xf32>,
      %get3A_304 = vector.shape_cast %get3A_303 : vector<1x16xf32> to vector<16xf32>
      %get3A_305 = arith.index_cast %scan3A_49 : i32 to index
      %get3A_306 = arith.constant 288 : index
      %get3A_307 = tpu.vector_load %arg9[%get3A_305, %get3A_306] {strides = array<i32>} : memref<32x768xf32, #tpu.memory_space<vmem>>, vector<1x16xf32>,
      %get3A_308 = vector.shape_cast %get3A_307 : vector<1x16xf32> to vector<16xf32>
      %add3A_309 = arith.addf %get3A_304, %get3A_308 : vector<16xf32>
      %swap3A_310 = arith.index_cast %scan3A_49 : i32 to index
      %swap3A_311 = arith.constant 288 : index
      %swap3A_312 = tpu.vector_load %arg10[%swap3A_310, %swap3A_311] {strides = array<i32>} : memref<32x768xf32, #tpu.memory_space<vmem>>, vector<1x16xf32>,
      %swap3A_313 = vector.shape_cast %swap3A_312 : vector<1x16xf32> to vector<16xf32>
      %swap3A_314 = vector.shape_cast %add3A_309 : vector<16xf32> to vector<1x16xf32>
      tpu.vector_store %arg10[%swap3A_310, %swap3A_311], %swap3A_314 {strides = array<i32>} : memref<32x768xf32, #tpu.memory_space<vmem>>, vector<1x16xf32>,
      %get3A_315 = arith.index_cast %scan3A_49 : i32 to index
      %get3A_316 = arith.constant 304 : index
      %get3A_317 = tpu.vector_load %arg8[%get3A_315, %get3A_316] {strides = array<i32>} : memref<32x768xf32, #tpu.memory_space<vmem>>, vector<1x16xf32>,
      %get3A_318 = vector.shape_cast %get3A_317 : vector<1x16xf32> to vector<16xf32>
      %get3A_319 = arith.index_cast %scan3A_49 : i32 to index
      %get3A_320 = arith.constant 304 : index
      %get3A_321 = tpu.vector_load %arg9[%get3A_319, %get3A_320] {strides = array<i32>} : memref<32x768xf32, #tpu.memory_space<vmem>>, vector<1x16xf32>,
      %get3A_322 = vector.shape_cast %get3A_321 : vector<1x16xf32> to vector<16xf32>
      %add3A_323 = arith.addf %get3A_318, %get3A_322 : vector<16xf32>
      %swap3A_324 = arith.index_cast %scan3A_49 : i32 to index
      %swap3A_325 = arith.constant 304 : index
      %swap3A_326 = tpu.vector_load %arg10[%swap3A_324, %swap3A_325] {strides = array<i32>} : memref<32x768xf32, #tpu.memory_space<vmem>>, vector<1x16xf32>,
      %swap3A_327 = vector.shape_cast %swap3A_326 : vector<1x16xf32> to vector<16xf32>
      %swap3A_328 = vector.shape_cast %add3A_323 : vector<16xf32> to vector<1x16xf32>
      tpu.vector_store %arg10[%swap3A_324, %swap3A_325], %swap3A_328 {strides = array<i32>} : memref<32x768xf32, #tpu.memory_space<vmem>>, vector<1x16xf32>,
      %get3A_329 = arith.index_cast %scan3A_49 : i32 to index
      %get3A_330 = arith.constant 320 : index
      %get3A_331 = tpu.vector_load %arg8[%get3A_329, %get3A_330] {strides = array<i32>} : memref<32x768xf32, #tpu.memory_space<vmem>>, vector<1x16xf32>,
      %get3A_332 = vector.shape_cast %get3A_331 : vector<1x16xf32> to vector<16xf32>
      %get3A_333 = arith.index_cast %scan3A_49 : i32 to index
      %get3A_334 = arith.constant 320 : index
      %get3A_335 = tpu.vector_load %arg9[%get3A_333, %get3A_334] {strides = array<i32>} : memref<32x768xf32, #tpu.memory_space<vmem>>, vector<1x16xf32>,
      %get3A_336 = vector.shape_cast %get3A_335 : vector<1x16xf32> to vector<16xf32>
      %add3A_337 = arith.addf %get3A_332, %get3A_336 : vector<16xf32>
      %swap3A_338 = arith.index_cast %scan3A_49 : i32 to index
      %swap3A_339 = arith.constant 320 : index
      %swap3A_340 = tpu.vector_load %arg10[%swap3A_338, %swap3A_339] {strides = array<i32>} : memref<32x768xf32, #tpu.memory_space<vmem>>, vector<1x16xf32>,
      %swap3A_341 = vector.shape_cast %swap3A_340 : vector<1x16xf32> to vector<16xf32>
      %swap3A_342 = vector.shape_cast %add3A_337 : vector<16xf32> to vector<1x16xf32>
      tpu.vector_store %arg10[%swap3A_338, %swap3A_339], %swap3A_342 {strides = array<i32>} : memref<32x768xf32, #tpu.memory_space<vmem>>, vector<1x16xf32>,
      %get3A_343 = arith.index_cast %scan3A_49 : i32 to index
      %get3A_344 = arith.constant 336 : index
      %get3A_345 = tpu.vector_load %arg8[%get3A_343, %get3A_344] {strides = array<i32>} : memref<32x768xf32, #tpu.memory_space<vmem>>, vector<1x16xf32>,
      %get3A_346 = vector.shape_cast %get3A_345 : vector<1x16xf32> to vector<16xf32>
      %get3A_347 = arith.index_cast %scan3A_49 : i32 to index
      %get3A_348 = arith.constant 336 : index
      %get3A_349 = tpu.vector_load %arg9[%get3A_347, %get3A_348] {strides = array<i32>} : memref<32x768xf32, #tpu.memory_space<vmem>>, vector<1x16xf32>,
      %get3A_350 = vector.shape_cast %get3A_349 : vector<1x16xf32> to vector<16xf32>
      %add3A_351 = arith.addf %get3A_346, %get3A_350 : vector<16xf32>
      %swap3A_352 = arith.index_cast %scan3A_49 : i32 to index
      %swap3A_353 = arith.constant 336 : index
      %swap3A_354 = tpu.vector_load %arg10[%swap3A_352, %swap3A_353] {strides = array<i32>} : memref<32x768xf32, #tpu.memory_space<vmem>>, vector<1x16xf32>,
      %swap3A_355 = vector.shape_cast %swap3A_354 : vector<1x16xf32> to vector<16xf32>
      %swap3A_356 = vector.shape_cast %add3A_351 : vector<16xf32> to vector<1x16xf32>
      tpu.vector_store %arg10[%swap3A_352, %swap3A_353], %swap3A_356 {strides = array<i32>} : memref<32x768xf32, #tpu.memory_space<vmem>>, vector<1x16xf32>,
      %get3A_357 = arith.index_cast %scan3A_49 : i32 to index
      %get3A_358 = arith.constant 352 : index
      %get3A_359 = tpu.vector_load %arg8[%get3A_357, %get3A_358] {strides = array<i32>} : memref<32x768xf32, #tpu.memory_space<vmem>>, vector<1x16xf32>,
      %get3A_360 = vector.shape_cast %get3A_359 : vector<1x16xf32> to vector<16xf32>
      %get3A_361 = arith.index_cast %scan3A_49 : i32 to index
      %get3A_362 = arith.constant 352 : index
      %get3A_363 = tpu.vector_load %arg9[%get3A_361, %get3A_362] {strides = array<i32>} : memref<32x768xf32, #tpu.memory_space<vmem>>, vector<1x16xf32>,
      %get3A_364 = vector.shape_cast %get3A_363 : vector<1x16xf32> to vector<16xf32>
      %add3A_365 = arith.addf %get3A_360, %get3A_364 : vector<16xf32>
      %swap3A_366 = arith.index_cast %scan3A_49 : i32 to index
      %swap3A_367 = arith.constant 352 : index
      %swap3A_368 = tpu.vector_load %arg10[%swap3A_366, %swap3A_367] {strides = array<i32>} : memref<32x768xf32, #tpu.memory_space<vmem>>, vector<1x16xf32>,
      %swap3A_369 = vector.shape_cast %swap3A_368 : vector<1x16xf32> to vector<16xf32>
      %swap3A_370 = vector.shape_cast %add3A_365 : vector<16xf32> to vector<1x16xf32>
      tpu.vector_store %arg10[%swap3A_366, %swap3A_367], %swap3A_370 {strides = array<i32>} : memref<32x768xf32, #tpu.memory_space<vmem>>, vector<1x16xf32>,
      %get3A_371 = arith.index_cast %scan3A_49 : i32 to index
      %get3A_372 = arith.constant 368 : index
      %get3A_373 = tpu.vector_load %arg8[%get3A_371, %get3A_372] {strides = array<i32>} : memref<32x768xf32, #tpu.memory_space<vmem>>, vector<1x16xf32>,
      %get3A_374 = vector.shape_cast %get3A_373 : vector<1x16xf32> to vector<16xf32>
      %get3A_375 = arith.index_cast %scan3A_49 : i32 to index
      %get3A_376 = arith.constant 368 : index
      %get3A_377 = tpu.vector_load %arg9[%get3A_375, %get3A_376] {strides = array<i32>} : memref<32x768xf32, #tpu.memory_space<vmem>>, vector<1x16xf32>,
      %get3A_378 = vector.shape_cast %get3A_377 : vector<1x16xf32> to vector<16xf32>
      %add3A_379 = arith.addf %get3A_374, %get3A_378 : vector<16xf32>
      %swap3A_380 = arith.index_cast %scan3A_49 : i32 to index
      %swap3A_381 = arith.constant 368 : index
      %swap3A_382 = tpu.vector_load %arg10[%swap3A_380, %swap3A_381] {strides = array<i32>} : memref<32x768xf32, #tpu.memory_space<vmem>>, vector<1x16xf32>,
      %swap3A_383 = vector.shape_cast %swap3A_382 : vector<1x16xf32> to vector<16xf32>
      %swap3A_384 = vector.shape_cast %add3A_379 : vector<16xf32> to vector<1x16xf32>
      tpu.vector_store %arg10[%swap3A_380, %swap3A_381], %swap3A_384 {strides = array<i32>} : memref<32x768xf32, #tpu.memory_space<vmem>>, vector<1x16xf32>,
      %get3A_385 = arith.index_cast %scan3A_49 : i32 to index
      %get3A_386 = arith.constant 384 : index
      %get3A_387 = tpu.vector_load %arg8[%get3A_385, %get3A_386] {strides = array<i32>} : memref<32x768xf32, #tpu.memory_space<vmem>>, vector<1x16xf32>,
      %get3A_388 = vector.shape_cast %get3A_387 : vector<1x16xf32> to vector<16xf32>
      %get3A_389 = arith.index_cast %scan3A_49 : i32 to index
      %get3A_390 = arith.constant 384 : index
      %get3A_391 = tpu.vector_load %arg9[%get3A_389, %get3A_390] {strides = array<i32>} : memref<32x768xf32, #tpu.memory_space<vmem>>, vector<1x16xf32>,
      %get3A_392 = vector.shape_cast %get3A_391 : vector<1x16xf32> to vector<16xf32>
      %add3A_393 = arith.addf %get3A_388, %get3A_392 : vector<16xf32>
      %swap3A_394 = arith.index_cast %scan3A_49 : i32 to index
      %swap3A_395 = arith.constant 384 : index
      %swap3A_396 = tpu.vector_load %arg10[%swap3A_394, %swap3A_395] {strides = array<i32>} : memref<32x768xf32, #tpu.memory_space<vmem>>, vector<1x16xf32>,
      %swap3A_397 = vector.shape_cast %swap3A_396 : vector<1x16xf32> to vector<16xf32>
      %swap3A_398 = vector.shape_cast %add3A_393 : vector<16xf32> to vector<1x16xf32>
      tpu.vector_store %arg10[%swap3A_394, %swap3A_395], %swap3A_398 {strides = array<i32>} : memref<32x768xf32, #tpu.memory_space<vmem>>, vector<1x16xf32>,
      %get3A_399 = arith.index_cast %scan3A_49 : i32 to index
      %get3A_400 = arith.constant 400 : index
      %get3A_401 = tpu.vector_load %arg8[%get3A_399, %get3A_400] {strides = array<i32>} : memref<32x768xf32, #tpu.memory_space<vmem>>, vector<1x16xf32>,
      %get3A_402 = vector.shape_cast %get3A_401 : vector<1x16xf32> to vector<16xf32>
      %get3A_403 = arith.index_cast %scan3A_49 : i32 to index
      %get3A_404 = arith.constant 400 : index
      %get3A_405 = tpu.vector_load %arg9[%get3A_403, %get3A_404] {strides = array<i32>} : memref<32x768xf32, #tpu.memory_space<vmem>>, vector<1x16xf32>,
      %get3A_406 = vector.shape_cast %get3A_405 : vector<1x16xf32> to vector<16xf32>
      %add3A_407 = arith.addf %get3A_402, %get3A_406 : vector<16xf32>
      %swap3A_408 = arith.index_cast %scan3A_49 : i32 to index
      %swap3A_409 = arith.constant 400 : index
      %swap3A_410 = tpu.vector_load %arg10[%swap3A_408, %swap3A_409] {strides = array<i32>} : memref<32x768xf32, #tpu.memory_space<vmem>>, vector<1x16xf32>,
      %swap3A_411 = vector.shape_cast %swap3A_410 : vector<1x16xf32> to vector<16xf32>
      %swap3A_412 = vector.shape_cast %add3A_407 : vector<16xf32> to vector<1x16xf32>
      tpu.vector_store %arg10[%swap3A_408, %swap3A_409], %swap3A_412 {strides = array<i32>} : memref<32x768xf32, #tpu.memory_space<vmem>>, vector<1x16xf32>,
      %get3A_413 = arith.index_cast %scan3A_49 : i32 to index
      %get3A_414 = arith.constant 416 : index
      %get3A_415 = tpu.vector_load %arg8[%get3A_413, %get3A_414] {strides = array<i32>} : memref<32x768xf32, #tpu.memory_space<vmem>>, vector<1x16xf32>,
      %get3A_416 = vector.shape_cast %get3A_415 : vector<1x16xf32> to vector<16xf32>
      %get3A_417 = arith.index_cast %scan3A_49 : i32 to index
      %get3A_418 = arith.constant 416 : index
      %get3A_419 = tpu.vector_load %arg9[%get3A_417, %get3A_418] {strides = array<i32>} : memref<32x768xf32, #tpu.memory_space<vmem>>, vector<1x16xf32>,
      %get3A_420 = vector.shape_cast %get3A_419 : vector<1x16xf32> to vector<16xf32>
      %add3A_421 = arith.addf %get3A_416, %get3A_420 : vector<16xf32>
      %swap3A_422 = arith.index_cast %scan3A_49 : i32 to index
      %swap3A_423 = arith.constant 416 : index
      %swap3A_424 = tpu.vector_load %arg10[%swap3A_422, %swap3A_423] {strides = array<i32>} : memref<32x768xf32, #tpu.memory_space<vmem>>, vector<1x16xf32>,
      %swap3A_425 = vector.shape_cast %swap3A_424 : vector<1x16xf32> to vector<16xf32>
      %swap3A_426 = vector.shape_cast %add3A_421 : vector<16xf32> to vector<1x16xf32>
      tpu.vector_store %arg10[%swap3A_422, %swap3A_423], %swap3A_426 {strides = array<i32>} : memref<32x768xf32, #tpu.memory_space<vmem>>, vector<1x16xf32>,
      %get3A_427 = arith.index_cast %scan3A_49 : i32 to index
      %get3A_428 = arith.constant 432 : index
      %get3A_429 = tpu.vector_load %arg8[%get3A_427, %get3A_428] {strides = array<i32>} : memref<32x768xf32, #tpu.memory_space<vmem>>, vector<1x16xf32>,
      %get3A_430 = vector.shape_cast %get3A_429 : vector<1x16xf32> to vector<16xf32>
      %get3A_431 = arith.index_cast %scan3A_49 : i32 to index
      %get3A_432 = arith.constant 432 : index
      %get3A_433 = tpu.vector_load %arg9[%get3A_431, %get3A_432] {strides = array<i32>} : memref<32x768xf32, #tpu.memory_space<vmem>>, vector<1x16xf32>,
      %get3A_434 = vector.shape_cast %get3A_433 : vector<1x16xf32> to vector<16xf32>
      %add3A_435 = arith.addf %get3A_430, %get3A_434 : vector<16xf32>
      %swap3A_436 = arith.index_cast %scan3A_49 : i32 to index
      %swap3A_437 = arith.constant 432 : index
      %swap3A_438 = tpu.vector_load %arg10[%swap3A_436, %swap3A_437] {strides = array<i32>} : memref<32x768xf32, #tpu.memory_space<vmem>>, vector<1x16xf32>,
      %swap3A_439 = vector.shape_cast %swap3A_438 : vector<1x16xf32> to vector<16xf32>
      %swap3A_440 = vector.shape_cast %add3A_435 : vector<16xf32> to vector<1x16xf32>
      tpu.vector_store %arg10[%swap3A_436, %swap3A_437], %swap3A_440 {strides = array<i32>} : memref<32x768xf32, #tpu.memory_space<vmem>>, vector<1x16xf32>,
      %get3A_441 = arith.index_cast %scan3A_49 : i32 to index
      %get3A_442 = arith.constant 448 : index
      %get3A_443 = tpu.vector_load %arg8[%get3A_441, %get3A_442] {strides = array<i32>} : memref<32x768xf32, #tpu.memory_space<vmem>>, vector<1x16xf32>,
      %get3A_444 = vector.shape_cast %get3A_443 : vector<1x16xf32> to vector<16xf32>
      %get3A_445 = arith.index_cast %scan3A_49 : i32 to index
      %get3A_446 = arith.constant 448 : index
      %get3A_447 = tpu.vector_load %arg9[%get3A_445, %get3A_446] {strides = array<i32>} : memref<32x768xf32, #tpu.memory_space<vmem>>, vector<1x16xf32>,
      %get3A_448 = vector.shape_cast %get3A_447 : vector<1x16xf32> to vector<16xf32>
      %add3A_449 = arith.addf %get3A_444, %get3A_448 : vector<16xf32>
      %swap3A_450 = arith.index_cast %scan3A_49 : i32 to index
      %swap3A_451 = arith.constant 448 : index
      %swap3A_452 = tpu.vector_load %arg10[%swap3A_450, %swap3A_451] {strides = array<i32>} : memref<32x768xf32, #tpu.memory_space<vmem>>, vector<1x16xf32>,
      %swap3A_453 = vector.shape_cast %swap3A_452 : vector<1x16xf32> to vector<16xf32>
      %swap3A_454 = vector.shape_cast %add3A_449 : vector<16xf32> to vector<1x16xf32>
      tpu.vector_store %arg10[%swap3A_450, %swap3A_451], %swap3A_454 {strides = array<i32>} : memref<32x768xf32, #tpu.memory_space<vmem>>, vector<1x16xf32>,
      %get3A_455 = arith.index_cast %scan3A_49 : i32 to index
      %get3A_456 = arith.constant 464 : index
      %get3A_457 = tpu.vector_load %arg8[%get3A_455, %get3A_456] {strides = array<i32>} : memref<32x768xf32, #tpu.memory_space<vmem>>, vector<1x16xf32>,
      %get3A_458 = vector.shape_cast %get3A_457 : vector<1x16xf32> to vector<16xf32>
      %get3A_459 = arith.index_cast %scan3A_49 : i32 to index
      %get3A_460 = arith.constant 464 : index
      %get3A_461 = tpu.vector_load %arg9[%get3A_459, %get3A_460] {strides = array<i32>} : memref<32x768xf32, #tpu.memory_space<vmem>>, vector<1x16xf32>,
      %get3A_462 = vector.shape_cast %get3A_461 : vector<1x16xf32> to vector<16xf32>
      %add3A_463 = arith.addf %get3A_458, %get3A_462 : vector<16xf32>
      %swap3A_464 = arith.index_cast %scan3A_49 : i32 to index
      %swap3A_465 = arith.constant 464 : index
      %swap3A_466 = tpu.vector_load %arg10[%swap3A_464, %swap3A_465] {strides = array<i32>} : memref<32x768xf32, #tpu.memory_space<vmem>>, vector<1x16xf32>,
      %swap3A_467 = vector.shape_cast %swap3A_466 : vector<1x16xf32> to vector<16xf32>
      %swap3A_468 = vector.shape_cast %add3A_463 : vector<16xf32> to vector<1x16xf32>
      tpu.vector_store %arg10[%swap3A_464, %swap3A_465], %swap3A_468 {strides = array<i32>} : memref<32x768xf32, #tpu.memory_space<vmem>>, vector<1x16xf32>,
      %get3A_469 = arith.index_cast %scan3A_49 : i32 to index
      %get3A_470 = arith.constant 480 : index
      %get3A_471 = tpu.vector_load %arg8[%get3A_469, %get3A_470] {strides = array<i32>} : memref<32x768xf32, #tpu.memory_space<vmem>>, vector<1x16xf32>,
      %get3A_472 = vector.shape_cast %get3A_471 : vector<1x16xf32> to vector<16xf32>
      %get3A_473 = arith.index_cast %scan3A_49 : i32 to index
      %get3A_474 = arith.constant 480 : index
      %get3A_475 = tpu.vector_load %arg9[%get3A_473, %get3A_474] {strides = array<i32>} : memref<32x768xf32, #tpu.memory_space<vmem>>, vector<1x16xf32>,
      %get3A_476 = vector.shape_cast %get3A_475 : vector<1x16xf32> to vector<16xf32>
      %add3A_477 = arith.addf %get3A_472, %get3A_476 : vector<16xf32>
      %swap3A_478 = arith.index_cast %scan3A_49 : i32 to index
      %swap3A_479 = arith.constant 480 : index
      %swap3A_480 = tpu.vector_load %arg10[%swap3A_478, %swap3A_479] {strides = array<i32>} : memref<32x768xf32, #tpu.memory_space<vmem>>, vector<1x16xf32>,
      %swap3A_481 = vector.shape_cast %swap3A_480 : vector<1x16xf32> to vector<16xf32>
      %swap3A_482 = vector.shape_cast %add3A_477 : vector<16xf32> to vector<1x16xf32>
      tpu.vector_store %arg10[%swap3A_478, %swap3A_479], %swap3A_482 {strides = array<i32>} : memref<32x768xf32, #tpu.memory_space<vmem>>, vector<1x16xf32>,
      %get3A_483 = arith.index_cast %scan3A_49 : i32 to index
      %get3A_484 = arith.constant 496 : index
      %get3A_485 = tpu.vector_load %arg8[%get3A_483, %get3A_484] {strides = array<i32>} : memref<32x768xf32, #tpu.memory_space<vmem>>, vector<1x16xf32>,
      %get3A_486 = vector.shape_cast %get3A_485 : vector<1x16xf32> to vector<16xf32>
      %get3A_487 = arith.index_cast %scan3A_49 : i32 to index
      %get3A_488 = arith.constant 496 : index
      %get3A_489 = tpu.vector_load %arg9[%get3A_487, %get3A_488] {strides = array<i32>} : memref<32x768xf32, #tpu.memory_space<vmem>>, vector<1x16xf32>,
      %get3A_490 = vector.shape_cast %get3A_489 : vector<1x16xf32> to vector<16xf32>
      %add3A_491 = arith.addf %get3A_486, %get3A_490 : vector<16xf32>
      %swap3A_492 = arith.index_cast %scan3A_49 : i32 to index
      %swap3A_493 = arith.constant 496 : index
      %swap3A_494 = tpu.vector_load %arg10[%swap3A_492, %swap3A_493] {strides = array<i32>} : memref<32x768xf32, #tpu.memory_space<vmem>>, vector<1x16xf32>,
      %swap3A_495 = vector.shape_cast %swap3A_494 : vector<1x16xf32> to vector<16xf32>
      %swap3A_496 = vector.shape_cast %add3A_491 : vector<16xf32> to vector<1x16xf32>
      tpu.vector_store %arg10[%swap3A_492, %swap3A_493], %swap3A_496 {strides = array<i32>} : memref<32x768xf32, #tpu.memory_space<vmem>>, vector<1x16xf32>,
      %get3A_497 = arith.index_cast %scan3A_49 : i32 to index
      %get3A_498 = arith.constant 512 : index
      %get3A_499 = tpu.vector_load %arg8[%get3A_497, %get3A_498] {strides = array<i32>} : memref<32x768xf32, #tpu.memory_space<vmem>>, vector<1x16xf32>,
      %get3A_500 = vector.shape_cast %get3A_499 : vector<1x16xf32> to vector<16xf32>
      %get3A_501 = arith.index_cast %scan3A_49 : i32 to index
      %get3A_502 = arith.constant 512 : index
      %get3A_503 = tpu.vector_load %arg9[%get3A_501, %get3A_502] {strides = array<i32>} : memref<32x768xf32, #tpu.memory_space<vmem>>, vector<1x16xf32>,
      %get3A_504 = vector.shape_cast %get3A_503 : vector<1x16xf32> to vector<16xf32>
      %add3A_505 = arith.addf %get3A_500, %get3A_504 : vector<16xf32>
      %swap3A_506 = arith.index_cast %scan3A_49 : i32 to index
      %swap3A_507 = arith.constant 512 : index
      %swap3A_508 = tpu.vector_load %arg10[%swap3A_506, %swap3A_507] {strides = array<i32>} : memref<32x768xf32, #tpu.memory_space<vmem>>, vector<1x16xf32>,
      %swap3A_509 = vector.shape_cast %swap3A_508 : vector<1x16xf32> to vector<16xf32>
      %swap3A_510 = vector.shape_cast %add3A_505 : vector<16xf32> to vector<1x16xf32>
      tpu.vector_store %arg10[%swap3A_506, %swap3A_507], %swap3A_510 {strides = array<i32>} : memref<32x768xf32, #tpu.memory_space<vmem>>, vector<1x16xf32>,
      %get3A_511 = arith.index_cast %scan3A_49 : i32 to index
      %get3A_512 = arith.constant 528 : index
      %get3A_513 = tpu.vector_load %arg8[%get3A_511, %get3A_512] {strides = array<i32>} : memref<32x768xf32, #tpu.memory_space<vmem>>, vector<1x16xf32>,
      %get3A_514 = vector.shape_cast %get3A_513 : vector<1x16xf32> to vector<16xf32>
      %get3A_515 = arith.index_cast %scan3A_49 : i32 to index
      %get3A_516 = arith.constant 528 : index
      %get3A_517 = tpu.vector_load %arg9[%get3A_515, %get3A_516] {strides = array<i32>} : memref<32x768xf32, #tpu.memory_space<vmem>>, vector<1x16xf32>,
      %get3A_518 = vector.shape_cast %get3A_517 : vector<1x16xf32> to vector<16xf32>
      %add3A_519 = arith.addf %get3A_514, %get3A_518 : vector<16xf32>
      %swap3A_520 = arith.index_cast %scan3A_49 : i32 to index
      %swap3A_521 = arith.constant 528 : index
      %swap3A_522 = tpu.vector_load %arg10[%swap3A_520, %swap3A_521] {strides = array<i32>} : memref<32x768xf32, #tpu.memory_space<vmem>>, vector<1x16xf32>,
      %swap3A_523 = vector.shape_cast %swap3A_522 : vector<1x16xf32> to vector<16xf32>
      %swap3A_524 = vector.shape_cast %add3A_519 : vector<16xf32> to vector<1x16xf32>
      tpu.vector_store %arg10[%swap3A_520, %swap3A_521], %swap3A_524 {strides = array<i32>} : memref<32x768xf32, #tpu.memory_space<vmem>>, vector<1x16xf32>,
      %get3A_525 = arith.index_cast %scan3A_49 : i32 to index
      %get3A_526 = arith.constant 544 : index
      %get3A_527 = tpu.vector_load %arg8[%get3A_525, %get3A_526] {strides = array<i32>} : memref<32x768xf32, #tpu.memory_space<vmem>>, vector<1x16xf32>,
      %get3A_528 = vector.shape_cast %get3A_527 : vector<1x16xf32> to vector<16xf32>
      %get3A_529 = arith.index_cast %scan3A_49 : i32 to index
      %get3A_530 = arith.constant 544 : index
      %get3A_531 = tpu.vector_load %arg9[%get3A_529, %get3A_530] {strides = array<i32>} : memref<32x768xf32, #tpu.memory_space<vmem>>, vector<1x16xf32>,
      %get3A_532 = vector.shape_cast %get3A_531 : vector<1x16xf32> to vector<16xf32>
      %add3A_533 = arith.addf %get3A_528, %get3A_532 : vector<16xf32>
      %swap3A_534 = arith.index_cast %scan3A_49 : i32 to index
      %swap3A_535 = arith.constant 544 : index
      %swap3A_536 = tpu.vector_load %arg10[%swap3A_534, %swap3A_535] {strides = array<i32>} : memref<32x768xf32, #tpu.memory_space<vmem>>, vector<1x16xf32>,
      %swap3A_537 = vector.shape_cast %swap3A_536 : vector<1x16xf32> to vector<16xf32>
      %swap3A_538 = vector.shape_cast %add3A_533 : vector<16xf32> to vector<1x16xf32>
      tpu.vector_store %arg10[%swap3A_534, %swap3A_535], %swap3A_538 {strides = array<i32>} : memref<32x768xf32, #tpu.memory_space<vmem>>, vector<1x16xf32>,
      %get3A_539 = arith.index_cast %scan3A_49 : i32 to index
      %get3A_540 = arith.constant 560 : index
      %get3A_541 = tpu.vector_load %arg8[%get3A_539, %get3A_540] {strides = array<i32>} : memref<32x768xf32, #tpu.memory_space<vmem>>, vector<1x16xf32>,
      %get3A_542 = vector.shape_cast %get3A_541 : vector<1x16xf32> to vector<16xf32>
      %get3A_543 = arith.index_cast %scan3A_49 : i32 to index
      %get3A_544 = arith.constant 560 : index
      %get3A_545 = tpu.vector_load %arg9[%get3A_543, %get3A_544] {strides = array<i32>} : memref<32x768xf32, #tpu.memory_space<vmem>>, vector<1x16xf32>,
      %get3A_546 = vector.shape_cast %get3A_545 : vector<1x16xf32> to vector<16xf32>
      %add3A_547 = arith.addf %get3A_542, %get3A_546 : vector<16xf32>
      %swap3A_548 = arith.index_cast %scan3A_49 : i32 to index
      %swap3A_549 = arith.constant 560 : index
      %swap3A_550 = tpu.vector_load %arg10[%swap3A_548, %swap3A_549] {strides = array<i32>} : memref<32x768xf32, #tpu.memory_space<vmem>>, vector<1x16xf32>,
      %swap3A_551 = vector.shape_cast %swap3A_550 : vector<1x16xf32> to vector<16xf32>
      %swap3A_552 = vector.shape_cast %add3A_547 : vector<16xf32> to vector<1x16xf32>
      tpu.vector_store %arg10[%swap3A_548, %swap3A_549], %swap3A_552 {strides = array<i32>} : memref<32x768xf32, #tpu.memory_space<vmem>>, vector<1x16xf32>,
      %get3A_553 = arith.index_cast %scan3A_49 : i32 to index
      %get3A_554 = arith.constant 576 : index
      %get3A_555 = tpu.vector_load %arg8[%get3A_553, %get3A_554] {strides = array<i32>} : memref<32x768xf32, #tpu.memory_space<vmem>>, vector<1x16xf32>,
      %get3A_556 = vector.shape_cast %get3A_555 : vector<1x16xf32> to vector<16xf32>
      %get3A_557 = arith.index_cast %scan3A_49 : i32 to index
      %get3A_558 = arith.constant 576 : index
      %get3A_559 = tpu.vector_load %arg9[%get3A_557, %get3A_558] {strides = array<i32>} : memref<32x768xf32, #tpu.memory_space<vmem>>, vector<1x16xf32>,
      %get3A_560 = vector.shape_cast %get3A_559 : vector<1x16xf32> to vector<16xf32>
      %add3A_561 = arith.addf %get3A_556, %get3A_560 : vector<16xf32>
      %swap3A_562 = arith.index_cast %scan3A_49 : i32 to index
      %swap3A_563 = arith.constant 576 : index
      %swap3A_564 = tpu.vector_load %arg10[%swap3A_562, %swap3A_563] {strides = array<i32>} : memref<32x768xf32, #tpu.memory_space<vmem>>, vector<1x16xf32>,
      %swap3A_565 = vector.shape_cast %swap3A_564 : vector<1x16xf32> to vector<16xf32>
      %swap3A_566 = vector.shape_cast %add3A_561 : vector<16xf32> to vector<1x16xf32>
      tpu.vector_store %arg10[%swap3A_562, %swap3A_563], %swap3A_566 {strides = array<i32>} : memref<32x768xf32, #tpu.memory_space<vmem>>, vector<1x16xf32>,
      %get3A_567 = arith.index_cast %scan3A_49 : i32 to index
      %get3A_568 = arith.constant 592 : index
      %get3A_569 = tpu.vector_load %arg8[%get3A_567, %get3A_568] {strides = array<i32>} : memref<32x768xf32, #tpu.memory_space<vmem>>, vector<1x16xf32>,
      %get3A_570 = vector.shape_cast %get3A_569 : vector<1x16xf32> to vector<16xf32>
      %get3A_571 = arith.index_cast %scan3A_49 : i32 to index
      %get3A_572 = arith.constant 592 : index
      %get3A_573 = tpu.vector_load %arg9[%get3A_571, %get3A_572] {strides = array<i32>} : memref<32x768xf32, #tpu.memory_space<vmem>>, vector<1x16xf32>,
      %get3A_574 = vector.shape_cast %get3A_573 : vector<1x16xf32> to vector<16xf32>
      %add3A_575 = arith.addf %get3A_570, %get3A_574 : vector<16xf32>
      %swap3A_576 = arith.index_cast %scan3A_49 : i32 to index
      %swap3A_577 = arith.constant 592 : index
      %swap3A_578 = tpu.vector_load %arg10[%swap3A_576, %swap3A_577] {strides = array<i32>} : memref<32x768xf32, #tpu.memory_space<vmem>>, vector<1x16xf32>,
      %swap3A_579 = vector.shape_cast %swap3A_578 : vector<1x16xf32> to vector<16xf32>
      %swap3A_580 = vector.shape_cast %add3A_575 : vector<16xf32> to vector<1x16xf32>
      tpu.vector_store %arg10[%swap3A_576, %swap3A_577], %swap3A_580 {strides = array<i32>} : memref<32x768xf32, #tpu.memory_space<vmem>>, vector<1x16xf32>,
      %get3A_581 = arith.index_cast %scan3A_49 : i32 to index
      %get3A_582 = arith.constant 608 : index
      %get3A_583 = tpu.vector_load %arg8[%get3A_581, %get3A_582] {strides = array<i32>} : memref<32x768xf32, #tpu.memory_space<vmem>>, vector<1x16xf32>,
      %get3A_584 = vector.shape_cast %get3A_583 : vector<1x16xf32> to vector<16xf32>
      %get3A_585 = arith.index_cast %scan3A_49 : i32 to index
      %get3A_586 = arith.constant 608 : index
      %get3A_587 = tpu.vector_load %arg9[%get3A_585, %get3A_586] {strides = array<i32>} : memref<32x768xf32, #tpu.memory_space<vmem>>, vector<1x16xf32>,
      %get3A_588 = vector.shape_cast %get3A_587 : vector<1x16xf32> to vector<16xf32>
      %add3A_589 = arith.addf %get3A_584, %get3A_588 : vector<16xf32>
      %swap3A_590 = arith.index_cast %scan3A_49 : i32 to index
      %swap3A_591 = arith.constant 608 : index
      %swap3A_592 = tpu.vector_load %arg10[%swap3A_590, %swap3A_591] {strides = array<i32>} : memref<32x768xf32, #tpu.memory_space<vmem>>, vector<1x16xf32>,
      %swap3A_593 = vector.shape_cast %swap3A_592 : vector<1x16xf32> to vector<16xf32>
      %swap3A_594 = vector.shape_cast %add3A_589 : vector<16xf32> to vector<1x16xf32>
      tpu.vector_store %arg10[%swap3A_590, %swap3A_591], %swap3A_594 {strides = array<i32>} : memref<32x768xf32, #tpu.memory_space<vmem>>, vector<1x16xf32>,
      %get3A_595 = arith.index_cast %scan3A_49 : i32 to index
      %get3A_596 = arith.constant 624 : index
      %get3A_597 = tpu.vector_load %arg8[%get3A_595, %get3A_596] {strides = array<i32>} : memref<32x768xf32, #tpu.memory_space<vmem>>, vector<1x16xf32>,
      %get3A_598 = vector.shape_cast %get3A_597 : vector<1x16xf32> to vector<16xf32>
      %get3A_599 = arith.index_cast %scan3A_49 : i32 to index
      %get3A_600 = arith.constant 624 : index
      %get3A_601 = tpu.vector_load %arg9[%get3A_599, %get3A_600] {strides = array<i32>} : memref<32x768xf32, #tpu.memory_space<vmem>>, vector<1x16xf32>,
      %get3A_602 = vector.shape_cast %get3A_601 : vector<1x16xf32> to vector<16xf32>
      %add3A_603 = arith.addf %get3A_598, %get3A_602 : vector<16xf32>
      %swap3A_604 = arith.index_cast %scan3A_49 : i32 to index
      %swap3A_605 = arith.constant 624 : index
      %swap3A_606 = tpu.vector_load %arg10[%swap3A_604, %swap3A_605] {strides = array<i32>} : memref<32x768xf32, #tpu.memory_space<vmem>>, vector<1x16xf32>,
      %swap3A_607 = vector.shape_cast %swap3A_606 : vector<1x16xf32> to vector<16xf32>
      %swap3A_608 = vector.shape_cast %add3A_603 : vector<16xf32> to vector<1x16xf32>
      tpu.vector_store %arg10[%swap3A_604, %swap3A_605], %swap3A_608 {strides = array<i32>} : memref<32x768xf32, #tpu.memory_space<vmem>>, vector<1x16xf32>,
      %get3A_609 = arith.index_cast %scan3A_49 : i32 to index
      %get3A_610 = arith.constant 640 : index
      %get3A_611 = tpu.vector_load %arg8[%get3A_609, %get3A_610] {strides = array<i32>} : memref<32x768xf32, #tpu.memory_space<vmem>>, vector<1x16xf32>,
      %get3A_612 = vector.shape_cast %get3A_611 : vector<1x16xf32> to vector<16xf32>
      %get3A_613 = arith.index_cast %scan3A_49 : i32 to index
      %get3A_614 = arith.constant 640 : index
      %get3A_615 = tpu.vector_load %arg9[%get3A_613, %get3A_614] {strides = array<i32>} : memref<32x768xf32, #tpu.memory_space<vmem>>, vector<1x16xf32>,
      %get3A_616 = vector.shape_cast %get3A_615 : vector<1x16xf32> to vector<16xf32>
      %add3A_617 = arith.addf %get3A_612, %get3A_616 : vector<16xf32>
      %swap3A_618 = arith.index_cast %scan3A_49 : i32 to index
      %swap3A_619 = arith.constant 640 : index
      %swap3A_620 = tpu.vector_load %arg10[%swap3A_618, %swap3A_619] {strides = array<i32>} : memref<32x768xf32, #tpu.memory_space<vmem>>, vector<1x16xf32>,
      %swap3A_621 = vector.shape_cast %swap3A_620 : vector<1x16xf32> to vector<16xf32>
      %swap3A_622 = vector.shape_cast %add3A_617 : vector<16xf32> to vector<1x16xf32>
      tpu.vector_store %arg10[%swap3A_618, %swap3A_619], %swap3A_622 {strides = array<i32>} : memref<32x768xf32, #tpu.memory_space<vmem>>, vector<1x16xf32>,
      %get3A_623 = arith.index_cast %scan3A_49 : i32 to index
      %get3A_624 = arith.constant 656 : index
      %get3A_625 = tpu.vector_load %arg8[%get3A_623, %get3A_624] {strides = array<i32>} : memref<32x768xf32, #tpu.memory_space<vmem>>, vector<1x16xf32>,
      %get3A_626 = vector.shape_cast %get3A_625 : vector<1x16xf32> to vector<16xf32>
      %get3A_627 = arith.index_cast %scan3A_49 : i32 to index
      %get3A_628 = arith.constant 656 : index
      %get3A_629 = tpu.vector_load %arg9[%get3A_627, %get3A_628] {strides = array<i32>} : memref<32x768xf32, #tpu.memory_space<vmem>>, vector<1x16xf32>,
      %get3A_630 = vector.shape_cast %get3A_629 : vector<1x16xf32> to vector<16xf32>
      %add3A_631 = arith.addf %get3A_626, %get3A_630 : vector<16xf32>
      %swap3A_632 = arith.index_cast %scan3A_49 : i32 to index
      %swap3A_633 = arith.constant 656 : index
      %swap3A_634 = tpu.vector_load %arg10[%swap3A_632, %swap3A_633] {strides = array<i32>} : memref<32x768xf32, #tpu.memory_space<vmem>>, vector<1x16xf32>,
      %swap3A_635 = vector.shape_cast %swap3A_634 : vector<1x16xf32> to vector<16xf32>
      %swap3A_636 = vector.shape_cast %add3A_631 : vector<16xf32> to vector<1x16xf32>
      tpu.vector_store %arg10[%swap3A_632, %swap3A_633], %swap3A_636 {strides = array<i32>} : memref<32x768xf32, #tpu.memory_space<vmem>>, vector<1x16xf32>,
      %get3A_637 = arith.index_cast %scan3A_49 : i32 to index
      %get3A_638 = arith.constant 672 : index
      %get3A_639 = tpu.vector_load %arg8[%get3A_637, %get3A_638] {strides = array<i32>} : memref<32x768xf32, #tpu.memory_space<vmem>>, vector<1x16xf32>,
      %get3A_640 = vector.shape_cast %get3A_639 : vector<1x16xf32> to vector<16xf32>
      %get3A_641 = arith.index_cast %scan3A_49 : i32 to index
      %get3A_642 = arith.constant 672 : index
      %get3A_643 = tpu.vector_load %arg9[%get3A_641, %get3A_642] {strides = array<i32>} : memref<32x768xf32, #tpu.memory_space<vmem>>, vector<1x16xf32>,
      %get3A_644 = vector.shape_cast %get3A_643 : vector<1x16xf32> to vector<16xf32>
      %add3A_645 = arith.addf %get3A_640, %get3A_644 : vector<16xf32>
      %swap3A_646 = arith.index_cast %scan3A_49 : i32 to index
      %swap3A_647 = arith.constant 672 : index
      %swap3A_648 = tpu.vector_load %arg10[%swap3A_646, %swap3A_647] {strides = array<i32>} : memref<32x768xf32, #tpu.memory_space<vmem>>, vector<1x16xf32>,
      %swap3A_649 = vector.shape_cast %swap3A_648 : vector<1x16xf32> to vector<16xf32>
      %swap3A_650 = vector.shape_cast %add3A_645 : vector<16xf32> to vector<1x16xf32>
      tpu.vector_store %arg10[%swap3A_646, %swap3A_647], %swap3A_650 {strides = array<i32>} : memref<32x768xf32, #tpu.memory_space<vmem>>, vector<1x16xf32>,
      %get3A_651 = arith.index_cast %scan3A_49 : i32 to index
      %get3A_652 = arith.constant 688 : index
      %get3A_653 = tpu.vector_load %arg8[%get3A_651, %get3A_652] {strides = array<i32>} : memref<32x768xf32, #tpu.memory_space<vmem>>, vector<1x16xf32>,
      %get3A_654 = vector.shape_cast %get3A_653 : vector<1x16xf32> to vector<16xf32>
      %get3A_655 = arith.index_cast %scan3A_49 : i32 to index
      %get3A_656 = arith.constant 688 : index
      %get3A_657 = tpu.vector_load %arg9[%get3A_655, %get3A_656] {strides = array<i32>} : memref<32x768xf32, #tpu.memory_space<vmem>>, vector<1x16xf32>,
      %get3A_658 = vector.shape_cast %get3A_657 : vector<1x16xf32> to vector<16xf32>
      %add3A_659 = arith.addf %get3A_654, %get3A_658 : vector<16xf32>
      %swap3A_660 = arith.index_cast %scan3A_49 : i32 to index
      %swap3A_661 = arith.constant 688 : index
      %swap3A_662 = tpu.vector_load %arg10[%swap3A_660, %swap3A_661] {strides = array<i32>} : memref<32x768xf32, #tpu.memory_space<vmem>>, vector<1x16xf32>,
      %swap3A_663 = vector.shape_cast %swap3A_662 : vector<1x16xf32> to vector<16xf32>
      %swap3A_664 = vector.shape_cast %add3A_659 : vector<16xf32> to vector<1x16xf32>
      tpu.vector_store %arg10[%swap3A_660, %swap3A_661], %swap3A_664 {strides = array<i32>} : memref<32x768xf32, #tpu.memory_space<vmem>>, vector<1x16xf32>,
      %get3A_665 = arith.index_cast %scan3A_49 : i32 to index
      %get3A_666 = arith.constant 704 : index
      %get3A_667 = tpu.vector_load %arg8[%get3A_665, %get3A_666] {strides = array<i32>} : memref<32x768xf32, #tpu.memory_space<vmem>>, vector<1x16xf32>,
      %get3A_668 = vector.shape_cast %get3A_667 : vector<1x16xf32> to vector<16xf32>
      %get3A_669 = arith.index_cast %scan3A_49 : i32 to index
      %get3A_670 = arith.constant 704 : index
      %get3A_671 = tpu.vector_load %arg9[%get3A_669, %get3A_670] {strides = array<i32>} : memref<32x768xf32, #tpu.memory_space<vmem>>, vector<1x16xf32>,
      %get3A_672 = vector.shape_cast %get3A_671 : vector<1x16xf32> to vector<16xf32>
      %add3A_673 = arith.addf %get3A_668, %get3A_672 : vector<16xf32>
      %swap3A_674 = arith.index_cast %scan3A_49 : i32 to index
      %swap3A_675 = arith.constant 704 : index
      %swap3A_676 = tpu.vector_load %arg10[%swap3A_674, %swap3A_675] {strides = array<i32>} : memref<32x768xf32, #tpu.memory_space<vmem>>, vector<1x16xf32>,
      %swap3A_677 = vector.shape_cast %swap3A_676 : vector<1x16xf32> to vector<16xf32>
      %swap3A_678 = vector.shape_cast %add3A_673 : vector<16xf32> to vector<1x16xf32>
      tpu.vector_store %arg10[%swap3A_674, %swap3A_675], %swap3A_678 {strides = array<i32>} : memref<32x768xf32, #tpu.memory_space<vmem>>, vector<1x16xf32>,
      %get3A_679 = arith.index_cast %scan3A_49 : i32 to index
      %get3A_680 = arith.constant 720 : index
      %get3A_681 = tpu.vector_load %arg8[%get3A_679, %get3A_680] {strides = array<i32>} : memref<32x768xf32, #tpu.memory_space<vmem>>, vector<1x16xf32>,
      %get3A_682 = vector.shape_cast %get3A_681 : vector<1x16xf32> to vector<16xf32>
      %get3A_683 = arith.index_cast %scan3A_49 : i32 to index
      %get3A_684 = arith.constant 720 : index
      %get3A_685 = tpu.vector_load %arg9[%get3A_683, %get3A_684] {strides = array<i32>} : memref<32x768xf32, #tpu.memory_space<vmem>>, vector<1x16xf32>,
      %get3A_686 = vector.shape_cast %get3A_685 : vector<1x16xf32> to vector<16xf32>
      %add3A_687 = arith.addf %get3A_682, %get3A_686 : vector<16xf32>
      %swap3A_688 = arith.index_cast %scan3A_49 : i32 to index
      %swap3A_689 = arith.constant 720 : index
      %swap3A_690 = tpu.vector_load %arg10[%swap3A_688, %swap3A_689] {strides = array<i32>} : memref<32x768xf32, #tpu.memory_space<vmem>>, vector<1x16xf32>,
      %swap3A_691 = vector.shape_cast %swap3A_690 : vector<1x16xf32> to vector<16xf32>
      %swap3A_692 = vector.shape_cast %add3A_687 : vector<16xf32> to vector<1x16xf32>
      tpu.vector_store %arg10[%swap3A_688, %swap3A_689], %swap3A_692 {strides = array<i32>} : memref<32x768xf32, #tpu.memory_space<vmem>>, vector<1x16xf32>,
      %get3A_693 = arith.index_cast %scan3A_49 : i32 to index
      %get3A_694 = arith.constant 736 : index
      %get3A_695 = tpu.vector_load %arg8[%get3A_693, %get3A_694] {strides = array<i32>} : memref<32x768xf32, #tpu.memory_space<vmem>>, vector<1x16xf32>,
      %get3A_696 = vector.shape_cast %get3A_695 : vector<1x16xf32> to vector<16xf32>
      %get3A_697 = arith.index_cast %scan3A_49 : i32 to index
      %get3A_698 = arith.constant 736 : index
      %get3A_699 = tpu.vector_load %arg9[%get3A_697, %get3A_698] {strides = array<i32>} : memref<32x768xf32, #tpu.memory_space<vmem>>, vector<1x16xf32>,
      %get3A_700 = vector.shape_cast %get3A_699 : vector<1x16xf32> to vector<16xf32>
      %add3A_701 = arith.addf %get3A_696, %get3A_700 : vector<16xf32>
      %swap3A_702 = arith.index_cast %scan3A_49 : i32 to index
      %swap3A_703 = arith.constant 736 : index
      %swap3A_704 = tpu.vector_load %arg10[%swap3A_702, %swap3A_703] {strides = array<i32>} : memref<32x768xf32, #tpu.memory_space<vmem>>, vector<1x16xf32>,
      %swap3A_705 = vector.shape_cast %swap3A_704 : vector<1x16xf32> to vector<16xf32>
      %swap3A_706 = vector.shape_cast %add3A_701 : vector<16xf32> to vector<1x16xf32>
      tpu.vector_store %arg10[%swap3A_702, %swap3A_703], %swap3A_706 {strides = array<i32>} : memref<32x768xf32, #tpu.memory_space<vmem>>, vector<1x16xf32>,
      %get3A_707 = arith.index_cast %scan3A_49 : i32 to index
      %get3A_708 = arith.constant 752 : index
      %get3A_709 = tpu.vector_load %arg8[%get3A_707, %get3A_708] {strides = array<i32>} : memref<32x768xf32, #tpu.memory_space<vmem>>, vector<1x16xf32>,
      %get3A_710 = vector.shape_cast %get3A_709 : vector<1x16xf32> to vector<16xf32>
      %get3A_711 = arith.index_cast %scan3A_49 : i32 to index
      %get3A_712 = arith.constant 752 : index
      %get3A_713 = tpu.vector_load %arg9[%get3A_711, %get3A_712] {strides = array<i32>} : memref<32x768xf32, #tpu.memory_space<vmem>>, vector<1x16xf32>,
      %get3A_714 = vector.shape_cast %get3A_713 : vector<1x16xf32> to vector<16xf32>
      %add3A_715 = arith.addf %get3A_710, %get3A_714 : vector<16xf32>
      %swap3A_716 = arith.index_cast %scan3A_49 : i32 to index
      %swap3A_717 = arith.constant 752 : index
      %swap3A_718 = tpu.vector_load %arg10[%swap3A_716, %swap3A_717] {strides = array<i32>} : memref<32x768xf32, #tpu.memory_space<vmem>>, vector<1x16xf32>,
      %swap3A_719 = vector.shape_cast %swap3A_718 : vector<1x16xf32> to vector<16xf32>
      %swap3A_720 = vector.shape_cast %add3A_715 : vector<16xf32> to vector<1x16xf32>
      tpu.vector_store %arg10[%swap3A_716, %swap3A_717], %swap3A_720 {strides = array<i32>} : memref<32x768xf32, #tpu.memory_space<vmem>>, vector<1x16xf32>,
      %scan3A_721 = arith.constant 0 : i32
      scf.yield %scan3A_721 : i32
    }
    %scan3A_20 = arith.constant 32 : i32
    %mul3A_21 = arith.constant 32 : i32
    %mul3A_22 = arith.muli %add3A_4, %mul3A_21 : i32
    %multiple_of3A = tpu.assume_multiple %mul3A_22, 32 : i32
    "tpu.region"() ({
      %run_scoped3A = tpu.sem_alloc : memref<!tpu.dma_semaphore, #tpu.memory_space<semaphore_mem>>
      %dma_start3A_49 = arith.constant 0 : i32
      %dma_start3A_50 = tpu.memref_slice %arg5[%multiple_of3A, %dma_start3A_49] : memref<2048x768xf32, #tpu.memory_space<hbm>> -> memref<32x768xf32, #tpu.memory_space<hbm>>
      %dma_start3A_51 = arith.constant 0 : i32
      %dma_start3A_52 = tpu.memref_slice %arg5[%multiple_of3A, %dma_start3A_51] : memref<2048x768xf32, #tpu.memory_space<hbm>> -> memref<32x768xf32, #tpu.memory_space<hbm>>
      tpu.enqueue_dma source(%arg10 : memref<32x768xf32, #tpu.memory_space<vmem>>) target(%dma_start3A_52 : memref<32x768xf32, #tpu.memory_space<hbm>>) target_semaphore(%run_scoped3A : memref<!tpu.dma_semaphore, #tpu.memory_space<semaphore_mem>>)
      %dma_wait3A_53 = arith.constant 0 : i32
      %dma_wait3A_54 = tpu.memref_slice %arg5[%multiple_of3A, %dma_wait3A_53] : memref<2048x768xf32, #tpu.memory_space<hbm>> -> memref<32x768xf32, #tpu.memory_space<hbm>>
      %dma_wait3A_55 = arith.constant 0 : i32
      %dma_wait3A_56 = tpu.memref_slice %arg5[%multiple_of3A, %dma_wait3A_55] : memref<2048x768xf32, #tpu.memory_space<hbm>> -> memref<32x768xf32, #tpu.memory_space<hbm>>
      tpu.wait_dma2 semaphore(%run_scoped3A : memref<!tpu.dma_semaphore, #tpu.memory_space<semaphore_mem>>) src(%arg10 : memref<32x768xf32, #tpu.memory_space<vmem>>) dst(%dma_wait3A_56 : memref<32x768xf32, #tpu.memory_space<hbm>>)
      tpu.yield
    }) : () -> ()
    %mul3A_23 = arith.constant 2 : i32
    %mul3A_24 = arith.muli %add3A, %mul3A_23 : i32
    %add3A_25 = arith.constant 1 : i32
    %add3A_26 = arith.addi %mul3A_24, %add3A_25 : i32
    "tpu.region"() ({
      %run_scoped3A = tpu.sem_alloc : memref<!tpu.dma_semaphore, #tpu.memory_space<semaphore_mem>>
      %dma_start3A_49 = arith.constant 0 : i32
      %dma_start3A_50 = tpu.memref_slice %arg3[%add3A_26, %dma_start3A_49] : memref<64x32xi32, #tpu.memory_space<hbm>> -> memref<1x32xi32, #tpu.memory_space<hbm>>
      %dma_start3A_51 = tpu.memref_squeeze %dma_start3A_50 : memref<1x32xi32, #tpu.memory_space<hbm>> -> memref<32xi32, #tpu.memory_space<hbm>>
      %dma_start3A_52 = arith.constant 0 : i32
      %dma_start3A_53 = tpu.memref_slice %arg3[%add3A_26, %dma_start3A_52] : memref<64x32xi32, #tpu.memory_space<hbm>> -> memref<1x32xi32, #tpu.memory_space<hbm>>
      %dma_start3A_54 = tpu.memref_squeeze %dma_start3A_53 : memref<1x32xi32, #tpu.memory_space<hbm>> -> memref<32xi32, #tpu.memory_space<hbm>>
      tpu.enqueue_dma source(%dma_start3A_54 : memref<32xi32, #tpu.memory_space<hbm>>) target(%arg6 : memref<32xi32, #tpu.memory_space<vmem>>) target_semaphore(%run_scoped3A : memref<!tpu.dma_semaphore, #tpu.memory_space<semaphore_mem>>)
      %dma_wait3A_55 = arith.constant 0 : i32
      %dma_wait3A_56 = tpu.memref_slice %arg3[%add3A_26, %dma_wait3A_55] : memref<64x32xi32, #tpu.memory_space<hbm>> -> memref<1x32xi32, #tpu.memory_space<hbm>>
      %dma_wait3A_57 = tpu.memref_squeeze %dma_wait3A_56 : memref<1x32xi32, #tpu.memory_space<hbm>> -> memref<32xi32, #tpu.memory_space<hbm>>
      %dma_wait3A_58 = arith.constant 0 : i32
      %dma_wait3A_59 = tpu.memref_slice %arg3[%add3A_26, %dma_wait3A_58] : memref<64x32xi32, #tpu.memory_space<hbm>> -> memref<1x32xi32, #tpu.memory_space<hbm>>
      %dma_wait3A_60 = tpu.memref_squeeze %dma_wait3A_59 : memref<1x32xi32, #tpu.memory_space<hbm>> -> memref<32xi32, #tpu.memory_space<hbm>>
      tpu.wait_dma2 semaphore(%run_scoped3A : memref<!tpu.dma_semaphore, #tpu.memory_space<semaphore_mem>>) src(%dma_wait3A_60 : memref<32xi32, #tpu.memory_space<hbm>>) dst(%arg6 : memref<32xi32, #tpu.memory_space<vmem>>)
      tpu.yield
    }) : () -> ()
    "tpu.region"() ({
      %run_scoped3A = tpu.sem_alloc : memref<!tpu.dma_semaphore, #tpu.memory_space<semaphore_mem>>
      %dma_start3A_49 = arith.constant 0 : i32
      %dma_start3A_50 = tpu.memref_slice %arg4[%add3A_26, %dma_start3A_49] : memref<64x32xi32, #tpu.memory_space<hbm>> -> memref<1x32xi32, #tpu.memory_space<hbm>>
      %dma_start3A_51 = tpu.memref_squeeze %dma_start3A_50 : memref<1x32xi32, #tpu.memory_space<hbm>> -> memref<32xi32, #tpu.memory_space<hbm>>
      %dma_start3A_52 = arith.constant 0 : i32
      %dma_start3A_53 = tpu.memref_slice %arg4[%add3A_26, %dma_start3A_52] : memref<64x32xi32, #tpu.memory_space<hbm>> -> memref<1x32xi32, #tpu.memory_space<hbm>>
      %dma_start3A_54 = tpu.memref_squeeze %dma_start3A_53 : memref<1x32xi32, #tpu.memory_space<hbm>> -> memref<32xi32, #tpu.memory_space<hbm>>
      tpu.enqueue_dma source(%dma_start3A_54 : memref<32xi32, #tpu.memory_space<hbm>>) target(%arg7 : memref<32xi32, #tpu.memory_space<vmem>>) target_semaphore(%run_scoped3A : memref<!tpu.dma_semaphore, #tpu.memory_space<semaphore_mem>>)
      %dma_wait3A_55 = arith.constant 0 : i32
      %dma_wait3A_56 = tpu.memref_slice %arg4[%add3A_26, %dma_wait3A_55] : memref<64x32xi32, #tpu.memory_space<hbm>> -> memref<1x32xi32, #tpu.memory_space<hbm>>
      %dma_wait3A_57 = tpu.memref_squeeze %dma_wait3A_56 : memref<1x32xi32, #tpu.memory_space<hbm>> -> memref<32xi32, #tpu.memory_space<hbm>>
      %dma_wait3A_58 = arith.constant 0 : i32
      %dma_wait3A_59 = tpu.memref_slice %arg4[%add3A_26, %dma_wait3A_58] : memref<64x32xi32, #tpu.memory_space<hbm>> -> memref<1x32xi32, #tpu.memory_space<hbm>>
      %dma_wait3A_60 = tpu.memref_squeeze %dma_wait3A_59 : memref<1x32xi32, #tpu.memory_space<hbm>> -> memref<32xi32, #tpu.memory_space<hbm>>
      tpu.wait_dma2 semaphore(%run_scoped3A : memref<!tpu.dma_semaphore, #tpu.memory_space<semaphore_mem>>) src(%dma_wait3A_60 : memref<32xi32, #tpu.memory_space<hbm>>) dst(%arg7 : memref<32xi32, #tpu.memory_space<vmem>>)
      tpu.yield
    }) : () -> ()
    %dma_start3A_27 = arith.constant 0 : i32
    %dma_start3A_28 = arith.constant 0 : i32
    %dma_start3A_29 = tpu.memref_slice %arg2[%dma_start3A_27, %dma_start3A_28] : memref<8192x768xf32, #tpu.memory_space<hbm>> -> memref<8192x768xf32, #tpu.memory_space<hbm>>
    tpu.enqueue_indirect_dma source(%dma_start3A_29 : memref<8192x768xf32, #tpu.memory_space<hbm>>) target(%arg8 : memref<32x768xf32, #tpu.memory_space<vmem>>) offsets(%arg6 : memref<32xi32, #tpu.memory_space<vmem>>) semaphore(%arg11 : memref<!tpu.dma_semaphore, #tpu.memory_space<semaphore_mem>>)
    %dma_start3A_30 = arith.constant 0 : i32
    %dma_start3A_31 = arith.constant 0 : i32
    %dma_start3A_32 = tpu.memref_slice %arg2[%dma_start3A_30, %dma_start3A_31] : memref<8192x768xf32, #tpu.memory_space<hbm>> -> memref<8192x768xf32, #tpu.memory_space<hbm>>
    tpu.enqueue_indirect_dma source(%dma_start3A_32 : memref<8192x768xf32, #tpu.memory_space<hbm>>) target(%arg9 : memref<32x768xf32, #tpu.memory_space<vmem>>) offsets(%arg7 : memref<32xi32, #tpu.memory_space<vmem>>) semaphore(%arg11 : memref<!tpu.dma_semaphore, #tpu.memory_space<semaphore_mem>>)
    %dma_wait3A_33 = arith.constant 0 : i32
    %dma_wait3A_34 = arith.constant 0 : i32
    %dma_wait3A_35 = tpu.memref_slice %arg2[%dma_wait3A_33, %dma_wait3A_34] : memref<8192x768xf32, #tpu.memory_space<hbm>> -> memref<8192x768xf32, #tpu.memory_space<hbm>>
    tpu.wait_indirect_dma semaphore(%arg11 : memref<!tpu.dma_semaphore, #tpu.memory_space<semaphore_mem>>) src(%dma_wait3A_35 : memref<8192x768xf32, #tpu.memory_space<hbm>>) dst(%arg8 : memref<32x768xf32, #tpu.memory_space<vmem>>)
    %dma_wait3A_36 = arith.constant 0 : i32
    %dma_wait3A_37 = arith.constant 0 : i32
    %dma_wait3A_38 = tpu.memref_slice %arg2[%dma_wait3A_36, %dma_wait3A_37] : memref<8192x768xf32, #tpu.memory_space<hbm>> -> memref<8192x768xf32, #tpu.memory_space<hbm>>
    tpu.wait_indirect_dma semaphore(%arg11 : memref<!tpu.dma_semaphore, #tpu.memory_space<semaphore_mem>>) src(%dma_wait3A_38 : memref<8192x768xf32, #tpu.memory_space<hbm>>) dst(%arg9 : memref<32x768xf32, #tpu.memory_space<vmem>>)
    %scan3A_39 = arith.constant 0 : i32
    %scan3A_40 = arith.constant 0 : i32
    %scan3A_41 = arith.constant 32 : i32
    %scan3A_42 = arith.addi %scan3A_40, %scan3A_41 : i32
    %scan3A_43 = arith.constant 1 : i32
    %scan3A_44 = scf.for %scan3A_49 = %scan3A_40 to %scan3A_42 step %scan3A_43 iter_args(%scan3A_50 = %scan3A_39) -> (i32)  : i32 {
      %get3A = arith.index_cast %scan3A_49 : i32 to index
      %get3A_51 = arith.constant 0 : index
      %get3A_52 = tpu.vector_load %arg8[%get3A, %get3A_51] {strides = array<i32>} : memref<32x768xf32, #tpu.memory_space<vmem>>, vector<1x16xf32>,
      %get3A_53 = vector.shape_cast %get3A_52 : vector<1x16xf32> to vector<16xf32>
      %get3A_54 = arith.index_cast %scan3A_49 : i32 to index
      %get3A_55 = arith.constant 0 : index
      %get3A_56 = tpu.vector_load %arg9[%get3A_54, %get3A_55] {strides = array<i32>} : memref<32x768xf32, #tpu.memory_space<vmem>>, vector<1x16xf32>,
      %get3A_57 = vector.shape_cast %get3A_56 : vector<1x16xf32> to vector<16xf32>
      %add3A_58 = arith.addf %get3A_53, %get3A_57 : vector<16xf32>
      %swap3A = arith.index_cast %scan3A_49 : i32 to index
      %swap3A_59 = arith.constant 0 : index
      %swap3A_60 = tpu.vector_load %arg10[%swap3A, %swap3A_59] {strides = array<i32>} : memref<32x768xf32, #tpu.memory_space<vmem>>, vector<1x16xf32>,
      %swap3A_61 = vector.shape_cast %swap3A_60 : vector<1x16xf32> to vector<16xf32>
      %swap3A_62 = vector.shape_cast %add3A_58 : vector<16xf32> to vector<1x16xf32>
      tpu.vector_store %arg10[%swap3A, %swap3A_59], %swap3A_62 {strides = array<i32>} : memref<32x768xf32, #tpu.memory_space<vmem>>, vector<1x16xf32>,
      %get3A_63 = arith.index_cast %scan3A_49 : i32 to index
      %get3A_64 = arith.constant 16 : index
      %get3A_65 = tpu.vector_load %arg8[%get3A_63, %get3A_64] {strides = array<i32>} : memref<32x768xf32, #tpu.memory_space<vmem>>, vector<1x16xf32>,
      %get3A_66 = vector.shape_cast %get3A_65 : vector<1x16xf32> to vector<16xf32>
      %get3A_67 = arith.index_cast %scan3A_49 : i32 to index
      %get3A_68 = arith.constant 16 : index
      %get3A_69 = tpu.vector_load %arg9[%get3A_67, %get3A_68] {strides = array<i32>} : memref<32x768xf32, #tpu.memory_space<vmem>>, vector<1x16xf32>,
      %get3A_70 = vector.shape_cast %get3A_69 : vector<1x16xf32> to vector<16xf32>
      %add3A_71 = arith.addf %get3A_66, %get3A_70 : vector<16xf32>
      %swap3A_72 = arith.index_cast %scan3A_49 : i32 to index
      %swap3A_73 = arith.constant 16 : index
      %swap3A_74 = tpu.vector_load %arg10[%swap3A_72, %swap3A_73] {strides = array<i32>} : memref<32x768xf32, #tpu.memory_space<vmem>>, vector<1x16xf32>,
      %swap3A_75 = vector.shape_cast %swap3A_74 : vector<1x16xf32> to vector<16xf32>
      %swap3A_76 = vector.shape_cast %add3A_71 : vector<16xf32> to vector<1x16xf32>
      tpu.vector_store %arg10[%swap3A_72, %swap3A_73], %swap3A_76 {strides = array<i32>} : memref<32x768xf32, #tpu.memory_space<vmem>>, vector<1x16xf32>,
      %get3A_77 = arith.index_cast %scan3A_49 : i32 to index
      %get3A_78 = arith.constant 32 : index
      %get3A_79 = tpu.vector_load %arg8[%get3A_77, %get3A_78] {strides = array<i32>} : memref<32x768xf32, #tpu.memory_space<vmem>>, vector<1x16xf32>,
      %get3A_80 = vector.shape_cast %get3A_79 : vector<1x16xf32> to vector<16xf32>
      %get3A_81 = arith.index_cast %scan3A_49 : i32 to index
      %get3A_82 = arith.constant 32 : index
      %get3A_83 = tpu.vector_load %arg9[%get3A_81, %get3A_82] {strides = array<i32>} : memref<32x768xf32, #tpu.memory_space<vmem>>, vector<1x16xf32>,
      %get3A_84 = vector.shape_cast %get3A_83 : vector<1x16xf32> to vector<16xf32>
      %add3A_85 = arith.addf %get3A_80, %get3A_84 : vector<16xf32>
      %swap3A_86 = arith.index_cast %scan3A_49 : i32 to index
      %swap3A_87 = arith.constant 32 : index
      %swap3A_88 = tpu.vector_load %arg10[%swap3A_86, %swap3A_87] {strides = array<i32>} : memref<32x768xf32, #tpu.memory_space<vmem>>, vector<1x16xf32>,
      %swap3A_89 = vector.shape_cast %swap3A_88 : vector<1x16xf32> to vector<16xf32>
      %swap3A_90 = vector.shape_cast %add3A_85 : vector<16xf32> to vector<1x16xf32>
      tpu.vector_store %arg10[%swap3A_86, %swap3A_87], %swap3A_90 {strides = array<i32>} : memref<32x768xf32, #tpu.memory_space<vmem>>, vector<1x16xf32>,
      %get3A_91 = arith.index_cast %scan3A_49 : i32 to index
      %get3A_92 = arith.constant 48 : index
      %get3A_93 = tpu.vector_load %arg8[%get3A_91, %get3A_92] {strides = array<i32>} : memref<32x768xf32, #tpu.memory_space<vmem>>, vector<1x16xf32>,
      %get3A_94 = vector.shape_cast %get3A_93 : vector<1x16xf32> to vector<16xf32>
      %get3A_95 = arith.index_cast %scan3A_49 : i32 to index
      %get3A_96 = arith.constant 48 : index
      %get3A_97 = tpu.vector_load %arg9[%get3A_95, %get3A_96] {strides = array<i32>} : memref<32x768xf32, #tpu.memory_space<vmem>>, vector<1x16xf32>,
      %get3A_98 = vector.shape_cast %get3A_97 : vector<1x16xf32> to vector<16xf32>
      %add3A_99 = arith.addf %get3A_94, %get3A_98 : vector<16xf32>
      %swap3A_100 = arith.index_cast %scan3A_49 : i32 to index
      %swap3A_101 = arith.constant 48 : index
      %swap3A_102 = tpu.vector_load %arg10[%swap3A_100, %swap3A_101] {strides = array<i32>} : memref<32x768xf32, #tpu.memory_space<vmem>>, vector<1x16xf32>,
      %swap3A_103 = vector.shape_cast %swap3A_102 : vector<1x16xf32> to vector<16xf32>
      %swap3A_104 = vector.shape_cast %add3A_99 : vector<16xf32> to vector<1x16xf32>
      tpu.vector_store %arg10[%swap3A_100, %swap3A_101], %swap3A_104 {strides = array<i32>} : memref<32x768xf32, #tpu.memory_space<vmem>>, vector<1x16xf32>,
      %get3A_105 = arith.index_cast %scan3A_49 : i32 to index
      %get3A_106 = arith.constant 64 : index
      %get3A_107 = tpu.vector_load %arg8[%get3A_105, %get3A_106] {strides = array<i32>} : memref<32x768xf32, #tpu.memory_space<vmem>>, vector<1x16xf32>,
      %get3A_108 = vector.shape_cast %get3A_107 : vector<1x16xf32> to vector<16xf32>
      %get3A_109 = arith.index_cast %scan3A_49 : i32 to index
      %get3A_110 = arith.constant 64 : index
      %get3A_111 = tpu.vector_load %arg9[%get3A_109, %get3A_110] {strides = array<i32>} : memref<32x768xf32, #tpu.memory_space<vmem>>, vector<1x16xf32>,
      %get3A_112 = vector.shape_cast %get3A_111 : vector<1x16xf32> to vector<16xf32>
      %add3A_113 = arith.addf %get3A_108, %get3A_112 : vector<16xf32>
      %swap3A_114 = arith.index_cast %scan3A_49 : i32 to index
      %swap3A_115 = arith.constant 64 : index
      %swap3A_116 = tpu.vector_load %arg10[%swap3A_114, %swap3A_115] {strides = array<i32>} : memref<32x768xf32, #tpu.memory_space<vmem>>, vector<1x16xf32>,
      %swap3A_117 = vector.shape_cast %swap3A_116 : vector<1x16xf32> to vector<16xf32>
      %swap3A_118 = vector.shape_cast %add3A_113 : vector<16xf32> to vector<1x16xf32>
      tpu.vector_store %arg10[%swap3A_114, %swap3A_115], %swap3A_118 {strides = array<i32>} : memref<32x768xf32, #tpu.memory_space<vmem>>, vector<1x16xf32>,
      %get3A_119 = arith.index_cast %scan3A_49 : i32 to index
      %get3A_120 = arith.constant 80 : index
      %get3A_121 = tpu.vector_load %arg8[%get3A_119, %get3A_120] {strides = array<i32>} : memref<32x768xf32, #tpu.memory_space<vmem>>, vector<1x16xf32>,
      %get3A_122 = vector.shape_cast %get3A_121 : vector<1x16xf32> to vector<16xf32>
      %get3A_123 = arith.index_cast %scan3A_49 : i32 to index
      %get3A_124 = arith.constant 80 : index
      %get3A_125 = tpu.vector_load %arg9[%get3A_123, %get3A_124] {strides = array<i32>} : memref<32x768xf32, #tpu.memory_space<vmem>>, vector<1x16xf32>,
      %get3A_126 = vector.shape_cast %get3A_125 : vector<1x16xf32> to vector<16xf32>
      %add3A_127 = arith.addf %get3A_122, %get3A_126 : vector<16xf32>
      %swap3A_128 = arith.index_cast %scan3A_49 : i32 to index
      %swap3A_129 = arith.constant 80 : index
      %swap3A_130 = tpu.vector_load %arg10[%swap3A_128, %swap3A_129] {strides = array<i32>} : memref<32x768xf32, #tpu.memory_space<vmem>>, vector<1x16xf32>,
      %swap3A_131 = vector.shape_cast %swap3A_130 : vector<1x16xf32> to vector<16xf32>
      %swap3A_132 = vector.shape_cast %add3A_127 : vector<16xf32> to vector<1x16xf32>
      tpu.vector_store %arg10[%swap3A_128, %swap3A_129], %swap3A_132 {strides = array<i32>} : memref<32x768xf32, #tpu.memory_space<vmem>>, vector<1x16xf32>,
      %get3A_133 = arith.index_cast %scan3A_49 : i32 to index
      %get3A_134 = arith.constant 96 : index
      %get3A_135 = tpu.vector_load %arg8[%get3A_133, %get3A_134] {strides = array<i32>} : memref<32x768xf32, #tpu.memory_space<vmem>>, vector<1x16xf32>,
      %get3A_136 = vector.shape_cast %get3A_135 : vector<1x16xf32> to vector<16xf32>
      %get3A_137 = arith.index_cast %scan3A_49 : i32 to index
      %get3A_138 = arith.constant 96 : index
      %get3A_139 = tpu.vector_load %arg9[%get3A_137, %get3A_138] {strides = array<i32>} : memref<32x768xf32, #tpu.memory_space<vmem>>, vector<1x16xf32>,
      %get3A_140 = vector.shape_cast %get3A_139 : vector<1x16xf32> to vector<16xf32>
      %add3A_141 = arith.addf %get3A_136, %get3A_140 : vector<16xf32>
      %swap3A_142 = arith.index_cast %scan3A_49 : i32 to index
      %swap3A_143 = arith.constant 96 : index
      %swap3A_144 = tpu.vector_load %arg10[%swap3A_142, %swap3A_143] {strides = array<i32>} : memref<32x768xf32, #tpu.memory_space<vmem>>, vector<1x16xf32>,
      %swap3A_145 = vector.shape_cast %swap3A_144 : vector<1x16xf32> to vector<16xf32>
      %swap3A_146 = vector.shape_cast %add3A_141 : vector<16xf32> to vector<1x16xf32>
      tpu.vector_store %arg10[%swap3A_142, %swap3A_143], %swap3A_146 {strides = array<i32>} : memref<32x768xf32, #tpu.memory_space<vmem>>, vector<1x16xf32>,
      %get3A_147 = arith.index_cast %scan3A_49 : i32 to index
      %get3A_148 = arith.constant 112 : index
      %get3A_149 = tpu.vector_load %arg8[%get3A_147, %get3A_148] {strides = array<i32>} : memref<32x768xf32, #tpu.memory_space<vmem>>, vector<1x16xf32>,
      %get3A_150 = vector.shape_cast %get3A_149 : vector<1x16xf32> to vector<16xf32>
      %get3A_151 = arith.index_cast %scan3A_49 : i32 to index
      %get3A_152 = arith.constant 112 : index
      %get3A_153 = tpu.vector_load %arg9[%get3A_151, %get3A_152] {strides = array<i32>} : memref<32x768xf32, #tpu.memory_space<vmem>>, vector<1x16xf32>,
      %get3A_154 = vector.shape_cast %get3A_153 : vector<1x16xf32> to vector<16xf32>
      %add3A_155 = arith.addf %get3A_150, %get3A_154 : vector<16xf32>
      %swap3A_156 = arith.index_cast %scan3A_49 : i32 to index
      %swap3A_157 = arith.constant 112 : index
      %swap3A_158 = tpu.vector_load %arg10[%swap3A_156, %swap3A_157] {strides = array<i32>} : memref<32x768xf32, #tpu.memory_space<vmem>>, vector<1x16xf32>,
      %swap3A_159 = vector.shape_cast %swap3A_158 : vector<1x16xf32> to vector<16xf32>
      %swap3A_160 = vector.shape_cast %add3A_155 : vector<16xf32> to vector<1x16xf32>
      tpu.vector_store %arg10[%swap3A_156, %swap3A_157], %swap3A_160 {strides = array<i32>} : memref<32x768xf32, #tpu.memory_space<vmem>>, vector<1x16xf32>,
      %get3A_161 = arith.index_cast %scan3A_49 : i32 to index
      %get3A_162 = arith.constant 128 : index
      %get3A_163 = tpu.vector_load %arg8[%get3A_161, %get3A_162] {strides = array<i32>} : memref<32x768xf32, #tpu.memory_space<vmem>>, vector<1x16xf32>,
      %get3A_164 = vector.shape_cast %get3A_163 : vector<1x16xf32> to vector<16xf32>
      %get3A_165 = arith.index_cast %scan3A_49 : i32 to index
      %get3A_166 = arith.constant 128 : index
      %get3A_167 = tpu.vector_load %arg9[%get3A_165, %get3A_166] {strides = array<i32>} : memref<32x768xf32, #tpu.memory_space<vmem>>, vector<1x16xf32>,
      %get3A_168 = vector.shape_cast %get3A_167 : vector<1x16xf32> to vector<16xf32>
      %add3A_169 = arith.addf %get3A_164, %get3A_168 : vector<16xf32>
      %swap3A_170 = arith.index_cast %scan3A_49 : i32 to index
      %swap3A_171 = arith.constant 128 : index
      %swap3A_172 = tpu.vector_load %arg10[%swap3A_170, %swap3A_171] {strides = array<i32>} : memref<32x768xf32, #tpu.memory_space<vmem>>, vector<1x16xf32>,
      %swap3A_173 = vector.shape_cast %swap3A_172 : vector<1x16xf32> to vector<16xf32>
      %swap3A_174 = vector.shape_cast %add3A_169 : vector<16xf32> to vector<1x16xf32>
      tpu.vector_store %arg10[%swap3A_170, %swap3A_171], %swap3A_174 {strides = array<i32>} : memref<32x768xf32, #tpu.memory_space<vmem>>, vector<1x16xf32>,
      %get3A_175 = arith.index_cast %scan3A_49 : i32 to index
      %get3A_176 = arith.constant 144 : index
      %get3A_177 = tpu.vector_load %arg8[%get3A_175, %get3A_176] {strides = array<i32>} : memref<32x768xf32, #tpu.memory_space<vmem>>, vector<1x16xf32>,
      %get3A_178 = vector.shape_cast %get3A_177 : vector<1x16xf32> to vector<16xf32>
      %get3A_179 = arith.index_cast %scan3A_49 : i32 to index
      %get3A_180 = arith.constant 144 : index
      %get3A_181 = tpu.vector_load %arg9[%get3A_179, %get3A_180] {strides = array<i32>} : memref<32x768xf32, #tpu.memory_space<vmem>>, vector<1x16xf32>,
      %get3A_182 = vector.shape_cast %get3A_181 : vector<1x16xf32> to vector<16xf32>
      %add3A_183 = arith.addf %get3A_178, %get3A_182 : vector<16xf32>
      %swap3A_184 = arith.index_cast %scan3A_49 : i32 to index
      %swap3A_185 = arith.constant 144 : index
      %swap3A_186 = tpu.vector_load %arg10[%swap3A_184, %swap3A_185] {strides = array<i32>} : memref<32x768xf32, #tpu.memory_space<vmem>>, vector<1x16xf32>,
      %swap3A_187 = vector.shape_cast %swap3A_186 : vector<1x16xf32> to vector<16xf32>
      %swap3A_188 = vector.shape_cast %add3A_183 : vector<16xf32> to vector<1x16xf32>
      tpu.vector_store %arg10[%swap3A_184, %swap3A_185], %swap3A_188 {strides = array<i32>} : memref<32x768xf32, #tpu.memory_space<vmem>>, vector<1x16xf32>,
      %get3A_189 = arith.index_cast %scan3A_49 : i32 to index
      %get3A_190 = arith.constant 160 : index
      %get3A_191 = tpu.vector_load %arg8[%get3A_189, %get3A_190] {strides = array<i32>} : memref<32x768xf32, #tpu.memory_space<vmem>>, vector<1x16xf32>,
      %get3A_192 = vector.shape_cast %get3A_191 : vector<1x16xf32> to vector<16xf32>
      %get3A_193 = arith.index_cast %scan3A_49 : i32 to index
      %get3A_194 = arith.constant 160 : index
      %get3A_195 = tpu.vector_load %arg9[%get3A_193, %get3A_194] {strides = array<i32>} : memref<32x768xf32, #tpu.memory_space<vmem>>, vector<1x16xf32>,
      %get3A_196 = vector.shape_cast %get3A_195 : vector<1x16xf32> to vector<16xf32>
      %add3A_197 = arith.addf %get3A_192, %get3A_196 : vector<16xf32>
      %swap3A_198 = arith.index_cast %scan3A_49 : i32 to index
      %swap3A_199 = arith.constant 160 : index
      %swap3A_200 = tpu.vector_load %arg10[%swap3A_198, %swap3A_199] {strides = array<i32>} : memref<32x768xf32, #tpu.memory_space<vmem>>, vector<1x16xf32>,
      %swap3A_201 = vector.shape_cast %swap3A_200 : vector<1x16xf32> to vector<16xf32>
      %swap3A_202 = vector.shape_cast %add3A_197 : vector<16xf32> to vector<1x16xf32>
      tpu.vector_store %arg10[%swap3A_198, %swap3A_199], %swap3A_202 {strides = array<i32>} : memref<32x768xf32, #tpu.memory_space<vmem>>, vector<1x16xf32>,
      %get3A_203 = arith.index_cast %scan3A_49 : i32 to index
      %get3A_204 = arith.constant 176 : index
      %get3A_205 = tpu.vector_load %arg8[%get3A_203, %get3A_204] {strides = array<i32>} : memref<32x768xf32, #tpu.memory_space<vmem>>, vector<1x16xf32>,
      %get3A_206 = vector.shape_cast %get3A_205 : vector<1x16xf32> to vector<16xf32>
      %get3A_207 = arith.index_cast %scan3A_49 : i32 to index
      %get3A_208 = arith.constant 176 : index
      %get3A_209 = tpu.vector_load %arg9[%get3A_207, %get3A_208] {strides = array<i32>} : memref<32x768xf32, #tpu.memory_space<vmem>>, vector<1x16xf32>,
      %get3A_210 = vector.shape_cast %get3A_209 : vector<1x16xf32> to vector<16xf32>
      %add3A_211 = arith.addf %get3A_206, %get3A_210 : vector<16xf32>
      %swap3A_212 = arith.index_cast %scan3A_49 : i32 to index
      %swap3A_213 = arith.constant 176 : index
      %swap3A_214 = tpu.vector_load %arg10[%swap3A_212, %swap3A_213] {strides = array<i32>} : memref<32x768xf32, #tpu.memory_space<vmem>>, vector<1x16xf32>,
      %swap3A_215 = vector.shape_cast %swap3A_214 : vector<1x16xf32> to vector<16xf32>
      %swap3A_216 = vector.shape_cast %add3A_211 : vector<16xf32> to vector<1x16xf32>
      tpu.vector_store %arg10[%swap3A_212, %swap3A_213], %swap3A_216 {strides = array<i32>} : memref<32x768xf32, #tpu.memory_space<vmem>>, vector<1x16xf32>,
      %get3A_217 = arith.index_cast %scan3A_49 : i32 to index
      %get3A_218 = arith.constant 192 : index
      %get3A_219 = tpu.vector_load %arg8[%get3A_217, %get3A_218] {strides = array<i32>} : memref<32x768xf32, #tpu.memory_space<vmem>>, vector<1x16xf32>,
      %get3A_220 = vector.shape_cast %get3A_219 : vector<1x16xf32> to vector<16xf32>
      %get3A_221 = arith.index_cast %scan3A_49 : i32 to index
      %get3A_222 = arith.constant 192 : index
      %get3A_223 = tpu.vector_load %arg9[%get3A_221, %get3A_222] {strides = array<i32>} : memref<32x768xf32, #tpu.memory_space<vmem>>, vector<1x16xf32>,
      %get3A_224 = vector.shape_cast %get3A_223 : vector<1x16xf32> to vector<16xf32>
      %add3A_225 = arith.addf %get3A_220, %get3A_224 : vector<16xf32>
      %swap3A_226 = arith.index_cast %scan3A_49 : i32 to index
      %swap3A_227 = arith.constant 192 : index
      %swap3A_228 = tpu.vector_load %arg10[%swap3A_226, %swap3A_227] {strides = array<i32>} : memref<32x768xf32, #tpu.memory_space<vmem>>, vector<1x16xf32>,
      %swap3A_229 = vector.shape_cast %swap3A_228 : vector<1x16xf32> to vector<16xf32>
      %swap3A_230 = vector.shape_cast %add3A_225 : vector<16xf32> to vector<1x16xf32>
      tpu.vector_store %arg10[%swap3A_226, %swap3A_227], %swap3A_230 {strides = array<i32>} : memref<32x768xf32, #tpu.memory_space<vmem>>, vector<1x16xf32>,
      %get3A_231 = arith.index_cast %scan3A_49 : i32 to index
      %get3A_232 = arith.constant 208 : index
      %get3A_233 = tpu.vector_load %arg8[%get3A_231, %get3A_232] {strides = array<i32>} : memref<32x768xf32, #tpu.memory_space<vmem>>, vector<1x16xf32>,
      %get3A_234 = vector.shape_cast %get3A_233 : vector<1x16xf32> to vector<16xf32>
      %get3A_235 = arith.index_cast %scan3A_49 : i32 to index
      %get3A_236 = arith.constant 208 : index
      %get3A_237 = tpu.vector_load %arg9[%get3A_235, %get3A_236] {strides = array<i32>} : memref<32x768xf32, #tpu.memory_space<vmem>>, vector<1x16xf32>,
      %get3A_238 = vector.shape_cast %get3A_237 : vector<1x16xf32> to vector<16xf32>
      %add3A_239 = arith.addf %get3A_234, %get3A_238 : vector<16xf32>
      %swap3A_240 = arith.index_cast %scan3A_49 : i32 to index
      %swap3A_241 = arith.constant 208 : index
      %swap3A_242 = tpu.vector_load %arg10[%swap3A_240, %swap3A_241] {strides = array<i32>} : memref<32x768xf32, #tpu.memory_space<vmem>>, vector<1x16xf32>,
      %swap3A_243 = vector.shape_cast %swap3A_242 : vector<1x16xf32> to vector<16xf32>
      %swap3A_244 = vector.shape_cast %add3A_239 : vector<16xf32> to vector<1x16xf32>
      tpu.vector_store %arg10[%swap3A_240, %swap3A_241], %swap3A_244 {strides = array<i32>} : memref<32x768xf32, #tpu.memory_space<vmem>>, vector<1x16xf32>,
      %get3A_245 = arith.index_cast %scan3A_49 : i32 to index
      %get3A_246 = arith.constant 224 : index
      %get3A_247 = tpu.vector_load %arg8[%get3A_245, %get3A_246] {strides = array<i32>} : memref<32x768xf32, #tpu.memory_space<vmem>>, vector<1x16xf32>,
      %get3A_248 = vector.shape_cast %get3A_247 : vector<1x16xf32> to vector<16xf32>
      %get3A_249 = arith.index_cast %scan3A_49 : i32 to index
      %get3A_250 = arith.constant 224 : index
      %get3A_251 = tpu.vector_load %arg9[%get3A_249, %get3A_250] {strides = array<i32>} : memref<32x768xf32, #tpu.memory_space<vmem>>, vector<1x16xf32>,
      %get3A_252 = vector.shape_cast %get3A_251 : vector<1x16xf32> to vector<16xf32>
      %add3A_253 = arith.addf %get3A_248, %get3A_252 : vector<16xf32>
      %swap3A_254 = arith.index_cast %scan3A_49 : i32 to index
      %swap3A_255 = arith.constant 224 : index
      %swap3A_256 = tpu.vector_load %arg10[%swap3A_254, %swap3A_255] {strides = array<i32>} : memref<32x768xf32, #tpu.memory_space<vmem>>, vector<1x16xf32>,
      %swap3A_257 = vector.shape_cast %swap3A_256 : vector<1x16xf32> to vector<16xf32>
      %swap3A_258 = vector.shape_cast %add3A_253 : vector<16xf32> to vector<1x16xf32>
      tpu.vector_store %arg10[%swap3A_254, %swap3A_255], %swap3A_258 {strides = array<i32>} : memref<32x768xf32, #tpu.memory_space<vmem>>, vector<1x16xf32>,
      %get3A_259 = arith.index_cast %scan3A_49 : i32 to index
      %get3A_260 = arith.constant 240 : index
      %get3A_261 = tpu.vector_load %arg8[%get3A_259, %get3A_260] {strides = array<i32>} : memref<32x768xf32, #tpu.memory_space<vmem>>, vector<1x16xf32>,
      %get3A_262 = vector.shape_cast %get3A_261 : vector<1x16xf32> to vector<16xf32>
      %get3A_263 = arith.index_cast %scan3A_49 : i32 to index
      %get3A_264 = arith.constant 240 : index
      %get3A_265 = tpu.vector_load %arg9[%get3A_263, %get3A_264] {strides = array<i32>} : memref<32x768xf32, #tpu.memory_space<vmem>>, vector<1x16xf32>,
      %get3A_266 = vector.shape_cast %get3A_265 : vector<1x16xf32> to vector<16xf32>
      %add3A_267 = arith.addf %get3A_262, %get3A_266 : vector<16xf32>
      %swap3A_268 = arith.index_cast %scan3A_49 : i32 to index
      %swap3A_269 = arith.constant 240 : index
      %swap3A_270 = tpu.vector_load %arg10[%swap3A_268, %swap3A_269] {strides = array<i32>} : memref<32x768xf32, #tpu.memory_space<vmem>>, vector<1x16xf32>,
      %swap3A_271 = vector.shape_cast %swap3A_270 : vector<1x16xf32> to vector<16xf32>
      %swap3A_272 = vector.shape_cast %add3A_267 : vector<16xf32> to vector<1x16xf32>
      tpu.vector_store %arg10[%swap3A_268, %swap3A_269], %swap3A_272 {strides = array<i32>} : memref<32x768xf32, #tpu.memory_space<vmem>>, vector<1x16xf32>,
      %get3A_273 = arith.index_cast %scan3A_49 : i32 to index
      %get3A_274 = arith.constant 256 : index
      %get3A_275 = tpu.vector_load %arg8[%get3A_273, %get3A_274] {strides = array<i32>} : memref<32x768xf32, #tpu.memory_space<vmem>>, vector<1x16xf32>,
      %get3A_276 = vector.shape_cast %get3A_275 : vector<1x16xf32> to vector<16xf32>
      %get3A_277 = arith.index_cast %scan3A_49 : i32 to index
      %get3A_278 = arith.constant 256 : index
      %get3A_279 = tpu.vector_load %arg9[%get3A_277, %get3A_278] {strides = array<i32>} : memref<32x768xf32, #tpu.memory_space<vmem>>, vector<1x16xf32>,
      %get3A_280 = vector.shape_cast %get3A_279 : vector<1x16xf32> to vector<16xf32>
      %add3A_281 = arith.addf %get3A_276, %get3A_280 : vector<16xf32>
      %swap3A_282 = arith.index_cast %scan3A_49 : i32 to index
      %swap3A_283 = arith.constant 256 : index
      %swap3A_284 = tpu.vector_load %arg10[%swap3A_282, %swap3A_283] {strides = array<i32>} : memref<32x768xf32, #tpu.memory_space<vmem>>, vector<1x16xf32>,
      %swap3A_285 = vector.shape_cast %swap3A_284 : vector<1x16xf32> to vector<16xf32>
      %swap3A_286 = vector.shape_cast %add3A_281 : vector<16xf32> to vector<1x16xf32>
      tpu.vector_store %arg10[%swap3A_282, %swap3A_283], %swap3A_286 {strides = array<i32>} : memref<32x768xf32, #tpu.memory_space<vmem>>, vector<1x16xf32>,
      %get3A_287 = arith.index_cast %scan3A_49 : i32 to index
      %get3A_288 = arith.constant 272 : index
      %get3A_289 = tpu.vector_load %arg8[%get3A_287, %get3A_288] {strides = array<i32>} : memref<32x768xf32, #tpu.memory_space<vmem>>, vector<1x16xf32>,
      %get3A_290 = vector.shape_cast %get3A_289 : vector<1x16xf32> to vector<16xf32>
      %get3A_291 = arith.index_cast %scan3A_49 : i32 to index
      %get3A_292 = arith.constant 272 : index
      %get3A_293 = tpu.vector_load %arg9[%get3A_291, %get3A_292] {strides = array<i32>} : memref<32x768xf32, #tpu.memory_space<vmem>>, vector<1x16xf32>,
      %get3A_294 = vector.shape_cast %get3A_293 : vector<1x16xf32> to vector<16xf32>
      %add3A_295 = arith.addf %get3A_290, %get3A_294 : vector<16xf32>
      %swap3A_296 = arith.index_cast %scan3A_49 : i32 to index
      %swap3A_297 = arith.constant 272 : index
      %swap3A_298 = tpu.vector_load %arg10[%swap3A_296, %swap3A_297] {strides = array<i32>} : memref<32x768xf32, #tpu.memory_space<vmem>>, vector<1x16xf32>,
      %swap3A_299 = vector.shape_cast %swap3A_298 : vector<1x16xf32> to vector<16xf32>
      %swap3A_300 = vector.shape_cast %add3A_295 : vector<16xf32> to vector<1x16xf32>
      tpu.vector_store %arg10[%swap3A_296, %swap3A_297], %swap3A_300 {strides = array<i32>} : memref<32x768xf32, #tpu.memory_space<vmem>>, vector<1x16xf32>,
      %get3A_301 = arith.index_cast %scan3A_49 : i32 to index
      %get3A_302 = arith.constant 288 : index
      %get3A_303 = tpu.vector_load %arg8[%get3A_301, %get3A_302] {strides = array<i32>} : memref<32x768xf32, #tpu.memory_space<vmem>>, vector<1x16xf32>,
      %get3A_304 = vector.shape_cast %get3A_303 : vector<1x16xf32> to vector<16xf32>
      %get3A_305 = arith.index_cast %scan3A_49 : i32 to index
      %get3A_306 = arith.constant 288 : index
      %get3A_307 = tpu.vector_load %arg9[%get3A_305, %get3A_306] {strides = array<i32>} : memref<32x768xf32, #tpu.memory_space<vmem>>, vector<1x16xf32>,
      %get3A_308 = vector.shape_cast %get3A_307 : vector<1x16xf32> to vector<16xf32>
      %add3A_309 = arith.addf %get3A_304, %get3A_308 : vector<16xf32>
      %swap3A_310 = arith.index_cast %scan3A_49 : i32 to index
      %swap3A_311 = arith.constant 288 : index
      %swap3A_312 = tpu.vector_load %arg10[%swap3A_310, %swap3A_311] {strides = array<i32>} : memref<32x768xf32, #tpu.memory_space<vmem>>, vector<1x16xf32>,
      %swap3A_313 = vector.shape_cast %swap3A_312 : vector<1x16xf32> to vector<16xf32>
      %swap3A_314 = vector.shape_cast %add3A_309 : vector<16xf32> to vector<1x16xf32>
      tpu.vector_store %arg10[%swap3A_310, %swap3A_311], %swap3A_314 {strides = array<i32>} : memref<32x768xf32, #tpu.memory_space<vmem>>, vector<1x16xf32>,
      %get3A_315 = arith.index_cast %scan3A_49 : i32 to index
      %get3A_316 = arith.constant 304 : index
      %get3A_317 = tpu.vector_load %arg8[%get3A_315, %get3A_316] {strides = array<i32>} : memref<32x768xf32, #tpu.memory_space<vmem>>, vector<1x16xf32>,
      %get3A_318 = vector.shape_cast %get3A_317 : vector<1x16xf32> to vector<16xf32>
      %get3A_319 = arith.index_cast %scan3A_49 : i32 to index
      %get3A_320 = arith.constant 304 : index
      %get3A_321 = tpu.vector_load %arg9[%get3A_319, %get3A_320] {strides = array<i32>} : memref<32x768xf32, #tpu.memory_space<vmem>>, vector<1x16xf32>,
      %get3A_322 = vector.shape_cast %get3A_321 : vector<1x16xf32> to vector<16xf32>
      %add3A_323 = arith.addf %get3A_318, %get3A_322 : vector<16xf32>
      %swap3A_324 = arith.index_cast %scan3A_49 : i32 to index
      %swap3A_325 = arith.constant 304 : index
      %swap3A_326 = tpu.vector_load %arg10[%swap3A_324, %swap3A_325] {strides = array<i32>} : memref<32x768xf32, #tpu.memory_space<vmem>>, vector<1x16xf32>,
      %swap3A_327 = vector.shape_cast %swap3A_326 : vector<1x16xf32> to vector<16xf32>
      %swap3A_328 = vector.shape_cast %add3A_323 : vector<16xf32> to vector<1x16xf32>
      tpu.vector_store %arg10[%swap3A_324, %swap3A_325], %swap3A_328 {strides = array<i32>} : memref<32x768xf32, #tpu.memory_space<vmem>>, vector<1x16xf32>,
      %get3A_329 = arith.index_cast %scan3A_49 : i32 to index
      %get3A_330 = arith.constant 320 : index
      %get3A_331 = tpu.vector_load %arg8[%get3A_329, %get3A_330] {strides = array<i32>} : memref<32x768xf32, #tpu.memory_space<vmem>>, vector<1x16xf32>,
      %get3A_332 = vector.shape_cast %get3A_331 : vector<1x16xf32> to vector<16xf32>
      %get3A_333 = arith.index_cast %scan3A_49 : i32 to index
      %get3A_334 = arith.constant 320 : index
      %get3A_335 = tpu.vector_load %arg9[%get3A_333, %get3A_334] {strides = array<i32>} : memref<32x768xf32, #tpu.memory_space<vmem>>, vector<1x16xf32>,
      %get3A_336 = vector.shape_cast %get3A_335 : vector<1x16xf32> to vector<16xf32>
      %add3A_337 = arith.addf %get3A_332, %get3A_336 : vector<16xf32>
      %swap3A_338 = arith.index_cast %scan3A_49 : i32 to index
      %swap3A_339 = arith.constant 320 : index
      %swap3A_340 = tpu.vector_load %arg10[%swap3A_338, %swap3A_339] {strides = array<i32>} : memref<32x768xf32, #tpu.memory_space<vmem>>, vector<1x16xf32>,
      %swap3A_341 = vector.shape_cast %swap3A_340 : vector<1x16xf32> to vector<16xf32>
      %swap3A_342 = vector.shape_cast %add3A_337 : vector<16xf32> to vector<1x16xf32>
      tpu.vector_store %arg10[%swap3A_338, %swap3A_339], %swap3A_342 {strides = array<i32>} : memref<32x768xf32, #tpu.memory_space<vmem>>, vector<1x16xf32>,
      %get3A_343 = arith.index_cast %scan3A_49 : i32 to index
      %get3A_344 = arith.constant 336 : index
      %get3A_345 = tpu.vector_load %arg8[%get3A_343, %get3A_344] {strides = array<i32>} : memref<32x768xf32, #tpu.memory_space<vmem>>, vector<1x16xf32>,
      %get3A_346 = vector.shape_cast %get3A_345 : vector<1x16xf32> to vector<16xf32>
      %get3A_347 = arith.index_cast %scan3A_49 : i32 to index
      %get3A_348 = arith.constant 336 : index
      %get3A_349 = tpu.vector_load %arg9[%get3A_347, %get3A_348] {strides = array<i32>} : memref<32x768xf32, #tpu.memory_space<vmem>>, vector<1x16xf32>,
      %get3A_350 = vector.shape_cast %get3A_349 : vector<1x16xf32> to vector<16xf32>
      %add3A_351 = arith.addf %get3A_346, %get3A_350 : vector<16xf32>
      %swap3A_352 = arith.index_cast %scan3A_49 : i32 to index
      %swap3A_353 = arith.constant 336 : index
      %swap3A_354 = tpu.vector_load %arg10[%swap3A_352, %swap3A_353] {strides = array<i32>} : memref<32x768xf32, #tpu.memory_space<vmem>>, vector<1x16xf32>,
      %swap3A_355 = vector.shape_cast %swap3A_354 : vector<1x16xf32> to vector<16xf32>
      %swap3A_356 = vector.shape_cast %add3A_351 : vector<16xf32> to vector<1x16xf32>
      tpu.vector_store %arg10[%swap3A_352, %swap3A_353], %swap3A_356 {strides = array<i32>} : memref<32x768xf32, #tpu.memory_space<vmem>>, vector<1x16xf32>,
      %get3A_357 = arith.index_cast %scan3A_49 : i32 to index
      %get3A_358 = arith.constant 352 : index
      %get3A_359 = tpu.vector_load %arg8[%get3A_357, %get3A_358] {strides = array<i32>} : memref<32x768xf32, #tpu.memory_space<vmem>>, vector<1x16xf32>,
      %get3A_360 = vector.shape_cast %get3A_359 : vector<1x16xf32> to vector<16xf32>
      %get3A_361 = arith.index_cast %scan3A_49 : i32 to index
      %get3A_362 = arith.constant 352 : index
      %get3A_363 = tpu.vector_load %arg9[%get3A_361, %get3A_362] {strides = array<i32>} : memref<32x768xf32, #tpu.memory_space<vmem>>, vector<1x16xf32>,
      %get3A_364 = vector.shape_cast %get3A_363 : vector<1x16xf32> to vector<16xf32>
      %add3A_365 = arith.addf %get3A_360, %get3A_364 : vector<16xf32>
      %swap3A_366 = arith.index_cast %scan3A_49 : i32 to index
      %swap3A_367 = arith.constant 352 : index
      %swap3A_368 = tpu.vector_load %arg10[%swap3A_366, %swap3A_367] {strides = array<i32>} : memref<32x768xf32, #tpu.memory_space<vmem>>, vector<1x16xf32>,
      %swap3A_369 = vector.shape_cast %swap3A_368 : vector<1x16xf32> to vector<16xf32>
      %swap3A_370 = vector.shape_cast %add3A_365 : vector<16xf32> to vector<1x16xf32>
      tpu.vector_store %arg10[%swap3A_366, %swap3A_367], %swap3A_370 {strides = array<i32>} : memref<32x768xf32, #tpu.memory_space<vmem>>, vector<1x16xf32>,
      %get3A_371 = arith.index_cast %scan3A_49 : i32 to index
      %get3A_372 = arith.constant 368 : index
      %get3A_373 = tpu.vector_load %arg8[%get3A_371, %get3A_372] {strides = array<i32>} : memref<32x768xf32, #tpu.memory_space<vmem>>, vector<1x16xf32>,
      %get3A_374 = vector.shape_cast %get3A_373 : vector<1x16xf32> to vector<16xf32>
      %get3A_375 = arith.index_cast %scan3A_49 : i32 to index
      %get3A_376 = arith.constant 368 : index
      %get3A_377 = tpu.vector_load %arg9[%get3A_375, %get3A_376] {strides = array<i32>} : memref<32x768xf32, #tpu.memory_space<vmem>>, vector<1x16xf32>,
      %get3A_378 = vector.shape_cast %get3A_377 : vector<1x16xf32> to vector<16xf32>
      %add3A_379 = arith.addf %get3A_374, %get3A_378 : vector<16xf32>
      %swap3A_380 = arith.index_cast %scan3A_49 : i32 to index
      %swap3A_381 = arith.constant 368 : index
      %swap3A_382 = tpu.vector_load %arg10[%swap3A_380, %swap3A_381] {strides = array<i32>} : memref<32x768xf32, #tpu.memory_space<vmem>>, vector<1x16xf32>,
      %swap3A_383 = vector.shape_cast %swap3A_382 : vector<1x16xf32> to vector<16xf32>
      %swap3A_384 = vector.shape_cast %add3A_379 : vector<16xf32> to vector<1x16xf32>
      tpu.vector_store %arg10[%swap3A_380, %swap3A_381], %swap3A_384 {strides = array<i32>} : memref<32x768xf32, #tpu.memory_space<vmem>>, vector<1x16xf32>,
      %get3A_385 = arith.index_cast %scan3A_49 : i32 to index
      %get3A_386 = arith.constant 384 : index
      %get3A_387 = tpu.vector_load %arg8[%get3A_385, %get3A_386] {strides = array<i32>} : memref<32x768xf32, #tpu.memory_space<vmem>>, vector<1x16xf32>,
      %get3A_388 = vector.shape_cast %get3A_387 : vector<1x16xf32> to vector<16xf32>
      %get3A_389 = arith.index_cast %scan3A_49 : i32 to index
      %get3A_390 = arith.constant 384 : index
      %get3A_391 = tpu.vector_load %arg9[%get3A_389, %get3A_390] {strides = array<i32>} : memref<32x768xf32, #tpu.memory_space<vmem>>, vector<1x16xf32>,
      %get3A_392 = vector.shape_cast %get3A_391 : vector<1x16xf32> to vector<16xf32>
      %add3A_393 = arith.addf %get3A_388, %get3A_392 : vector<16xf32>
      %swap3A_394 = arith.index_cast %scan3A_49 : i32 to index
      %swap3A_395 = arith.constant 384 : index
      %swap3A_396 = tpu.vector_load %arg10[%swap3A_394, %swap3A_395] {strides = array<i32>} : memref<32x768xf32, #tpu.memory_space<vmem>>, vector<1x16xf32>,
      %swap3A_397 = vector.shape_cast %swap3A_396 : vector<1x16xf32> to vector<16xf32>
      %swap3A_398 = vector.shape_cast %add3A_393 : vector<16xf32> to vector<1x16xf32>
      tpu.vector_store %arg10[%swap3A_394, %swap3A_395], %swap3A_398 {strides = array<i32>} : memref<32x768xf32, #tpu.memory_space<vmem>>, vector<1x16xf32>,
      %get3A_399 = arith.index_cast %scan3A_49 : i32 to index
      %get3A_400 = arith.constant 400 : index
      %get3A_401 = tpu.vector_load %arg8[%get3A_399, %get3A_400] {strides = array<i32>} : memref<32x768xf32, #tpu.memory_space<vmem>>, vector<1x16xf32>,
      %get3A_402 = vector.shape_cast %get3A_401 : vector<1x16xf32> to vector<16xf32>
      %get3A_403 = arith.index_cast %scan3A_49 : i32 to index
      %get3A_404 = arith.constant 400 : index
      %get3A_405 = tpu.vector_load %arg9[%get3A_403, %get3A_404] {strides = array<i32>} : memref<32x768xf32, #tpu.memory_space<vmem>>, vector<1x16xf32>,
      %get3A_406 = vector.shape_cast %get3A_405 : vector<1x16xf32> to vector<16xf32>
      %add3A_407 = arith.addf %get3A_402, %get3A_406 : vector<16xf32>
      %swap3A_408 = arith.index_cast %scan3A_49 : i32 to index
      %swap3A_409 = arith.constant 400 : index
      %swap3A_410 = tpu.vector_load %arg10[%swap3A_408, %swap3A_409] {strides = array<i32>} : memref<32x768xf32, #tpu.memory_space<vmem>>, vector<1x16xf32>,
      %swap3A_411 = vector.shape_cast %swap3A_410 : vector<1x16xf32> to vector<16xf32>
      %swap3A_412 = vector.shape_cast %add3A_407 : vector<16xf32> to vector<1x16xf32>
      tpu.vector_store %arg10[%swap3A_408, %swap3A_409], %swap3A_412 {strides = array<i32>} : memref<32x768xf32, #tpu.memory_space<vmem>>, vector<1x16xf32>,
      %get3A_413 = arith.index_cast %scan3A_49 : i32 to index
      %get3A_414 = arith.constant 416 : index
      %get3A_415 = tpu.vector_load %arg8[%get3A_413, %get3A_414] {strides = array<i32>} : memref<32x768xf32, #tpu.memory_space<vmem>>, vector<1x16xf32>,
      %get3A_416 = vector.shape_cast %get3A_415 : vector<1x16xf32> to vector<16xf32>
      %get3A_417 = arith.index_cast %scan3A_49 : i32 to index
      %get3A_418 = arith.constant 416 : index
      %get3A_419 = tpu.vector_load %arg9[%get3A_417, %get3A_418] {strides = array<i32>} : memref<32x768xf32, #tpu.memory_space<vmem>>, vector<1x16xf32>,
      %get3A_420 = vector.shape_cast %get3A_419 : vector<1x16xf32> to vector<16xf32>
      %add3A_421 = arith.addf %get3A_416, %get3A_420 : vector<16xf32>
      %swap3A_422 = arith.index_cast %scan3A_49 : i32 to index
      %swap3A_423 = arith.constant 416 : index
      %swap3A_424 = tpu.vector_load %arg10[%swap3A_422, %swap3A_423] {strides = array<i32>} : memref<32x768xf32, #tpu.memory_space<vmem>>, vector<1x16xf32>,
      %swap3A_425 = vector.shape_cast %swap3A_424 : vector<1x16xf32> to vector<16xf32>
      %swap3A_426 = vector.shape_cast %add3A_421 : vector<16xf32> to vector<1x16xf32>
      tpu.vector_store %arg10[%swap3A_422, %swap3A_423], %swap3A_426 {strides = array<i32>} : memref<32x768xf32, #tpu.memory_space<vmem>>, vector<1x16xf32>,
      %get3A_427 = arith.index_cast %scan3A_49 : i32 to index
      %get3A_428 = arith.constant 432 : index
      %get3A_429 = tpu.vector_load %arg8[%get3A_427, %get3A_428] {strides = array<i32>} : memref<32x768xf32, #tpu.memory_space<vmem>>, vector<1x16xf32>,
      %get3A_430 = vector.shape_cast %get3A_429 : vector<1x16xf32> to vector<16xf32>
      %get3A_431 = arith.index_cast %scan3A_49 : i32 to index
      %get3A_432 = arith.constant 432 : index
      %get3A_433 = tpu.vector_load %arg9[%get3A_431, %get3A_432] {strides = array<i32>} : memref<32x768xf32, #tpu.memory_space<vmem>>, vector<1x16xf32>,
      %get3A_434 = vector.shape_cast %get3A_433 : vector<1x16xf32> to vector<16xf32>
      %add3A_435 = arith.addf %get3A_430, %get3A_434 : vector<16xf32>
      %swap3A_436 = arith.index_cast %scan3A_49 : i32 to index
      %swap3A_437 = arith.constant 432 : index
      %swap3A_438 = tpu.vector_load %arg10[%swap3A_436, %swap3A_437] {strides = array<i32>} : memref<32x768xf32, #tpu.memory_space<vmem>>, vector<1x16xf32>,
      %swap3A_439 = vector.shape_cast %swap3A_438 : vector<1x16xf32> to vector<16xf32>
      %swap3A_440 = vector.shape_cast %add3A_435 : vector<16xf32> to vector<1x16xf32>
      tpu.vector_store %arg10[%swap3A_436, %swap3A_437], %swap3A_440 {strides = array<i32>} : memref<32x768xf32, #tpu.memory_space<vmem>>, vector<1x16xf32>,
      %get3A_441 = arith.index_cast %scan3A_49 : i32 to index
      %get3A_442 = arith.constant 448 : index
      %get3A_443 = tpu.vector_load %arg8[%get3A_441, %get3A_442] {strides = array<i32>} : memref<32x768xf32, #tpu.memory_space<vmem>>, vector<1x16xf32>,
      %get3A_444 = vector.shape_cast %get3A_443 : vector<1x16xf32> to vector<16xf32>
      %get3A_445 = arith.index_cast %scan3A_49 : i32 to index
      %get3A_446 = arith.constant 448 : index
      %get3A_447 = tpu.vector_load %arg9[%get3A_445, %get3A_446] {strides = array<i32>} : memref<32x768xf32, #tpu.memory_space<vmem>>, vector<1x16xf32>,
      %get3A_448 = vector.shape_cast %get3A_447 : vector<1x16xf32> to vector<16xf32>
      %add3A_449 = arith.addf %get3A_444, %get3A_448 : vector<16xf32>
      %swap3A_450 = arith.index_cast %scan3A_49 : i32 to index
      %swap3A_451 = arith.constant 448 : index
      %swap3A_452 = tpu.vector_load %arg10[%swap3A_450, %swap3A_451] {strides = array<i32>} : memref<32x768xf32, #tpu.memory_space<vmem>>, vector<1x16xf32>,
      %swap3A_453 = vector.shape_cast %swap3A_452 : vector<1x16xf32> to vector<16xf32>
      %swap3A_454 = vector.shape_cast %add3A_449 : vector<16xf32> to vector<1x16xf32>
      tpu.vector_store %arg10[%swap3A_450, %swap3A_451], %swap3A_454 {strides = array<i32>} : memref<32x768xf32, #tpu.memory_space<vmem>>, vector<1x16xf32>,
      %get3A_455 = arith.index_cast %scan3A_49 : i32 to index
      %get3A_456 = arith.constant 464 : index
      %get3A_457 = tpu.vector_load %arg8[%get3A_455, %get3A_456] {strides = array<i32>} : memref<32x768xf32, #tpu.memory_space<vmem>>, vector<1x16xf32>,
      %get3A_458 = vector.shape_cast %get3A_457 : vector<1x16xf32> to vector<16xf32>
      %get3A_459 = arith.index_cast %scan3A_49 : i32 to index
      %get3A_460 = arith.constant 464 : index
      %get3A_461 = tpu.vector_load %arg9[%get3A_459, %get3A_460] {strides = array<i32>} : memref<32x768xf32, #tpu.memory_space<vmem>>, vector<1x16xf32>,
      %get3A_462 = vector.shape_cast %get3A_461 : vector<1x16xf32> to vector<16xf32>
      %add3A_463 = arith.addf %get3A_458, %get3A_462 : vector<16xf32>
      %swap3A_464 = arith.index_cast %scan3A_49 : i32 to index
      %swap3A_465 = arith.constant 464 : index
      %swap3A_466 = tpu.vector_load %arg10[%swap3A_464, %swap3A_465] {strides = array<i32>} : memref<32x768xf32, #tpu.memory_space<vmem>>, vector<1x16xf32>,
      %swap3A_467 = vector.shape_cast %swap3A_466 : vector<1x16xf32> to vector<16xf32>
      %swap3A_468 = vector.shape_cast %add3A_463 : vector<16xf32> to vector<1x16xf32>
      tpu.vector_store %arg10[%swap3A_464, %swap3A_465], %swap3A_468 {strides = array<i32>} : memref<32x768xf32, #tpu.memory_space<vmem>>, vector<1x16xf32>,
      %get3A_469 = arith.index_cast %scan3A_49 : i32 to index
      %get3A_470 = arith.constant 480 : index
      %get3A_471 = tpu.vector_load %arg8[%get3A_469, %get3A_470] {strides = array<i32>} : memref<32x768xf32, #tpu.memory_space<vmem>>, vector<1x16xf32>,
      %get3A_472 = vector.shape_cast %get3A_471 : vector<1x16xf32> to vector<16xf32>
      %get3A_473 = arith.index_cast %scan3A_49 : i32 to index
      %get3A_474 = arith.constant 480 : index
      %get3A_475 = tpu.vector_load %arg9[%get3A_473, %get3A_474] {strides = array<i32>} : memref<32x768xf32, #tpu.memory_space<vmem>>, vector<1x16xf32>,
      %get3A_476 = vector.shape_cast %get3A_475 : vector<1x16xf32> to vector<16xf32>
      %add3A_477 = arith.addf %get3A_472, %get3A_476 : vector<16xf32>
      %swap3A_478 = arith.index_cast %scan3A_49 : i32 to index
      %swap3A_479 = arith.constant 480 : index
      %swap3A_480 = tpu.vector_load %arg10[%swap3A_478, %swap3A_479] {strides = array<i32>} : memref<32x768xf32, #tpu.memory_space<vmem>>, vector<1x16xf32>,
      %swap3A_481 = vector.shape_cast %swap3A_480 : vector<1x16xf32> to vector<16xf32>
      %swap3A_482 = vector.shape_cast %add3A_477 : vector<16xf32> to vector<1x16xf32>
      tpu.vector_store %arg10[%swap3A_478, %swap3A_479], %swap3A_482 {strides = array<i32>} : memref<32x768xf32, #tpu.memory_space<vmem>>, vector<1x16xf32>,
      %get3A_483 = arith.index_cast %scan3A_49 : i32 to index
      %get3A_484 = arith.constant 496 : index
      %get3A_485 = tpu.vector_load %arg8[%get3A_483, %get3A_484] {strides = array<i32>} : memref<32x768xf32, #tpu.memory_space<vmem>>, vector<1x16xf32>,
      %get3A_486 = vector.shape_cast %get3A_485 : vector<1x16xf32> to vector<16xf32>
      %get3A_487 = arith.index_cast %scan3A_49 : i32 to index
      %get3A_488 = arith.constant 496 : index
      %get3A_489 = tpu.vector_load %arg9[%get3A_487, %get3A_488] {strides = array<i32>} : memref<32x768xf32, #tpu.memory_space<vmem>>, vector<1x16xf32>,
      %get3A_490 = vector.shape_cast %get3A_489 : vector<1x16xf32> to vector<16xf32>
      %add3A_491 = arith.addf %get3A_486, %get3A_490 : vector<16xf32>
      %swap3A_492 = arith.index_cast %scan3A_49 : i32 to index
      %swap3A_493 = arith.constant 496 : index
      %swap3A_494 = tpu.vector_load %arg10[%swap3A_492, %swap3A_493] {strides = array<i32>} : memref<32x768xf32, #tpu.memory_space<vmem>>, vector<1x16xf32>,
      %swap3A_495 = vector.shape_cast %swap3A_494 : vector<1x16xf32> to vector<16xf32>
      %swap3A_496 = vector.shape_cast %add3A_491 : vector<16xf32> to vector<1x16xf32>
      tpu.vector_store %arg10[%swap3A_492, %swap3A_493], %swap3A_496 {strides = array<i32>} : memref<32x768xf32, #tpu.memory_space<vmem>>, vector<1x16xf32>,
      %get3A_497 = arith.index_cast %scan3A_49 : i32 to index
      %get3A_498 = arith.constant 512 : index
      %get3A_499 = tpu.vector_load %arg8[%get3A_497, %get3A_498] {strides = array<i32>} : memref<32x768xf32, #tpu.memory_space<vmem>>, vector<1x16xf32>,
      %get3A_500 = vector.shape_cast %get3A_499 : vector<1x16xf32> to vector<16xf32>
      %get3A_501 = arith.index_cast %scan3A_49 : i32 to index
      %get3A_502 = arith.constant 512 : index
      %get3A_503 = tpu.vector_load %arg9[%get3A_501, %get3A_502] {strides = array<i32>} : memref<32x768xf32, #tpu.memory_space<vmem>>, vector<1x16xf32>,
      %get3A_504 = vector.shape_cast %get3A_503 : vector<1x16xf32> to vector<16xf32>
      %add3A_505 = arith.addf %get3A_500, %get3A_504 : vector<16xf32>
      %swap3A_506 = arith.index_cast %scan3A_49 : i32 to index
      %swap3A_507 = arith.constant 512 : index
      %swap3A_508 = tpu.vector_load %arg10[%swap3A_506, %swap3A_507] {strides = array<i32>} : memref<32x768xf32, #tpu.memory_space<vmem>>, vector<1x16xf32>,
      %swap3A_509 = vector.shape_cast %swap3A_508 : vector<1x16xf32> to vector<16xf32>
      %swap3A_510 = vector.shape_cast %add3A_505 : vector<16xf32> to vector<1x16xf32>
      tpu.vector_store %arg10[%swap3A_506, %swap3A_507], %swap3A_510 {strides = array<i32>} : memref<32x768xf32, #tpu.memory_space<vmem>>, vector<1x16xf32>,
      %get3A_511 = arith.index_cast %scan3A_49 : i32 to index
      %get3A_512 = arith.constant 528 : index
      %get3A_513 = tpu.vector_load %arg8[%get3A_511, %get3A_512] {strides = array<i32>} : memref<32x768xf32, #tpu.memory_space<vmem>>, vector<1x16xf32>,
      %get3A_514 = vector.shape_cast %get3A_513 : vector<1x16xf32> to vector<16xf32>
      %get3A_515 = arith.index_cast %scan3A_49 : i32 to index
      %get3A_516 = arith.constant 528 : index
      %get3A_517 = tpu.vector_load %arg9[%get3A_515, %get3A_516] {strides = array<i32>} : memref<32x768xf32, #tpu.memory_space<vmem>>, vector<1x16xf32>,
      %get3A_518 = vector.shape_cast %get3A_517 : vector<1x16xf32> to vector<16xf32>
      %add3A_519 = arith.addf %get3A_514, %get3A_518 : vector<16xf32>
      %swap3A_520 = arith.index_cast %scan3A_49 : i32 to index
      %swap3A_521 = arith.constant 528 : index
      %swap3A_522 = tpu.vector_load %arg10[%swap3A_520, %swap3A_521] {strides = array<i32>} : memref<32x768xf32, #tpu.memory_space<vmem>>, vector<1x16xf32>,
      %swap3A_523 = vector.shape_cast %swap3A_522 : vector<1x16xf32> to vector<16xf32>
      %swap3A_524 = vector.shape_cast %add3A_519 : vector<16xf32> to vector<1x16xf32>
      tpu.vector_store %arg10[%swap3A_520, %swap3A_521], %swap3A_524 {strides = array<i32>} : memref<32x768xf32, #tpu.memory_space<vmem>>, vector<1x16xf32>,
      %get3A_525 = arith.index_cast %scan3A_49 : i32 to index
      %get3A_526 = arith.constant 544 : index
      %get3A_527 = tpu.vector_load %arg8[%get3A_525, %get3A_526] {strides = array<i32>} : memref<32x768xf32, #tpu.memory_space<vmem>>, vector<1x16xf32>,
      %get3A_528 = vector.shape_cast %get3A_527 : vector<1x16xf32> to vector<16xf32>
      %get3A_529 = arith.index_cast %scan3A_49 : i32 to index
      %get3A_530 = arith.constant 544 : index
      %get3A_531 = tpu.vector_load %arg9[%get3A_529, %get3A_530] {strides = array<i32>} : memref<32x768xf32, #tpu.memory_space<vmem>>, vector<1x16xf32>,
      %get3A_532 = vector.shape_cast %get3A_531 : vector<1x16xf32> to vector<16xf32>
      %add3A_533 = arith.addf %get3A_528, %get3A_532 : vector<16xf32>
      %swap3A_534 = arith.index_cast %scan3A_49 : i32 to index
      %swap3A_535 = arith.constant 544 : index
      %swap3A_536 = tpu.vector_load %arg10[%swap3A_534, %swap3A_535] {strides = array<i32>} : memref<32x768xf32, #tpu.memory_space<vmem>>, vector<1x16xf32>,
      %swap3A_537 = vector.shape_cast %swap3A_536 : vector<1x16xf32> to vector<16xf32>
      %swap3A_538 = vector.shape_cast %add3A_533 : vector<16xf32> to vector<1x16xf32>
      tpu.vector_store %arg10[%swap3A_534, %swap3A_535], %swap3A_538 {strides = array<i32>} : memref<32x768xf32, #tpu.memory_space<vmem>>, vector<1x16xf32>,
      %get3A_539 = arith.index_cast %scan3A_49 : i32 to index
      %get3A_540 = arith.constant 560 : index
      %get3A_541 = tpu.vector_load %arg8[%get3A_539, %get3A_540] {strides = array<i32>} : memref<32x768xf32, #tpu.memory_space<vmem>>, vector<1x16xf32>,
      %get3A_542 = vector.shape_cast %get3A_541 : vector<1x16xf32> to vector<16xf32>
      %get3A_543 = arith.index_cast %scan3A_49 : i32 to index
      %get3A_544 = arith.constant 560 : index
      %get3A_545 = tpu.vector_load %arg9[%get3A_543, %get3A_544] {strides = array<i32>} : memref<32x768xf32, #tpu.memory_space<vmem>>, vector<1x16xf32>,
      %get3A_546 = vector.shape_cast %get3A_545 : vector<1x16xf32> to vector<16xf32>
      %add3A_547 = arith.addf %get3A_542, %get3A_546 : vector<16xf32>
      %swap3A_548 = arith.index_cast %scan3A_49 : i32 to index
      %swap3A_549 = arith.constant 560 : index
      %swap3A_550 = tpu.vector_load %arg10[%swap3A_548, %swap3A_549] {strides = array<i32>} : memref<32x768xf32, #tpu.memory_space<vmem>>, vector<1x16xf32>,
      %swap3A_551 = vector.shape_cast %swap3A_550 : vector<1x16xf32> to vector<16xf32>
      %swap3A_552 = vector.shape_cast %add3A_547 : vector<16xf32> to vector<1x16xf32>
      tpu.vector_store %arg10[%swap3A_548, %swap3A_549], %swap3A_552 {strides = array<i32>} : memref<32x768xf32, #tpu.memory_space<vmem>>, vector<1x16xf32>,
      %get3A_553 = arith.index_cast %scan3A_49 : i32 to index
      %get3A_554 = arith.constant 576 : index
      %get3A_555 = tpu.vector_load %arg8[%get3A_553, %get3A_554] {strides = array<i32>} : memref<32x768xf32, #tpu.memory_space<vmem>>, vector<1x16xf32>,
      %get3A_556 = vector.shape_cast %get3A_555 : vector<1x16xf32> to vector<16xf32>
      %get3A_557 = arith.index_cast %scan3A_49 : i32 to index
      %get3A_558 = arith.constant 576 : index
      %get3A_559 = tpu.vector_load %arg9[%get3A_557, %get3A_558] {strides = array<i32>} : memref<32x768xf32, #tpu.memory_space<vmem>>, vector<1x16xf32>,
      %get3A_560 = vector.shape_cast %get3A_559 : vector<1x16xf32> to vector<16xf32>
      %add3A_561 = arith.addf %get3A_556, %get3A_560 : vector<16xf32>
      %swap3A_562 = arith.index_cast %scan3A_49 : i32 to index
      %swap3A_563 = arith.constant 576 : index
      %swap3A_564 = tpu.vector_load %arg10[%swap3A_562, %swap3A_563] {strides = array<i32>} : memref<32x768xf32, #tpu.memory_space<vmem>>, vector<1x16xf32>,
      %swap3A_565 = vector.shape_cast %swap3A_564 : vector<1x16xf32> to vector<16xf32>
      %swap3A_566 = vector.shape_cast %add3A_561 : vector<16xf32> to vector<1x16xf32>
      tpu.vector_store %arg10[%swap3A_562, %swap3A_563], %swap3A_566 {strides = array<i32>} : memref<32x768xf32, #tpu.memory_space<vmem>>, vector<1x16xf32>,
      %get3A_567 = arith.index_cast %scan3A_49 : i32 to index
      %get3A_568 = arith.constant 592 : index
      %get3A_569 = tpu.vector_load %arg8[%get3A_567, %get3A_568] {strides = array<i32>} : memref<32x768xf32, #tpu.memory_space<vmem>>, vector<1x16xf32>,
      %get3A_570 = vector.shape_cast %get3A_569 : vector<1x16xf32> to vector<16xf32>
      %get3A_571 = arith.index_cast %scan3A_49 : i32 to index
      %get3A_572 = arith.constant 592 : index
      %get3A_573 = tpu.vector_load %arg9[%get3A_571, %get3A_572] {strides = array<i32>} : memref<32x768xf32, #tpu.memory_space<vmem>>, vector<1x16xf32>,
      %get3A_574 = vector.shape_cast %get3A_573 : vector<1x16xf32> to vector<16xf32>
      %add3A_575 = arith.addf %get3A_570, %get3A_574 : vector<16xf32>
      %swap3A_576 = arith.index_cast %scan3A_49 : i32 to index
      %swap3A_577 = arith.constant 592 : index
      %swap3A_578 = tpu.vector_load %arg10[%swap3A_576, %swap3A_577] {strides = array<i32>} : memref<32x768xf32, #tpu.memory_space<vmem>>, vector<1x16xf32>,
      %swap3A_579 = vector.shape_cast %swap3A_578 : vector<1x16xf32> to vector<16xf32>
      %swap3A_580 = vector.shape_cast %add3A_575 : vector<16xf32> to vector<1x16xf32>
      tpu.vector_store %arg10[%swap3A_576, %swap3A_577], %swap3A_580 {strides = array<i32>} : memref<32x768xf32, #tpu.memory_space<vmem>>, vector<1x16xf32>,
      %get3A_581 = arith.index_cast %scan3A_49 : i32 to index
      %get3A_582 = arith.constant 608 : index
      %get3A_583 = tpu.vector_load %arg8[%get3A_581, %get3A_582] {strides = array<i32>} : memref<32x768xf32, #tpu.memory_space<vmem>>, vector<1x16xf32>,
      %get3A_584 = vector.shape_cast %get3A_583 : vector<1x16xf32> to vector<16xf32>
      %get3A_585 = arith.index_cast %scan3A_49 : i32 to index
      %get3A_586 = arith.constant 608 : index
      %get3A_587 = tpu.vector_load %arg9[%get3A_585, %get3A_586] {strides = array<i32>} : memref<32x768xf32, #tpu.memory_space<vmem>>, vector<1x16xf32>,
      %get3A_588 = vector.shape_cast %get3A_587 : vector<1x16xf32> to vector<16xf32>
      %add3A_589 = arith.addf %get3A_584, %get3A_588 : vector<16xf32>
      %swap3A_590 = arith.index_cast %scan3A_49 : i32 to index
      %swap3A_591 = arith.constant 608 : index
      %swap3A_592 = tpu.vector_load %arg10[%swap3A_590, %swap3A_591] {strides = array<i32>} : memref<32x768xf32, #tpu.memory_space<vmem>>, vector<1x16xf32>,
      %swap3A_593 = vector.shape_cast %swap3A_592 : vector<1x16xf32> to vector<16xf32>
      %swap3A_594 = vector.shape_cast %add3A_589 : vector<16xf32> to vector<1x16xf32>
      tpu.vector_store %arg10[%swap3A_590, %swap3A_591], %swap3A_594 {strides = array<i32>} : memref<32x768xf32, #tpu.memory_space<vmem>>, vector<1x16xf32>,
      %get3A_595 = arith.index_cast %scan3A_49 : i32 to index
      %get3A_596 = arith.constant 624 : index
      %get3A_597 = tpu.vector_load %arg8[%get3A_595, %get3A_596] {strides = array<i32>} : memref<32x768xf32, #tpu.memory_space<vmem>>, vector<1x16xf32>,
      %get3A_598 = vector.shape_cast %get3A_597 : vector<1x16xf32> to vector<16xf32>
      %get3A_599 = arith.index_cast %scan3A_49 : i32 to index
      %get3A_600 = arith.constant 624 : index
      %get3A_601 = tpu.vector_load %arg9[%get3A_599, %get3A_600] {strides = array<i32>} : memref<32x768xf32, #tpu.memory_space<vmem>>, vector<1x16xf32>,
      %get3A_602 = vector.shape_cast %get3A_601 : vector<1x16xf32> to vector<16xf32>
      %add3A_603 = arith.addf %get3A_598, %get3A_602 : vector<16xf32>
      %swap3A_604 = arith.index_cast %scan3A_49 : i32 to index
      %swap3A_605 = arith.constant 624 : index
      %swap3A_606 = tpu.vector_load %arg10[%swap3A_604, %swap3A_605] {strides = array<i32>} : memref<32x768xf32, #tpu.memory_space<vmem>>, vector<1x16xf32>,
      %swap3A_607 = vector.shape_cast %swap3A_606 : vector<1x16xf32> to vector<16xf32>
      %swap3A_608 = vector.shape_cast %add3A_603 : vector<16xf32> to vector<1x16xf32>
      tpu.vector_store %arg10[%swap3A_604, %swap3A_605], %swap3A_608 {strides = array<i32>} : memref<32x768xf32, #tpu.memory_space<vmem>>, vector<1x16xf32>,
      %get3A_609 = arith.index_cast %scan3A_49 : i32 to index
      %get3A_610 = arith.constant 640 : index
      %get3A_611 = tpu.vector_load %arg8[%get3A_609, %get3A_610] {strides = array<i32>} : memref<32x768xf32, #tpu.memory_space<vmem>>, vector<1x16xf32>,
      %get3A_612 = vector.shape_cast %get3A_611 : vector<1x16xf32> to vector<16xf32>
      %get3A_613 = arith.index_cast %scan3A_49 : i32 to index
      %get3A_614 = arith.constant 640 : index
      %get3A_615 = tpu.vector_load %arg9[%get3A_613, %get3A_614] {strides = array<i32>} : memref<32x768xf32, #tpu.memory_space<vmem>>, vector<1x16xf32>,
      %get3A_616 = vector.shape_cast %get3A_615 : vector<1x16xf32> to vector<16xf32>
      %add3A_617 = arith.addf %get3A_612, %get3A_616 : vector<16xf32>
      %swap3A_618 = arith.index_cast %scan3A_49 : i32 to index
      %swap3A_619 = arith.constant 640 : index
      %swap3A_620 = tpu.vector_load %arg10[%swap3A_618, %swap3A_619] {strides = array<i32>} : memref<32x768xf32, #tpu.memory_space<vmem>>, vector<1x16xf32>,
      %swap3A_621 = vector.shape_cast %swap3A_620 : vector<1x16xf32> to vector<16xf32>
      %swap3A_622 = vector.shape_cast %add3A_617 : vector<16xf32> to vector<1x16xf32>
      tpu.vector_store %arg10[%swap3A_618, %swap3A_619], %swap3A_622 {strides = array<i32>} : memref<32x768xf32, #tpu.memory_space<vmem>>, vector<1x16xf32>,
      %get3A_623 = arith.index_cast %scan3A_49 : i32 to index
      %get3A_624 = arith.constant 656 : index
      %get3A_625 = tpu.vector_load %arg8[%get3A_623, %get3A_624] {strides = array<i32>} : memref<32x768xf32, #tpu.memory_space<vmem>>, vector<1x16xf32>,
      %get3A_626 = vector.shape_cast %get3A_625 : vector<1x16xf32> to vector<16xf32>
      %get3A_627 = arith.index_cast %scan3A_49 : i32 to index
      %get3A_628 = arith.constant 656 : index
      %get3A_629 = tpu.vector_load %arg9[%get3A_627, %get3A_628] {strides = array<i32>} : memref<32x768xf32, #tpu.memory_space<vmem>>, vector<1x16xf32>,
      %get3A_630 = vector.shape_cast %get3A_629 : vector<1x16xf32> to vector<16xf32>
      %add3A_631 = arith.addf %get3A_626, %get3A_630 : vector<16xf32>
      %swap3A_632 = arith.index_cast %scan3A_49 : i32 to index
      %swap3A_633 = arith.constant 656 : index
      %swap3A_634 = tpu.vector_load %arg10[%swap3A_632, %swap3A_633] {strides = array<i32>} : memref<32x768xf32, #tpu.memory_space<vmem>>, vector<1x16xf32>,
      %swap3A_635 = vector.shape_cast %swap3A_634 : vector<1x16xf32> to vector<16xf32>
      %swap3A_636 = vector.shape_cast %add3A_631 : vector<16xf32> to vector<1x16xf32>
      tpu.vector_store %arg10[%swap3A_632, %swap3A_633], %swap3A_636 {strides = array<i32>} : memref<32x768xf32, #tpu.memory_space<vmem>>, vector<1x16xf32>,
      %get3A_637 = arith.index_cast %scan3A_49 : i32 to index
      %get3A_638 = arith.constant 672 : index
      %get3A_639 = tpu.vector_load %arg8[%get3A_637, %get3A_638] {strides = array<i32>} : memref<32x768xf32, #tpu.memory_space<vmem>>, vector<1x16xf32>,
      %get3A_640 = vector.shape_cast %get3A_639 : vector<1x16xf32> to vector<16xf32>
      %get3A_641 = arith.index_cast %scan3A_49 : i32 to index
      %get3A_642 = arith.constant 672 : index
      %get3A_643 = tpu.vector_load %arg9[%get3A_641, %get3A_642] {strides = array<i32>} : memref<32x768xf32, #tpu.memory_space<vmem>>, vector<1x16xf32>,
      %get3A_644 = vector.shape_cast %get3A_643 : vector<1x16xf32> to vector<16xf32>
      %add3A_645 = arith.addf %get3A_640, %get3A_644 : vector<16xf32>
      %swap3A_646 = arith.index_cast %scan3A_49 : i32 to index
      %swap3A_647 = arith.constant 672 : index
      %swap3A_648 = tpu.vector_load %arg10[%swap3A_646, %swap3A_647] {strides = array<i32>} : memref<32x768xf32, #tpu.memory_space<vmem>>, vector<1x16xf32>,
      %swap3A_649 = vector.shape_cast %swap3A_648 : vector<1x16xf32> to vector<16xf32>
      %swap3A_650 = vector.shape_cast %add3A_645 : vector<16xf32> to vector<1x16xf32>
      tpu.vector_store %arg10[%swap3A_646, %swap3A_647], %swap3A_650 {strides = array<i32>} : memref<32x768xf32, #tpu.memory_space<vmem>>, vector<1x16xf32>,
      %get3A_651 = arith.index_cast %scan3A_49 : i32 to index
      %get3A_652 = arith.constant 688 : index
      %get3A_653 = tpu.vector_load %arg8[%get3A_651, %get3A_652] {strides = array<i32>} : memref<32x768xf32, #tpu.memory_space<vmem>>, vector<1x16xf32>,
      %get3A_654 = vector.shape_cast %get3A_653 : vector<1x16xf32> to vector<16xf32>
      %get3A_655 = arith.index_cast %scan3A_49 : i32 to index
      %get3A_656 = arith.constant 688 : index
      %get3A_657 = tpu.vector_load %arg9[%get3A_655, %get3A_656] {strides = array<i32>} : memref<32x768xf32, #tpu.memory_space<vmem>>, vector<1x16xf32>,
      %get3A_658 = vector.shape_cast %get3A_657 : vector<1x16xf32> to vector<16xf32>
      %add3A_659 = arith.addf %get3A_654, %get3A_658 : vector<16xf32>
      %swap3A_660 = arith.index_cast %scan3A_49 : i32 to index
      %swap3A_661 = arith.constant 688 : index
      %swap3A_662 = tpu.vector_load %arg10[%swap3A_660, %swap3A_661] {strides = array<i32>} : memref<32x768xf32, #tpu.memory_space<vmem>>, vector<1x16xf32>,
      %swap3A_663 = vector.shape_cast %swap3A_662 : vector<1x16xf32> to vector<16xf32>
      %swap3A_664 = vector.shape_cast %add3A_659 : vector<16xf32> to vector<1x16xf32>
      tpu.vector_store %arg10[%swap3A_660, %swap3A_661], %swap3A_664 {strides = array<i32>} : memref<32x768xf32, #tpu.memory_space<vmem>>, vector<1x16xf32>,
      %get3A_665 = arith.index_cast %scan3A_49 : i32 to index
      %get3A_666 = arith.constant 704 : index
      %get3A_667 = tpu.vector_load %arg8[%get3A_665, %get3A_666] {strides = array<i32>} : memref<32x768xf32, #tpu.memory_space<vmem>>, vector<1x16xf32>,
      %get3A_668 = vector.shape_cast %get3A_667 : vector<1x16xf32> to vector<16xf32>
      %get3A_669 = arith.index_cast %scan3A_49 : i32 to index
      %get3A_670 = arith.constant 704 : index
      %get3A_671 = tpu.vector_load %arg9[%get3A_669, %get3A_670] {strides = array<i32>} : memref<32x768xf32, #tpu.memory_space<vmem>>, vector<1x16xf32>,
      %get3A_672 = vector.shape_cast %get3A_671 : vector<1x16xf32> to vector<16xf32>
      %add3A_673 = arith.addf %get3A_668, %get3A_672 : vector<16xf32>
      %swap3A_674 = arith.index_cast %scan3A_49 : i32 to index
      %swap3A_675 = arith.constant 704 : index
      %swap3A_676 = tpu.vector_load %arg10[%swap3A_674, %swap3A_675] {strides = array<i32>} : memref<32x768xf32, #tpu.memory_space<vmem>>, vector<1x16xf32>,
      %swap3A_677 = vector.shape_cast %swap3A_676 : vector<1x16xf32> to vector<16xf32>
      %swap3A_678 = vector.shape_cast %add3A_673 : vector<16xf32> to vector<1x16xf32>
      tpu.vector_store %arg10[%swap3A_674, %swap3A_675], %swap3A_678 {strides = array<i32>} : memref<32x768xf32, #tpu.memory_space<vmem>>, vector<1x16xf32>,
      %get3A_679 = arith.index_cast %scan3A_49 : i32 to index
      %get3A_680 = arith.constant 720 : index
      %get3A_681 = tpu.vector_load %arg8[%get3A_679, %get3A_680] {strides = array<i32>} : memref<32x768xf32, #tpu.memory_space<vmem>>, vector<1x16xf32>,
      %get3A_682 = vector.shape_cast %get3A_681 : vector<1x16xf32> to vector<16xf32>
      %get3A_683 = arith.index_cast %scan3A_49 : i32 to index
      %get3A_684 = arith.constant 720 : index
      %get3A_685 = tpu.vector_load %arg9[%get3A_683, %get3A_684] {strides = array<i32>} : memref<32x768xf32, #tpu.memory_space<vmem>>, vector<1x16xf32>,
      %get3A_686 = vector.shape_cast %get3A_685 : vector<1x16xf32> to vector<16xf32>
      %add3A_687 = arith.addf %get3A_682, %get3A_686 : vector<16xf32>
      %swap3A_688 = arith.index_cast %scan3A_49 : i32 to index
      %swap3A_689 = arith.constant 720 : index
      %swap3A_690 = tpu.vector_load %arg10[%swap3A_688, %swap3A_689] {strides = array<i32>} : memref<32x768xf32, #tpu.memory_space<vmem>>, vector<1x16xf32>,
      %swap3A_691 = vector.shape_cast %swap3A_690 : vector<1x16xf32> to vector<16xf32>
      %swap3A_692 = vector.shape_cast %add3A_687 : vector<16xf32> to vector<1x16xf32>
      tpu.vector_store %arg10[%swap3A_688, %swap3A_689], %swap3A_692 {strides = array<i32>} : memref<32x768xf32, #tpu.memory_space<vmem>>, vector<1x16xf32>,
      %get3A_693 = arith.index_cast %scan3A_49 : i32 to index
      %get3A_694 = arith.constant 736 : index
      %get3A_695 = tpu.vector_load %arg8[%get3A_693, %get3A_694] {strides = array<i32>} : memref<32x768xf32, #tpu.memory_space<vmem>>, vector<1x16xf32>,
      %get3A_696 = vector.shape_cast %get3A_695 : vector<1x16xf32> to vector<16xf32>
      %get3A_697 = arith.index_cast %scan3A_49 : i32 to index
      %get3A_698 = arith.constant 736 : index
      %get3A_699 = tpu.vector_load %arg9[%get3A_697, %get3A_698] {strides = array<i32>} : memref<32x768xf32, #tpu.memory_space<vmem>>, vector<1x16xf32>,
      %get3A_700 = vector.shape_cast %get3A_699 : vector<1x16xf32> to vector<16xf32>
      %add3A_701 = arith.addf %get3A_696, %get3A_700 : vector<16xf32>
      %swap3A_702 = arith.index_cast %scan3A_49 : i32 to index
      %swap3A_703 = arith.constant 736 : index
      %swap3A_704 = tpu.vector_load %arg10[%swap3A_702, %swap3A_703] {strides = array<i32>} : memref<32x768xf32, #tpu.memory_space<vmem>>, vector<1x16xf32>,
      %swap3A_705 = vector.shape_cast %swap3A_704 : vector<1x16xf32> to vector<16xf32>
      %swap3A_706 = vector.shape_cast %add3A_701 : vector<16xf32> to vector<1x16xf32>
      tpu.vector_store %arg10[%swap3A_702, %swap3A_703], %swap3A_706 {strides = array<i32>} : memref<32x768xf32, #tpu.memory_space<vmem>>, vector<1x16xf32>,
      %get3A_707 = arith.index_cast %scan3A_49 : i32 to index
      %get3A_708 = arith.constant 752 : index
      %get3A_709 = tpu.vector_load %arg8[%get3A_707, %get3A_708] {strides = array<i32>} : memref<32x768xf32, #tpu.memory_space<vmem>>, vector<1x16xf32>,
      %get3A_710 = vector.shape_cast %get3A_709 : vector<1x16xf32> to vector<16xf32>
      %get3A_711 = arith.index_cast %scan3A_49 : i32 to index
      %get3A_712 = arith.constant 752 : index
      %get3A_713 = tpu.vector_load %arg9[%get3A_711, %get3A_712] {strides = array<i32>} : memref<32x768xf32, #tpu.memory_space<vmem>>, vector<1x16xf32>,
      %get3A_714 = vector.shape_cast %get3A_713 : vector<1x16xf32> to vector<16xf32>
      %add3A_715 = arith.addf %get3A_710, %get3A_714 : vector<16xf32>
      %swap3A_716 = arith.index_cast %scan3A_49 : i32 to index
      %swap3A_717 = arith.constant 752 : index
      %swap3A_718 = tpu.vector_load %arg10[%swap3A_716, %swap3A_717] {strides = array<i32>} : memref<32x768xf32, #tpu.memory_space<vmem>>, vector<1x16xf32>,
      %swap3A_719 = vector.shape_cast %swap3A_718 : vector<1x16xf32> to vector<16xf32>
      %swap3A_720 = vector.shape_cast %add3A_715 : vector<16xf32> to vector<1x16xf32>
      tpu.vector_store %arg10[%swap3A_716, %swap3A_717], %swap3A_720 {strides = array<i32>} : memref<32x768xf32, #tpu.memory_space<vmem>>, vector<1x16xf32>,
      %scan3A_721 = arith.constant 0 : i32
      scf.yield %scan3A_721 : i32
    }
    %scan3A_45 = arith.constant 32 : i32
    %mul3A_46 = arith.constant 32 : i32
    %mul3A_47 = arith.muli %add3A_26, %mul3A_46 : i32
    %multiple_of3A_48 = tpu.assume_multiple %mul3A_47, 32 : i32
    "tpu.region"() ({
      %run_scoped3A = tpu.sem_alloc : memref<!tpu.dma_semaphore, #tpu.memory_space<semaphore_mem>>
      %dma_start3A_49 = arith.constant 0 : i32
      %dma_start3A_50 = tpu.memref_slice %arg5[%multiple_of3A_48, %dma_start3A_49] : memref<2048x768xf32, #tpu.memory_space<hbm>> -> memref<32x768xf32, #tpu.memory_space<hbm>>
      %dma_start3A_51 = arith.constant 0 : i32
      %dma_start3A_52 = tpu.memref_slice %arg5[%multiple_of3A_48, %dma_start3A_51] : memref<2048x768xf32, #tpu.memory_space<hbm>> -> memref<32x768xf32, #tpu.memory_space<hbm>>
      tpu.enqueue_dma source(%arg10 : memref<32x768xf32, #tpu.memory_space<vmem>>) target(%dma_start3A_52 : memref<32x768xf32, #tpu.memory_space<hbm>>) target_semaphore(%run_scoped3A : memref<!tpu.dma_semaphore, #tpu.memory_space<semaphore_mem>>)
      %dma_wait3A_53 = arith.constant 0 : i32
      %dma_wait3A_54 = tpu.memref_slice %arg5[%multiple_of3A_48, %dma_wait3A_53] : memref<2048x768xf32, #tpu.memory_space<hbm>> -> memref<32x768xf32, #tpu.memory_space<hbm>>
      %dma_wait3A_55 = arith.constant 0 : i32
      %dma_wait3A_56 = tpu.memref_slice %arg5[%multiple_of3A_48, %dma_wait3A_55] : memref<2048x768xf32, #tpu.memory_space<hbm>> -> memref<32x768xf32, #tpu.memory_space<hbm>>
      tpu.wait_dma2 semaphore(%run_scoped3A : memref<!tpu.dma_semaphore, #tpu.memory_space<semaphore_mem>>) src(%arg10 : memref<32x768xf32, #tpu.memory_space<vmem>>) dst(%dma_wait3A_56 : memref<32x768xf32, #tpu.memory_space<hbm>>)
      tpu.yield
    }) : () -> ()
    return
  }
}

module attributes {stable_mosaic.version = 14 : i64} {
  func.func @_routing_body(%arg0: memref<2048x768xf32, #tpu.memory_space<vmem>>, %arg1: memref<64x768xf32, #tpu.memory_space<vmem>>, %arg2: memref<2048x2xi32, #tpu.memory_space<vmem>>, %arg3: memref<2048x2xf32, #tpu.memory_space<vmem>>, %arg4: memref<128x1xi32, #tpu.memory_space<vmem>>, %arg5: memref<1x1xi32, #tpu.memory_space<vmem>>) attributes {dimension_semantics = [], scalar_prefetch = 0 : i64, scratch_operands = 0 : i64, tpu.core_type = #tpu.core_type<tc>} {
    %get3A = arith.constant 0 : index
    %get3A_0 = arith.constant 0 : index
    %get3A_1 = vector.load %arg0[%get3A, %get3A_0] : memref<2048x768xf32, #tpu.memory_space<vmem>>, vector<2048x768xf32>
    %get3A_2 = arith.constant 0 : index
    %get3A_3 = arith.constant 0 : index
    %get3A_4 = vector.load %arg1[%get3A_2, %get3A_3] : memref<64x768xf32, #tpu.memory_space<vmem>>, vector<64x768xf32>
    %dot_general3A = arith.constant dense<0.000000e+00> : vector<2048x64xf32>
    %dot_general3A_5 = tpu.matmul %get3A_1, %get3A_4, %dot_general3A {dimension_numbers = #tpu.dot_dimension_numbers<[1], [1], [0], [0], [0, 0, 1, 0], [], []>, transpose_lhs_hint = false} : vector<2048x768xf32>, vector<64x768xf32>, vector<2048x64xf32> -> vector<2048x64xf32>
    %logistic3A = arith.negf %dot_general3A_5 : vector<2048x64xf32>
    %logistic3A_6 = math.exp %logistic3A : vector<2048x64xf32>
    %logistic3A_7 = arith.constant 1.000000e+00 : f32
    %logistic3A_8 = vector.broadcast %logistic3A_7 : f32 to vector<2048x64xf32>
    %logistic3A_9 = arith.addf %logistic3A_8, %logistic3A_6 : vector<2048x64xf32>
    %logistic3A_10 = arith.divf %logistic3A_8, %logistic3A_9 : vector<2048x64xf32>
    %iota3A = tpu.iota {dimensions = array<i32: 1>} : vector<2048x64xi32>
    %reduce_max3A = arith.constant dense<0xFF800000> : vector<2048xf32>
    %reduce_max3A_11 = vector.multi_reduction <maximumf>, %logistic3A_10, %reduce_max3A [1] : vector<2048x64xf32> to vector<2048xf32>
    %broadcast_in_dim3A = vector.shape_cast %reduce_max3A_11 : vector<2048xf32> to vector<2048x1xf32>
    %ge3A = vector.broadcast %broadcast_in_dim3A : vector<2048x1xf32> to vector<2048x64xf32>
    %ge3A_12 = arith.cmpf oge, %logistic3A_10, %ge3A : vector<2048x64xf32>
    %jit3A = arith.constant 64 : i32
    %broadcast_in_dim3A_13 = vector.broadcast %jit3A : i32 to vector<2048x64xi32>
    %select_n3A = arith.select %ge3A_12, %iota3A, %broadcast_in_dim3A_13 : vector<2048x64xi1>, vector<2048x64xi32>
    %reduce_min3A = arith.constant dense<2147483647> : vector<2048xi32>
    %reduce_min3A_14 = vector.multi_reduction <minsi>, %select_n3A, %reduce_min3A [1] : vector<2048x64xi32> to vector<2048xi32>
    %broadcast_in_dim3A_15 = vector.shape_cast %reduce_min3A_14 : vector<2048xi32> to vector<2048x1xi32>
    %eq3A = vector.broadcast %broadcast_in_dim3A_15 : vector<2048x1xi32> to vector<2048x64xi32>
    %eq3A_16 = arith.cmpi eq, %iota3A, %eq3A : vector<2048x64xi32>
    %jit3A_17 = arith.constant -1.000000e+00 : f32
    %broadcast_in_dim3A_18 = vector.broadcast %jit3A_17 : f32 to vector<2048x64xf32>
    %select_n3A_19 = arith.select %eq3A_16, %broadcast_in_dim3A_18, %logistic3A_10 : vector<2048x64xi1>, vector<2048x64xf32>
    %reduce_max3A_20 = arith.constant dense<0xFF800000> : vector<2048xf32>
    %reduce_max3A_21 = vector.multi_reduction <maximumf>, %select_n3A_19, %reduce_max3A_20 [1] : vector<2048x64xf32> to vector<2048xf32>
    %broadcast_in_dim3A_22 = vector.shape_cast %reduce_max3A_21 : vector<2048xf32> to vector<2048x1xf32>
    %ge3A_23 = vector.broadcast %broadcast_in_dim3A_22 : vector<2048x1xf32> to vector<2048x64xf32>
    %ge3A_24 = arith.cmpf oge, %select_n3A_19, %ge3A_23 : vector<2048x64xf32>
    %jit3A_25 = arith.constant 64 : i32
    %broadcast_in_dim3A_26 = vector.broadcast %jit3A_25 : i32 to vector<2048x64xi32>
    %select_n3A_27 = arith.select %ge3A_24, %iota3A, %broadcast_in_dim3A_26 : vector<2048x64xi1>, vector<2048x64xi32>
    %reduce_min3A_28 = arith.constant dense<2147483647> : vector<2048xi32>
    %reduce_min3A_29 = vector.multi_reduction <minsi>, %select_n3A_27, %reduce_min3A_28 [1] : vector<2048x64xi32> to vector<2048xi32>
    %broadcast_in_dim3A_30 = vector.shape_cast %reduce_min3A_29 : vector<2048xi32> to vector<2048x1xi32>
    %eq3A_31 = vector.broadcast %broadcast_in_dim3A_30 : vector<2048x1xi32> to vector<2048x64xi32>
    %eq3A_32 = arith.cmpi eq, %iota3A, %eq3A_31 : vector<2048x64xi32>
    %convert_element_type3A = arith.extui %eq3A_16 : vector<2048x64xi1> to vector<2048x64xi32>
    %convert_element_type3A_33 = arith.sitofp %convert_element_type3A : vector<2048x64xi32> to vector<2048x64xf32>
    %convert_element_type3A_34 = arith.extui %eq3A_32 : vector<2048x64xi1> to vector<2048x64xi32>
    %convert_element_type3A_35 = arith.sitofp %convert_element_type3A_34 : vector<2048x64xi32> to vector<2048x64xf32>
    %add3A = arith.addf %convert_element_type3A_33, %convert_element_type3A_35 : vector<2048x64xf32>
    %iota3A_36 = tpu.iota {dimensions = array<i32: 0>} : vector<128x128xi32>
    %iota3A_37 = tpu.iota {dimensions = array<i32: 1>} : vector<128x128xi32>
    %ge3A_38 = arith.cmpi sge, %iota3A_36, %iota3A_37 : vector<128x128xi32>
    %convert_element_type3A_39 = arith.extui %ge3A_38 : vector<128x128xi1> to vector<128x128xi32>
    %convert_element_type3A_40 = arith.sitofp %convert_element_type3A_39 : vector<128x128xi32> to vector<128x128xf32>
    %slice3A = vector.extract_strided_slice %add3A {offsets = [0, 0], sizes = [128, 64], strides = [1, 1]} : vector<2048x64xf32> to vector<128x64xf32>
    %dot_general3A_41 = arith.constant dense<0.000000e+00> : vector<128x64xf32>
    %dot_general3A_42 = tpu.matmul %convert_element_type3A_40, %slice3A, %dot_general3A_41 {dimension_numbers = #tpu.dot_dimension_numbers<[1], [0], [0], [1], [0, 0, 1, 1], [], []>, transpose_lhs_hint = false} : vector<128x128xf32>, vector<128x64xf32>, vector<128x64xf32> -> vector<128x64xf32>
    %slice3A_43 = vector.extract_strided_slice %add3A {offsets = [128, 0], sizes = [128, 64], strides = [1, 1]} : vector<2048x64xf32> to vector<128x64xf32>
    %dot_general3A_44 = arith.constant dense<0.000000e+00> : vector<128x64xf32>
    %dot_general3A_45 = tpu.matmul %convert_element_type3A_40, %slice3A_43, %dot_general3A_44 {dimension_numbers = #tpu.dot_dimension_numbers<[1], [0], [0], [1], [0, 0, 1, 1], [], []>, transpose_lhs_hint = false} : vector<128x128xf32>, vector<128x64xf32>, vector<128x64xf32> -> vector<128x64xf32>
    %slice3A_46 = vector.extract_strided_slice %add3A {offsets = [256, 0], sizes = [128, 64], strides = [1, 1]} : vector<2048x64xf32> to vector<128x64xf32>
    %dot_general3A_47 = arith.constant dense<0.000000e+00> : vector<128x64xf32>
    %dot_general3A_48 = tpu.matmul %convert_element_type3A_40, %slice3A_46, %dot_general3A_47 {dimension_numbers = #tpu.dot_dimension_numbers<[1], [0], [0], [1], [0, 0, 1, 1], [], []>, transpose_lhs_hint = false} : vector<128x128xf32>, vector<128x64xf32>, vector<128x64xf32> -> vector<128x64xf32>
    %slice3A_49 = vector.extract_strided_slice %add3A {offsets = [384, 0], sizes = [128, 64], strides = [1, 1]} : vector<2048x64xf32> to vector<128x64xf32>
    %dot_general3A_50 = arith.constant dense<0.000000e+00> : vector<128x64xf32>
    %dot_general3A_51 = tpu.matmul %convert_element_type3A_40, %slice3A_49, %dot_general3A_50 {dimension_numbers = #tpu.dot_dimension_numbers<[1], [0], [0], [1], [0, 0, 1, 1], [], []>, transpose_lhs_hint = false} : vector<128x128xf32>, vector<128x64xf32>, vector<128x64xf32> -> vector<128x64xf32>
    %slice3A_52 = vector.extract_strided_slice %add3A {offsets = [512, 0], sizes = [128, 64], strides = [1, 1]} : vector<2048x64xf32> to vector<128x64xf32>
    %dot_general3A_53 = arith.constant dense<0.000000e+00> : vector<128x64xf32>
    %dot_general3A_54 = tpu.matmul %convert_element_type3A_40, %slice3A_52, %dot_general3A_53 {dimension_numbers = #tpu.dot_dimension_numbers<[1], [0], [0], [1], [0, 0, 1, 1], [], []>, transpose_lhs_hint = false} : vector<128x128xf32>, vector<128x64xf32>, vector<128x64xf32> -> vector<128x64xf32>
    %slice3A_55 = vector.extract_strided_slice %add3A {offsets = [640, 0], sizes = [128, 64], strides = [1, 1]} : vector<2048x64xf32> to vector<128x64xf32>
    %dot_general3A_56 = arith.constant dense<0.000000e+00> : vector<128x64xf32>
    %dot_general3A_57 = tpu.matmul %convert_element_type3A_40, %slice3A_55, %dot_general3A_56 {dimension_numbers = #tpu.dot_dimension_numbers<[1], [0], [0], [1], [0, 0, 1, 1], [], []>, transpose_lhs_hint = false} : vector<128x128xf32>, vector<128x64xf32>, vector<128x64xf32> -> vector<128x64xf32>
    %slice3A_58 = vector.extract_strided_slice %add3A {offsets = [768, 0], sizes = [128, 64], strides = [1, 1]} : vector<2048x64xf32> to vector<128x64xf32>
    %dot_general3A_59 = arith.constant dense<0.000000e+00> : vector<128x64xf32>
    %dot_general3A_60 = tpu.matmul %convert_element_type3A_40, %slice3A_58, %dot_general3A_59 {dimension_numbers = #tpu.dot_dimension_numbers<[1], [0], [0], [1], [0, 0, 1, 1], [], []>, transpose_lhs_hint = false} : vector<128x128xf32>, vector<128x64xf32>, vector<128x64xf32> -> vector<128x64xf32>
    %slice3A_61 = vector.extract_strided_slice %add3A {offsets = [896, 0], sizes = [128, 64], strides = [1, 1]} : vector<2048x64xf32> to vector<128x64xf32>
    %dot_general3A_62 = arith.constant dense<0.000000e+00> : vector<128x64xf32>
    %dot_general3A_63 = tpu.matmul %convert_element_type3A_40, %slice3A_61, %dot_general3A_62 {dimension_numbers = #tpu.dot_dimension_numbers<[1], [0], [0], [1], [0, 0, 1, 1], [], []>, transpose_lhs_hint = false} : vector<128x128xf32>, vector<128x64xf32>, vector<128x64xf32> -> vector<128x64xf32>
    %slice3A_64 = vector.extract_strided_slice %add3A {offsets = [1024, 0], sizes = [128, 64], strides = [1, 1]} : vector<2048x64xf32> to vector<128x64xf32>
    %dot_general3A_65 = arith.constant dense<0.000000e+00> : vector<128x64xf32>
    %dot_general3A_66 = tpu.matmul %convert_element_type3A_40, %slice3A_64, %dot_general3A_65 {dimension_numbers = #tpu.dot_dimension_numbers<[1], [0], [0], [1], [0, 0, 1, 1], [], []>, transpose_lhs_hint = false} : vector<128x128xf32>, vector<128x64xf32>, vector<128x64xf32> -> vector<128x64xf32>
    %slice3A_67 = vector.extract_strided_slice %add3A {offsets = [1152, 0], sizes = [128, 64], strides = [1, 1]} : vector<2048x64xf32> to vector<128x64xf32>
    %dot_general3A_68 = arith.constant dense<0.000000e+00> : vector<128x64xf32>
    %dot_general3A_69 = tpu.matmul %convert_element_type3A_40, %slice3A_67, %dot_general3A_68 {dimension_numbers = #tpu.dot_dimension_numbers<[1], [0], [0], [1], [0, 0, 1, 1], [], []>, transpose_lhs_hint = false} : vector<128x128xf32>, vector<128x64xf32>, vector<128x64xf32> -> vector<128x64xf32>
    %slice3A_70 = vector.extract_strided_slice %add3A {offsets = [1280, 0], sizes = [128, 64], strides = [1, 1]} : vector<2048x64xf32> to vector<128x64xf32>
    %dot_general3A_71 = arith.constant dense<0.000000e+00> : vector<128x64xf32>
    %dot_general3A_72 = tpu.matmul %convert_element_type3A_40, %slice3A_70, %dot_general3A_71 {dimension_numbers = #tpu.dot_dimension_numbers<[1], [0], [0], [1], [0, 0, 1, 1], [], []>, transpose_lhs_hint = false} : vector<128x128xf32>, vector<128x64xf32>, vector<128x64xf32> -> vector<128x64xf32>
    %slice3A_73 = vector.extract_strided_slice %add3A {offsets = [1408, 0], sizes = [128, 64], strides = [1, 1]} : vector<2048x64xf32> to vector<128x64xf32>
    %dot_general3A_74 = arith.constant dense<0.000000e+00> : vector<128x64xf32>
    %dot_general3A_75 = tpu.matmul %convert_element_type3A_40, %slice3A_73, %dot_general3A_74 {dimension_numbers = #tpu.dot_dimension_numbers<[1], [0], [0], [1], [0, 0, 1, 1], [], []>, transpose_lhs_hint = false} : vector<128x128xf32>, vector<128x64xf32>, vector<128x64xf32> -> vector<128x64xf32>
    %slice3A_76 = vector.extract_strided_slice %add3A {offsets = [1536, 0], sizes = [128, 64], strides = [1, 1]} : vector<2048x64xf32> to vector<128x64xf32>
    %dot_general3A_77 = arith.constant dense<0.000000e+00> : vector<128x64xf32>
    %dot_general3A_78 = tpu.matmul %convert_element_type3A_40, %slice3A_76, %dot_general3A_77 {dimension_numbers = #tpu.dot_dimension_numbers<[1], [0], [0], [1], [0, 0, 1, 1], [], []>, transpose_lhs_hint = false} : vector<128x128xf32>, vector<128x64xf32>, vector<128x64xf32> -> vector<128x64xf32>
    %slice3A_79 = vector.extract_strided_slice %add3A {offsets = [1664, 0], sizes = [128, 64], strides = [1, 1]} : vector<2048x64xf32> to vector<128x64xf32>
    %dot_general3A_80 = arith.constant dense<0.000000e+00> : vector<128x64xf32>
    %dot_general3A_81 = tpu.matmul %convert_element_type3A_40, %slice3A_79, %dot_general3A_80 {dimension_numbers = #tpu.dot_dimension_numbers<[1], [0], [0], [1], [0, 0, 1, 1], [], []>, transpose_lhs_hint = false} : vector<128x128xf32>, vector<128x64xf32>, vector<128x64xf32> -> vector<128x64xf32>
    %slice3A_82 = vector.extract_strided_slice %add3A {offsets = [1792, 0], sizes = [128, 64], strides = [1, 1]} : vector<2048x64xf32> to vector<128x64xf32>
    %dot_general3A_83 = arith.constant dense<0.000000e+00> : vector<128x64xf32>
    %dot_general3A_84 = tpu.matmul %convert_element_type3A_40, %slice3A_82, %dot_general3A_83 {dimension_numbers = #tpu.dot_dimension_numbers<[1], [0], [0], [1], [0, 0, 1, 1], [], []>, transpose_lhs_hint = false} : vector<128x128xf32>, vector<128x64xf32>, vector<128x64xf32> -> vector<128x64xf32>
    %slice3A_85 = vector.extract_strided_slice %add3A {offsets = [1920, 0], sizes = [128, 64], strides = [1, 1]} : vector<2048x64xf32> to vector<128x64xf32>
    %dot_general3A_86 = arith.constant dense<0.000000e+00> : vector<128x64xf32>
    %dot_general3A_87 = tpu.matmul %convert_element_type3A_40, %slice3A_85, %dot_general3A_86 {dimension_numbers = #tpu.dot_dimension_numbers<[1], [0], [0], [1], [0, 0, 1, 1], [], []>, transpose_lhs_hint = false} : vector<128x128xf32>, vector<128x64xf32>, vector<128x64xf32> -> vector<128x64xf32>
    %slice3A_88 = vector.extract_strided_slice %dot_general3A_42 {offsets = [127, 0], sizes = [1, 64], strides = [1, 1]} : vector<128x64xf32> to vector<1x64xf32>
    %slice3A_89 = vector.extract_strided_slice %dot_general3A_45 {offsets = [127, 0], sizes = [1, 64], strides = [1, 1]} : vector<128x64xf32> to vector<1x64xf32>
    %slice3A_90 = vector.extract_strided_slice %dot_general3A_48 {offsets = [127, 0], sizes = [1, 64], strides = [1, 1]} : vector<128x64xf32> to vector<1x64xf32>
    %slice3A_91 = vector.extract_strided_slice %dot_general3A_51 {offsets = [127, 0], sizes = [1, 64], strides = [1, 1]} : vector<128x64xf32> to vector<1x64xf32>
    %slice3A_92 = vector.extract_strided_slice %dot_general3A_54 {offsets = [127, 0], sizes = [1, 64], strides = [1, 1]} : vector<128x64xf32> to vector<1x64xf32>
    %slice3A_93 = vector.extract_strided_slice %dot_general3A_57 {offsets = [127, 0], sizes = [1, 64], strides = [1, 1]} : vector<128x64xf32> to vector<1x64xf32>
    %slice3A_94 = vector.extract_strided_slice %dot_general3A_60 {offsets = [127, 0], sizes = [1, 64], strides = [1, 1]} : vector<128x64xf32> to vector<1x64xf32>
    %slice3A_95 = vector.extract_strided_slice %dot_general3A_63 {offsets = [127, 0], sizes = [1, 64], strides = [1, 1]} : vector<128x64xf32> to vector<1x64xf32>
    %slice3A_96 = vector.extract_strided_slice %dot_general3A_66 {offsets = [127, 0], sizes = [1, 64], strides = [1, 1]} : vector<128x64xf32> to vector<1x64xf32>
    %slice3A_97 = vector.extract_strided_slice %dot_general3A_69 {offsets = [127, 0], sizes = [1, 64], strides = [1, 1]} : vector<128x64xf32> to vector<1x64xf32>
    %slice3A_98 = vector.extract_strided_slice %dot_general3A_72 {offsets = [127, 0], sizes = [1, 64], strides = [1, 1]} : vector<128x64xf32> to vector<1x64xf32>
    %slice3A_99 = vector.extract_strided_slice %dot_general3A_75 {offsets = [127, 0], sizes = [1, 64], strides = [1, 1]} : vector<128x64xf32> to vector<1x64xf32>
    %slice3A_100 = vector.extract_strided_slice %dot_general3A_78 {offsets = [127, 0], sizes = [1, 64], strides = [1, 1]} : vector<128x64xf32> to vector<1x64xf32>
    %slice3A_101 = vector.extract_strided_slice %dot_general3A_81 {offsets = [127, 0], sizes = [1, 64], strides = [1, 1]} : vector<128x64xf32> to vector<1x64xf32>
    %slice3A_102 = vector.extract_strided_slice %dot_general3A_84 {offsets = [127, 0], sizes = [1, 64], strides = [1, 1]} : vector<128x64xf32> to vector<1x64xf32>
    %slice3A_103 = vector.extract_strided_slice %dot_general3A_87 {offsets = [127, 0], sizes = [1, 64], strides = [1, 1]} : vector<128x64xf32> to vector<1x64xf32>
    %concatenate3A = tpu.concatenate %slice3A_88, %slice3A_89, %slice3A_90, %slice3A_91, %slice3A_92, %slice3A_93, %slice3A_94, %slice3A_95, %slice3A_96, %slice3A_97, %slice3A_98, %slice3A_99, %slice3A_100, %slice3A_101, %slice3A_102, %slice3A_103 in 0 : vector<1x64xf32>, vector<1x64xf32>, vector<1x64xf32>, vector<1x64xf32>, vector<1x64xf32>, vector<1x64xf32>, vector<1x64xf32>, vector<1x64xf32>, vector<1x64xf32>, vector<1x64xf32>, vector<1x64xf32>, vector<1x64xf32>, vector<1x64xf32>, vector<1x64xf32>, vector<1x64xf32>, vector<1x64xf32> -> vector<16x64xf32>
    %iota3A_104 = tpu.iota {dimensions = array<i32: 0>} : vector<16x16xi32>
    %iota3A_105 = tpu.iota {dimensions = array<i32: 1>} : vector<16x16xi32>
    %gt3A = arith.cmpi sgt, %iota3A_104, %iota3A_105 : vector<16x16xi32>
    %convert_element_type3A_106 = arith.extui %gt3A : vector<16x16xi1> to vector<16x16xi32>
    %convert_element_type3A_107 = arith.sitofp %convert_element_type3A_106 : vector<16x16xi32> to vector<16x16xf32>
    %dot_general3A_108 = arith.constant dense<0.000000e+00> : vector<16x64xf32>
    %dot_general3A_109 = tpu.matmul %convert_element_type3A_107, %concatenate3A, %dot_general3A_108 {dimension_numbers = #tpu.dot_dimension_numbers<[1], [0], [0], [1], [0, 0, 1, 1], [], []>, transpose_lhs_hint = false} : vector<16x16xf32>, vector<16x64xf32>, vector<16x64xf32> -> vector<16x64xf32>
    %slice3A_110 = vector.extract_strided_slice %dot_general3A_109 {offsets = [0, 0], sizes = [1, 64], strides = [1, 1]} : vector<16x64xf32> to vector<1x64xf32>
    %add3A_111 = vector.broadcast %slice3A_110 : vector<1x64xf32> to vector<128x64xf32>
    %add3A_112 = arith.addf %dot_general3A_42, %add3A_111 : vector<128x64xf32>
    %slice3A_113 = vector.extract_strided_slice %dot_general3A_109 {offsets = [1, 0], sizes = [1, 64], strides = [1, 1]} : vector<16x64xf32> to vector<1x64xf32>
    %add3A_114 = vector.broadcast %slice3A_113 : vector<1x64xf32> to vector<128x64xf32>
    %add3A_115 = arith.addf %dot_general3A_45, %add3A_114 : vector<128x64xf32>
    %slice3A_116 = vector.extract_strided_slice %dot_general3A_109 {offsets = [2, 0], sizes = [1, 64], strides = [1, 1]} : vector<16x64xf32> to vector<1x64xf32>
    %add3A_117 = vector.broadcast %slice3A_116 : vector<1x64xf32> to vector<128x64xf32>
    %add3A_118 = arith.addf %dot_general3A_48, %add3A_117 : vector<128x64xf32>
    %slice3A_119 = vector.extract_strided_slice %dot_general3A_109 {offsets = [3, 0], sizes = [1, 64], strides = [1, 1]} : vector<16x64xf32> to vector<1x64xf32>
    %add3A_120 = vector.broadcast %slice3A_119 : vector<1x64xf32> to vector<128x64xf32>
    %add3A_121 = arith.addf %dot_general3A_51, %add3A_120 : vector<128x64xf32>
    %slice3A_122 = vector.extract_strided_slice %dot_general3A_109 {offsets = [4, 0], sizes = [1, 64], strides = [1, 1]} : vector<16x64xf32> to vector<1x64xf32>
    %add3A_123 = vector.broadcast %slice3A_122 : vector<1x64xf32> to vector<128x64xf32>
    %add3A_124 = arith.addf %dot_general3A_54, %add3A_123 : vector<128x64xf32>
    %slice3A_125 = vector.extract_strided_slice %dot_general3A_109 {offsets = [5, 0], sizes = [1, 64], strides = [1, 1]} : vector<16x64xf32> to vector<1x64xf32>
    %add3A_126 = vector.broadcast %slice3A_125 : vector<1x64xf32> to vector<128x64xf32>
    %add3A_127 = arith.addf %dot_general3A_57, %add3A_126 : vector<128x64xf32>
    %slice3A_128 = vector.extract_strided_slice %dot_general3A_109 {offsets = [6, 0], sizes = [1, 64], strides = [1, 1]} : vector<16x64xf32> to vector<1x64xf32>
    %add3A_129 = vector.broadcast %slice3A_128 : vector<1x64xf32> to vector<128x64xf32>
    %add3A_130 = arith.addf %dot_general3A_60, %add3A_129 : vector<128x64xf32>
    %slice3A_131 = vector.extract_strided_slice %dot_general3A_109 {offsets = [7, 0], sizes = [1, 64], strides = [1, 1]} : vector<16x64xf32> to vector<1x64xf32>
    %add3A_132 = vector.broadcast %slice3A_131 : vector<1x64xf32> to vector<128x64xf32>
    %add3A_133 = arith.addf %dot_general3A_63, %add3A_132 : vector<128x64xf32>
    %slice3A_134 = vector.extract_strided_slice %dot_general3A_109 {offsets = [8, 0], sizes = [1, 64], strides = [1, 1]} : vector<16x64xf32> to vector<1x64xf32>
    %add3A_135 = vector.broadcast %slice3A_134 : vector<1x64xf32> to vector<128x64xf32>
    %add3A_136 = arith.addf %dot_general3A_66, %add3A_135 : vector<128x64xf32>
    %slice3A_137 = vector.extract_strided_slice %dot_general3A_109 {offsets = [9, 0], sizes = [1, 64], strides = [1, 1]} : vector<16x64xf32> to vector<1x64xf32>
    %add3A_138 = vector.broadcast %slice3A_137 : vector<1x64xf32> to vector<128x64xf32>
    %add3A_139 = arith.addf %dot_general3A_69, %add3A_138 : vector<128x64xf32>
    %slice3A_140 = vector.extract_strided_slice %dot_general3A_109 {offsets = [10, 0], sizes = [1, 64], strides = [1, 1]} : vector<16x64xf32> to vector<1x64xf32>
    %add3A_141 = vector.broadcast %slice3A_140 : vector<1x64xf32> to vector<128x64xf32>
    %add3A_142 = arith.addf %dot_general3A_72, %add3A_141 : vector<128x64xf32>
    %slice3A_143 = vector.extract_strided_slice %dot_general3A_109 {offsets = [11, 0], sizes = [1, 64], strides = [1, 1]} : vector<16x64xf32> to vector<1x64xf32>
    %add3A_144 = vector.broadcast %slice3A_143 : vector<1x64xf32> to vector<128x64xf32>
    %add3A_145 = arith.addf %dot_general3A_75, %add3A_144 : vector<128x64xf32>
    %slice3A_146 = vector.extract_strided_slice %dot_general3A_109 {offsets = [12, 0], sizes = [1, 64], strides = [1, 1]} : vector<16x64xf32> to vector<1x64xf32>
    %add3A_147 = vector.broadcast %slice3A_146 : vector<1x64xf32> to vector<128x64xf32>
    %add3A_148 = arith.addf %dot_general3A_78, %add3A_147 : vector<128x64xf32>
    %slice3A_149 = vector.extract_strided_slice %dot_general3A_109 {offsets = [13, 0], sizes = [1, 64], strides = [1, 1]} : vector<16x64xf32> to vector<1x64xf32>
    %add3A_150 = vector.broadcast %slice3A_149 : vector<1x64xf32> to vector<128x64xf32>
    %add3A_151 = arith.addf %dot_general3A_81, %add3A_150 : vector<128x64xf32>
    %slice3A_152 = vector.extract_strided_slice %dot_general3A_109 {offsets = [14, 0], sizes = [1, 64], strides = [1, 1]} : vector<16x64xf32> to vector<1x64xf32>
    %add3A_153 = vector.broadcast %slice3A_152 : vector<1x64xf32> to vector<128x64xf32>
    %add3A_154 = arith.addf %dot_general3A_84, %add3A_153 : vector<128x64xf32>
    %slice3A_155 = vector.extract_strided_slice %dot_general3A_109 {offsets = [15, 0], sizes = [1, 64], strides = [1, 1]} : vector<16x64xf32> to vector<1x64xf32>
    %add3A_156 = vector.broadcast %slice3A_155 : vector<1x64xf32> to vector<128x64xf32>
    %add3A_157 = arith.addf %dot_general3A_87, %add3A_156 : vector<128x64xf32>
    %concatenate3A_158 = tpu.concatenate %add3A_112, %add3A_115, %add3A_118, %add3A_121, %add3A_124, %add3A_127, %add3A_130, %add3A_133, %add3A_136, %add3A_139, %add3A_142, %add3A_145, %add3A_148, %add3A_151, %add3A_154, %add3A_157 in 0 : vector<128x64xf32>, vector<128x64xf32>, vector<128x64xf32>, vector<128x64xf32>, vector<128x64xf32>, vector<128x64xf32>, vector<128x64xf32>, vector<128x64xf32>, vector<128x64xf32>, vector<128x64xf32>, vector<128x64xf32>, vector<128x64xf32>, vector<128x64xf32>, vector<128x64xf32>, vector<128x64xf32>, vector<128x64xf32> -> vector<2048x64xf32>
    %sub3A = arith.subf %concatenate3A_158, %add3A : vector<2048x64xf32>
    %convert_element_type3A_159 = arith.fptosi %sub3A : vector<2048x64xf32> to vector<2048x64xi32>
    %slice3A_160 = vector.extract_strided_slice %dot_general3A_109 {offsets = [15, 0], sizes = [1, 64], strides = [1, 1]} : vector<16x64xf32> to vector<1x64xf32>
    %slice3A_161 = vector.extract_strided_slice %concatenate3A {offsets = [15, 0], sizes = [1, 64], strides = [1, 1]} : vector<16x64xf32> to vector<1x64xf32>
    %add3A_162 = arith.addf %slice3A_160, %slice3A_161 : vector<1x64xf32>
    %add3A_163 = arith.constant 6.300000e+01 : f32
    %add3A_164 = vector.broadcast %add3A_163 : f32 to vector<1x64xf32>
    %add3A_165 = arith.addf %add3A_162, %add3A_164 : vector<1x64xf32>
    %jit3A_166 = arith.constant 64 : i32
    %convert_element_type3A_167 = arith.sitofp %jit3A_166 : i32 to f32
    %rem3A = vector.broadcast %convert_element_type3A_167 : f32 to vector<1x64xf32>
    %rem3A_168 = arith.remf %add3A_165, %rem3A : vector<1x64xf32>
    %eq3A_169 = arith.constant 0.000000e+00 : f32
    %eq3A_170 = arith.cmpf oeq, %convert_element_type3A_167, %eq3A_169 : f32
    %sub3A_171 = arith.subf %add3A_165, %rem3A_168 : vector<1x64xf32>
    %select_n3A_172 = arith.select %eq3A_170, %add3A_165, %sub3A_171 : vector<1x64xf32>
    %div3A = vector.broadcast %convert_element_type3A_167 : f32 to vector<1x64xf32>
    %div3A_173 = arith.divf %select_n3A_172, %div3A : vector<1x64xf32>
    %ne3A = arith.constant 0.000000e+00 : f32
    %ne3A_174 = vector.broadcast %ne3A : f32 to vector<1x64xf32>
    %ne3A_175 = arith.cmpf one, %rem3A_168, %ne3A_174 : vector<1x64xf32>
    %sign3A = arith.bitcast %convert_element_type3A_167 : f32 to i32
    %sign3A_176 = arith.constant -2147483648 : i32
    %sign3A_177 = arith.andi %sign3A, %sign3A_176 : i32
    %sign3A_178 = arith.constant 1065353216 : i32
    %sign3A_179 = arith.ori %sign3A_178, %sign3A_177 : i32
    %sign3A_180 = arith.bitcast %sign3A_179 : i32 to f32
    %sign3A_181 = math.absf %convert_element_type3A_167 : f32
    %sign3A_182 = arith.constant 0.000000e+00 : f32
    %sign3A_183 = arith.cmpf ogt, %sign3A_181, %sign3A_182 : f32
    %sign3A_184 = arith.select %sign3A_183, %sign3A_180, %convert_element_type3A_167 : f32
    %sign3A_185 = tpu.bitcast %rem3A_168 : vector<1x64xf32> -> vector<1x64xi32>
    %sign3A_186 = arith.constant -2147483648 : i32
    %sign3A_187 = vector.broadcast %sign3A_186 : i32 to vector<1x64xi32>
    %sign3A_188 = arith.andi %sign3A_185, %sign3A_187 : vector<1x64xi32>
    %sign3A_189 = arith.constant 1065353216 : i32
    %sign3A_190 = vector.broadcast %sign3A_189 : i32 to vector<1x64xi32>
    %sign3A_191 = arith.ori %sign3A_190, %sign3A_188 : vector<1x64xi32>
    %sign3A_192 = tpu.bitcast %sign3A_191 : vector<1x64xi32> -> vector<1x64xf32>
    %sign3A_193 = math.absf %rem3A_168 : vector<1x64xf32>
    %sign3A_194 = arith.constant 0.000000e+00 : f32
    %sign3A_195 = vector.broadcast %sign3A_194 : f32 to vector<1x64xf32>
    %sign3A_196 = arith.cmpf ogt, %sign3A_193, %sign3A_195 : vector<1x64xf32>
    %sign3A_197 = arith.select %sign3A_196, %sign3A_192, %rem3A_168 : vector<1x64xi1>, vector<1x64xf32>
    %ne3A_198 = vector.broadcast %sign3A_184 : f32 to vector<1x64xf32>
    %ne3A_199 = arith.cmpf one, %ne3A_198, %sign3A_197 : vector<1x64xf32>
    %and3A = arith.andi %ne3A_175, %ne3A_199 : vector<1x64xi1>
    %sub3A_200 = arith.constant 1.000000e+00 : f32
    %sub3A_201 = vector.broadcast %sub3A_200 : f32 to vector<1x64xf32>
    %sub3A_202 = arith.subf %div3A_173, %sub3A_201 : vector<1x64xf32>
    %select_n3A_203 = arith.select %and3A, %sub3A_202, %div3A_173 : vector<1x64xi1>, vector<1x64xf32>
    %round3A = math.round %select_n3A_203 : vector<1x64xf32>
    %iota3A_204 = tpu.iota {dimensions = array<i32: 0>} : vector<64x64xi32>
    %iota3A_205 = tpu.iota {dimensions = array<i32: 1>} : vector<64x64xi32>
    %le3A = arith.cmpi sle, %iota3A_204, %iota3A_205 : vector<64x64xi32>
    %convert_element_type3A_206 = arith.extui %le3A : vector<64x64xi1> to vector<64x64xi32>
    %convert_element_type3A_207 = arith.sitofp %convert_element_type3A_206 : vector<64x64xi32> to vector<64x64xf32>
    %dot_general3A_208 = arith.constant dense<0.000000e+00> : vector<1x64xf32>
    %dot_general3A_209 = tpu.matmul %round3A, %convert_element_type3A_207, %dot_general3A_208 {dimension_numbers = #tpu.dot_dimension_numbers<[1], [0], [0], [1], [0, 0, 1, 1], [], []>, transpose_lhs_hint = false} : vector<1x64xf32>, vector<64x64xf32>, vector<1x64xf32> -> vector<1x64xf32>
    %sub3A_210 = arith.subf %dot_general3A_209, %round3A : vector<1x64xf32>
    %convert_element_type3A_211 = arith.fptosi %sub3A_210 : vector<1x64xf32> to vector<1x64xi32>
    %convert_element_type3A_212 = arith.fptosi %dot_general3A_209 : vector<1x64xf32> to vector<1x64xi32>
    %reduce_max3A_213 = arith.constant dense<-2147483648> : vector<1xi32>
    %reduce_max3A_214 = vector.multi_reduction <maxsi>, %convert_element_type3A_212, %reduce_max3A_213 [1] : vector<1x64xi32> to vector<1xi32>
    %broadcast_in_dim3A_215 = vector.shape_cast %reduce_max3A_214 : vector<1xi32> to vector<1x1xi32>
    %mul3A = arith.constant 64 : i32
    %mul3A_216 = vector.broadcast %mul3A : i32 to vector<1x64xi32>
    %mul3A_217 = arith.muli %mul3A_216, %convert_element_type3A_211 : vector<1x64xi32>
    %broadcast_in_dim3A_218 = arith.constant 0 : i32
    %broadcast_in_dim3A_219 = vector.broadcast %broadcast_in_dim3A_218 : i32 to vector<2048x64xi32>
    %select_n3A_220 = arith.select %eq3A_16, %convert_element_type3A_159, %broadcast_in_dim3A_219 : vector<2048x64xi1>, vector<2048x64xi32>
    %reduce_sum3A = arith.constant dense<0> : vector<2048xi32>
    %reduce_sum3A_221 = vector.multi_reduction <add>, %select_n3A_220, %reduce_sum3A [1] : vector<2048x64xi32> to vector<2048xi32>
    %broadcast_in_dim3A_222 = vector.shape_cast %reduce_sum3A_221 : vector<2048xi32> to vector<2048x1xi32>
    %select_n3A_223 = arith.select %eq3A_32, %convert_element_type3A_159, %broadcast_in_dim3A_219 : vector<2048x64xi1>, vector<2048x64xi32>
    %reduce_sum3A_224 = arith.constant dense<0> : vector<2048xi32>
    %reduce_sum3A_225 = vector.multi_reduction <add>, %select_n3A_223, %reduce_sum3A_224 [1] : vector<2048x64xi32> to vector<2048xi32>
    %broadcast_in_dim3A_226 = vector.shape_cast %reduce_sum3A_225 : vector<2048xi32> to vector<2048x1xi32>
    %broadcast_in_dim3A_227 = vector.shape_cast %mul3A_217 : vector<1x64xi32> to vector<1x64xi32>
    %broadcast_in_dim3A_228 = vector.broadcast %broadcast_in_dim3A_227 : vector<1x64xi32> to vector<2048x64xi32>
    %select_n3A_229 = arith.select %eq3A_16, %broadcast_in_dim3A_228, %broadcast_in_dim3A_219 : vector<2048x64xi1>, vector<2048x64xi32>
    %reduce_sum3A_230 = arith.constant dense<0> : vector<2048xi32>
    %reduce_sum3A_231 = vector.multi_reduction <add>, %select_n3A_229, %reduce_sum3A_230 [1] : vector<2048x64xi32> to vector<2048xi32>
    %broadcast_in_dim3A_232 = vector.shape_cast %reduce_sum3A_231 : vector<2048xi32> to vector<2048x1xi32>
    %select_n3A_233 = arith.select %eq3A_32, %broadcast_in_dim3A_228, %broadcast_in_dim3A_219 : vector<2048x64xi1>, vector<2048x64xi32>
    %reduce_sum3A_234 = arith.constant dense<0> : vector<2048xi32>
    %reduce_sum3A_235 = vector.multi_reduction <add>, %select_n3A_233, %reduce_sum3A_234 [1] : vector<2048x64xi32> to vector<2048xi32>
    %broadcast_in_dim3A_236 = vector.shape_cast %reduce_sum3A_235 : vector<2048xi32> to vector<2048x1xi32>
    %add3A_237 = arith.addi %broadcast_in_dim3A_232, %broadcast_in_dim3A_222 : vector<2048x1xi32>
    %add3A_238 = arith.addi %broadcast_in_dim3A_236, %broadcast_in_dim3A_226 : vector<2048x1xi32>
    %concatenate3A_239 = tpu.concatenate %add3A_237, %add3A_238 in 1 : vector<2048x1xi32>, vector<2048x1xi32> -> vector<2048x2xi32>
    %swap3A = arith.constant 0 : index
    %swap3A_240 = arith.constant 0 : index
    %swap3A_241 = vector.load %arg2[%swap3A, %swap3A_240] : memref<2048x2xi32, #tpu.memory_space<vmem>>, vector<2048x2xi32>
    tpu.vector_store %arg2[%swap3A, %swap3A_240], %concatenate3A_239 {strides = array<i32>} : memref<2048x2xi32, #tpu.memory_space<vmem>>, vector<2048x2xi32>,
    %concatenate3A_242 = tpu.concatenate %broadcast_in_dim3A, %broadcast_in_dim3A_22 in 1 : vector<2048x1xf32>, vector<2048x1xf32> -> vector<2048x2xf32>
    %swap3A_243 = arith.constant 0 : index
    %swap3A_244 = arith.constant 0 : index
    %swap3A_245 = vector.load %arg3[%swap3A_243, %swap3A_244] : memref<2048x2xf32, #tpu.memory_space<vmem>>, vector<2048x2xf32>
    tpu.vector_store %arg3[%swap3A_243, %swap3A_244], %concatenate3A_242 {strides = array<i32>} : memref<2048x2xf32, #tpu.memory_space<vmem>>, vector<2048x2xf32>,
    %iota3A_246 = tpu.iota {dimensions = array<i32: 0>} : vector<128x64xi32>
    %sub3A_247 = arith.constant 1 : i32
    %sub3A_248 = vector.broadcast %sub3A_247 : i32 to vector<1x1xi32>
    %sub3A_249 = arith.subi %broadcast_in_dim3A_215, %sub3A_248 : vector<1x1xi32>
    %min3A = vector.broadcast %sub3A_249 : vector<1x1xi32> to vector<128x64xi32>
    %min3A_250 = arith.minsi %iota3A_246, %min3A : vector<128x64xi32>
    %broadcast_in_dim3A_251 = vector.shape_cast %convert_element_type3A_212 : vector<1x64xi32> to vector<1x64xi32>
    %broadcast_in_dim3A_252 = vector.broadcast %broadcast_in_dim3A_251 : vector<1x64xi32> to vector<128x64xi32>
    %le3A_253 = arith.cmpi sle, %broadcast_in_dim3A_252, %min3A_250 : vector<128x64xi32>
    %convert_element_type3A_254 = arith.extui %le3A_253 : vector<128x64xi1> to vector<128x64xi32>
    %reduce_sum3A_255 = arith.constant dense<0> : vector<128xi32>
    %reduce_sum3A_256 = vector.multi_reduction <add>, %convert_element_type3A_254, %reduce_sum3A_255 [1] : vector<128x64xi32> to vector<128xi32>
    %broadcast_in_dim3A_257 = vector.shape_cast %reduce_sum3A_256 : vector<128xi32> to vector<128x1xi32>
    %swap3A_258 = arith.constant 0 : index
    %swap3A_259 = arith.constant 0 : index
    %swap3A_260 = vector.load %arg4[%swap3A_258, %swap3A_259] : memref<128x1xi32, #tpu.memory_space<vmem>>, vector<128x1xi32>
    tpu.vector_store %arg4[%swap3A_258, %swap3A_259], %broadcast_in_dim3A_257 {strides = array<i32>} : memref<128x1xi32, #tpu.memory_space<vmem>>, vector<128x1xi32>,
    %swap3A_261 = arith.constant 0 : index
    %swap3A_262 = arith.constant 0 : index
    %swap3A_263 = vector.load %arg5[%swap3A_261, %swap3A_262] : memref<1x1xi32, #tpu.memory_space<vmem>>, vector<1x1xi32>
    tpu.vector_store %arg5[%swap3A_261, %swap3A_262], %broadcast_in_dim3A_215 {strides = array<i32>} : memref<1x1xi32, #tpu.memory_space<vmem>>, vector<1x1xi32>,
    return
  }
}

module attributes {stable_mosaic.version = 14 : i64} {
  func.func @_ffn_body(%arg0: i32, %arg1: memref<128xi32, #tpu.memory_space<smem>>, %arg2: memref<1xi32, #tpu.memory_space<smem>>, %arg3: memref<64x768xf32, #tpu.memory_space<vmem>>, %arg4: memref<1x64x1xf32, #tpu.memory_space<vmem>>, %arg5: memref<1x768x128xf32, #tpu.memory_space<vmem>>, %arg6: memref<1x1x128xf32, #tpu.memory_space<vmem>>, %arg7: memref<1x128x768xf32, #tpu.memory_space<vmem>>, %arg8: memref<1x1x768xf32, #tpu.memory_space<vmem>>, %arg9: memref<64x768xf32, #tpu.memory_space<vmem>>) attributes {dimension_semantics = [#tpu.dimension_semantics<arbitrary>], iteration_bounds = array<i64: 128>, scalar_prefetch = 2 : i64, scratch_operands = 0 : i64, tpu.core_type = #tpu.core_type<tc>, window_params = [{transform_indices = @transform_0, window_bounds = array<i64: 64, 768>}, {transform_indices = @transform_1, window_bounds = array<i64: 1, 64, 1>}, {transform_indices = @transform_2, window_bounds = array<i64: 1, 768, 128>}, {transform_indices = @transform_3, window_bounds = array<i64: 1, 1, 128>}, {transform_indices = @transform_4, window_bounds = array<i64: 1, 128, 768>}, {transform_indices = @transform_5, window_bounds = array<i64: 1, 1, 768>}, {transform_indices = @transform_6, window_bounds = array<i64: 64, 768>}]} {
    %get3A = arith.constant 0 : index
    %get3A_0 = memref.load %arg2[%get3A] : memref<1xi32, #tpu.memory_space<smem>>
    %lt3A = arith.cmpi slt, %arg0, %get3A_0 : i32
    %convert_element_type3A = arith.extui %lt3A : i1 to i32
    %cond3A = arith.constant 0 : i32
    %cond3A_1 = arith.cmpi ne, %convert_element_type3A, %cond3A : i32
    scf.if %cond3A_1 {
      %get3A_2 = arith.constant 0 : index
      %get3A_3 = arith.constant 0 : index
      %get3A_4 = arith.constant 0 : index
      %get3A_5 = vector.load %arg4[%get3A_2, %get3A_3, %get3A_4] : memref<1x64x1xf32, #tpu.memory_space<vmem>>, vector<1x64x1xf32>
      %get3A_6 = vector.shape_cast %get3A_5 : vector<1x64x1xf32> to vector<64x1xf32>
      %get3A_7 = arith.constant 0 : index
      %get3A_8 = arith.constant 0 : index
      %get3A_9 = vector.load %arg3[%get3A_7, %get3A_8] : memref<64x768xf32, #tpu.memory_space<vmem>>, vector<64x768xf32>
      %get3A_10 = arith.constant 0 : index
      %get3A_11 = arith.constant 0 : index
      %get3A_12 = arith.constant 0 : index
      %get3A_13 = vector.load %arg5[%get3A_10, %get3A_11, %get3A_12] : memref<1x768x128xf32, #tpu.memory_space<vmem>>, vector<1x768x128xf32>
      %get3A_14 = vector.shape_cast %get3A_13 : vector<1x768x128xf32> to vector<768x128xf32>
      %dot_general3A = arith.constant dense<0.000000e+00> : vector<64x128xf32>
      %dot_general3A_15 = tpu.matmul %get3A_9, %get3A_14, %dot_general3A {dimension_numbers = #tpu.dot_dimension_numbers<[1], [0], [0], [1], [0, 0, 1, 1], [], []>, transpose_lhs_hint = false} : vector<64x768xf32>, vector<768x128xf32>, vector<64x128xf32> -> vector<64x128xf32>
      %get3A_16 = arith.constant 0 : index
      %get3A_17 = arith.constant 0 : index
      %get3A_18 = arith.constant 0 : index
      %get3A_19 = vector.load %arg6[%get3A_16, %get3A_17, %get3A_18] : memref<1x1x128xf32, #tpu.memory_space<vmem>>, vector<1x1x128xf32>
      %get3A_20 = vector.shape_cast %get3A_19 : vector<1x1x128xf32> to vector<1x128xf32>
      %add3A = vector.broadcast %get3A_20 : vector<1x128xf32> to vector<64x128xf32>
      %add3A_21 = arith.addf %dot_general3A_15, %add3A : vector<64x128xf32>
      %max3A = arith.constant 0.000000e+00 : f32
      %max3A_22 = vector.broadcast %max3A : f32 to vector<64x128xf32>
      %max3A_23 = arith.maximumf %add3A_21, %max3A_22 : vector<64x128xf32>
      %mul3A = vector.broadcast %get3A_6 : vector<64x1xf32> to vector<64x128xf32>
      %mul3A_24 = arith.mulf %max3A_23, %mul3A : vector<64x128xf32>
      %get3A_25 = arith.constant 0 : index
      %get3A_26 = arith.constant 0 : index
      %get3A_27 = arith.constant 0 : index
      %get3A_28 = vector.load %arg7[%get3A_25, %get3A_26, %get3A_27] : memref<1x128x768xf32, #tpu.memory_space<vmem>>, vector<1x128x768xf32>
      %get3A_29 = vector.shape_cast %get3A_28 : vector<1x128x768xf32> to vector<128x768xf32>
      %dot_general3A_30 = arith.constant dense<0.000000e+00> : vector<64x768xf32>
      %dot_general3A_31 = tpu.matmul %mul3A_24, %get3A_29, %dot_general3A_30 {dimension_numbers = #tpu.dot_dimension_numbers<[1], [0], [0], [1], [0, 0, 1, 1], [], []>, transpose_lhs_hint = false} : vector<64x128xf32>, vector<128x768xf32>, vector<64x768xf32> -> vector<64x768xf32>
      %get3A_32 = arith.constant 0 : index
      %get3A_33 = arith.constant 0 : index
      %get3A_34 = arith.constant 0 : index
      %get3A_35 = vector.load %arg8[%get3A_32, %get3A_33, %get3A_34] : memref<1x1x768xf32, #tpu.memory_space<vmem>>, vector<1x1x768xf32>
      %get3A_36 = vector.shape_cast %get3A_35 : vector<1x1x768xf32> to vector<1x768xf32>
      %mul3A_37 = vector.broadcast %get3A_6 : vector<64x1xf32> to vector<64x768xf32>
      %mul3A_38 = vector.broadcast %get3A_36 : vector<1x768xf32> to vector<64x768xf32>
      %mul3A_39 = arith.mulf %mul3A_37, %mul3A_38 : vector<64x768xf32>
      %add3A_40 = arith.addf %dot_general3A_31, %mul3A_39 : vector<64x768xf32>
      %swap3A = arith.constant 0 : index
      %swap3A_41 = arith.constant 0 : index
      %swap3A_42 = vector.load %arg9[%swap3A, %swap3A_41] : memref<64x768xf32, #tpu.memory_space<vmem>>, vector<64x768xf32>
      tpu.vector_store %arg9[%swap3A, %swap3A_41], %add3A_40 {strides = array<i32>} : memref<64x768xf32, #tpu.memory_space<vmem>>, vector<64x768xf32>,
    } else {
    }
    return
  }
  func.func @transform_0(%arg0: i32, %arg1: memref<128xi32, #tpu.memory_space<smem>>, %arg2: memref<1xi32, #tpu.memory_space<smem>>) -> (i32, i32) {
    %get3A = arith.constant 0 : index
    %get3A_0 = memref.load %arg2[%get3A] : memref<1xi32, #tpu.memory_space<smem>>
    %sub3A = arith.constant 1 : i32
    %sub3A_1 = arith.subi %get3A_0, %sub3A : i32
    %min3A = arith.minsi %arg0, %sub3A_1 : i32
    %c0_i32 = arith.constant 0 : i32
    %c0_i32_2 = arith.constant 0 : i32
    return %min3A, %c0_i32 : i32, i32
  }
  func.func @transform_1(%arg0: i32, %arg1: memref<128xi32, #tpu.memory_space<smem>>, %arg2: memref<1xi32, #tpu.memory_space<smem>>) -> (i32, i32, i32) {
    %get3A = arith.constant 0 : index
    %get3A_0 = memref.load %arg2[%get3A] : memref<1xi32, #tpu.memory_space<smem>>
    %sub3A = arith.constant 1 : i32
    %sub3A_1 = arith.subi %get3A_0, %sub3A : i32
    %min3A = arith.minsi %arg0, %sub3A_1 : i32
    %c0_i32 = arith.constant 0 : i32
    %c0_i32_2 = arith.constant 0 : i32
    %c0_i32_3 = arith.constant 0 : i32
    return %min3A, %c0_i32, %c0_i32_2 : i32, i32, i32
  }
  func.func @transform_2(%arg0: i32, %arg1: memref<128xi32, #tpu.memory_space<smem>>, %arg2: memref<1xi32, #tpu.memory_space<smem>>) -> (i32, i32, i32) {
    %get3A = arith.index_cast %arg0 : i32 to index
    %get3A_0 = memref.load %arg1[%get3A] : memref<128xi32, #tpu.memory_space<smem>>
    %c0_i32 = arith.constant 0 : i32
    %c0_i32_1 = arith.constant 0 : i32
    %c0_i32_2 = arith.constant 0 : i32
    return %get3A_0, %c0_i32, %c0_i32_1 : i32, i32, i32
  }
  func.func @transform_3(%arg0: i32, %arg1: memref<128xi32, #tpu.memory_space<smem>>, %arg2: memref<1xi32, #tpu.memory_space<smem>>) -> (i32, i32, i32) {
    %get3A = arith.index_cast %arg0 : i32 to index
    %get3A_0 = memref.load %arg1[%get3A] : memref<128xi32, #tpu.memory_space<smem>>
    %c0_i32 = arith.constant 0 : i32
    %c0_i32_1 = arith.constant 0 : i32
    %c0_i32_2 = arith.constant 0 : i32
    return %get3A_0, %c0_i32, %c0_i32_1 : i32, i32, i32
  }
  func.func @transform_4(%arg0: i32, %arg1: memref<128xi32, #tpu.memory_space<smem>>, %arg2: memref<1xi32, #tpu.memory_space<smem>>) -> (i32, i32, i32) {
    %get3A = arith.index_cast %arg0 : i32 to index
    %get3A_0 = memref.load %arg1[%get3A] : memref<128xi32, #tpu.memory_space<smem>>
    %c0_i32 = arith.constant 0 : i32
    %c0_i32_1 = arith.constant 0 : i32
    %c0_i32_2 = arith.constant 0 : i32
    return %get3A_0, %c0_i32, %c0_i32_1 : i32, i32, i32
  }
  func.func @transform_5(%arg0: i32, %arg1: memref<128xi32, #tpu.memory_space<smem>>, %arg2: memref<1xi32, #tpu.memory_space<smem>>) -> (i32, i32, i32) {
    %get3A = arith.index_cast %arg0 : i32 to index
    %get3A_0 = memref.load %arg1[%get3A] : memref<128xi32, #tpu.memory_space<smem>>
    %c0_i32 = arith.constant 0 : i32
    %c0_i32_1 = arith.constant 0 : i32
    %c0_i32_2 = arith.constant 0 : i32
    return %get3A_0, %c0_i32, %c0_i32_1 : i32, i32, i32
  }
  func.func @transform_6(%arg0: i32, %arg1: memref<128xi32, #tpu.memory_space<smem>>, %arg2: memref<1xi32, #tpu.memory_space<smem>>) -> (i32, i32) {
    %get3A = arith.constant 0 : index
    %get3A_0 = memref.load %arg2[%get3A] : memref<1xi32, #tpu.memory_space<smem>>
    %sub3A = arith.constant 1 : i32
    %sub3A_1 = arith.subi %get3A_0, %sub3A : i32
    %min3A = arith.minsi %arg0, %sub3A_1 : i32
    %c0_i32 = arith.constant 0 : i32
    %c0_i32_2 = arith.constant 0 : i32
    return %min3A, %c0_i32 : i32, i32
  }
}

</mosaic_0001>

<sc_bundles>
// kernel: kernel.10.cloned.1.call-start
scs
__scs_entry_jumppad:
0x0: {  	(pc) =	sbr.rel $0x88, $3  }
0x1: {  	(tag) =	ssettag $0x0;
	lr =	simm.s32 $0x1  }
0x2: {  	[smem:$0x3F9B] =	sst lr;
	_ =	strace $0xD0000000  }
0x3: {  	_ = 	snop  }
0x4: {  	_ = 	snop  }
0x5: {  	_ = 	snop  }
0x6: {  	_ = 	snop  }
0x7: {  	_ = 	snop  }
__scs_overlays_trampoline_lowered:
0x8: {  	[smem:$0x3FAA] =	sst s0  }
0x9: {  	[smem:$0x3FAB] =	sst s1  }
0xa: {  	[smem:$0x3FAC] =	sst s2  }
0xb: {  	[smem:$0x3FAD] =	sst s3  }
0xc: {  	[smem:$0x3FAE] =	sst s4  }
0xd: {  	[smem:$0x3FAF] =	sst s5  }
0xe: {  	[smem:$0x3FB0] =	sst s6  }
0xf: {  	[smem:$0x3FB1] =	sst s7  }
0x10: {  	[smem:$0x3FB2] =	sst s8  }
0x11: {  	[smem:$0x3FB3] =	sst s9;
	s0 =	simm.s32 @!p0 $0x0  }
0x12: {  	s1 =	sld [smem:$0x3F99];
	s0 =	simm.s32 @p0 $0x1  }
0x13: {  	[smem:$0x3FB4] =	sst s0;
	s0 =	simm.s32 @!p1 $0x0  }
0x14: {  	s2 =	sld [smem:$0x3F98];
	s0 =	simm.s32 @p1 $0x1  }
0x15: {  	[smem:$0x3FB5] =	sst s0;
	s0 =	simm.s32 @!p2 $0x0  }
0x16: {  	s3 =	sld [smem:$0x3FDB];
	s0 =	simm.s32 @p2 $0x1  }
0x17: {  	s4 =	simm.s32 $0x1BF5;
	[smem:$0x3FB7] =	sst s0  }
0x18: {  	s0 =	sld [smem:$0x3F9A];
	_ =	swait.ge [sflag:s4], $0x0  }
0x19: {  	s7 =	sld [smem:$0x3F9B]  }
0x1a: {  	s8 =	sadd.s32 $0xFFFFE003, lr  }
0x1b: {  	s9 =	sadd.s32 $0xFFFFFEF7, lr;
	s5 =	simm.s32 $0xFFFFFFFF;
	p2 =	slt.u32 s8, $0xFFFFF086  }
0x1c: {  	p1 =	slt.u32 s9, $0xF7A;
	s5 =	simm.s32 @!p2 $0x0  }
0x1d: {  	s5 =	simm.s32 @p1 $0x1;
	p0 =	seq.s32 s7, s2  }
0x1e: {  	s7 =	smul.u32 @!p0 $0xF7A, s2;
	p2 =	seq.s32 @!p0 s5, $0x0  }
0x1f: {  	s9 =	smul.u32 $0xF7A, s1;
	s8 =	simm.s32 @!p0 $0x1BF5;
	p2 =	por !p2, p0  }
0x20: {  	[sflag:s8] =	ssyncset.s32 @!p0 $0xFFFFF086;
	s6 =	sadd.s32 @!p0 s3, s7;
	s7 =	simm.s32 @!p0 $0x108  }
0x21: {  	s3 =	sadd.s32 s3, s9;
	s6 =	sadd.s32 @!p0 $0x88, s6;
	s7 =	simm.s32 @p2 $0x1082  }
0x22: {  	[simem:s7], [sflag:s8] =	dma.local @!p0 [hbm:s6], $0xF7A  }
0x23: {  	s9 =	sor.u32 $0xD0000000, s2;
	s6 =	simm.s32 $0x108;
	_ =	swait.ge @!p0 [sflag:s8], $0x0  }
0x24: {  	s3 =	sadd.s32 $0x88, s3;
	s6 =	simm.s32 @!p1 $0x1082;
	[sflag:s4] =	ssyncset.s32 $0xFFFFF086  }
0x25: {  	[simem:s6], [sflag:s4] =	dma.local [hbm:s3], $0xF7A  }
0x26: {  	[smem:$0x3F9B] =	sst s1;
	(tag) =	ssettag s2;
	_ =	strace s9  }
0x27: {  	s1 =	sld [smem:$0x3FAB]  }
0x28: {  	s2 =	sld [smem:$0x3FAC]  }
0x29: {  	s4 =	sld [smem:$0x3FAE]  }
0x2a: {  	p0 =	seq.s32 s5, $0x0;
	s5 =	sld [smem:$0x3FAF]  }
0x2b: {  	s6 =	sld [smem:$0x3FB0]  }
0x2c: {  	s7 =	sld [smem:$0x3FB1]  }
0x2d: {  	s3 =	simm.s32 $0x108;
	s8 =	sld [smem:$0x3FB2]  }
0x2e: {  	s3 =	simm.s32 @!p0 $0x1082;
	s9 =	sld [smem:$0x3FB3]  }
0x2f: {  	lr =	sadd.s32 s0, s3;
	s0 =	sld [smem:$0x3FAA]  }
0x30: {  	s3 =	sld [smem:$0x3FAD]  }
0x31: {  	[smem:$0x3FB6] =	sst s10  }
0x32: {  	s10 =	sld [smem:$0x3FB4];
	_ =	sdelay $0x3  }
0x33: {  	p0 =	seq.s32 s10, $0x1;
	s10 =	sld [smem:$0x3FB6];
	_ =	sdelay $0x3  }
0x34: {  	[smem:$0x3FB6] =	sst s10  }
0x35: {  	s10 =	sld [smem:$0x3FB5];
	_ =	sdelay $0x3  }
0x36: {  	p1 =	seq.s32 s10, $0x1;
	s10 =	sld [smem:$0x3FB6];
	_ =	sdelay $0x3  }
0x37: {  	[smem:$0x3FB6] =	sst s10  }
0x38: {  	s10 =	sld [smem:$0x3FB7]  }
0x39: {  	_ = 	snop;
	(pc) =	sbr.ind lr, $3  }
0x3a: {  	_ = 	snop  }
0x3b: {  	_ = 	snop  }
0x3c: {  	p2 =	seq.s32 s10, $0x1;
	s10 =	sld [smem:$0x3FB6]  }
0x3d: {  	_ =	shalt  }
0x3e: {  	_ =	shalt  }
0x3f: {  	_ =	shalt  }
0x40: {  	_ =	shalt  }
0x41: {  	_ =	shalt  }
0x42: {  	_ =	shalt  }
0x43: {  	_ =	shalt  }
0x44: {  	_ =	shalt  }
0x45: {  	_ =	shalt  }
0x46: {  	_ =	shalt  }
0x47: {  	_ =	shalt  }
0x48: {  	_ =	shalt  }
0x49: {  	_ =	shalt  }
0x4a: {  	_ =	shalt  }
0x4b: {  	_ =	shalt  }
0x4c: {  	_ =	shalt  }
0x4d: {  	_ =	shalt  }
0x4e: {  	_ =	shalt  }
0x4f: {  	_ =	shalt  }
0x50: {  	_ =	shalt  }
0x51: {  	_ =	shalt  }
0x52: {  	_ =	shalt  }
0x53: {  	_ =	shalt  }
0x54: {  	_ =	shalt  }
0x55: {  	_ =	shalt  }
0x56: {  	_ =	shalt  }
0x57: {  	_ =	shalt  }
0x58: {  	_ =	shalt  }
0x59: {  	_ =	shalt  }
0x5a: {  	_ =	shalt  }
0x5b: {  	_ =	shalt  }
0x5c: {  	_ =	shalt  }
0x5d: {  	_ =	shalt  }
0x5e: {  	_ =	shalt  }
0x5f: {  	_ =	shalt  }
0x60: {  	_ =	shalt  }
0x61: {  	_ =	shalt  }
0x62: {  	_ =	shalt  }
0x63: {  	_ =	shalt  }
0x64: {  	_ =	shalt  }
0x65: {  	_ =	shalt  }
0x66: {  	_ =	shalt  }
0x67: {  	_ =	shalt  }
0x68: {  	_ =	shalt  }
0x69: {  	_ =	shalt  }
0x6a: {  	_ =	shalt  }
0x6b: {  	_ =	shalt  }
0x6c: {  	_ =	shalt  }
0x6d: {  	_ =	shalt  }
0x6e: {  	_ =	shalt  }
0x6f: {  	_ =	shalt  }
0x70: {  	_ =	shalt  }
0x71: {  	_ =	shalt  }
0x72: {  	_ =	shalt  }
0x73: {  	_ =	shalt  }
0x74: {  	_ =	shalt  }
0x75: {  	_ =	shalt  }
0x76: {  	_ =	shalt  }
0x77: {  	_ =	shalt  }
0x78: {  	_ =	shalt  }
0x79: {  	_ =	shalt  }
0x7a: {  	_ =	shalt  }
0x7b: {  	_ =	shalt  }
0x7c: {  	_ =	shalt  }
0x7d: {  	_ =	shalt  }
0x7e: {  	_ =	shalt  }
0x7f: {  	_ =	shalt  }
0x80: {  	_ =	shalt  }
0x81: {  	_ =	shalt  }
0x82: {  	_ =	shalt  }
0x83: {  	_ =	shalt  }
0x84: {  	_ =	shalt  }
0x85: {  	_ =	shalt  }
0x86: {  	_ =	shalt  }
0x87: {  	_ =	shalt  }
.Lfunc_end0:
.L_simem_size_0:
called_computation.1_lowered:
.L_overlay_start_0:
0x88: {  	s2 =	sld [smem:$0x3FD9]  }
0x89: {  	s3 =	sld [smem:$0x3FFE];
	_ =	sdelay $0x1  }
0x8a: {  	s1 =	srdreg.scid  }
0x8b: {  	s0 =	sand.u32 $0x1, s1  }
0x8c: {  	s17 =	sshll.u32 s0, $0xA;
	s2 =	sadd.s32 s3, s2  }
0x8d: {  	s2 =	sadd.s32 s2, s17  }
0x8e: {  	[smem:$0x3FC2] =	sst s2  }
0x8f: {  	_ = 	snop  }
0x90: {  	s2 =	sld [smem:$0x3FC9]  }
0x91: {  	s18 =	sld [smem:$0x3FD0];
	(tm) =	ssettm $0x1  }
0x92: {  	s4 =	sld [smem:$0x3FFB];
	_ =	sdelay $0x3  }
0x93: {  	_ =	strace s4  }
0x94: {  	s4 =	sld [smem:$0x3FFC];
	_ =	sdelay $0x3  }
0x95: {  	_ =	strace s4  }
0x96: {  	s4 =	sld [smem:$0x3FFD];
	_ =	sdelay $0x3  }
0x97: {  	_ =	strace s4  }
0x98: {  	_ =	strace $0x8FFFFFFF  }
0x99: {  	s19 =	sld [smem:$0x3FDB];
	_ =	sdelay $0x1  }
0x9a: {  	s5 =	simm.s32 $_scs_section_size  }
0x9b: {  	s6 =	simm.s32 $_size__tile_overlayer_lowered;
	s7 =	simm.s32 $_tile_overlayer_lowered  }
0x9c: {  	s22 =	simm.s32 $0x1BFF;
	s21 =	sshll.u32 s7, $0x1;
	s4 =	sadd.s32 s5, s19  }
0x9d: {  	s8 =	simm.s32 $0x0;
	s20 =	sshll.u32 s6, $0x1;
	s6 =	sadd.s32 s21, s4  }
0x9e: {  	[timem:s8], [sflag:s22] =	dma.local [hbm:s6], s20  }
0x9f: {  	_ =	swait.ge [sflag:s22], s20  }
0xa0: {  	s5 =	ssub.s32 $0x0, s20;
	[sflag:s22] =	ssyncset.done $0x0  }
0xa1: {  	[sflag:s22] =	ssyncadd.s32 s5;
	_ =	sdelay $0x1  }
0xa2: {  	s23 =	simm.s32 $0x1B8B  }
0xa3: {  	_ =	swait.ge [sflag:s23], $0x1  }
0xa4: {  	[sflag:s23] =	ssyncset.done $0x0  }
0xa5: {  	s25 =	simm.s32 $0x1B8E;
	s24 =	sld [smem:$0x3FFE];
	[sflag:s23] =	ssyncadd.s32 $0xFFFFFFFF  }
0xa6: {  	s26 =	simm.s32 $execute0_lowered;
	[smem:$0x3FD2] =	sst s25  }
0xa7: {  	s6 =	sshll.u32 s26, $0x1;
	_ =	strace $0x80000049;
	[dreg:$0x1] =	wrdreg $0xFFFFFFFF  }
0xa8: {  	s28 =	simm.s32 $_size_execute0_lowered;
	s4 =	sadd.s32 s4, s6;
	[dreg:$0x0] =	wrdreg $0x0  }
0xa9: {  	s6 =	sshll.u32 s28, $0x1;
	[dreg:$0x2] =	wrdreg s4  }
0xaa: {  	[dreg:$0x3] =	wrdreg s6  }
0xab: {  	[dreg:$0x4] =	wrdreg $0xC0  }
0xac: {  	_ =	task [dreg:s8], $0x5FFFF  }
0xad: {  	[dreg:$0x1] =	wrdreg $0xFFFFFFFF  }
0xae: {  	[dreg:$0x0] =	wrdreg $0x60  }
0xaf: {  	[dreg:$0x2] =	wrdreg s2  }
0xb0: {  	[dreg:$0x3] =	wrdreg s18  }
0xb1: {  	[dreg:$0x4] =	wrdreg s24  }
0xb2: {  	[dreg:$0x5] =	wrdreg $0x9  }
0xb3: {  	_ =	task.clear_ibuf [dreg:s8], $0x6FFFF;
	_ =	strace $0x90000049  }
0xb4: {  	s29 =	simm.s32 $0x9;
	_ =	strace $0x8000004B  }
0xb5: {  	_ =	swait.ge [sflag:s29], $0x1  }
0xb6: {  	[sflag:s29] =	ssyncadd.s32 $0xFFFFFFFF  }
0xb7: {  	_ =	strace $0x9000004B  }
0xb8: {  	_ =	sfence  }
0xb9: {  	s30 =	sld [smem:$0x0];
	_ =	sdelay $0x2  }
0xba: {  	s31 =	sshll.u32 s1, $0xD;
	s1 =	sshrl.u32 s1, $0x2  }
0xbb: {  	s3 =	sand.u32 $0x4000, s31;
	s1 =	sadd.s32 s1, s30  }
0xbc: {  	s0 =	sor.u32 s3, s0;
	s1 =	sshll.u32 s1, $0x11  }
0xbd: {  	s0 =	sor.u32 s1, s0  }
0xbe: {  	s0 =	sadd.s32 $0x8F2B, s0  }
0xbf: {  	[sflag:s0] =	ssyncadd.remote.s32 $0x1  }
0xc0: {  	_ =	sfence.sel $0xFFFF  }
0xc1: {  	[dreg:$0x0] =	wrdreg $0xFFFFFFFF;
	(pc) =	sbr.abs _section_cstart, $3  }
0xc2: {  	[dreg:$0x1] =	wrdreg $0xFFFFFFFF  }
0xc3: {  	_ =	task.clear_ibuf [dreg:s8], $0x2FFFF;
	_ =	strace $0x9FFFFFFF  }
0xc4: {  	(tm) =	ssettm $0x7FFFFFFF  }
0xc5: {  	_ =	shalt  }
tec
execute0_lowered:
.L_overlay_start_1:
0x0: {  	(tag) =	ssettag $0x1  }
0x1: {  	s1 =	rddreg [dreg:$0x0]  }
0x2: {  	s0 =	rddreg [dreg:$0x1]  }
0x3: {  	s2 =	rddreg [dreg:$0x2];
	s3 =	simm.s32 $0x0  }
0x4: {  	s4 =	srdreg.scid;
	s5 =	stileid.u32;
	s18 =	simm.s32 $0x3  }
0x5: {  	s19 =	simm.s32 $0x200;
	s28 =	simm.s32 $0xC200;
	s22 =	simm.s32 $0x11A00  }
0x6: {  	s23 =	simm.s32 $0x12200;
	s29 =	simm.s32 $0x14200;
	s30 =	simm.s32 $0x14A00  }
0x7: {  	s31 =	simm.s32 $0x15200;
	s17 =	simm.s32 $0x16A00;
	s20 =	simm.s32 $0x17A00  }
0x8: {  	[smem:$0x7FF] =	sst s3;
	s4 =	sand.u32 $0x1, s4;
	s5 =	sshll.u32 s5, $0x1  }
0x9: {  	s8 =	sadd.s32 $0x200, s1;
	_ =	strace $0x8000004A;
	s6 =	ssub.s32 $0x2, s4  }
0xa: {  	s9 =	sor.u32 s4, s5;
	s4 =	sadd.s32 $0x1000, s2;
	s2 =	sadd.s32 $0x1800, s2  }
0xb: {  	s7 =	sshrl.u32 s6, $0x1;
	s5 =	sshll.u32 s9, $0x6;
	s24 =	smul.u32 $0x1800, s9  }
0xc: {  	s10 =	sor.u32 $0x20, s9;
	s13 =	sor.u32 $0x40, s9;
	s9 =	sor.u32 $0x60, s9  }
0xd: {  	s11 =	ssub.s32 s6, s7;
	s6 =	sadd.s32 s0, s5;
	s12 =	smul.u32 $0x1800, s10  }
0xe: {  	s7 =	sadd.s32 $0x100, s1;
	s25 =	smul.u32 $0x1800, s13;
	s10 =	sshll.u32 s10, $0x6  }
0xf: {  	s15 =	smul.u32 $0x1800, s9;
	s14 =	sshll.u32 s9, $0x6;
	s9 =	simm.s32 $0x17200  }
0x10: {  	s0 =	sadd.s32 s2, s24;
	s16 =	smax.u32 s11, $0x1;
	s24 =	simm.s32 $0x12A00  }
.Ltmp0:
0x11: {  	[dreg:$0x4] =	wrdreg s0;
	s12 =	sadd.s32 s2, s12;
	(pc) =	sbr.rel .LBB2_1-.Ltmp0, $4  }
0x12: {  	s0 =	sadd.s32 s2, s25;
	s26 =	sadd.s32 s2, s15;
	[dreg:$0x5] =	wrdreg s12  }
0x13: {  	v2 =	vlaneseq.u32;
	s15 =	simm.s32 $0x2;
	s25 =	simm.s32 $0x13A00;
	[dreg:$0x6] =	wrdreg s0  }
0x14: {  	vm0 =	vmmov $0xffff;
	v1 =	vshrl.u32 v2, $0x3;
	s2 =	simm.s32 $0x16200;
	s12 =	sshll.u32 s13, $0x6;
	[dreg:$0x7] =	wrdreg s26  }
0x15: {  	v0 =	vand.u32 $0x7, v2;
	v2 =	vor.u32 $0x8, v2;
	v1 =	vmul.u32 $0x8, v1;
	s26 =	simm.s32 $0x1;
	s13 =	simm.s32 $0x13200;
	s0 =	simm.s32 $0x15A00  }
.LBB2_9:
0x16: {  	s16 =	sadd.s32 $0xFFFFFFFF, s16  }
0x17: {  	p0 =	sne.s32 s16, $0x0  }
.Ltmp1:
0x18: {  	_ = 	snop;
	(pc) =	sbr.rel @!p0 .LBB2_10-.Ltmp1, $1  }
0x19: {  	_ =	sdelay $0x3  }
.LBB2_1:
0x1a: {  	s11 =	simm.s32 $0x18200  }
0x1b: {  	[tilespmem:s11], [sflag:$0x3] =	stream.linear.gather [hbm4b:s4+s3], $0x80, $0x38;
	[tilespmem:$0x18280] =	vst v63  }
0x1c: {  	_ =	swait.ge [sflag:s18], $0x80  }
0x1d: {  	[sflag:s18] =	ssyncset.done $0x0  }
0x1e: {  	[sflag:s18] =	ssyncadd.s32 $0xFFFFFF80  }
0x1f: {  	[tilespmem:s3], [sflag:$0x3] =	stream.linear.gather [hbm4b:s6+s3], $0x200, $0x38;
	[tilespmem:$0x18280] =	vst v63  }
0x20: {  	_ =	swait.ge [sflag:s18], $0x200  }
0x21: {  	[sflag:s18] =	ssyncset.done $0x0  }
0x22: {  	[sflag:s18] =	ssyncadd.s32 $0xFFFFFE00  }
0x23: {  	v3 =	vld [tilespmem:$0x18200];
	_ =	sdelay $0x4  }
0x24: {  	(v2sf) =	vpush v3, $0x0;
	_ =	sdelay $0xe  }
0x25: {  	s21 =	spop (v2sf)  }
0x26: {  	s21 =	sshll.u32 s21, $0x6  }
0x27: {  	p0 =	sge.s32 s5, s21  }
.Ltmp2:
0x28: {  	_ = 	snop;
	(pc) =	sbr.rel @p0 .LBB2_3-.Ltmp2, $1  }
0x29: {  	_ =	sdelay $0x3  }
0x2a: {  	v3 =	vld [tilespmem:$0x0];
	_ =	sdelay $0x4  }
0x2b: {  	v4 =	vshrl.u32 v3, $0x3  }
0x2c: {  	v4 =	vmul.u32 $0x30, v4  }
0x2d: {  	v3 =	vand.u32 $0x7, v3  }
0x2e: {  	v3 =	vor.u32 v3, v4  }
0x2f: {  	v4 =	vperm.xlane v3, v0;
	_ =	sdelay $0x1  }
0x30: {  	v4 =	vadd.s32 v1, v4;
	_ =	sdelay $0x3  }
0x31: {  	v3 =	vperm.xlane v3, v2  }
0x32: {  	[tilespmem:s19], [sflag:$0x1] =	stream.indirect_vreg.gather [hbm4b:s1+s3], $0x80, v4, vm0, $0xb8;
	[tilespmem:$0x18280] =	vst v63  }
0x33: {  	s11 =	simm.s32 $0xA00;
	v3 =	vadd.s32 v1, v3  }
0x34: {  	[tilespmem:s11], [sflag:$0x1] =	stream.indirect_vreg.gather [hbm4b:s7+s3], $0x80, v4, vm0, $0xb8;
	[tilespmem:$0x18280] =	vst v63  }
0x35: {  	s11 =	simm.s32 $0x1200  }
0x36: {  	[tilespmem:s11], [sflag:$0x1] =	stream.indirect_vreg.gather [hbm4b:s8+s3], $0x80, v4, vm0, $0xb8;
	[tilespmem:$0x18280] =	vst v63  }
0x37: {  	s11 =	simm.s32 $0x1A00  }
0x38: {  	[tilespmem:s11], [sflag:$0x1] =	stream.indirect_vreg.gather [hbm4b:s1+s3], $0x80, v3, vm0, $0xb8;
	[tilespmem:$0x18280] =	vst v63  }
0x39: {  	s11 =	simm.s32 $0x2200  }
0x3a: {  	[tilespmem:s11], [sflag:$0x1] =	stream.indirect_vreg.gather [hbm4b:s7+s3], $0x80, v3, vm0, $0xb8;
	[tilespmem:$0x18280] =	vst v63  }
0x3b: {  	s11 =	simm.s32 $0x2A00  }
0x3c: {  	[tilespmem:s11], [sflag:$0x1] =	stream.indirect_vreg.gather [hbm4b:s8+s3], $0x80, v3, vm0, $0xb8;
	[tilespmem:$0x18280] =	vst v63  }
0x3d: {  	v3 =	vld [tilespmem:$0x10];
	_ =	sdelay $0x4  }
0x3e: {  	v61 =	vshrl.u32 v3, $0x3  }
0x3f: {  	v4 =	vmul.u32 $0x30, v61  }
0x40: {  	v3 =	vand.u32 $0x7, v3  }
0x41: {  	v3 =	vor.u32 v3, v4  }
0x42: {  	v4 =	vperm.xlane v3, v0;
	_ =	sdelay $0x1  }
0x43: {  	v4 =	vadd.s32 v1, v4;
	_ =	sdelay $0x3  }
0x44: {  	s11 =	simm.s32 $0x3200;
	v3 =	vperm.xlane v3, v2  }
0x45: {  	[tilespmem:s11], [sflag:$0x1] =	stream.indirect_vreg.gather [hbm4b:s1+s3], $0x80, v4, vm0, $0xb8;
	[tilespmem:$0x18280] =	vst v63  }
0x46: {  	v3 =	vadd.s32 v1, v3;
	s11 =	simm.s32 $0x3A00  }
0x47: {  	[tilespmem:s11], [sflag:$0x1] =	stream.indirect_vreg.gather [hbm4b:s7+s3], $0x80, v4, vm0, $0xb8;
	[tilespmem:$0x18280] =	vst v63  }
0x48: {  	s11 =	simm.s32 $0x4200  }
0x49: {  	[tilespmem:s11], [sflag:$0x1] =	stream.indirect_vreg.gather [hbm4b:s8+s3], $0x80, v4, vm0, $0xb8;
	[tilespmem:$0x18280] =	vst v63  }
0x4a: {  	s11 =	simm.s32 $0x4A00  }
0x4b: {  	[tilespmem:s11], [sflag:$0x1] =	stream.indirect_vreg.gather [hbm4b:s1+s3], $0x80, v3, vm0, $0xb8;
	[tilespmem:$0x18280] =	vst v63  }
0x4c: {  	s11 =	simm.s32 $0x5200  }
0x4d: {  	[tilespmem:s11], [sflag:$0x1] =	stream.indirect_vreg.gather [hbm4b:s7+s3], $0x80, v3, vm0, $0xb8;
	[tilespmem:$0x18280] =	vst v63  }
0x4e: {  	s11 =	simm.s32 $0x5A00  }
0x4f: {  	[tilespmem:s11], [sflag:$0x1] =	stream.indirect_vreg.gather [hbm4b:s8+s3], $0x80, v3, vm0, $0xb8;
	[tilespmem:$0x18280] =	vst v63  }
0x50: {  	v3 =	vld [tilespmem:$0x20];
	_ =	sdelay $0x4  }
0x51: {  	v62 =	vshrl.u32 v3, $0x3  }
0x52: {  	v4 =	vmul.u32 $0x30, v62  }
0x53: {  	v3 =	vand.u32 $0x7, v3  }
0x54: {  	v3 =	vor.u32 v3, v4  }
0x55: {  	v4 =	vperm.xlane v3, v0;
	_ =	sdelay $0x1  }
0x56: {  	v4 =	vadd.s32 v1, v4;
	_ =	sdelay $0x3  }
0x57: {  	s11 =	simm.s32 $0x6200;
	v3 =	vperm.xlane v3, v2  }
0x58: {  	[tilespmem:s11], [sflag:$0x1] =	stream.indirect_vreg.gather [hbm4b:s1+s3], $0x80, v4, vm0, $0xb8;
	[tilespmem:$0x18280] =	vst v63  }
0x59: {  	v3 =	vadd.s32 v1, v3;
	s11 =	simm.s32 $0x6A00  }
0x5a: {  	[tilespmem:s11], [sflag:$0x1] =	stream.indirect_vreg.gather [hbm4b:s7+s3], $0x80, v4, vm0, $0xb8;
	[tilespmem:$0x18280] =	vst v63  }
0x5b: {  	s11 =	simm.s32 $0x7200  }
0x5c: {  	[tilespmem:s11], [sflag:$0x1] =	stream.indirect_vreg.gather [hbm4b:s8+s3], $0x80, v4, vm0, $0xb8;
	[tilespmem:$0x18280] =	vst v63  }
0x5d: {  	s11 =	simm.s32 $0x7A00  }
0x5e: {  	[tilespmem:s11], [sflag:$0x1] =	stream.indirect_vreg.gather [hbm4b:s1+s3], $0x80, v3, vm0, $0xb8;
	[tilespmem:$0x18280] =	vst v63  }
0x5f: {  	s11 =	simm.s32 $0x8200  }
0x60: {  	[tilespmem:s11], [sflag:$0x1] =	stream.indirect_vreg.gather [hbm4b:s7+s3], $0x80, v3, vm0, $0xb8;
	[tilespmem:$0x18280] =	vst v63  }
0x61: {  	s11 =	simm.s32 $0x8A00  }
0x62: {  	[tilespmem:s11], [sflag:$0x1] =	stream.indirect_vreg.gather [hbm4b:s8+s3], $0x80, v3, vm0, $0xb8;
	[tilespmem:$0x18280] =	vst v63  }
0x63: {  	v3 =	vld [tilespmem:$0x30];
	_ =	sdelay $0x4  }
0x64: {  	v63 =	vshrl.u32 v3, $0x3  }
0x65: {  	v4 =	vmul.u32 $0x30, v63  }
0x66: {  	v3 =	vand.u32 $0x7, v3  }
0x67: {  	v3 =	vor.u32 v3, v4  }
0x68: {  	v4 =	vperm.xlane v3, v0;
	_ =	sdelay $0x1  }
0x69: {  	v4 =	vadd.s32 v1, v4;
	_ =	sdelay $0x3  }
0x6a: {  	s11 =	simm.s32 $0x9200;
	v3 =	vperm.xlane v3, v2  }
0x6b: {  	[tilespmem:s11], [sflag:$0x1] =	stream.indirect_vreg.gather [hbm4b:s1+s3], $0x80, v4, vm0, $0xb8;
	[tilespmem:$0x18280] =	vst v63  }
0x6c: {  	v3 =	vadd.s32 v1, v3;
	s11 =	simm.s32 $0x9A00  }
0x6d: {  	[tilespmem:s11], [sflag:$0x1] =	stream.indirect_vreg.gather [hbm4b:s7+s3], $0x80, v4, vm0, $0xb8;
	[tilespmem:$0x18280] =	vst v63  }
0x6e: {  	s11 =	simm.s32 $0xA200  }
0x6f: {  	[tilespmem:s11], [sflag:$0x1] =	stream.indirect_vreg.gather [hbm4b:s8+s3], $0x80, v4, vm0, $0xb8;
	[tilespmem:$0x18280] =	vst v63  }
0x70: {  	s11 =	simm.s32 $0xAA00  }
0x71: {  	[tilespmem:s11], [sflag:$0x1] =	stream.indirect_vreg.gather [hbm4b:s1+s3], $0x80, v3, vm0, $0xb8;
	[tilespmem:$0x18280] =	vst v63  }
0x72: {  	s11 =	simm.s32 $0xB200  }
0x73: {  	[tilespmem:s11], [sflag:$0x1] =	stream.indirect_vreg.gather [hbm4b:s7+s3], $0x80, v3, vm0, $0xb8;
	[tilespmem:$0x18280] =	vst v63  }
0x74: {  	s11 =	simm.s32 $0xBA00  }
0x75: {  	[tilespmem:s11], [sflag:$0x1] =	stream.indirect_vreg.gather [hbm4b:s8+s3], $0x80, v3, vm0, $0xb8;
	[tilespmem:$0x18280] =	vst v63  }
0x76: {  	_ =	swait.ge [sflag:s26], $0xC000  }
0x77: {  	[sflag:s26] =	ssyncset.done $0x0  }
0x78: {  	s11 =	rddreg [dreg:$0x4];
	[sflag:s26] =	ssyncadd.s32 $0xFFFF4000  }
0x79: {  	[hbm4b:s11+s3] =	stream.linear.scatter [tilespmem:s19], [sflag:$0x2], $0xC000, $0x38;
	[tilespmem:$0x18280] =	vst v63  }
0x7a: {  	_ =	swait.ge [sflag:s15], $0xC000  }
0x7b: {  	[sflag:s15] =	ssyncset.done $0x0  }
0x7c: {  	[sflag:s15] =	ssyncadd.s32 $0xFFFF4000  }
.LBB2_3:
0x7d: {  	p0 =	sge.s32 s10, s21  }
.Ltmp3:
0x7e: {  	_ = 	snop;
	(pc) =	sbr.rel @p0 .LBB2_5-.Ltmp3, $1  }
0x7f: {  	_ =	sdelay $0x3  }
0x80: {  	v3 =	vld [tilespmem:$0x80];
	_ =	sdelay $0x4  }
0x81: {  	v4 =	vshrl.u32 v3, $0x3  }
0x82: {  	v4 =	vmul.u32 $0x30, v4  }
0x83: {  	v3 =	vand.u32 $0x7, v3  }
0x84: {  	v3 =	vor.u32 v3, v4  }
0x85: {  	v4 =	vperm.xlane v3, v0;
	_ =	sdelay $0x1  }
0x86: {  	v4 =	vadd.s32 v1, v4;
	_ =	sdelay $0x3  }
0x87: {  	v3 =	vperm.xlane v3, v2  }
0x88: {  	[tilespmem:s28], [sflag:$0x1] =	stream.indirect_vreg.gather [hbm4b:s1+s3], $0x80, v4, vm0, $0xb8;
	[tilespmem:$0x18280] =	vst v63  }
0x89: {  	s11 =	simm.s32 $0xCA00;
	v3 =	vadd.s32 v1, v3  }
0x8a: {  	[tilespmem:s11], [sflag:$0x1] =	stream.indirect_vreg.gather [hbm4b:s7+s3], $0x80, v4, vm0, $0xb8;
	[tilespmem:$0x18280] =	vst v63  }
0x8b: {  	s11 =	simm.s32 $0xD200  }
0x8c: {  	[tilespmem:s11], [sflag:$0x1] =	stream.indirect_vreg.gather [hbm4b:s8+s3], $0x80, v4, vm0, $0xb8;
	[tilespmem:$0x18280] =	vst v63  }
0x8d: {  	s11 =	simm.s32 $0xDA00  }
0x8e: {  	[tilespmem:s11], [sflag:$0x1] =	stream.indirect_vreg.gather [hbm4b:s1+s3], $0x80, v3, vm0, $0xb8;
	[tilespmem:$0x18280] =	vst v63  }
0x8f: {  	s11 =	simm.s32 $0xE200  }
0x90: {  	[tilespmem:s11], [sflag:$0x1] =	stream.indirect_vreg.gather [hbm4b:s7+s3], $0x80, v3, vm0, $0xb8;
	[tilespmem:$0x18280] =	vst v63  }
0x91: {  	s11 =	simm.s32 $0xEA00  }
0x92: {  	[tilespmem:s11], [sflag:$0x1] =	stream.indirect_vreg.gather [hbm4b:s8+s3], $0x80, v3, vm0, $0xb8;
	[tilespmem:$0x18280] =	vst v63  }
0x93: {  	v3 =	vld [tilespmem:$0x90];
	_ =	sdelay $0x4  }
0x94: {  	v61 =	vshrl.u32 v3, $0x3  }
0x95: {  	v4 =	vmul.u32 $0x30, v61  }
0x96: {  	v3 =	vand.u32 $0x7, v3  }
0x97: {  	v3 =	vor.u32 v3, v4  }
0x98: {  	v4 =	vperm.xlane v3, v0;
	_ =	sdelay $0x1  }
0x99: {  	v4 =	vadd.s32 v1, v4;
	_ =	sdelay $0x3  }
0x9a: {  	s11 =	simm.s32 $0xF200;
	v3 =	vperm.xlane v3, v2  }
0x9b: {  	[tilespmem:s11], [sflag:$0x1] =	stream.indirect_vreg.gather [hbm4b:s1+s3], $0x80, v4, vm0, $0xb8;
	[tilespmem:$0x18280] =	vst v63  }
0x9c: {  	v3 =	vadd.s32 v1, v3;
	s11 =	simm.s32 $0xFA00  }
0x9d: {  	[tilespmem:s11], [sflag:$0x1] =	stream.indirect_vreg.gather [hbm4b:s7+s3], $0x80, v4, vm0, $0xb8;
	[tilespmem:$0x18280] =	vst v63  }
0x9e: {  	s11 =	simm.s32 $0x10200  }
0x9f: {  	[tilespmem:s11], [sflag:$0x1] =	stream.indirect_vreg.gather [hbm4b:s8+s3], $0x80, v4, vm0, $0xb8;
	[tilespmem:$0x18280] =	vst v63  }
0xa0: {  	s11 =	simm.s32 $0x10A00  }
0xa1: {  	[tilespmem:s11], [sflag:$0x1] =	stream.indirect_vreg.gather [hbm4b:s1+s3], $0x80, v3, vm0, $0xb8;
	[tilespmem:$0x18280] =	vst v63  }
0xa2: {  	s11 =	simm.s32 $0x11200  }
0xa3: {  	[tilespmem:s11], [sflag:$0x1] =	stream.indirect_vreg.gather [hbm4b:s7+s3], $0x80, v3, vm0, $0xb8;
	[tilespmem:$0x18280] =	vst v63  }
0xa4: {  	_ = 	snop  }
0xa5: {  	[tilespmem:s22], [sflag:$0x1] =	stream.indirect_vreg.gather [hbm4b:s8+s3], $0x80, v3, vm0, $0xb8;
	[tilespmem:$0x18280] =	vst v63  }
0xa6: {  	v3 =	vld [tilespmem:$0xA0];
	_ =	sdelay $0x4  }
0xa7: {  	v62 =	vshrl.u32 v3, $0x3  }
0xa8: {  	v4 =	vmul.u32 $0x30, v62  }
0xa9: {  	v3 =	vand.u32 $0x7, v3  }
0xaa: {  	v3 =	vor.u32 v3, v4  }
0xab: {  	v4 =	vperm.xlane v3, v0;
	_ =	sdelay $0x1  }
0xac: {  	v4 =	vadd.s32 v1, v4;
	_ =	sdelay $0x3  }
0xad: {  	v3 =	vperm.xlane v3, v2  }
0xae: {  	[tilespmem:s23], [sflag:$0x1] =	stream.indirect_vreg.gather [hbm4b:s1+s3], $0x80, v4, vm0, $0xb8;
	[tilespmem:$0x18280] =	vst v63  }
0xaf: {  	v3 =	vadd.s32 v1, v3  }
0xb0: {  	[tilespmem:s24], [sflag:$0x1] =	stream.indirect_vreg.gather [hbm4b:s7+s3], $0x80, v4, vm0, $0xb8;
	[tilespmem:$0x18280] =	vst v63  }
0xb1: {  	_ = 	snop  }
0xb2: {  	[tilespmem:s13], [sflag:$0x1] =	stream.indirect_vreg.gather [hbm4b:s8+s3], $0x80, v4, vm0, $0xb8;
	[tilespmem:$0x18280] =	vst v63  }
0xb3: {  	_ = 	snop  }
0xb4: {  	[tilespmem:s25], [sflag:$0x1] =	stream.indirect_vreg.gather [hbm4b:s1+s3], $0x80, v3, vm0, $0xb8;
	[tilespmem:$0x18280] =	vst v63  }
0xb5: {  	_ = 	snop  }
0xb6: {  	[tilespmem:s29], [sflag:$0x1] =	stream.indirect_vreg.gather [hbm4b:s7+s3], $0x80, v3, vm0, $0xb8;
	[tilespmem:$0x18280] =	vst v63  }
0xb7: {  	_ = 	snop  }
0xb8: {  	[tilespmem:s30], [sflag:$0x1] =	stream.indirect_vreg.gather [hbm4b:s8+s3], $0x80, v3, vm0, $0xb8;
	[tilespmem:$0x18280] =	vst v63  }
0xb9: {  	v3 =	vld [tilespmem:$0xB0];
	_ =	sdelay $0x4  }
0xba: {  	v63 =	vshrl.u32 v3, $0x3  }
0xbb: {  	v4 =	vmul.u32 $0x30, v63  }
0xbc: {  	v3 =	vand.u32 $0x7, v3  }
0xbd: {  	v3 =	vor.u32 v3, v4  }
0xbe: {  	v4 =	vperm.xlane v3, v0;
	_ =	sdelay $0x1  }
0xbf: {  	v4 =	vadd.s32 v1, v4;
	_ =	sdelay $0x3  }
0xc0: {  	v3 =	vperm.xlane v3, v2  }
0xc1: {  	[tilespmem:s31], [sflag:$0x1] =	stream.indirect_vreg.gather [hbm4b:s1+s3], $0x80, v4, vm0, $0xb8;
	[tilespmem:$0x18280] =	vst v63  }
0xc2: {  	v3 =	vadd.s32 v1, v3  }
0xc3: {  	[tilespmem:s0], [sflag:$0x1] =	stream.indirect_vreg.gather [hbm4b:s7+s3], $0x80, v4, vm0, $0xb8;
	[tilespmem:$0x18280] =	vst v63  }
0xc4: {  	_ = 	snop  }
0xc5: {  	[tilespmem:s2], [sflag:$0x1] =	stream.indirect_vreg.gather [hbm4b:s8+s3], $0x80, v4, vm0, $0xb8;
	[tilespmem:$0x18280] =	vst v63  }
0xc6: {  	_ = 	snop  }
0xc7: {  	[tilespmem:s17], [sflag:$0x1] =	stream.indirect_vreg.gather [hbm4b:s1+s3], $0x80, v3, vm0, $0xb8;
	[tilespmem:$0x18280] =	vst v63  }
0xc8: {  	_ = 	snop  }
0xc9: {  	[tilespmem:s9], [sflag:$0x1] =	stream.indirect_vreg.gather [hbm4b:s7+s3], $0x80, v3, vm0, $0xb8;
	[tilespmem:$0x18280] =	vst v63  }
0xca: {  	_ = 	snop  }
0xcb: {  	[tilespmem:s20], [sflag:$0x1] =	stream.indirect_vreg.gather [hbm4b:s8+s3], $0x80, v3, vm0, $0xb8;
	[tilespmem:$0x18280] =	vst v63  }
0xcc: {  	_ =	swait.ge [sflag:s26], $0xC000  }
0xcd: {  	[sflag:s26] =	ssyncset.done $0x0  }
0xce: {  	s11 =	rddreg [dreg:$0x5];
	[sflag:s26] =	ssyncadd.s32 $0xFFFF4000  }
0xcf: {  	[hbm4b:s11+s3] =	stream.linear.scatter [tilespmem:s28], [sflag:$0x2], $0xC000, $0x38;
	[tilespmem:$0x18280] =	vst v63  }
0xd0: {  	_ =	swait.ge [sflag:s15], $0xC000  }
0xd1: {  	[sflag:s15] =	ssyncset.done $0x0  }
0xd2: {  	[sflag:s15] =	ssyncadd.s32 $0xFFFF4000  }
.LBB2_5:
0xd3: {  	p0 =	sge.s32 s12, s21  }
.Ltmp4:
0xd4: {  	_ = 	snop;
	(pc) =	sbr.rel @p0 .LBB2_7-.Ltmp4, $1  }
0xd5: {  	_ =	sdelay $0x3  }
0xd6: {  	v3 =	vld [tilespmem:$0x100];
	_ =	sdelay $0x4  }
0xd7: {  	v4 =	vshrl.u32 v3, $0x3  }
0xd8: {  	v4 =	vmul.u32 $0x30, v4  }
0xd9: {  	v3 =	vand.u32 $0x7, v3  }
0xda: {  	v3 =	vor.u32 v3, v4  }
0xdb: {  	v4 =	vperm.xlane v3, v0;
	_ =	sdelay $0x1  }
0xdc: {  	v4 =	vadd.s32 v1, v4;
	_ =	sdelay $0x3  }
0xdd: {  	v3 =	vperm.xlane v3, v2  }
0xde: {  	[tilespmem:s19], [sflag:$0x1] =	stream.indirect_vreg.gather [hbm4b:s1+s3], $0x80, v4, vm0, $0xb8;
	[tilespmem:$0x18280] =	vst v63  }
0xdf: {  	s11 =	simm.s32 $0xA00;
	v3 =	vadd.s32 v1, v3  }
0xe0: {  	[tilespmem:s11], [sflag:$0x1] =	stream.indirect_vreg.gather [hbm4b:s7+s3], $0x80, v4, vm0, $0xb8;
	[tilespmem:$0x18280] =	vst v63  }
0xe1: {  	s11 =	simm.s32 $0x1200  }
0xe2: {  	[tilespmem:s11], [sflag:$0x1] =	stream.indirect_vreg.gather [hbm4b:s8+s3], $0x80, v4, vm0, $0xb8;
	[tilespmem:$0x18280] =	vst v63  }
0xe3: {  	s11 =	simm.s32 $0x1A00  }
0xe4: {  	[tilespmem:s11], [sflag:$0x1] =	stream.indirect_vreg.gather [hbm4b:s1+s3], $0x80, v3, vm0, $0xb8;
	[tilespmem:$0x18280] =	vst v63  }
0xe5: {  	s11 =	simm.s32 $0x2200  }
0xe6: {  	[tilespmem:s11], [sflag:$0x1] =	stream.indirect_vreg.gather [hbm4b:s7+s3], $0x80, v3, vm0, $0xb8;
	[tilespmem:$0x18280] =	vst v63  }
0xe7: {  	s11 =	simm.s32 $0x2A00  }
0xe8: {  	[tilespmem:s11], [sflag:$0x1] =	stream.indirect_vreg.gather [hbm4b:s8+s3], $0x80, v3, vm0, $0xb8;
	[tilespmem:$0x18280] =	vst v63  }
0xe9: {  	v3 =	vld [tilespmem:$0x110];
	_ =	sdelay $0x4  }
0xea: {  	v61 =	vshrl.u32 v3, $0x3  }
0xeb: {  	v4 =	vmul.u32 $0x30, v61  }
0xec: {  	v3 =	vand.u32 $0x7, v3  }
0xed: {  	v3 =	vor.u32 v3, v4  }
0xee: {  	v4 =	vperm.xlane v3, v0;
	_ =	sdelay $0x1  }
0xef: {  	v4 =	vadd.s32 v1, v4;
	_ =	sdelay $0x3  }
0xf0: {  	s11 =	simm.s32 $0x3200;
	v3 =	vperm.xlane v3, v2  }
0xf1: {  	[tilespmem:s11], [sflag:$0x1] =	stream.indirect_vreg.gather [hbm4b:s1+s3], $0x80, v4, vm0, $0xb8;
	[tilespmem:$0x18280] =	vst v63  }
0xf2: {  	v3 =	vadd.s32 v1, v3;
	s11 =	simm.s32 $0x3A00  }
0xf3: {  	[tilespmem:s11], [sflag:$0x1] =	stream.indirect_vreg.gather [hbm4b:s7+s3], $0x80, v4, vm0, $0xb8;
	[tilespmem:$0x18280] =	vst v63  }
0xf4: {  	s11 =	simm.s32 $0x4200  }
0xf5: {  	[tilespmem:s11], [sflag:$0x1] =	stream.indirect_vreg.gather [hbm4b:s8+s3], $0x80, v4, vm0, $0xb8;
	[tilespmem:$0x18280] =	vst v63  }
0xf6: {  	s11 =	simm.s32 $0x4A00  }
0xf7: {  	[tilespmem:s11], [sflag:$0x1] =	stream.indirect_vreg.gather [hbm4b:s1+s3], $0x80, v3, vm0, $0xb8;
	[tilespmem:$0x18280] =	vst v63  }
0xf8: {  	s11 =	simm.s32 $0x5200  }
0xf9: {  	[tilespmem:s11], [sflag:$0x1] =	stream.indirect_vreg.gather [hbm4b:s7+s3], $0x80, v3, vm0, $0xb8;
	[tilespmem:$0x18280] =	vst v63  }
0xfa: {  	s11 =	simm.s32 $0x5A00  }
0xfb: {  	[tilespmem:s11], [sflag:$0x1] =	stream.indirect_vreg.gather [hbm4b:s8+s3], $0x80, v3, vm0, $0xb8;
	[tilespmem:$0x18280] =	vst v63  }
0xfc: {  	v3 =	vld [tilespmem:$0x120];
	_ =	sdelay $0x4  }
0xfd: {  	v62 =	vshrl.u32 v3, $0x3  }
0xfe: {  	v4 =	vmul.u32 $0x30, v62  }
0xff: {  	v3 =	vand.u32 $0x7, v3  }
0x100: {  	v3 =	vor.u32 v3, v4  }
0x101: {  	v4 =	vperm.xlane v3, v0;
	_ =	sdelay $0x1  }
0x102: {  	v4 =	vadd.s32 v1, v4;
	_ =	sdelay $0x3  }
0x103: {  	s11 =	simm.s32 $0x6200;
	v3 =	vperm.xlane v3, v2  }
0x104: {  	[tilespmem:s11], [sflag:$0x1] =	stream.indirect_vreg.gather [hbm4b:s1+s3], $0x80, v4, vm0, $0xb8;
	[tilespmem:$0x18280] =	vst v63  }
0x105: {  	v3 =	vadd.s32 v1, v3;
	s11 =	simm.s32 $0x6A00  }
0x106: {  	[tilespmem:s11], [sflag:$0x1] =	stream.indirect_vreg.gather [hbm4b:s7+s3], $0x80, v4, vm0, $0xb8;
	[tilespmem:$0x18280] =	vst v63  }
0x107: {  	s11 =	simm.s32 $0x7200  }
0x108: {  	[tilespmem:s11], [sflag:$0x1] =	stream.indirect_vreg.gather [hbm4b:s8+s3], $0x80, v4, vm0, $0xb8;
	[tilespmem:$0x18280] =	vst v63  }
0x109: {  	s11 =	simm.s32 $0x7A00  }
0x10a: {  	[tilespmem:s11], [sflag:$0x1] =	stream.indirect_vreg.gather [hbm4b:s1+s3], $0x80, v3, vm0, $0xb8;
	[tilespmem:$0x18280] =	vst v63  }
0x10b: {  	s11 =	simm.s32 $0x8200  }
0x10c: {  	[tilespmem:s11], [sflag:$0x1] =	stream.indirect_vreg.gather [hbm4b:s7+s3], $0x80, v3, vm0, $0xb8;
	[tilespmem:$0x18280] =	vst v63  }
0x10d: {  	s11 =	simm.s32 $0x8A00  }
0x10e: {  	[tilespmem:s11], [sflag:$0x1] =	stream.indirect_vreg.gather [hbm4b:s8+s3], $0x80, v3, vm0, $0xb8;
	[tilespmem:$0x18280] =	vst v63  }
0x10f: {  	v3 =	vld [tilespmem:$0x130];
	_ =	sdelay $0x4  }
0x110: {  	v63 =	vshrl.u32 v3, $0x3  }
0x111: {  	v4 =	vmul.u32 $0x30, v63  }
0x112: {  	v3 =	vand.u32 $0x7, v3  }
0x113: {  	v3 =	vor.u32 v3, v4  }
0x114: {  	v4 =	vperm.xlane v3, v0;
	_ =	sdelay $0x1  }
0x115: {  	v4 =	vadd.s32 v1, v4;
	_ =	sdelay $0x3  }
0x116: {  	s11 =	simm.s32 $0x9200;
	v3 =	vperm.xlane v3, v2  }
0x117: {  	[tilespmem:s11], [sflag:$0x1] =	stream.indirect_vreg.gather [hbm4b:s1+s3], $0x80, v4, vm0, $0xb8;
	[tilespmem:$0x18280] =	vst v63  }
0x118: {  	v3 =	vadd.s32 v1, v3;
	s11 =	simm.s32 $0x9A00  }
0x119: {  	[tilespmem:s11], [sflag:$0x1] =	stream.indirect_vreg.gather [hbm4b:s7+s3], $0x80, v4, vm0, $0xb8;
	[tilespmem:$0x18280] =	vst v63  }
0x11a: {  	s11 =	simm.s32 $0xA200  }
0x11b: {  	[tilespmem:s11], [sflag:$0x1] =	stream.indirect_vreg.gather [hbm4b:s8+s3], $0x80, v4, vm0, $0xb8;
	[tilespmem:$0x18280] =	vst v63  }
0x11c: {  	s11 =	simm.s32 $0xAA00  }
0x11d: {  	[tilespmem:s11], [sflag:$0x1] =	stream.indirect_vreg.gather [hbm4b:s1+s3], $0x80, v3, vm0, $0xb8;
	[tilespmem:$0x18280] =	vst v63  }
0x11e: {  	s11 =	simm.s32 $0xB200  }
0x11f: {  	[tilespmem:s11], [sflag:$0x1] =	stream.indirect_vreg.gather [hbm4b:s7+s3], $0x80, v3, vm0, $0xb8;
	[tilespmem:$0x18280] =	vst v63  }
0x120: {  	s11 =	simm.s32 $0xBA00  }
0x121: {  	[tilespmem:s11], [sflag:$0x1] =	stream.indirect_vreg.gather [hbm4b:s8+s3], $0x80, v3, vm0, $0xb8;
	[tilespmem:$0x18280] =	vst v63  }
0x122: {  	_ =	swait.ge [sflag:s26], $0xC000  }
0x123: {  	[sflag:s26] =	ssyncset.done $0x0  }
0x124: {  	s11 =	rddreg [dreg:$0x6];
	[sflag:s26] =	ssyncadd.s32 $0xFFFF4000  }
0x125: {  	[hbm4b:s11+s3] =	stream.linear.scatter [tilespmem:s19], [sflag:$0x2], $0xC000, $0x38;
	[tilespmem:$0x18280] =	vst v63  }
0x126: {  	_ =	swait.ge [sflag:s15], $0xC000  }
0x127: {  	[sflag:s15] =	ssyncset.done $0x0  }
0x128: {  	[sflag:s15] =	ssyncadd.s32 $0xFFFF4000  }
.LBB2_7:
0x129: {  	p0 =	sge.s32 s14, s21  }
.Ltmp5:
0x12a: {  	_ = 	snop;
	(pc) =	sbr.rel @p0 .LBB2_9-.Ltmp5, $1  }
0x12b: {  	_ =	sdelay $0x3  }
0x12c: {  	v3 =	vld [tilespmem:$0x180];
	_ =	sdelay $0x4  }
0x12d: {  	v4 =	vshrl.u32 v3, $0x3  }
0x12e: {  	v4 =	vmul.u32 $0x30, v4  }
0x12f: {  	v3 =	vand.u32 $0x7, v3  }
0x130: {  	v3 =	vor.u32 v3, v4  }
0x131: {  	v4 =	vperm.xlane v3, v0;
	_ =	sdelay $0x1  }
0x132: {  	v4 =	vadd.s32 v1, v4;
	_ =	sdelay $0x3  }
0x133: {  	v3 =	vperm.xlane v3, v2  }
0x134: {  	[tilespmem:s28], [sflag:$0x1] =	stream.indirect_vreg.gather [hbm4b:s1+s3], $0x80, v4, vm0, $0xb8;
	[tilespmem:$0x18280] =	vst v63  }
0x135: {  	s11 =	simm.s32 $0xCA00;
	v3 =	vadd.s32 v1, v3  }
0x136: {  	[tilespmem:s11], [sflag:$0x1] =	stream.indirect_vreg.gather [hbm4b:s7+s3], $0x80, v4, vm0, $0xb8;
	[tilespmem:$0x18280] =	vst v63  }
0x137: {  	s21 =	simm.s32 $0xD200  }
0x138: {  	[tilespmem:s21], [sflag:$0x1] =	stream.indirect_vreg.gather [hbm4b:s8+s3], $0x80, v4, vm0, $0xb8;
	[tilespmem:$0x18280] =	vst v63  }
0x139: {  	s21 =	simm.s32 $0xDA00  }
0x13a: {  	[tilespmem:s21], [sflag:$0x1] =	stream.indirect_vreg.gather [hbm4b:s1+s3], $0x80, v3, vm0, $0xb8;
	[tilespmem:$0x18280] =	vst v63  }
0x13b: {  	s21 =	simm.s32 $0xE200  }
0x13c: {  	[tilespmem:s21], [sflag:$0x1] =	stream.indirect_vreg.gather [hbm4b:s7+s3], $0x80, v3, vm0, $0xb8;
	[tilespmem:$0x18280] =	vst v63  }
0x13d: {  	s21 =	simm.s32 $0xEA00  }
0x13e: {  	[tilespmem:s21], [sflag:$0x1] =	stream.indirect_vreg.gather [hbm4b:s8+s3], $0x80, v3, vm0, $0xb8;
	[tilespmem:$0x18280] =	vst v63  }
0x13f: {  	v3 =	vld [tilespmem:$0x190];
	_ =	sdelay $0x4  }
0x140: {  	v61 =	vshrl.u32 v3, $0x3  }
0x141: {  	v4 =	vmul.u32 $0x30, v61  }
0x142: {  	v3 =	vand.u32 $0x7, v3  }
0x143: {  	v3 =	vor.u32 v3, v4  }
0x144: {  	v4 =	vperm.xlane v3, v0;
	_ =	sdelay $0x1  }
0x145: {  	v4 =	vadd.s32 v1, v4;
	_ =	sdelay $0x3  }
0x146: {  	s21 =	simm.s32 $0xF200;
	v3 =	vperm.xlane v3, v2  }
0x147: {  	[tilespmem:s21], [sflag:$0x1] =	stream.indirect_vreg.gather [hbm4b:s1+s3], $0x80, v4, vm0, $0xb8;
	[tilespmem:$0x18280] =	vst v63  }
0x148: {  	v3 =	vadd.s32 v1, v3;
	s21 =	simm.s32 $0xFA00  }
0x149: {  	[tilespmem:s21], [sflag:$0x1] =	stream.indirect_vreg.gather [hbm4b:s7+s3], $0x80, v4, vm0, $0xb8;
	[tilespmem:$0x18280] =	vst v63  }
0x14a: {  	s21 =	simm.s32 $0x10200  }
0x14b: {  	[tilespmem:s21], [sflag:$0x1] =	stream.indirect_vreg.gather [hbm4b:s8+s3], $0x80, v4, vm0, $0xb8;
	[tilespmem:$0x18280] =	vst v63  }
0x14c: {  	s21 =	simm.s32 $0x10A00  }
0x14d: {  	[tilespmem:s21], [sflag:$0x1] =	stream.indirect_vreg.gather [hbm4b:s1+s3], $0x80, v3, vm0, $0xb8;
	[tilespmem:$0x18280] =	vst v63  }
0x14e: {  	s21 =	simm.s32 $0x11200  }
0x14f: {  	[tilespmem:s21], [sflag:$0x1] =	stream.indirect_vreg.gather [hbm4b:s7+s3], $0x80, v3, vm0, $0xb8;
	[tilespmem:$0x18280] =	vst v63  }
0x150: {  	_ = 	snop  }
0x151: {  	[tilespmem:s22], [sflag:$0x1] =	stream.indirect_vreg.gather [hbm4b:s8+s3], $0x80, v3, vm0, $0xb8;
	[tilespmem:$0x18280] =	vst v63  }
0x152: {  	v3 =	vld [tilespmem:$0x1A0];
	_ =	sdelay $0x4  }
0x153: {  	v62 =	vshrl.u32 v3, $0x3  }
0x154: {  	v4 =	vmul.u32 $0x30, v62  }
0x155: {  	v3 =	vand.u32 $0x7, v3  }
0x156: {  	v3 =	vor.u32 v3, v4  }
0x157: {  	v4 =	vperm.xlane v3, v0;
	_ =	sdelay $0x1  }
0x158: {  	v4 =	vadd.s32 v1, v4;
	_ =	sdelay $0x3  }
0x159: {  	v3 =	vperm.xlane v3, v2  }
0x15a: {  	[tilespmem:s23], [sflag:$0x1] =	stream.indirect_vreg.gather [hbm4b:s1+s3], $0x80, v4, vm0, $0xb8;
	[tilespmem:$0x18280] =	vst v63  }
0x15b: {  	v3 =	vadd.s32 v1, v3  }
0x15c: {  	[tilespmem:s24], [sflag:$0x1] =	stream.indirect_vreg.gather [hbm4b:s7+s3], $0x80, v4, vm0, $0xb8;
	[tilespmem:$0x18280] =	vst v63  }
0x15d: {  	_ = 	snop  }
0x15e: {  	[tilespmem:s13], [sflag:$0x1] =	stream.indirect_vreg.gather [hbm4b:s8+s3], $0x80, v4, vm0, $0xb8;
	[tilespmem:$0x18280] =	vst v63  }
0x15f: {  	_ = 	snop  }
0x160: {  	[tilespmem:s25], [sflag:$0x1] =	stream.indirect_vreg.gather [hbm4b:s1+s3], $0x80, v3, vm0, $0xb8;
	[tilespmem:$0x18280] =	vst v63  }
0x161: {  	_ = 	snop  }
0x162: {  	[tilespmem:s29], [sflag:$0x1] =	stream.indirect_vreg.gather [hbm4b:s7+s3], $0x80, v3, vm0, $0xb8;
	[tilespmem:$0x18280] =	vst v63  }
0x163: {  	_ = 	snop  }
0x164: {  	[tilespmem:s30], [sflag:$0x1] =	stream.indirect_vreg.gather [hbm4b:s8+s3], $0x80, v3, vm0, $0xb8;
	[tilespmem:$0x18280] =	vst v63  }
0x165: {  	v3 =	vld [tilespmem:$0x1B0];
	_ =	sdelay $0x4  }
0x166: {  	v63 =	vshrl.u32 v3, $0x3  }
0x167: {  	v4 =	vmul.u32 $0x30, v63  }
0x168: {  	v3 =	vand.u32 $0x7, v3  }
0x169: {  	v3 =	vor.u32 v3, v4  }
0x16a: {  	v4 =	vperm.xlane v3, v0;
	_ =	sdelay $0x1  }
0x16b: {  	v4 =	vadd.s32 v1, v4;
	_ =	sdelay $0x3  }
0x16c: {  	v3 =	vperm.xlane v3, v2  }
0x16d: {  	[tilespmem:s31], [sflag:$0x1] =	stream.indirect_vreg.gather [hbm4b:s1+s3], $0x80, v4, vm0, $0xb8;
	[tilespmem:$0x18280] =	vst v63  }
0x16e: {  	v3 =	vadd.s32 v1, v3  }
0x16f: {  	[tilespmem:s0], [sflag:$0x1] =	stream.indirect_vreg.gather [hbm4b:s7+s3], $0x80, v4, vm0, $0xb8;
	[tilespmem:$0x18280] =	vst v63  }
0x170: {  	_ = 	snop  }
0x171: {  	[tilespmem:s2], [sflag:$0x1] =	stream.indirect_vreg.gather [hbm4b:s8+s3], $0x80, v4, vm0, $0xb8;
	[tilespmem:$0x18280] =	vst v63  }
0x172: {  	_ = 	snop  }
0x173: {  	[tilespmem:s17], [sflag:$0x1] =	stream.indirect_vreg.gather [hbm4b:s1+s3], $0x80, v3, vm0, $0xb8;
	[tilespmem:$0x18280] =	vst v63  }
0x174: {  	_ = 	snop  }
0x175: {  	[tilespmem:s9], [sflag:$0x1] =	stream.indirect_vreg.gather [hbm4b:s7+s3], $0x80, v3, vm0, $0xb8;
	[tilespmem:$0x18280] =	vst v63  }
0x176: {  	_ = 	snop  }
0x177: {  	[tilespmem:s20], [sflag:$0x1] =	stream.indirect_vreg.gather [hbm4b:s8+s3], $0x80, v3, vm0, $0xb8;
	[tilespmem:$0x18280] =	vst v63  }
0x178: {  	_ =	swait.ge [sflag:s26], $0xC000  }
0x179: {  	[sflag:s26] =	ssyncset.done $0x0  }
.Ltmp6:
0x17a: {  	s21 =	rddreg [dreg:$0x7];
	[sflag:s26] =	ssyncadd.s32 $0xFFFF4000;
	(pc) =	sbr.rel .LBB2_9-.Ltmp6, $4  }
0x17b: {  	[hbm4b:s21+s3] =	stream.linear.scatter [tilespmem:s28], [sflag:$0x2], $0xC000, $0x38;
	[tilespmem:$0x18280] =	vst v63  }
0x17c: {  	_ =	swait.ge [sflag:s15], $0xC000  }
0x17d: {  	[sflag:s15] =	ssyncset.done $0x0  }
0x17e: {  	[sflag:s15] =	ssyncadd.s32 $0xFFFF4000  }
.LBB2_10:
0x17f: {  	_ =	sfence.sel $0x180000  }
0x180: {  	[bflag:$0x0] =	sbarrier.arrive $0xFFFF  }
0x181: {  	_ =	strace $0x9000004A  }
0x182: {  	s0 =	stileid.u32;
	[bflag:$0x2] =	sbarrier.arrive $0xFFFF  }
0x183: {  	p0 =	sne.s32 s0, $0x0;
	s0 =	rddreg [dreg:$0x3]  }
0x184: {  	s0 =	sadd.s32 @!p0 $0x100000, s0  }
0x185: {  	[sflag:s0] =	ssyncadd.tile.s32 @!p0 $0x1;
	_ =	shalt  }
.Lfunc_end2:
_tile_overlayer_lowered:
.L_overlay_start_2:
0x186: {  	(tag) =	ssettag $0x2  }
0x187: {  	s0 =	rddreg [dreg:$0x0];
	s2 =	stileid.u32  }
0x188: {  	s1 =	rddreg [dreg:$0x1];
	p0 =	sne.s32 s2, $0x0  }
0x189: {  	s3 =	rddreg [dreg:$0x2];
	[bflag:$0x3] =	sbarrier.arrive $0xFFFF;
	s2 =	simm.s32 @!p0 $0x1C03  }
0x18a: {  	[timem:s3], [sflag:s2] =	dma.local @!p0 [hbm:s0], s1  }
0x18b: {  	s0 =	simm.s32 @!p0 $0x3  }
0x18c: {  	_ =	swait.ge @!p0 [sflag:s0], s1  }
0x18d: {  	s1 =	ssub.s32 @!p0 $0x0, s1;
	[sflag:s0] =	ssyncset.done @!p0 $0x0  }
0x18e: {  	[sflag:s0] =	ssyncadd.s32 @!p0 s1  }
0x18f: {  	[bflag:$0x3] =	sbarrier.arrive $0xFFFF  }
0x190: {  	_ =	shalt  }

// kernel: kernel.13.cloned.1.call-start
scs
__scs_entry_jumppad:
0x0: {  	(pc) =	sbr.rel $0x88, $3  }
0x1: {  	(tag) =	ssettag $0x0;
	lr =	simm.s32 $0x1  }
0x2: {  	[smem:$0x3F9B] =	sst lr;
	_ =	strace $0xD0000000  }
0x3: {  	_ = 	snop  }
0x4: {  	_ = 	snop  }
0x5: {  	_ = 	snop  }
0x6: {  	_ = 	snop  }
0x7: {  	_ = 	snop  }
__scs_overlays_trampoline_lowered:
0x8: {  	[smem:$0x3FAA] =	sst s0  }
0x9: {  	[smem:$0x3FAB] =	sst s1  }
0xa: {  	[smem:$0x3FAC] =	sst s2  }
0xb: {  	[smem:$0x3FAD] =	sst s3  }
0xc: {  	[smem:$0x3FAE] =	sst s4  }
0xd: {  	[smem:$0x3FAF] =	sst s5  }
0xe: {  	[smem:$0x3FB0] =	sst s6  }
0xf: {  	[smem:$0x3FB1] =	sst s7  }
0x10: {  	[smem:$0x3FB2] =	sst s8  }
0x11: {  	[smem:$0x3FB3] =	sst s9;
	s0 =	simm.s32 @!p0 $0x0  }
0x12: {  	s1 =	sld [smem:$0x3F99];
	s0 =	simm.s32 @p0 $0x1  }
0x13: {  	[smem:$0x3FB4] =	sst s0;
	s0 =	simm.s32 @!p1 $0x0  }
0x14: {  	s2 =	sld [smem:$0x3F98];
	s0 =	simm.s32 @p1 $0x1  }
0x15: {  	[smem:$0x3FB5] =	sst s0;
	s0 =	simm.s32 @!p2 $0x0  }
0x16: {  	s3 =	sld [smem:$0x3FDB];
	s0 =	simm.s32 @p2 $0x1  }
0x17: {  	s4 =	simm.s32 $0x1BF5;
	[smem:$0x3FB7] =	sst s0  }
0x18: {  	s0 =	sld [smem:$0x3F9A];
	_ =	swait.ge [sflag:s4], $0x0  }
0x19: {  	s7 =	sld [smem:$0x3F9B]  }
0x1a: {  	s8 =	sadd.s32 $0xFFFFE003, lr  }
0x1b: {  	s9 =	sadd.s32 $0xFFFFFEF7, lr;
	s5 =	simm.s32 $0xFFFFFFFF;
	p2 =	slt.u32 s8, $0xFFFFF086  }
0x1c: {  	p1 =	slt.u32 s9, $0xF7A;
	s5 =	simm.s32 @!p2 $0x0  }
0x1d: {  	s5 =	simm.s32 @p1 $0x1;
	p0 =	seq.s32 s7, s2  }
0x1e: {  	s7 =	smul.u32 @!p0 $0xF7A, s2;
	p2 =	seq.s32 @!p0 s5, $0x0  }
0x1f: {  	s9 =	smul.u32 $0xF7A, s1;
	s8 =	simm.s32 @!p0 $0x1BF5;
	p2 =	por !p2, p0  }
0x20: {  	[sflag:s8] =	ssyncset.s32 @!p0 $0xFFFFF086;
	s6 =	sadd.s32 @!p0 s3, s7;
	s7 =	simm.s32 @!p0 $0x108  }
0x21: {  	s3 =	sadd.s32 s3, s9;
	s6 =	sadd.s32 @!p0 $0x88, s6;
	s7 =	simm.s32 @p2 $0x1082  }
0x22: {  	[simem:s7], [sflag:s8] =	dma.local @!p0 [hbm:s6], $0xF7A  }
0x23: {  	s9 =	sor.u32 $0xD0000000, s2;
	s6 =	simm.s32 $0x108;
	_ =	swait.ge @!p0 [sflag:s8], $0x0  }
0x24: {  	s3 =	sadd.s32 $0x88, s3;
	s6 =	simm.s32 @!p1 $0x1082;
	[sflag:s4] =	ssyncset.s32 $0xFFFFF086  }
0x25: {  	[simem:s6], [sflag:s4] =	dma.local [hbm:s3], $0xF7A  }
0x26: {  	[smem:$0x3F9B] =	sst s1;
	(tag) =	ssettag s2;
	_ =	strace s9  }
0x27: {  	s1 =	sld [smem:$0x3FAB]  }
0x28: {  	s2 =	sld [smem:$0x3FAC]  }
0x29: {  	s4 =	sld [smem:$0x3FAE]  }
0x2a: {  	p0 =	seq.s32 s5, $0x0;
	s5 =	sld [smem:$0x3FAF]  }
0x2b: {  	s6 =	sld [smem:$0x3FB0]  }
0x2c: {  	s7 =	sld [smem:$0x3FB1]  }
0x2d: {  	s3 =	simm.s32 $0x108;
	s8 =	sld [smem:$0x3FB2]  }
0x2e: {  	s3 =	simm.s32 @!p0 $0x1082;
	s9 =	sld [smem:$0x3FB3]  }
0x2f: {  	lr =	sadd.s32 s0, s3;
	s0 =	sld [smem:$0x3FAA]  }
0x30: {  	s3 =	sld [smem:$0x3FAD]  }
0x31: {  	[smem:$0x3FB6] =	sst s10  }
0x32: {  	s10 =	sld [smem:$0x3FB4];
	_ =	sdelay $0x3  }
0x33: {  	p0 =	seq.s32 s10, $0x1;
	s10 =	sld [smem:$0x3FB6];
	_ =	sdelay $0x3  }
0x34: {  	[smem:$0x3FB6] =	sst s10  }
0x35: {  	s10 =	sld [smem:$0x3FB5];
	_ =	sdelay $0x3  }
0x36: {  	p1 =	seq.s32 s10, $0x1;
	s10 =	sld [smem:$0x3FB6];
	_ =	sdelay $0x3  }
0x37: {  	[smem:$0x3FB6] =	sst s10  }
0x38: {  	s10 =	sld [smem:$0x3FB7]  }
0x39: {  	_ = 	snop;
	(pc) =	sbr.ind lr, $3  }
0x3a: {  	_ = 	snop  }
0x3b: {  	_ = 	snop  }
0x3c: {  	p2 =	seq.s32 s10, $0x1;
	s10 =	sld [smem:$0x3FB6]  }
0x3d: {  	_ =	shalt  }
0x3e: {  	_ =	shalt  }
0x3f: {  	_ =	shalt  }
0x40: {  	_ =	shalt  }
0x41: {  	_ =	shalt  }
0x42: {  	_ =	shalt  }
0x43: {  	_ =	shalt  }
0x44: {  	_ =	shalt  }
0x45: {  	_ =	shalt  }
0x46: {  	_ =	shalt  }
0x47: {  	_ =	shalt  }
0x48: {  	_ =	shalt  }
0x49: {  	_ =	shalt  }
0x4a: {  	_ =	shalt  }
0x4b: {  	_ =	shalt  }
0x4c: {  	_ =	shalt  }
0x4d: {  	_ =	shalt  }
0x4e: {  	_ =	shalt  }
0x4f: {  	_ =	shalt  }
0x50: {  	_ =	shalt  }
0x51: {  	_ =	shalt  }
0x52: {  	_ =	shalt  }
0x53: {  	_ =	shalt  }
0x54: {  	_ =	shalt  }
0x55: {  	_ =	shalt  }
0x56: {  	_ =	shalt  }
0x57: {  	_ =	shalt  }
0x58: {  	_ =	shalt  }
0x59: {  	_ =	shalt  }
0x5a: {  	_ =	shalt  }
0x5b: {  	_ =	shalt  }
0x5c: {  	_ =	shalt  }
0x5d: {  	_ =	shalt  }
0x5e: {  	_ =	shalt  }
0x5f: {  	_ =	shalt  }
0x60: {  	_ =	shalt  }
0x61: {  	_ =	shalt  }
0x62: {  	_ =	shalt  }
0x63: {  	_ =	shalt  }
0x64: {  	_ =	shalt  }
0x65: {  	_ =	shalt  }
0x66: {  	_ =	shalt  }
0x67: {  	_ =	shalt  }
0x68: {  	_ =	shalt  }
0x69: {  	_ =	shalt  }
0x6a: {  	_ =	shalt  }
0x6b: {  	_ =	shalt  }
0x6c: {  	_ =	shalt  }
0x6d: {  	_ =	shalt  }
0x6e: {  	_ =	shalt  }
0x6f: {  	_ =	shalt  }
0x70: {  	_ =	shalt  }
0x71: {  	_ =	shalt  }
0x72: {  	_ =	shalt  }
0x73: {  	_ =	shalt  }
0x74: {  	_ =	shalt  }
0x75: {  	_ =	shalt  }
0x76: {  	_ =	shalt  }
0x77: {  	_ =	shalt  }
0x78: {  	_ =	shalt  }
0x79: {  	_ =	shalt  }
0x7a: {  	_ =	shalt  }
0x7b: {  	_ =	shalt  }
0x7c: {  	_ =	shalt  }
0x7d: {  	_ =	shalt  }
0x7e: {  	_ =	shalt  }
0x7f: {  	_ =	shalt  }
0x80: {  	_ =	shalt  }
0x81: {  	_ =	shalt  }
0x82: {  	_ =	shalt  }
0x83: {  	_ =	shalt  }
0x84: {  	_ =	shalt  }
0x85: {  	_ =	shalt  }
0x86: {  	_ =	shalt  }
0x87: {  	_ =	shalt  }
.Lfunc_end0:
.L_simem_size_0:
called_computation.2_lowered:
.L_overlay_start_0:
0x88: {  	s2 =	sld [smem:$0x3FD9]  }
0x89: {  	s3 =	sld [smem:$0x3FFE];
	_ =	sdelay $0x1  }
0x8a: {  	s1 =	srdreg.scid  }
0x8b: {  	s0 =	sand.u32 $0x1, s1  }
0x8c: {  	s17 =	sshll.u32 s0, $0xA;
	s2 =	sadd.s32 s3, s2  }
0x8d: {  	s2 =	sadd.s32 s2, s17  }
0x8e: {  	[smem:$0x3FC2] =	sst s2  }
0x8f: {  	_ = 	snop  }
0x90: {  	s2 =	sld [smem:$0x3FD0];
	(tm) =	ssettm $0x1  }
0x91: {  	s18 =	sld [smem:$0x3FFB];
	_ =	sdelay $0x3  }
0x92: {  	_ =	strace s18  }
0x93: {  	s3 =	sld [smem:$0x3FFC];
	_ =	sdelay $0x3  }
0x94: {  	_ =	strace s3  }
0x95: {  	s3 =	sld [smem:$0x3FFD];
	_ =	sdelay $0x3  }
0x96: {  	_ =	strace s3  }
0x97: {  	_ =	strace $0x8FFFFFFF  }
0x98: {  	s19 =	sld [smem:$0x3FDB];
	_ =	sdelay $0x1  }
0x99: {  	s4 =	simm.s32 $_scs_section_size  }
0x9a: {  	s5 =	simm.s32 $_size__tile_overlayer_lowered;
	s6 =	simm.s32 $_tile_overlayer_lowered  }
0x9b: {  	s22 =	simm.s32 $0x1BFF;
	s21 =	sshll.u32 s6, $0x1;
	s3 =	sadd.s32 s4, s19  }
0x9c: {  	s7 =	simm.s32 $0x0;
	s20 =	sshll.u32 s5, $0x1;
	s5 =	sadd.s32 s21, s3  }
0x9d: {  	[timem:s7], [sflag:s22] =	dma.local [hbm:s5], s20  }
0x9e: {  	_ =	swait.ge [sflag:s22], s20  }
0x9f: {  	s4 =	ssub.s32 $0x0, s20;
	[sflag:s22] =	ssyncset.done $0x0  }
0xa0: {  	[sflag:s22] =	ssyncadd.s32 s4;
	_ =	sdelay $0x1  }
0xa1: {  	s23 =	simm.s32 $0x1B8B  }
0xa2: {  	_ =	swait.ge [sflag:s23], $0x1  }
0xa3: {  	[sflag:s23] =	ssyncset.done $0x0  }
0xa4: {  	s25 =	simm.s32 $0x1B8E;
	s24 =	sld [smem:$0x3FFE];
	[sflag:s23] =	ssyncadd.s32 $0xFFFFFFFF  }
0xa5: {  	s26 =	simm.s32 $execute0_lowered;
	[smem:$0x3FD2] =	sst s25  }
0xa6: {  	s5 =	sshll.u32 s26, $0x1;
	_ =	strace $0x8000004C;
	[dreg:$0x1] =	wrdreg $0xFFFFFFFF  }
0xa7: {  	s28 =	simm.s32 $_size_execute0_lowered;
	s3 =	sadd.s32 s3, s5;
	[dreg:$0x0] =	wrdreg $0x0  }
0xa8: {  	s5 =	sshll.u32 s28, $0x1;
	[dreg:$0x2] =	wrdreg s3  }
0xa9: {  	[dreg:$0x3] =	wrdreg s5  }
0xaa: {  	[dreg:$0x4] =	wrdreg $0xC0  }
0xab: {  	_ =	task [dreg:s7], $0x5FFFF  }
0xac: {  	[dreg:$0x1] =	wrdreg $0xFFFFFFFF  }
0xad: {  	[dreg:$0x0] =	wrdreg $0x60  }
0xae: {  	[dreg:$0x2] =	wrdreg s24  }
0xaf: {  	[dreg:$0x3] =	wrdreg s2  }
0xb0: {  	[dreg:$0x4] =	wrdreg $0x9  }
0xb1: {  	_ =	task.clear_ibuf [dreg:s7], $0x5FFFF;
	_ =	strace $0x9000004C  }
0xb2: {  	s29 =	simm.s32 $0x9;
	_ =	strace $0x8000004E  }
0xb3: {  	_ =	swait.ge [sflag:s29], $0x1  }
0xb4: {  	[sflag:s29] =	ssyncadd.s32 $0xFFFFFFFF  }
0xb5: {  	_ =	strace $0x9000004E  }
0xb6: {  	_ =	sfence  }
0xb7: {  	s30 =	sld [smem:$0x0];
	_ =	sdelay $0x2  }
0xb8: {  	s31 =	sshll.u32 s1, $0xD;
	s1 =	sshrl.u32 s1, $0x2  }
0xb9: {  	s3 =	sand.u32 $0x4000, s31;
	s1 =	sadd.s32 s1, s30  }
0xba: {  	s0 =	sor.u32 s3, s0;
	s1 =	sshll.u32 s1, $0x11  }
0xbb: {  	s0 =	sor.u32 s1, s0  }
0xbc: {  	s0 =	sadd.s32 $0x8F2B, s0  }
0xbd: {  	[sflag:s0] =	ssyncadd.remote.s32 $0x1  }
0xbe: {  	_ =	sfence.sel $0xFFFF  }
0xbf: {  	[dreg:$0x0] =	wrdreg $0xFFFFFFFF;
	(pc) =	sbr.abs _section_cstart, $3  }
0xc0: {  	[dreg:$0x1] =	wrdreg $0xFFFFFFFF  }
0xc1: {  	_ =	task.clear_ibuf [dreg:s7], $0x2FFFF;
	_ =	strace $0x9FFFFFFF  }
0xc2: {  	(tm) =	ssettm $0x7FFFFFFF  }
0xc3: {  	_ =	shalt  }
tec
execute0_lowered:
.L_overlay_start_1:
0x0: {  	(tag) =	ssettag $0x1  }
0x1: {  	s0 =	rddreg [dreg:$0x0]  }
0x2: {  	s2 =	rddreg [dreg:$0x1]  }
0x3: {  	s1 =	simm.s32 $0x0;
	s4 =	srdreg.scid;
	s9 =	stileid.u32  }
0x4: {  	s28 =	simm.s32 $0x6100;
	s29 =	simm.s32 $0x6900;
	s30 =	simm.s32 $0x7100  }
0x5: {  	s31 =	simm.s32 $0x7900;
	s14 =	simm.s32 $0x9100;
	s15 =	simm.s32 $0x9900  }
0x6: {  	s16 =	simm.s32 $0xA100;
	s17 =	simm.s32 $0xA900;
	s18 =	simm.s32 $0xB100  }
0x7: {  	s19 =	simm.s32 $0xB900;
	s20 =	simm.s32 $0x1;
	[smem:$0x7FF] =	sst s1  }
0x8: {  	s3 =	sadd.s32 $0xC2000, s0;
	s4 =	sand.u32 $0x1, s4;
	s5 =	sadd.s32 $0xC1C00, s0  }
0x9: {  	s7 =	sshll.u32 s9, $0x1;
	s10 =	sadd.s32 $0xC1800, s0;
	s21 =	sshll.u32 s9, $0x6  }
0xa: {  	_ =	strace $0x8000004D;
	s6 =	ssub.s32 $0x2, s4;
	s4 =	sor.u32 s4, s7  }
0xb: {  	s9 =	sand.u32 $0x380, s21;
	s21 =	simm.s32 $0xC100;
	s8 =	sshrl.u32 s6, $0x1  }
0xc: {  	s7 =	sshll.u32 s4, $0x5;
	s23 =	sshllo.u32 s4, $0x1;
	s4 =	smul.u32 $0x1800, s4  }
0xd: {  	s12 =	ssub.s32 s6, s8;
	s22 =	sadd.s32 s5, s7;
	s24 =	sadd.s32 s10, s7  }
0xe: {  	s25 =	sshll.u32 s23, $0x4;
	s6 =	sadd.s32 $0xC2100, s0;
	s13 =	smul.u32 $0xC00, s23  }
0xf: {  	s7 =	sadd.s32 $0xC2200, s0;
	s0 =	simm.s32 $0x8100;
	[dreg:$0x3] =	wrdreg s22  }
0x10: {  	[dreg:$0x4] =	wrdreg s24;
	s11 =	sand.u32 $0x70, s25;
	s8 =	sadd.s32 s2, s4  }
0x11: {  	v2 =	vlaneseq.u32;
	s12 =	smax.u32 s12, $0x1;
	s22 =	simm.s32 $0x0;
	s26 =	sor.u32 s9, s11  }
0x12: {  	vm0 =	vmmov $0xffff;
	v1 =	vshrl.u32 v2, $0x3;
	s11 =	sadd.s32 s2, s13;
	s13 =	simm.s32 $0x2;
	s2 =	simm.s32 $0x8900  }
0x13: {  	v0 =	vand.u32 $0x7, v2;
	v2 =	vor.u32 $0x8, v2;
	v1 =	vmul.u32 $0x8, v1;
	s9 =	sadd.s32 s5, s26;
	s10 =	sadd.s32 s10, s26;
	s26 =	simm.s32 $0x5900  }
.LBB2_1:
0x14: {  	s4 =	rddreg [dreg:$0x3]  }
0x15: {  	[tilespmem:s1], [sflag:$0x2] =	stream.linear.gather [hbm4b:s4+s1], $0x80, $0x38;
	[tilespmem:$0x12100] =	vst v63  }
0x16: {  	_ =	swait.ge [sflag:s13], $0x80  }
0x17: {  	[sflag:s13] =	ssyncset.done $0x0  }
0x18: {  	s5 =	simm.s32 $0x80;
	s23 =	rddreg [dreg:$0x4];
	[sflag:s13] =	ssyncadd.s32 $0xFFFFFF80  }
0x19: {  	[tilespmem:s5], [sflag:$0x2] =	stream.linear.gather [hbm4b:s23+s1], $0x80, $0x38;
	[tilespmem:$0x12100] =	vst v63  }
0x1a: {  	_ =	swait.ge [sflag:s13], $0x80  }
0x1b: {  	[sflag:s13] =	ssyncset.done $0x0  }
0x1c: {  	[sflag:s13] =	ssyncadd.s32 $0xFFFFFF80  }
0x1d: {  	v3 =	vld [tilespmem:$0x0];
	_ =	sdelay $0x4  }
0x1e: {  	v4 =	vshrl.u32 v3, $0x3  }
0x1f: {  	v4 =	vmul.u32 $0x30, v4  }
0x20: {  	v3 =	vand.u32 $0x7, v3  }
0x21: {  	v3 =	vor.u32 v3, v4  }
0x22: {  	v4 =	vperm.xlane v3, v0;
	_ =	sdelay $0x1  }
0x23: {  	v4 =	vadd.s32 v1, v4;
	_ =	sdelay $0x3  }
0x24: {  	s24 =	simm.s32 $0x100;
	v3 =	vperm.xlane v3, v2  }
0x25: {  	[tilespmem:s24], [sflag:$0x1] =	stream.indirect_vreg.gather [hbm4b:s3+s1], $0x80, v4, vm0, $0xb8;
	[tilespmem:$0x12100] =	vst v63  }
0x26: {  	s25 =	simm.s32 $0x900;
	v3 =	vadd.s32 v1, v3  }
0x27: {  	[tilespmem:s25], [sflag:$0x1] =	stream.indirect_vreg.gather [hbm4b:s6+s1], $0x80, v4, vm0, $0xb8;
	[tilespmem:$0x12100] =	vst v63  }
0x28: {  	s5 =	simm.s32 $0x1100  }
0x29: {  	[tilespmem:s5], [sflag:$0x1] =	stream.indirect_vreg.gather [hbm4b:s7+s1], $0x80, v4, vm0, $0xb8;
	[tilespmem:$0x12100] =	vst v63  }
0x2a: {  	s23 =	simm.s32 $0x1900  }
0x2b: {  	[tilespmem:s23], [sflag:$0x1] =	stream.indirect_vreg.gather [hbm4b:s3+s1], $0x80, v3, vm0, $0xb8;
	[tilespmem:$0x12100] =	vst v63  }
0x2c: {  	s24 =	simm.s32 $0x2100  }
0x2d: {  	[tilespmem:s24], [sflag:$0x1] =	stream.indirect_vreg.gather [hbm4b:s6+s1], $0x80, v3, vm0, $0xb8;
	[tilespmem:$0x12100] =	vst v63  }
0x2e: {  	s25 =	simm.s32 $0x2900  }
0x2f: {  	[tilespmem:s25], [sflag:$0x1] =	stream.indirect_vreg.gather [hbm4b:s7+s1], $0x80, v3, vm0, $0xb8;
	[tilespmem:$0x12100] =	vst v63  }
0x30: {  	v3 =	vld [tilespmem:$0x10];
	_ =	sdelay $0x4  }
0x31: {  	v4 =	vshrl.u32 v3, $0x3  }
0x32: {  	v4 =	vmul.u32 $0x30, v4  }
0x33: {  	v3 =	vand.u32 $0x7, v3  }
0x34: {  	v3 =	vor.u32 v3, v4  }
0x35: {  	v4 =	vperm.xlane v3, v0;
	_ =	sdelay $0x1  }
0x36: {  	v4 =	vadd.s32 v1, v4;
	_ =	sdelay $0x3  }
0x37: {  	s5 =	simm.s32 $0x3100;
	v3 =	vperm.xlane v3, v2  }
0x38: {  	[tilespmem:s5], [sflag:$0x1] =	stream.indirect_vreg.gather [hbm4b:s3+s1], $0x80, v4, vm0, $0xb8;
	[tilespmem:$0x12100] =	vst v63  }
0x39: {  	s23 =	simm.s32 $0x3900;
	v3 =	vadd.s32 v1, v3  }
0x3a: {  	[tilespmem:s23], [sflag:$0x1] =	stream.indirect_vreg.gather [hbm4b:s6+s1], $0x80, v4, vm0, $0xb8;
	[tilespmem:$0x12100] =	vst v63  }
0x3b: {  	s24 =	simm.s32 $0x4100  }
0x3c: {  	[tilespmem:s24], [sflag:$0x1] =	stream.indirect_vreg.gather [hbm4b:s7+s1], $0x80, v4, vm0, $0xb8;
	[tilespmem:$0x12100] =	vst v63  }
0x3d: {  	s25 =	simm.s32 $0x4900  }
0x3e: {  	[tilespmem:s25], [sflag:$0x1] =	stream.indirect_vreg.gather [hbm4b:s3+s1], $0x80, v3, vm0, $0xb8;
	[tilespmem:$0x12100] =	vst v63  }
0x3f: {  	s5 =	simm.s32 $0x5100  }
0x40: {  	[tilespmem:s5], [sflag:$0x1] =	stream.indirect_vreg.gather [hbm4b:s6+s1], $0x80, v3, vm0, $0xb8;
	[tilespmem:$0x12100] =	vst v63  }
0x41: {  	_ = 	snop  }
0x42: {  	[tilespmem:s26], [sflag:$0x1] =	stream.indirect_vreg.gather [hbm4b:s7+s1], $0x80, v3, vm0, $0xb8;
	[tilespmem:$0x12100] =	vst v63  }
0x43: {  	v3 =	vld [tilespmem:$0x80];
	_ =	sdelay $0x4  }
0x44: {  	v4 =	vshrl.u32 v3, $0x3  }
0x45: {  	v4 =	vmul.u32 $0x30, v4  }
0x46: {  	v3 =	vand.u32 $0x7, v3  }
0x47: {  	v3 =	vor.u32 v3, v4  }
0x48: {  	v4 =	vperm.xlane v3, v0;
	_ =	sdelay $0x1  }
0x49: {  	v4 =	vadd.s32 v1, v4;
	_ =	sdelay $0x3  }
0x4a: {  	v3 =	vperm.xlane v3, v2  }
0x4b: {  	[tilespmem:s28], [sflag:$0x1] =	stream.indirect_vreg.gather [hbm4b:s3+s1], $0x80, v4, vm0, $0xb8;
	[tilespmem:$0x12100] =	vst v63  }
0x4c: {  	v3 =	vadd.s32 v1, v3  }
0x4d: {  	[tilespmem:s29], [sflag:$0x1] =	stream.indirect_vreg.gather [hbm4b:s6+s1], $0x80, v4, vm0, $0xb8;
	[tilespmem:$0x12100] =	vst v63  }
0x4e: {  	_ = 	snop  }
0x4f: {  	[tilespmem:s30], [sflag:$0x1] =	stream.indirect_vreg.gather [hbm4b:s7+s1], $0x80, v4, vm0, $0xb8;
	[tilespmem:$0x12100] =	vst v63  }
0x50: {  	_ = 	snop  }
0x51: {  	[tilespmem:s31], [sflag:$0x1] =	stream.indirect_vreg.gather [hbm4b:s3+s1], $0x80, v3, vm0, $0xb8;
	[tilespmem:$0x12100] =	vst v63  }
0x52: {  	_ = 	snop  }
0x53: {  	[tilespmem:s0], [sflag:$0x1] =	stream.indirect_vreg.gather [hbm4b:s6+s1], $0x80, v3, vm0, $0xb8;
	[tilespmem:$0x12100] =	vst v63  }
0x54: {  	_ = 	snop  }
0x55: {  	[tilespmem:s2], [sflag:$0x1] =	stream.indirect_vreg.gather [hbm4b:s7+s1], $0x80, v3, vm0, $0xb8;
	[tilespmem:$0x12100] =	vst v63  }
0x56: {  	v3 =	vld [tilespmem:$0x90];
	_ =	sdelay $0x4  }
0x57: {  	v4 =	vshrl.u32 v3, $0x3  }
0x58: {  	v4 =	vmul.u32 $0x30, v4  }
0x59: {  	v3 =	vand.u32 $0x7, v3  }
0x5a: {  	v3 =	vor.u32 v3, v4  }
0x5b: {  	v4 =	vperm.xlane v3, v0;
	_ =	sdelay $0x1  }
0x5c: {  	v4 =	vadd.s32 v1, v4;
	_ =	sdelay $0x3  }
0x5d: {  	v3 =	vperm.xlane v3, v2  }
0x5e: {  	[tilespmem:s14], [sflag:$0x1] =	stream.indirect_vreg.gather [hbm4b:s3+s1], $0x80, v4, vm0, $0xb8;
	[tilespmem:$0x12100] =	vst v63  }
0x5f: {  	v3 =	vadd.s32 v1, v3  }
0x60: {  	[tilespmem:s15], [sflag:$0x1] =	stream.indirect_vreg.gather [hbm4b:s6+s1], $0x80, v4, vm0, $0xb8;
	[tilespmem:$0x12100] =	vst v63  }
0x61: {  	_ = 	snop  }
0x62: {  	[tilespmem:s16], [sflag:$0x1] =	stream.indirect_vreg.gather [hbm4b:s7+s1], $0x80, v4, vm0, $0xb8;
	[tilespmem:$0x12100] =	vst v63  }
0x63: {  	_ = 	snop  }
0x64: {  	[tilespmem:s17], [sflag:$0x1] =	stream.indirect_vreg.gather [hbm4b:s3+s1], $0x80, v3, vm0, $0xb8;
	[tilespmem:$0x12100] =	vst v63  }
0x65: {  	_ = 	snop  }
0x66: {  	[tilespmem:s18], [sflag:$0x1] =	stream.indirect_vreg.gather [hbm4b:s6+s1], $0x80, v3, vm0, $0xb8;
	[tilespmem:$0x12100] =	vst v63  }
0x67: {  	_ = 	snop  }
0x68: {  	[tilespmem:s19], [sflag:$0x1] =	stream.indirect_vreg.gather [hbm4b:s7+s1], $0x80, v3, vm0, $0xb8;
	[tilespmem:$0x12100] =	vst v63  }
0x69: {  	_ =	swait.ge [sflag:s20], $0x6000  }
0x6a: {  	[sflag:s20] =	ssyncset.done $0x0  }
0x6b: {  	s23 =	simm.s32 $0x0;
	[sflag:s20] =	ssyncadd.s32 $0xFFFFA000  }
0x6c: {  	s4 =	smul.u32 $0x1800, s23;
	_ =	swait.ge [sflag:s20], $0x6000  }
0x6d: {  	s24 =	sand.u32 $0x380, s1;
	[sflag:s20] =	ssyncset.done $0x0  }
0x6e: {  	s4 =	sor.u32 s24, s4;
	[sflag:s20] =	ssyncadd.s32 $0xFFFFA000  }
0x6f: {  	v3 =	vld [tilespmem:s4+$0x1570]  }
0x70: {  	v4 =	vld [tilespmem:s4+$0x7570]  }
0x71: {  	v5 =	vld [tilespmem:s4+$0x100]  }
0x72: {  	v6 =	vld [tilespmem:s4+$0x6100]  }
0x73: {  	v7 =	vld [tilespmem:s4+$0x110]  }
0x74: {  	v8 =	vld [tilespmem:s4+$0x6110]  }
0x75: {  	v9 =	vld [tilespmem:s4+$0x120]  }
0x76: {  	v10 =	vld [tilespmem:s4+$0x130]  }
0x77: {  	v11 =	vld [tilespmem:s4+$0x7520];
	v3 =	vadd.f32 v4, v3  }
0x78: {  	v4 =	vld [tilespmem:s4+$0x6120]  }
0x79: {  	v5 =	vadd.f32 v6, v5;
	[tilespmem:s4+$0xD570] =	vst v3;
	v3 =	vld [tilespmem:s4+$0x6130]  }
0x7a: {  	v6 =	vld [tilespmem:s4+$0x140]  }
0x7b: {  	[tilespmem:s4+$0xC100] =	vst v5;
	v5 =	vadd.f32 v8, v7;
	v7 =	vld [tilespmem:s4+$0x6140]  }
0x7c: {  	v8 =	vld [tilespmem:s4+$0x6150]  }
0x7d: {  	[tilespmem:s4+$0xC110] =	vst v5;
	v5 =	vld [tilespmem:s4+$0x150];
	v4 =	vadd.f32 v4, v9  }
0x7e: {  	v9 =	vld [tilespmem:s4+$0x6160];
	v3 =	vadd.f32 v3, v10  }
0x7f: {  	[tilespmem:s4+$0xC120] =	vst v4;
	v4 =	vld [tilespmem:s4+$0x160]  }
0x80: {  	[tilespmem:s4+$0xC130] =	vst v3;
	v3 =	vadd.f32 v7, v6;
	v6 =	vld [tilespmem:s4+$0x170]  }
0x81: {  	v7 =	vld [tilespmem:s4+$0x6170]  }
0x82: {  	[tilespmem:s4+$0xC140] =	vst v3;
	v3 =	vadd.f32 v8, v5;
	v5 =	vld [tilespmem:s4+$0x500]  }
0x83: {  	v8 =	vld [tilespmem:s4+$0x6500]  }
0x84: {  	[tilespmem:s4+$0xC150] =	vst v3;
	v3 =	vadd.f32 v9, v4;
	v4 =	vld [tilespmem:s4+$0x510]  }
0x85: {  	v9 =	vld [tilespmem:s4+$0x6510]  }
0x86: {  	[tilespmem:s4+$0xC160] =	vst v3;
	v3 =	vadd.f32 v7, v6;
	v6 =	vld [tilespmem:s4+$0x520]  }
0x87: {  	v7 =	vld [tilespmem:s4+$0x6520]  }
0x88: {  	[tilespmem:s4+$0xC170] =	vst v3;
	v3 =	vadd.f32 v8, v5;
	v5 =	vld [tilespmem:s4+$0x530]  }
0x89: {  	v8 =	vld [tilespmem:s4+$0x6530]  }
0x8a: {  	[tilespmem:s4+$0xC500] =	vst v3;
	v3 =	vadd.f32 v9, v4;
	v4 =	vld [tilespmem:s4+$0x540]  }
0x8b: {  	v9 =	vld [tilespmem:s4+$0x6540]  }
0x8c: {  	[tilespmem:s4+$0xC510] =	vst v3;
	v3 =	vadd.f32 v7, v6;
	v6 =	vld [tilespmem:s4+$0x550]  }
0x8d: {  	v7 =	vld [tilespmem:s4+$0x6550]  }
0x8e: {  	[tilespmem:s4+$0xC520] =	vst v3;
	v3 =	vadd.f32 v8, v5;
	v5 =	vld [tilespmem:s4+$0x560]  }
0x8f: {  	v8 =	vld [tilespmem:s4+$0x6560]  }
0x90: {  	[tilespmem:s4+$0xC530] =	vst v3;
	v3 =	vadd.f32 v9, v4;
	v4 =	vld [tilespmem:s4+$0x570]  }
0x91: {  	v9 =	vld [tilespmem:s4+$0x6570]  }
0x92: {  	[tilespmem:s4+$0xC540] =	vst v3;
	v3 =	vadd.f32 v7, v6;
	v6 =	vld [tilespmem:s4+$0x900]  }
0x93: {  	v7 =	vld [tilespmem:s4+$0x6900]  }
0x94: {  	[tilespmem:s4+$0xC550] =	vst v3;
	v3 =	vadd.f32 v8, v5;
	v5 =	vld [tilespmem:s4+$0x910]  }
0x95: {  	v8 =	vld [tilespmem:s4+$0x6910]  }
0x96: {  	[tilespmem:s4+$0xC560] =	vst v3;
	v3 =	vadd.f32 v9, v4;
	v4 =	vld [tilespmem:s4+$0x920]  }
0x97: {  	v9 =	vld [tilespmem:s4+$0x6920]  }
0x98: {  	[tilespmem:s4+$0xC570] =	vst v3;
	v3 =	vadd.f32 v7, v6;
	v6 =	vld [tilespmem:s4+$0x930]  }
0x99: {  	v7 =	vld [tilespmem:s4+$0x6930]  }
0x9a: {  	[tilespmem:s4+$0xC900] =	vst v3;
	v3 =	vadd.f32 v8, v5;
	v5 =	vld [tilespmem:s4+$0x940]  }
0x9b: {  	v8 =	vld [tilespmem:s4+$0x6940]  }
0x9c: {  	[tilespmem:s4+$0xC910] =	vst v3;
	v3 =	vadd.f32 v9, v4;
	v4 =	vld [tilespmem:s4+$0x950]  }
0x9d: {  	v9 =	vld [tilespmem:s4+$0x6950]  }
0x9e: {  	[tilespmem:s4+$0xC920] =	vst v3;
	v3 =	vadd.f32 v7, v6;
	v6 =	vld [tilespmem:s4+$0x960]  }
0x9f: {  	v7 =	vld [tilespmem:s4+$0x6960]  }
0xa0: {  	[tilespmem:s4+$0xC930] =	vst v3;
	v3 =	vadd.f32 v8, v5;
	v5 =	vld [tilespmem:s4+$0x970]  }
0xa1: {  	v8 =	vld [tilespmem:s4+$0x6970]  }
0xa2: {  	[tilespmem:s4+$0xC940] =	vst v3;
	v3 =	vadd.f32 v9, v4;
	v4 =	vld [tilespmem:s4+$0xD00]  }
0xa3: {  	v9 =	vld [tilespmem:s4+$0x6D00]  }
0xa4: {  	[tilespmem:s4+$0xC950] =	vst v3;
	v3 =	vadd.f32 v7, v6;
	v6 =	vld [tilespmem:s4+$0xD10]  }
0xa5: {  	v7 =	vld [tilespmem:s4+$0x6D10]  }
0xa6: {  	[tilespmem:s4+$0xC960] =	vst v3;
	v3 =	vadd.f32 v8, v5;
	v5 =	vld [tilespmem:s4+$0xD20]  }
0xa7: {  	v8 =	vld [tilespmem:s4+$0x6D20]  }
0xa8: {  	[tilespmem:s4+$0xC970] =	vst v3;
	v3 =	vadd.f32 v9, v4;
	v4 =	vld [tilespmem:s4+$0xD30]  }
0xa9: {  	v9 =	vld [tilespmem:s4+$0x6D30]  }
0xaa: {  	[tilespmem:s4+$0xCD00] =	vst v3;
	v3 =	vadd.f32 v7, v6;
	v6 =	vld [tilespmem:s4+$0xD40]  }
0xab: {  	v7 =	vld [tilespmem:s4+$0x6D40]  }
0xac: {  	[tilespmem:s4+$0xCD10] =	vst v3;
	v3 =	vadd.f32 v8, v5;
	v5 =	vld [tilespmem:s4+$0xD50]  }
0xad: {  	v8 =	vld [tilespmem:s4+$0x6D50]  }
0xae: {  	[tilespmem:s4+$0xCD20] =	vst v3;
	v3 =	vadd.f32 v9, v4;
	v4 =	vld [tilespmem:s4+$0xD60]  }
0xaf: {  	v9 =	vld [tilespmem:s4+$0x6D60]  }
0xb0: {  	[tilespmem:s4+$0xCD30] =	vst v3;
	v3 =	vadd.f32 v7, v6;
	v6 =	vld [tilespmem:s4+$0xD70]  }
0xb1: {  	v7 =	vld [tilespmem:s4+$0x6D70]  }
0xb2: {  	[tilespmem:s4+$0xCD40] =	vst v3;
	v3 =	vadd.f32 v8, v5;
	v5 =	vld [tilespmem:s4+$0x1100]  }
0xb3: {  	v8 =	vld [tilespmem:s4+$0x7100]  }
0xb4: {  	[tilespmem:s4+$0xCD50] =	vst v3;
	v3 =	vadd.f32 v9, v4;
	v4 =	vld [tilespmem:s4+$0x1110]  }
0xb5: {  	v9 =	vld [tilespmem:s4+$0x7110]  }
0xb6: {  	[tilespmem:s4+$0xCD60] =	vst v3;
	v3 =	vadd.f32 v7, v6;
	v6 =	vld [tilespmem:s4+$0x1120]  }
0xb7: {  	v7 =	vld [tilespmem:s4+$0x7120]  }
0xb8: {  	[tilespmem:s4+$0xCD70] =	vst v3;
	v3 =	vadd.f32 v8, v5;
	v5 =	vld [tilespmem:s4+$0x1130]  }
0xb9: {  	v8 =	vld [tilespmem:s4+$0x7130]  }
0xba: {  	[tilespmem:s4+$0xD100] =	vst v3;
	v3 =	vadd.f32 v9, v4;
	v4 =	vld [tilespmem:s4+$0x1140]  }
0xbb: {  	v9 =	vld [tilespmem:s4+$0x7140]  }
0xbc: {  	[tilespmem:s4+$0xD110] =	vst v3;
	v3 =	vadd.f32 v7, v6;
	v6 =	vld [tilespmem:s4+$0x1150]  }
0xbd: {  	v7 =	vld [tilespmem:s4+$0x7150]  }
0xbe: {  	[tilespmem:s4+$0xD120] =	vst v3;
	v3 =	vadd.f32 v8, v5;
	v5 =	vld [tilespmem:s4+$0x1160]  }
0xbf: {  	v8 =	vld [tilespmem:s4+$0x7160]  }
0xc0: {  	[tilespmem:s4+$0xD130] =	vst v3;
	v3 =	vadd.f32 v9, v4;
	v4 =	vld [tilespmem:s4+$0x1170]  }
0xc1: {  	v9 =	vld [tilespmem:s4+$0x7170]  }
0xc2: {  	[tilespmem:s4+$0xD140] =	vst v3;
	v3 =	vadd.f32 v7, v6;
	v6 =	vld [tilespmem:s4+$0x1500]  }
0xc3: {  	v7 =	vld [tilespmem:s4+$0x7500]  }
0xc4: {  	v10 =	vld [tilespmem:s4+$0x7510];
	[tilespmem:s4+$0xD150] =	vst v3;
	v3 =	vadd.f32 v8, v5  }
0xc5: {  	v8 =	vld [tilespmem:s4+$0x1510]  }
0xc6: {  	[tilespmem:s4+$0xD160] =	vst v3;
	v3 =	vadd.f32 v9, v4;
	v9 =	vld [tilespmem:s4+$0x1520]  }
0xc7: {  	v5 =	vld [tilespmem:s4+$0x1530]  }
0xc8: {  	[tilespmem:s4+$0xD170] =	vst v3;
	v3 =	vadd.f32 v7, v6;
	v7 =	vld [tilespmem:s4+$0x7530]  }
0xc9: {  	v6 =	vld [tilespmem:s4+$0x7540]  }
0xca: {  	v4 =	vadd.f32 v10, v8;
	[tilespmem:s4+$0xD500] =	vst v3;
	v3 =	vld [tilespmem:s4+$0x1540]  }
0xcb: {  	s25 =	simm.s32 $0x0;
	v8 =	vld [tilespmem:s4+$0x7550];
	v9 =	vadd.f32 v11, v9  }
0xcc: {  	s23 =	simm.s32 $0x80;
	s24 =	simm.s32 $0x2;
	s5 =	smul.u32 $0x1800, s25;
	[tilespmem:s4+$0xD510] =	vst v4;
	v4 =	vld [tilespmem:s4+$0x1550]  }
.LBB2_2:
0xcd: {  	p0 =	sne.s32 s24, $0x1F;
	s25 =	sand.u32 $0x380, s23;
	[tilespmem:s4+$0xD520] =	vst v9;
	v5 =	vadd.f32 v7, v5;
	v7 =	vld [tilespmem:s4+$0x1560]  }
0xce: {  	s5 =	sor.u32 s25, s5;
	v9 =	vld [tilespmem:s4+$0x7560]  }
0xcf: {  	v10 =	vld [tilespmem:s5+$0x1570];
	[tilespmem:s4+$0xD530] =	vst v5;
	v3 =	vadd.f32 v6, v3  }
0xd0: {  	v5 =	vld [tilespmem:s5+$0x7570]  }
0xd1: {  	v6 =	vld [tilespmem:s5+$0x100];
	[tilespmem:s4+$0xD540] =	vst v3;
	v3 =	vadd.f32 v8, v4  }
0xd2: {  	v4 =	vld [tilespmem:s5+$0x6100]  }
0xd3: {  	v8 =	vld [tilespmem:s5+$0x110];
	[tilespmem:s4+$0xD550] =	vst v3;
	v3 =	vadd.f32 v9, v7  }
0xd4: {  	v7 =	vld [tilespmem:s5+$0x6110]  }
0xd5: {  	v9 =	vld [tilespmem:s5+$0x120];
	v5 =	vadd.f32 v5, v10;
	[tilespmem:s4+$0xD560] =	vst v3;
	s4 =	smov.u32 s5  }
0xd6: {  	v3 =	vld [tilespmem:s4+$0x6120]  }
0xd7: {  	v4 =	vadd.f32 v4, v6;
	v6 =	vld [tilespmem:s4+$0x130];
	[tilespmem:s4+$0xD570] =	vst v5  }
0xd8: {  	v5 =	vld [tilespmem:s4+$0x6130]  }
0xd9: {  	[tilespmem:s4+$0xC100] =	vst v4;
	v4 =	vadd.f32 v7, v8;
	v7 =	vld [tilespmem:s4+$0x140]  }
0xda: {  	v8 =	vld [tilespmem:s4+$0x6140]  }
0xdb: {  	[tilespmem:s4+$0xC110] =	vst v4;
	v3 =	vadd.f32 v3, v9;
	v4 =	vld [tilespmem:s4+$0x150]  }
0xdc: {  	v9 =	vld [tilespmem:s4+$0x6150]  }
0xdd: {  	[tilespmem:s4+$0xC120] =	vst v3;
	v3 =	vadd.f32 v5, v6;
	v5 =	vld [tilespmem:s4+$0x160]  }
0xde: {  	v6 =	vld [tilespmem:s4+$0x6160]  }
0xdf: {  	[tilespmem:s4+$0xC130] =	vst v3;
	v3 =	vadd.f32 v8, v7;
	v7 =	vld [tilespmem:s4+$0x170]  }
0xe0: {  	v8 =	vld [tilespmem:s4+$0x6170]  }
0xe1: {  	[tilespmem:s4+$0xC140] =	vst v3;
	v3 =	vadd.f32 v9, v4;
	v4 =	vld [tilespmem:s4+$0x500]  }
0xe2: {  	v9 =	vld [tilespmem:s4+$0x6500]  }
0xe3: {  	[tilespmem:s4+$0xC150] =	vst v3;
	v3 =	vadd.f32 v6, v5;
	v5 =	vld [tilespmem:s4+$0x510]  }
0xe4: {  	v6 =	vld [tilespmem:s4+$0x6510]  }
0xe5: {  	[tilespmem:s4+$0xC160] =	vst v3;
	v3 =	vadd.f32 v8, v7;
	v7 =	vld [tilespmem:s4+$0x520]  }
0xe6: {  	v8 =	vld [tilespmem:s4+$0x6520]  }
0xe7: {  	[tilespmem:s4+$0xC170] =	vst v3;
	v3 =	vadd.f32 v9, v4;
	v4 =	vld [tilespmem:s4+$0x530]  }
0xe8: {  	v9 =	vld [tilespmem:s4+$0x6530]  }
0xe9: {  	[tilespmem:s4+$0xC500] =	vst v3;
	v3 =	vadd.f32 v6, v5;
	v5 =	vld [tilespmem:s4+$0x540]  }
0xea: {  	v6 =	vld [tilespmem:s4+$0x6540]  }
0xeb: {  	[tilespmem:s4+$0xC510] =	vst v3;
	v3 =	vadd.f32 v8, v7;
	v7 =	vld [tilespmem:s4+$0x550]  }
0xec: {  	v8 =	vld [tilespmem:s4+$0x6550]  }
0xed: {  	[tilespmem:s4+$0xC520] =	vst v3;
	v3 =	vadd.f32 v9, v4;
	v4 =	vld [tilespmem:s4+$0x560]  }
0xee: {  	v9 =	vld [tilespmem:s4+$0x6560]  }
0xef: {  	[tilespmem:s4+$0xC530] =	vst v3;
	v3 =	vadd.f32 v6, v5;
	v5 =	vld [tilespmem:s4+$0x570]  }
0xf0: {  	v6 =	vld [tilespmem:s4+$0x6570]  }
0xf1: {  	[tilespmem:s4+$0xC540] =	vst v3;
	v3 =	vadd.f32 v8, v7;
	v7 =	vld [tilespmem:s4+$0x900]  }
0xf2: {  	v8 =	vld [tilespmem:s4+$0x6900]  }
0xf3: {  	[tilespmem:s4+$0xC550] =	vst v3;
	v3 =	vadd.f32 v9, v4;
	v4 =	vld [tilespmem:s4+$0x910]  }
0xf4: {  	v9 =	vld [tilespmem:s4+$0x6910]  }
0xf5: {  	[tilespmem:s4+$0xC560] =	vst v3;
	v3 =	vadd.f32 v6, v5;
	v5 =	vld [tilespmem:s4+$0x920]  }
0xf6: {  	v6 =	vld [tilespmem:s4+$0x6920]  }
0xf7: {  	[tilespmem:s4+$0xC570] =	vst v3;
	v3 =	vadd.f32 v8, v7;
	v7 =	vld [tilespmem:s4+$0x930]  }
0xf8: {  	v8 =	vld [tilespmem:s4+$0x6930]  }
0xf9: {  	[tilespmem:s4+$0xC900] =	vst v3;
	v3 =	vadd.f32 v9, v4;
	v4 =	vld [tilespmem:s4+$0x940]  }
0xfa: {  	v9 =	vld [tilespmem:s4+$0x6940]  }
0xfb: {  	[tilespmem:s4+$0xC910] =	vst v3;
	v3 =	vadd.f32 v6, v5;
	v5 =	vld [tilespmem:s4+$0x950]  }
0xfc: {  	v6 =	vld [tilespmem:s4+$0x6950]  }
0xfd: {  	[tilespmem:s4+$0xC920] =	vst v3;
	v3 =	vadd.f32 v8, v7;
	v7 =	vld [tilespmem:s4+$0x960]  }
0xfe: {  	v8 =	vld [tilespmem:s4+$0x6960]  }
0xff: {  	[tilespmem:s4+$0xC930] =	vst v3;
	v3 =	vadd.f32 v9, v4;
	v4 =	vld [tilespmem:s4+$0x970]  }
0x100: {  	v9 =	vld [tilespmem:s4+$0x6970]  }
0x101: {  	[tilespmem:s4+$0xC940] =	vst v3;
	v3 =	vadd.f32 v6, v5;
	v5 =	vld [tilespmem:s4+$0xD00]  }
0x102: {  	v6 =	vld [tilespmem:s4+$0x6D00]  }
0x103: {  	[tilespmem:s4+$0xC950] =	vst v3;
	v3 =	vadd.f32 v8, v7;
	v7 =	vld [tilespmem:s4+$0xD10]  }
0x104: {  	v8 =	vld [tilespmem:s4+$0x6D10]  }
0x105: {  	[tilespmem:s4+$0xC960] =	vst v3;
	v3 =	vadd.f32 v9, v4;
	v4 =	vld [tilespmem:s4+$0xD20]  }
0x106: {  	v9 =	vld [tilespmem:s4+$0x6D20]  }
0x107: {  	[tilespmem:s4+$0xC970] =	vst v3;
	v3 =	vadd.f32 v6, v5;
	v5 =	vld [tilespmem:s4+$0xD30]  }
0x108: {  	v6 =	vld [tilespmem:s4+$0x6D30]  }
0x109: {  	[tilespmem:s4+$0xCD00] =	vst v3;
	v3 =	vadd.f32 v8, v7;
	v7 =	vld [tilespmem:s4+$0xD40]  }
0x10a: {  	v8 =	vld [tilespmem:s4+$0x6D40]  }
0x10b: {  	[tilespmem:s4+$0xCD10] =	vst v3;
	v3 =	vadd.f32 v9, v4;
	v4 =	vld [tilespmem:s4+$0xD50]  }
0x10c: {  	v9 =	vld [tilespmem:s4+$0x6D50]  }
0x10d: {  	[tilespmem:s4+$0xCD20] =	vst v3;
	v3 =	vadd.f32 v6, v5;
	v5 =	vld [tilespmem:s4+$0xD60]  }
0x10e: {  	v6 =	vld [tilespmem:s4+$0x6D60]  }
0x10f: {  	[tilespmem:s4+$0xCD30] =	vst v3;
	v3 =	vadd.f32 v8, v7;
	v7 =	vld [tilespmem:s4+$0xD70]  }
0x110: {  	v8 =	vld [tilespmem:s4+$0x6D70]  }
0x111: {  	[tilespmem:s4+$0xCD40] =	vst v3;
	v3 =	vadd.f32 v9, v4;
	v4 =	vld [tilespmem:s4+$0x1100]  }
0x112: {  	v9 =	vld [tilespmem:s4+$0x7100]  }
0x113: {  	[tilespmem:s4+$0xCD50] =	vst v3;
	v3 =	vadd.f32 v6, v5;
	v5 =	vld [tilespmem:s4+$0x1110]  }
0x114: {  	v6 =	vld [tilespmem:s4+$0x7110]  }
0x115: {  	[tilespmem:s4+$0xCD60] =	vst v3;
	v3 =	vadd.f32 v8, v7;
	v7 =	vld [tilespmem:s4+$0x1120]  }
0x116: {  	v8 =	vld [tilespmem:s4+$0x7120]  }
0x117: {  	[tilespmem:s4+$0xCD70] =	vst v3;
	v3 =	vadd.f32 v9, v4;
	v4 =	vld [tilespmem:s4+$0x1130]  }
0x118: {  	v9 =	vld [tilespmem:s4+$0x7130]  }
0x119: {  	[tilespmem:s4+$0xD100] =	vst v3;
	v3 =	vadd.f32 v6, v5;
	v5 =	vld [tilespmem:s4+$0x1140]  }
0x11a: {  	v6 =	vld [tilespmem:s4+$0x7140]  }
0x11b: {  	[tilespmem:s4+$0xD110] =	vst v3;
	v3 =	vadd.f32 v8, v7;
	v7 =	vld [tilespmem:s4+$0x1150]  }
0x11c: {  	v8 =	vld [tilespmem:s4+$0x7150]  }
0x11d: {  	[tilespmem:s4+$0xD120] =	vst v3;
	v3 =	vadd.f32 v9, v4;
	v4 =	vld [tilespmem:s4+$0x1160]  }
0x11e: {  	v9 =	vld [tilespmem:s4+$0x7160]  }
0x11f: {  	[tilespmem:s4+$0xD130] =	vst v3;
	v3 =	vadd.f32 v6, v5;
	v5 =	vld [tilespmem:s4+$0x1170]  }
0x120: {  	v6 =	vld [tilespmem:s4+$0x7170]  }
0x121: {  	[tilespmem:s4+$0xD140] =	vst v3;
	v3 =	vadd.f32 v8, v7;
	v7 =	vld [tilespmem:s4+$0x1500]  }
0x122: {  	v8 =	vld [tilespmem:s4+$0x7500]  }
0x123: {  	[tilespmem:s4+$0xD150] =	vst v3;
	v3 =	vadd.f32 v9, v4;
	v4 =	vld [tilespmem:s4+$0x1510]  }
0x124: {  	v9 =	vld [tilespmem:s4+$0x7510]  }
0x125: {  	[tilespmem:s4+$0xD160] =	vst v3;
	v3 =	vadd.f32 v6, v5;
	v10 =	vld [tilespmem:s4+$0x1520]  }
0x126: {  	v11 =	vld [tilespmem:s4+$0x7520]  }
0x127: {  	[tilespmem:s4+$0xD170] =	vst v3;
	v3 =	vadd.f32 v8, v7;
	v5 =	vld [tilespmem:s4+$0x1530]  }
.Ltmp0:
0x128: {  	v7 =	vld [tilespmem:s4+$0x7530];
	(pc) =	sbr.rel @p0 .LBB2_2-.Ltmp0, $4  }
0x129: {  	[tilespmem:s4+$0xD500] =	vst v3;
	v4 =	vadd.f32 v9, v4;
	v3 =	vld [tilespmem:s4+$0x1540]  }
0x12a: {  	v6 =	vld [tilespmem:s4+$0x7540]  }
0x12b: {  	s5 =	sshrl.u32 s24, $0x3;
	[tilespmem:s4+$0xD510] =	vst v4;
	v9 =	vadd.f32 v11, v10;
	v4 =	vld [tilespmem:s4+$0x1550]  }
0x12c: {  	s23 =	sadd.s32 $0x80, s23;
	s24 =	sadd.s32 $0x1, s24;
	s5 =	smul.u32 $0x1800, s5;
	v8 =	vld [tilespmem:s4+$0x7550]  }
0x12d: {  	[tilespmem:s4+$0xD520] =	vst v9;
	s23 =	sand.u32 $0x380, s23;
	v9 =	vld [tilespmem:s4+$0x1560];
	v5 =	vadd.f32 v7, v5  }
0x12e: {  	v7 =	vld [tilespmem:s4+$0x7560];
	s23 =	sor.u32 s23, s5  }
0x12f: {  	v10 =	vld [tilespmem:s23+$0x1570];
	[tilespmem:s4+$0xD530] =	vst v5;
	v3 =	vadd.f32 v6, v3  }
0x130: {  	v5 =	vld [tilespmem:s23+$0x7570]  }
0x131: {  	v6 =	vld [tilespmem:s23+$0x100];
	[tilespmem:s4+$0xD540] =	vst v3;
	v3 =	vadd.f32 v8, v4  }
0x132: {  	v4 =	vld [tilespmem:s23+$0x6100]  }
0x133: {  	v8 =	vld [tilespmem:s23+$0x110];
	[tilespmem:s4+$0xD550] =	vst v3;
	v3 =	vadd.f32 v7, v9  }
0x134: {  	v7 =	vld [tilespmem:s23+$0x6110]  }
0x135: {  	v9 =	vld [tilespmem:s23+$0x120];
	[tilespmem:s4+$0xD560] =	vst v3  }
0x136: {  	v3 =	vld [tilespmem:s23+$0x6120]  }
0x137: {  	v11 =	vld [tilespmem:s23+$0x130]  }
0x138: {  	v12 =	vld [tilespmem:s23+$0x6130]  }
0x139: {  	v13 =	vld [tilespmem:s23+$0x140]  }
0x13a: {  	v14 =	vld [tilespmem:s23+$0x6140]  }
0x13b: {  	v15 =	vld [tilespmem:s23+$0x150]  }
0x13c: {  	v16 =	vld [tilespmem:s23+$0x6150]  }
0x13d: {  	v17 =	vld [tilespmem:s23+$0x160]  }
0x13e: {  	v18 =	vld [tilespmem:s23+$0x6160]  }
0x13f: {  	v19 =	vld [tilespmem:s23+$0x170]  }
0x140: {  	v20 =	vld [tilespmem:s23+$0x6170]  }
0x141: {  	v21 =	vld [tilespmem:s23+$0x500]  }
0x142: {  	v22 =	vld [tilespmem:s23+$0x6500]  }
0x143: {  	v23 =	vld [tilespmem:s23+$0x510]  }
0x144: {  	v24 =	vld [tilespmem:s23+$0x6510]  }
0x145: {  	v25 =	vld [tilespmem:s23+$0x520]  }
0x146: {  	v26 =	vld [tilespmem:s23+$0x6520]  }
0x147: {  	v27 =	vld [tilespmem:s23+$0x530]  }
0x148: {  	v28 =	vld [tilespmem:s23+$0x6530]  }
0x149: {  	v29 =	vld [tilespmem:s23+$0x540]  }
0x14a: {  	v30 =	vld [tilespmem:s23+$0x6540]  }
0x14b: {  	v31 =	vld [tilespmem:s23+$0x550]  }
0x14c: {  	v32 =	vld [tilespmem:s23+$0x6550]  }
0x14d: {  	v33 =	vld [tilespmem:s23+$0x560]  }
0x14e: {  	v34 =	vld [tilespmem:s23+$0x6560]  }
0x14f: {  	v35 =	vld [tilespmem:s23+$0x570]  }
0x150: {  	v36 =	vld [tilespmem:s23+$0x6570]  }
0x151: {  	v37 =	vld [tilespmem:s23+$0x900]  }
0x152: {  	v38 =	vld [tilespmem:s23+$0x6900]  }
0x153: {  	v39 =	vld [tilespmem:s23+$0x910]  }
0x154: {  	v40 =	vld [tilespmem:s23+$0x6910]  }
0x155: {  	v41 =	vld [tilespmem:s23+$0x920]  }
0x156: {  	v42 =	vld [tilespmem:s23+$0x6920]  }
0x157: {  	v43 =	vld [tilespmem:s23+$0x930]  }
0x158: {  	v44 =	vld [tilespmem:s23+$0x6930]  }
0x159: {  	v45 =	vld [tilespmem:s23+$0x940]  }
0x15a: {  	v46 =	vld [tilespmem:s23+$0x6940]  }
0x15b: {  	v47 =	vld [tilespmem:s23+$0x950]  }
0x15c: {  	v48 =	vld [tilespmem:s23+$0x6950]  }
0x15d: {  	v49 =	vld [tilespmem:s23+$0x960]  }
0x15e: {  	v50 =	vld [tilespmem:s23+$0x6960]  }
0x15f: {  	v51 =	vld [tilespmem:s23+$0x970]  }
0x160: {  	v52 =	vld [tilespmem:s23+$0x6970]  }
0x161: {  	v53 =	vld [tilespmem:s23+$0xD00];
	v4 =	vadd.f32 v4, v6  }
0x162: {  	v5 =	vadd.f32 v5, v10;
	v54 =	vld [tilespmem:s23+$0x6D00]  }
0x163: {  	[tilespmem:s23+$0xC100] =	vst v4;
	v4 =	vld [tilespmem:s23+$0xD30]  }
0x164: {  	[tilespmem:s23+$0xD570] =	vst v5;
	v5 =	vadd.f32 v7, v8;
	v8 =	vld [tilespmem:s23+$0x6D30]  }
0x165: {  	v55 =	vld [tilespmem:s23+$0xD10];
	v3 =	vadd.f32 v3, v9  }
0x166: {  	v10 =	vld [tilespmem:s23+$0x6D10];
	[tilespmem:s23+$0xC110] =	vst v5;
	v5 =	vadd.f32 v12, v11  }
0x167: {  	v58 =	vld [tilespmem:s23+$0xD60];
	[tilespmem:s23+$0xC120] =	vst v3;
	v3 =	vadd.f32 v14, v13  }
0x168: {  	v12 =	vld [tilespmem:s23+$0xD50];
	[tilespmem:s23+$0xC130] =	vst v5;
	v5 =	vadd.f32 v16, v15  }
0x169: {  	v13 =	vld [tilespmem:s23+$0x6D50];
	v4 =	vadd.f32 v8, v4;
	[tilespmem:s23+$0xC140] =	vst v3  }
0x16a: {  	v59 =	vld [tilespmem:s23+$0x6D60];
	v3 =	vadd.f32 v18, v17;
	[tilespmem:s23+$0xC150] =	vst v5  }
0x16b: {  	v60 =	vld [tilespmem:s23+$0xD70];
	v5 =	vadd.f32 v20, v19;
	[tilespmem:s23+$0xCD30] =	vst v4  }
0x16c: {  	v61 =	vld [tilespmem:s23+$0x6D70];
	[tilespmem:s23+$0xC160] =	vst v3;
	v3 =	vadd.f32 v22, v21  }
0x16d: {  	v62 =	vld [tilespmem:s23+$0x1100];
	[tilespmem:s23+$0xC170] =	vst v5;
	v5 =	vadd.f32 v24, v23  }
0x16e: {  	v63 =	vld [tilespmem:s23+$0x7100];
	v4 =	vadd.f32 v13, v12;
	[tilespmem:s23+$0xC500] =	vst v3  }
0x16f: {  	v56 =	vld [tilespmem:s23+$0x7150];
	v3 =	vadd.f32 v26, v25;
	[tilespmem:s23+$0xC510] =	vst v5  }
0x170: {  	v57 =	vld [tilespmem:s23+$0x1160];
	v5 =	vadd.f32 v28, v27;
	[tilespmem:s23+$0xCD50] =	vst v4  }
0x171: {  	v6 =	vld [tilespmem:s23+$0xD20];
	[tilespmem:s23+$0xC520] =	vst v3;
	v3 =	vadd.f32 v30, v29  }
0x172: {  	v7 =	vld [tilespmem:s23+$0x6D20];
	v4 =	vadd.f32 v61, v60;
	[tilespmem:s23+$0xC530] =	vst v5  }
0x173: {  	v9 =	vld [tilespmem:s23+$0xD40];
	[tilespmem:s23+$0xC540] =	vst v3;
	v3 =	vadd.f32 v34, v33  }
0x174: {  	v11 =	vld [tilespmem:s23+$0x6D40];
	v5 =	vadd.f32 v32, v31;
	[tilespmem:s23+$0xCD70] =	vst v4  }
0x175: {  	v8 =	vld [tilespmem:s23+$0x7500];
	[tilespmem:s23+$0xC560] =	vst v3;
	v3 =	vadd.f32 v38, v37  }
0x176: {  	v60 =	vld [tilespmem:s23+$0x1530];
	[tilespmem:s23+$0xC550] =	vst v5;
	v5 =	vadd.f32 v36, v35  }
0x177: {  	v61 =	vld [tilespmem:s23+$0x7530];
	[tilespmem:s23+$0xC900] =	vst v3;
	v3 =	vadd.f32 v42, v41  }
0x178: {  	v34 =	vld [tilespmem:s23+$0x1110];
	[tilespmem:s23+$0xC570] =	vst v5;
	v5 =	vadd.f32 v40, v39  }
0x179: {  	v36 =	vld [tilespmem:s23+$0x7110];
	[tilespmem:s23+$0xC920] =	vst v3;
	v3 =	vadd.f32 v46, v45  }
0x17a: {  	v38 =	vld [tilespmem:s23+$0x1120];
	[tilespmem:s23+$0xC910] =	vst v5;
	v5 =	vadd.f32 v44, v43  }
0x17b: {  	v40 =	vld [tilespmem:s23+$0x7120];
	[tilespmem:s23+$0xC940] =	vst v3;
	v3 =	vadd.f32 v50, v49  }
0x17c: {  	v42 =	vld [tilespmem:s23+$0x1130];
	[tilespmem:s23+$0xC930] =	vst v5;
	v5 =	vadd.f32 v48, v47  }
0x17d: {  	v44 =	vld [tilespmem:s23+$0x7130];
	[tilespmem:s23+$0xC960] =	vst v3;
	v3 =	vadd.f32 v54, v53  }
0x17e: {  	v46 =	vld [tilespmem:s23+$0x1140];
	[tilespmem:s23+$0xC950] =	vst v5;
	v5 =	vadd.f32 v52, v51  }
0x17f: {  	v48 =	vld [tilespmem:s23+$0x7140];
	[tilespmem:s23+$0xCD00] =	vst v3;
	v3 =	vadd.f32 v7, v6  }
0x180: {  	v50 =	vld [tilespmem:s23+$0x1150];
	[tilespmem:s23+$0xC970] =	vst v5;
	v5 =	vadd.f32 v10, v55  }
0x181: {  	v10 =	vld [tilespmem:s23+$0x7160];
	[tilespmem:s23+$0xCD20] =	vst v3;
	v3 =	vadd.f32 v11, v9  }
0x182: {  	v4 =	vadd.f32 v36, v34;
	v6 =	vld [tilespmem:s23+$0x1170];
	[tilespmem:s23+$0xCD10] =	vst v5  }
0x183: {  	v5 =	vld [tilespmem:s23+$0x7170];
	[tilespmem:s23+$0xCD40] =	vst v3;
	v3 =	vadd.f32 v59, v58  }
0x184: {  	[tilespmem:s23+$0xD110] =	vst v4;
	v4 =	vadd.f32 v44, v42;
	v7 =	vld [tilespmem:s23+$0x1500]  }
0x185: {  	v9 =	vld [tilespmem:s23+$0x1510];
	[tilespmem:s23+$0xCD60] =	vst v3;
	v3 =	vadd.f32 v63, v62  }
0x186: {  	[tilespmem:s23+$0xD130] =	vst v4;
	v4 =	vadd.f32 v56, v50;
	v11 =	vld [tilespmem:s23+$0x7510]  }
0x187: {  	v58 =	vld [tilespmem:s23+$0x1520];
	[tilespmem:s23+$0xD100] =	vst v3;
	v3 =	vadd.f32 v40, v38  }
0x188: {  	[tilespmem:s23+$0xD150] =	vst v4;
	v59 =	vld [tilespmem:s23+$0x7520]  }
0x189: {  	v4 =	vadd.f32 v5, v6;
	v5 =	vld [tilespmem:s23+$0x7550];
	[tilespmem:s23+$0xD120] =	vst v3;
	v3 =	vadd.f32 v48, v46  }
0x18a: {  	v6 =	vld [tilespmem:s23+$0x1560]  }
0x18b: {  	v62 =	vld [tilespmem:s23+$0x1540];
	[tilespmem:s23+$0xD140] =	vst v3;
	v3 =	vadd.f32 v10, v57  }
0x18c: {  	v63 =	vld [tilespmem:s23+$0x7540]  }
0x18d: {  	v10 =	vld [tilespmem:s23+$0x1550];
	[tilespmem:s23+$0xD160] =	vst v3;
	v3 =	vadd.f32 v8, v7  }
0x18e: {  	[tilespmem:s23+$0xD170] =	vst v4;
	v4 =	vadd.f32 v11, v9;
	v7 =	vld [tilespmem:s23+$0x7560]  }
0x18f: {  	[tilespmem:s23+$0xD500] =	vst v3;
	v3 =	vadd.f32 v59, v58  }
0x190: {  	[tilespmem:s23+$0xD510] =	vst v4;
	v4 =	vadd.f32 v61, v60  }
0x191: {  	[tilespmem:s23+$0xD520] =	vst v3;
	v3 =	vadd.f32 v63, v62  }
0x192: {  	[tilespmem:s23+$0xD530] =	vst v4;
	v4 =	vadd.f32 v5, v10  }
0x193: {  	[tilespmem:s23+$0xD540] =	vst v3;
	v3 =	vadd.f32 v7, v6  }
0x194: {  	[tilespmem:s23+$0xD550] =	vst v4  }
0x195: {  	s4 =	simm.s32 $0x0;
	[tilespmem:s23+$0xD560] =	vst v3  }
0x196: {  	[hbm4b:s8+s4] =	stream.linear.scatter [tilespmem:s21], [sflag:$0x2], $0x6000, $0x38;
	[tilespmem:$0x12100] =	vst v63  }
0x197: {  	_ =	swait.ge [sflag:s13], $0x6000  }
0x198: {  	[sflag:s13] =	ssyncset.done $0x0  }
0x199: {  	[sflag:s13] =	ssyncadd.s32 $0xFFFFA000  }
0x19a: {  	[tilespmem:s4], [sflag:$0x2] =	stream.linear.gather [hbm4b:s9+s4], $0x80, $0x38;
	[tilespmem:$0x12100] =	vst v63  }
0x19b: {  	_ =	swait.ge [sflag:s13], $0x80  }
0x19c: {  	[sflag:s13] =	ssyncset.done $0x0  }
0x19d: {  	s24 =	simm.s32 $0x80;
	[sflag:s13] =	ssyncadd.s32 $0xFFFFFF80  }
0x19e: {  	[tilespmem:s24], [sflag:$0x2] =	stream.linear.gather [hbm4b:s10+s4], $0x80, $0x38;
	[tilespmem:$0x12100] =	vst v63  }
0x19f: {  	_ =	swait.ge [sflag:s13], $0x80  }
0x1a0: {  	[sflag:s13] =	ssyncset.done $0x0  }
0x1a1: {  	[sflag:s13] =	ssyncadd.s32 $0xFFFFFF80  }
0x1a2: {  	v3 =	vld [tilespmem:$0x0];
	_ =	sdelay $0x4  }
0x1a3: {  	v4 =	vshrl.u32 v3, $0x3  }
0x1a4: {  	v4 =	vmul.u32 $0x30, v4  }
0x1a5: {  	v3 =	vand.u32 $0x7, v3  }
0x1a6: {  	v3 =	vor.u32 v3, v4  }
0x1a7: {  	v4 =	vperm.xlane v3, v0;
	_ =	sdelay $0x1  }
0x1a8: {  	v4 =	vadd.s32 v1, v4;
	_ =	sdelay $0x3  }
0x1a9: {  	s25 =	simm.s32 $0x100;
	v3 =	vperm.xlane v3, v2  }
0x1aa: {  	[tilespmem:s25], [sflag:$0x1] =	stream.indirect_vreg.gather [hbm4b:s3+s4], $0x80, v4, vm0, $0xb8;
	[tilespmem:$0x12100] =	vst v63  }
0x1ab: {  	s23 =	simm.s32 $0x900;
	v3 =	vadd.s32 v1, v3  }
0x1ac: {  	[tilespmem:s23], [sflag:$0x1] =	stream.indirect_vreg.gather [hbm4b:s6+s4], $0x80, v4, vm0, $0xb8;
	[tilespmem:$0x12100] =	vst v63  }
0x1ad: {  	s24 =	simm.s32 $0x1100  }
0x1ae: {  	[tilespmem:s24], [sflag:$0x1] =	stream.indirect_vreg.gather [hbm4b:s7+s4], $0x80, v4, vm0, $0xb8;
	[tilespmem:$0x12100] =	vst v63  }
0x1af: {  	s25 =	simm.s32 $0x1900  }
0x1b0: {  	[tilespmem:s25], [sflag:$0x1] =	stream.indirect_vreg.gather [hbm4b:s3+s4], $0x80, v3, vm0, $0xb8;
	[tilespmem:$0x12100] =	vst v63  }
0x1b1: {  	s23 =	simm.s32 $0x2100  }
0x1b2: {  	[tilespmem:s23], [sflag:$0x1] =	stream.indirect_vreg.gather [hbm4b:s6+s4], $0x80, v3, vm0, $0xb8;
	[tilespmem:$0x12100] =	vst v63  }
0x1b3: {  	s24 =	simm.s32 $0x2900  }
0x1b4: {  	[tilespmem:s24], [sflag:$0x1] =	stream.indirect_vreg.gather [hbm4b:s7+s4], $0x80, v3, vm0, $0xb8;
	[tilespmem:$0x12100] =	vst v63  }
0x1b5: {  	v3 =	vld [tilespmem:$0x10];
	_ =	sdelay $0x4  }
0x1b6: {  	v4 =	vshrl.u32 v3, $0x3  }
0x1b7: {  	v4 =	vmul.u32 $0x30, v4  }
0x1b8: {  	v3 =	vand.u32 $0x7, v3  }
0x1b9: {  	v3 =	vor.u32 v3, v4  }
0x1ba: {  	v4 =	vperm.xlane v3, v0;
	_ =	sdelay $0x1  }
0x1bb: {  	v4 =	vadd.s32 v1, v4;
	_ =	sdelay $0x3  }
0x1bc: {  	s25 =	simm.s32 $0x3100;
	v3 =	vperm.xlane v3, v2  }
0x1bd: {  	[tilespmem:s25], [sflag:$0x1] =	stream.indirect_vreg.gather [hbm4b:s3+s4], $0x80, v4, vm0, $0xb8;
	[tilespmem:$0x12100] =	vst v63  }
0x1be: {  	s23 =	simm.s32 $0x3900;
	v3 =	vadd.s32 v1, v3  }
0x1bf: {  	[tilespmem:s23], [sflag:$0x1] =	stream.indirect_vreg.gather [hbm4b:s6+s4], $0x80, v4, vm0, $0xb8;
	[tilespmem:$0x12100] =	vst v63  }
0x1c0: {  	s24 =	simm.s32 $0x4100  }
0x1c1: {  	[tilespmem:s24], [sflag:$0x1] =	stream.indirect_vreg.gather [hbm4b:s7+s4], $0x80, v4, vm0, $0xb8;
	[tilespmem:$0x12100] =	vst v63  }
0x1c2: {  	s25 =	simm.s32 $0x4900  }
0x1c3: {  	[tilespmem:s25], [sflag:$0x1] =	stream.indirect_vreg.gather [hbm4b:s3+s4], $0x80, v3, vm0, $0xb8;
	[tilespmem:$0x12100] =	vst v63  }
0x1c4: {  	s23 =	simm.s32 $0x5100  }
0x1c5: {  	[tilespmem:s23], [sflag:$0x1] =	stream.indirect_vreg.gather [hbm4b:s6+s4], $0x80, v3, vm0, $0xb8;
	[tilespmem:$0x12100] =	vst v63  }
0x1c6: {  	_ = 	snop  }
0x1c7: {  	[tilespmem:s26], [sflag:$0x1] =	stream.indirect_vreg.gather [hbm4b:s7+s4], $0x80, v3, vm0, $0xb8;
	[tilespmem:$0x12100] =	vst v63  }
0x1c8: {  	v3 =	vld [tilespmem:$0x80];
	_ =	sdelay $0x4  }
0x1c9: {  	v4 =	vshrl.u32 v3, $0x3  }
0x1ca: {  	v4 =	vmul.u32 $0x30, v4  }
0x1cb: {  	v3 =	vand.u32 $0x7, v3  }
0x1cc: {  	v3 =	vor.u32 v3, v4  }
0x1cd: {  	v4 =	vperm.xlane v3, v0;
	_ =	sdelay $0x1  }
0x1ce: {  	v4 =	vadd.s32 v1, v4;
	_ =	sdelay $0x3  }
0x1cf: {  	v3 =	vperm.xlane v3, v2  }
0x1d0: {  	[tilespmem:s28], [sflag:$0x1] =	stream.indirect_vreg.gather [hbm4b:s3+s4], $0x80, v4, vm0, $0xb8;
	[tilespmem:$0x12100] =	vst v63  }
0x1d1: {  	v3 =	vadd.s32 v1, v3  }
0x1d2: {  	[tilespmem:s29], [sflag:$0x1] =	stream.indirect_vreg.gather [hbm4b:s6+s4], $0x80, v4, vm0, $0xb8;
	[tilespmem:$0x12100] =	vst v63  }
0x1d3: {  	_ = 	snop  }
0x1d4: {  	[tilespmem:s30], [sflag:$0x1] =	stream.indirect_vreg.gather [hbm4b:s7+s4], $0x80, v4, vm0, $0xb8;
	[tilespmem:$0x12100] =	vst v63  }
0x1d5: {  	_ = 	snop  }
0x1d6: {  	[tilespmem:s31], [sflag:$0x1] =	stream.indirect_vreg.gather [hbm4b:s3+s4], $0x80, v3, vm0, $0xb8;
	[tilespmem:$0x12100] =	vst v63  }
0x1d7: {  	_ = 	snop  }
0x1d8: {  	[tilespmem:s0], [sflag:$0x1] =	stream.indirect_vreg.gather [hbm4b:s6+s4], $0x80, v3, vm0, $0xb8;
	[tilespmem:$0x12100] =	vst v63  }
0x1d9: {  	_ = 	snop  }
0x1da: {  	[tilespmem:s2], [sflag:$0x1] =	stream.indirect_vreg.gather [hbm4b:s7+s4], $0x80, v3, vm0, $0xb8;
	[tilespmem:$0x12100] =	vst v63  }
0x1db: {  	v3 =	vld [tilespmem:$0x90];
	_ =	sdelay $0x4  }
0x1dc: {  	v4 =	vshrl.u32 v3, $0x3  }
0x1dd: {  	v4 =	vmul.u32 $0x30, v4  }
0x1de: {  	v3 =	vand.u32 $0x7, v3  }
0x1df: {  	v3 =	vor.u32 v3, v4  }
0x1e0: {  	v4 =	vperm.xlane v3, v0;
	_ =	sdelay $0x1  }
0x1e1: {  	v4 =	vadd.s32 v1, v4;
	_ =	sdelay $0x3  }
0x1e2: {  	v3 =	vperm.xlane v3, v2  }
0x1e3: {  	[tilespmem:s14], [sflag:$0x1] =	stream.indirect_vreg.gather [hbm4b:s3+s4], $0x80, v4, vm0, $0xb8;
	[tilespmem:$0x12100] =	vst v63  }
0x1e4: {  	v3 =	vadd.s32 v1, v3  }
0x1e5: {  	[tilespmem:s15], [sflag:$0x1] =	stream.indirect_vreg.gather [hbm4b:s6+s4], $0x80, v4, vm0, $0xb8;
	[tilespmem:$0x12100] =	vst v63  }
0x1e6: {  	_ = 	snop  }
0x1e7: {  	[tilespmem:s16], [sflag:$0x1] =	stream.indirect_vreg.gather [hbm4b:s7+s4], $0x80, v4, vm0, $0xb8;
	[tilespmem:$0x12100] =	vst v63  }
0x1e8: {  	_ = 	snop  }
0x1e9: {  	[tilespmem:s17], [sflag:$0x1] =	stream.indirect_vreg.gather [hbm4b:s3+s4], $0x80, v3, vm0, $0xb8;
	[tilespmem:$0x12100] =	vst v63  }
0x1ea: {  	_ = 	snop  }
0x1eb: {  	[tilespmem:s18], [sflag:$0x1] =	stream.indirect_vreg.gather [hbm4b:s6+s4], $0x80, v3, vm0, $0xb8;
	[tilespmem:$0x12100] =	vst v63  }
0x1ec: {  	_ = 	snop  }
0x1ed: {  	[tilespmem:s19], [sflag:$0x1] =	stream.indirect_vreg.gather [hbm4b:s7+s4], $0x80, v3, vm0, $0xb8;
	[tilespmem:$0x12100] =	vst v63  }
0x1ee: {  	_ =	swait.ge [sflag:s20], $0x6000  }
0x1ef: {  	[sflag:s20] =	ssyncset.done $0x0  }
0x1f0: {  	s24 =	simm.s32 $0x0;
	[sflag:s20] =	ssyncadd.s32 $0xFFFFA000  }
0x1f1: {  	s5 =	smul.u32 $0x1800, s24;
	_ =	swait.ge [sflag:s20], $0x6000  }
0x1f2: {  	s4 =	sand.u32 $0x380, s4;
	[sflag:s20] =	ssyncset.done $0x0  }
0x1f3: {  	s4 =	sor.u32 s4, s5;
	[sflag:s20] =	ssyncadd.s32 $0xFFFFA000  }
0x1f4: {  	v3 =	vld [tilespmem:s4+$0x1570]  }
0x1f5: {  	v4 =	vld [tilespmem:s4+$0x7570]  }
0x1f6: {  	v5 =	vld [tilespmem:s4+$0x100]  }
0x1f7: {  	v6 =	vld [tilespmem:s4+$0x6100]  }
0x1f8: {  	v7 =	vld [tilespmem:s4+$0x110]  }
0x1f9: {  	v8 =	vld [tilespmem:s4+$0x6110]  }
0x1fa: {  	v9 =	vld [tilespmem:s4+$0x120]  }
0x1fb: {  	v10 =	vld [tilespmem:s4+$0x130]  }
0x1fc: {  	v11 =	vld [tilespmem:s4+$0x7520];
	v3 =	vadd.f32 v4, v3  }
0x1fd: {  	v4 =	vld [tilespmem:s4+$0x6120]  }
0x1fe: {  	v5 =	vadd.f32 v6, v5;
	[tilespmem:s4+$0xD570] =	vst v3;
	v3 =	vld [tilespmem:s4+$0x6130]  }
0x1ff: {  	v6 =	vld [tilespmem:s4+$0x140]  }
0x200: {  	[tilespmem:s4+$0xC100] =	vst v5;
	v5 =	vadd.f32 v8, v7;
	v7 =	vld [tilespmem:s4+$0x6140]  }
0x201: {  	v8 =	vld [tilespmem:s4+$0x6150]  }
0x202: {  	[tilespmem:s4+$0xC110] =	vst v5;
	v5 =	vld [tilespmem:s4+$0x150];
	v4 =	vadd.f32 v4, v9  }
0x203: {  	v9 =	vld [tilespmem:s4+$0x6160];
	v3 =	vadd.f32 v3, v10  }
0x204: {  	[tilespmem:s4+$0xC120] =	vst v4;
	v4 =	vld [tilespmem:s4+$0x160]  }
0x205: {  	[tilespmem:s4+$0xC130] =	vst v3;
	v3 =	vadd.f32 v7, v6;
	v6 =	vld [tilespmem:s4+$0x170]  }
0x206: {  	v7 =	vld [tilespmem:s4+$0x6170]  }
0x207: {  	[tilespmem:s4+$0xC140] =	vst v3;
	v3 =	vadd.f32 v8, v5;
	v5 =	vld [tilespmem:s4+$0x500]  }
0x208: {  	v8 =	vld [tilespmem:s4+$0x6500]  }
0x209: {  	[tilespmem:s4+$0xC150] =	vst v3;
	v3 =	vadd.f32 v9, v4;
	v4 =	vld [tilespmem:s4+$0x510]  }
0x20a: {  	v9 =	vld [tilespmem:s4+$0x6510]  }
0x20b: {  	[tilespmem:s4+$0xC160] =	vst v3;
	v3 =	vadd.f32 v7, v6;
	v6 =	vld [tilespmem:s4+$0x520]  }
0x20c: {  	v7 =	vld [tilespmem:s4+$0x6520]  }
0x20d: {  	[tilespmem:s4+$0xC170] =	vst v3;
	v3 =	vadd.f32 v8, v5;
	v5 =	vld [tilespmem:s4+$0x530]  }
0x20e: {  	v8 =	vld [tilespmem:s4+$0x6530]  }
0x20f: {  	[tilespmem:s4+$0xC500] =	vst v3;
	v3 =	vadd.f32 v9, v4;
	v4 =	vld [tilespmem:s4+$0x540]  }
0x210: {  	v9 =	vld [tilespmem:s4+$0x6540]  }
0x211: {  	[tilespmem:s4+$0xC510] =	vst v3;
	v3 =	vadd.f32 v7, v6;
	v6 =	vld [tilespmem:s4+$0x550]  }
0x212: {  	v7 =	vld [tilespmem:s4+$0x6550]  }
0x213: {  	[tilespmem:s4+$0xC520] =	vst v3;
	v3 =	vadd.f32 v8, v5;
	v5 =	vld [tilespmem:s4+$0x560]  }
0x214: {  	v8 =	vld [tilespmem:s4+$0x6560]  }
0x215: {  	[tilespmem:s4+$0xC530] =	vst v3;
	v3 =	vadd.f32 v9, v4;
	v4 =	vld [tilespmem:s4+$0x570]  }
0x216: {  	v9 =	vld [tilespmem:s4+$0x6570]  }
0x217: {  	[tilespmem:s4+$0xC540] =	vst v3;
	v3 =	vadd.f32 v7, v6;
	v6 =	vld [tilespmem:s4+$0x900]  }
0x218: {  	v7 =	vld [tilespmem:s4+$0x6900]  }
0x219: {  	[tilespmem:s4+$0xC550] =	vst v3;
	v3 =	vadd.f32 v8, v5;
	v5 =	vld [tilespmem:s4+$0x910]  }
0x21a: {  	v8 =	vld [tilespmem:s4+$0x6910]  }
0x21b: {  	[tilespmem:s4+$0xC560] =	vst v3;
	v3 =	vadd.f32 v9, v4;
	v4 =	vld [tilespmem:s4+$0x920]  }
0x21c: {  	v9 =	vld [tilespmem:s4+$0x6920]  }
0x21d: {  	[tilespmem:s4+$0xC570] =	vst v3;
	v3 =	vadd.f32 v7, v6;
	v6 =	vld [tilespmem:s4+$0x930]  }
0x21e: {  	v7 =	vld [tilespmem:s4+$0x6930]  }
0x21f: {  	[tilespmem:s4+$0xC900] =	vst v3;
	v3 =	vadd.f32 v8, v5;
	v5 =	vld [tilespmem:s4+$0x940]  }
0x220: {  	v8 =	vld [tilespmem:s4+$0x6940]  }
0x221: {  	[tilespmem:s4+$0xC910] =	vst v3;
	v3 =	vadd.f32 v9, v4;
	v4 =	vld [tilespmem:s4+$0x950]  }
0x222: {  	v9 =	vld [tilespmem:s4+$0x6950]  }
0x223: {  	[tilespmem:s4+$0xC920] =	vst v3;
	v3 =	vadd.f32 v7, v6;
	v6 =	vld [tilespmem:s4+$0x960]  }
0x224: {  	v7 =	vld [tilespmem:s4+$0x6960]  }
0x225: {  	[tilespmem:s4+$0xC930] =	vst v3;
	v3 =	vadd.f32 v8, v5;
	v5 =	vld [tilespmem:s4+$0x970]  }
0x226: {  	v8 =	vld [tilespmem:s4+$0x6970]  }
0x227: {  	[tilespmem:s4+$0xC940] =	vst v3;
	v3 =	vadd.f32 v9, v4;
	v4 =	vld [tilespmem:s4+$0xD00]  }
0x228: {  	v9 =	vld [tilespmem:s4+$0x6D00]  }
0x229: {  	[tilespmem:s4+$0xC950] =	vst v3;
	v3 =	vadd.f32 v7, v6;
	v6 =	vld [tilespmem:s4+$0xD10]  }
0x22a: {  	v7 =	vld [tilespmem:s4+$0x6D10]  }
0x22b: {  	[tilespmem:s4+$0xC960] =	vst v3;
	v3 =	vadd.f32 v8, v5;
	v5 =	vld [tilespmem:s4+$0xD20]  }
0x22c: {  	v8 =	vld [tilespmem:s4+$0x6D20]  }
0x22d: {  	[tilespmem:s4+$0xC970] =	vst v3;
	v3 =	vadd.f32 v9, v4;
	v4 =	vld [tilespmem:s4+$0xD30]  }
0x22e: {  	v9 =	vld [tilespmem:s4+$0x6D30]  }
0x22f: {  	[tilespmem:s4+$0xCD00] =	vst v3;
	v3 =	vadd.f32 v7, v6;
	v6 =	vld [tilespmem:s4+$0xD40]  }
0x230: {  	v7 =	vld [tilespmem:s4+$0x6D40]  }
0x231: {  	[tilespmem:s4+$0xCD10] =	vst v3;
	v3 =	vadd.f32 v8, v5;
	v5 =	vld [tilespmem:s4+$0xD50]  }
0x232: {  	v8 =	vld [tilespmem:s4+$0x6D50]  }
0x233: {  	[tilespmem:s4+$0xCD20] =	vst v3;
	v3 =	vadd.f32 v9, v4;
	v4 =	vld [tilespmem:s4+$0xD60]  }
0x234: {  	v9 =	vld [tilespmem:s4+$0x6D60]  }
0x235: {  	[tilespmem:s4+$0xCD30] =	vst v3;
	v3 =	vadd.f32 v7, v6;
	v6 =	vld [tilespmem:s4+$0xD70]  }
0x236: {  	v7 =	vld [tilespmem:s4+$0x6D70]  }
0x237: {  	[tilespmem:s4+$0xCD40] =	vst v3;
	v3 =	vadd.f32 v8, v5;
	v5 =	vld [tilespmem:s4+$0x1100]  }
0x238: {  	v8 =	vld [tilespmem:s4+$0x7100]  }
0x239: {  	[tilespmem:s4+$0xCD50] =	vst v3;
	v3 =	vadd.f32 v9, v4;
	v4 =	vld [tilespmem:s4+$0x1110]  }
0x23a: {  	v9 =	vld [tilespmem:s4+$0x7110]  }
0x23b: {  	[tilespmem:s4+$0xCD60] =	vst v3;
	v3 =	vadd.f32 v7, v6;
	v6 =	vld [tilespmem:s4+$0x1120]  }
0x23c: {  	v7 =	vld [tilespmem:s4+$0x7120]  }
0x23d: {  	[tilespmem:s4+$0xCD70] =	vst v3;
	v3 =	vadd.f32 v8, v5;
	v5 =	vld [tilespmem:s4+$0x1130]  }
0x23e: {  	v8 =	vld [tilespmem:s4+$0x7130]  }
0x23f: {  	[tilespmem:s4+$0xD100] =	vst v3;
	v3 =	vadd.f32 v9, v4;
	v4 =	vld [tilespmem:s4+$0x1140]  }
0x240: {  	v9 =	vld [tilespmem:s4+$0x7140]  }
0x241: {  	[tilespmem:s4+$0xD110] =	vst v3;
	v3 =	vadd.f32 v7, v6;
	v6 =	vld [tilespmem:s4+$0x1150]  }
0x242: {  	v7 =	vld [tilespmem:s4+$0x7150]  }
0x243: {  	[tilespmem:s4+$0xD120] =	vst v3;
	v3 =	vadd.f32 v8, v5;
	v5 =	vld [tilespmem:s4+$0x1160]  }
0x244: {  	v8 =	vld [tilespmem:s4+$0x7160]  }
0x245: {  	[tilespmem:s4+$0xD130] =	vst v3;
	v3 =	vadd.f32 v9, v4;
	v4 =	vld [tilespmem:s4+$0x1170]  }
0x246: {  	v9 =	vld [tilespmem:s4+$0x7170]  }
0x247: {  	[tilespmem:s4+$0xD140] =	vst v3;
	v3 =	vadd.f32 v7, v6;
	v6 =	vld [tilespmem:s4+$0x1500]  }
0x248: {  	v7 =	vld [tilespmem:s4+$0x7500]  }
0x249: {  	v10 =	vld [tilespmem:s4+$0x7510];
	[tilespmem:s4+$0xD150] =	vst v3;
	v3 =	vadd.f32 v8, v5  }
0x24a: {  	v8 =	vld [tilespmem:s4+$0x1510]  }
0x24b: {  	[tilespmem:s4+$0xD160] =	vst v3;
	v3 =	vadd.f32 v9, v4;
	v9 =	vld [tilespmem:s4+$0x1520]  }
0x24c: {  	v5 =	vld [tilespmem:s4+$0x1530]  }
0x24d: {  	[tilespmem:s4+$0xD170] =	vst v3;
	v3 =	vadd.f32 v7, v6;
	v7 =	vld [tilespmem:s4+$0x7530]  }
0x24e: {  	v6 =	vld [tilespmem:s4+$0x7540]  }
0x24f: {  	v4 =	vadd.f32 v10, v8;
	[tilespmem:s4+$0xD500] =	vst v3;
	v3 =	vld [tilespmem:s4+$0x1540]  }
0x250: {  	s25 =	simm.s32 $0x0;
	v8 =	vld [tilespmem:s4+$0x7550];
	v9 =	vadd.f32 v11, v9  }
0x251: {  	s24 =	simm.s32 $0x2;
	s23 =	simm.s32 $0x80;
	s5 =	smul.u32 $0x1800, s25;
	[tilespmem:s4+$0xD510] =	vst v4;
	v4 =	vld [tilespmem:s4+$0x1550]  }
.LBB2_4:
0x252: {  	p0 =	sne.s32 s24, $0x1F;
	s25 =	sand.u32 $0x380, s23;
	[tilespmem:s4+$0xD520] =	vst v9;
	v5 =	vadd.f32 v7, v5;
	v7 =	vld [tilespmem:s4+$0x1560]  }
0x253: {  	s5 =	sor.u32 s25, s5;
	v9 =	vld [tilespmem:s4+$0x7560]  }
0x254: {  	v10 =	vld [tilespmem:s5+$0x1570];
	[tilespmem:s4+$0xD530] =	vst v5;
	v3 =	vadd.f32 v6, v3  }
0x255: {  	v5 =	vld [tilespmem:s5+$0x7570]  }
0x256: {  	v6 =	vld [tilespmem:s5+$0x100];
	[tilespmem:s4+$0xD540] =	vst v3;
	v3 =	vadd.f32 v8, v4  }
0x257: {  	v4 =	vld [tilespmem:s5+$0x6100]  }
0x258: {  	v8 =	vld [tilespmem:s5+$0x110];
	[tilespmem:s4+$0xD550] =	vst v3;
	v3 =	vadd.f32 v9, v7  }
0x259: {  	v7 =	vld [tilespmem:s5+$0x6110]  }
0x25a: {  	v9 =	vld [tilespmem:s5+$0x120];
	v5 =	vadd.f32 v5, v10;
	[tilespmem:s4+$0xD560] =	vst v3;
	s4 =	smov.u32 s5  }
0x25b: {  	v3 =	vld [tilespmem:s4+$0x6120]  }
0x25c: {  	v4 =	vadd.f32 v4, v6;
	v6 =	vld [tilespmem:s4+$0x130];
	[tilespmem:s4+$0xD570] =	vst v5  }
0x25d: {  	v5 =	vld [tilespmem:s4+$0x6130]  }
0x25e: {  	[tilespmem:s4+$0xC100] =	vst v4;
	v4 =	vadd.f32 v7, v8;
	v7 =	vld [tilespmem:s4+$0x140]  }
0x25f: {  	v8 =	vld [tilespmem:s4+$0x6140]  }
0x260: {  	[tilespmem:s4+$0xC110] =	vst v4;
	v3 =	vadd.f32 v3, v9;
	v4 =	vld [tilespmem:s4+$0x150]  }
0x261: {  	v9 =	vld [tilespmem:s4+$0x6150]  }
0x262: {  	[tilespmem:s4+$0xC120] =	vst v3;
	v3 =	vadd.f32 v5, v6;
	v5 =	vld [tilespmem:s4+$0x160]  }
0x263: {  	v6 =	vld [tilespmem:s4+$0x6160]  }
0x264: {  	[tilespmem:s4+$0xC130] =	vst v3;
	v3 =	vadd.f32 v8, v7;
	v7 =	vld [tilespmem:s4+$0x170]  }
0x265: {  	v8 =	vld [tilespmem:s4+$0x6170]  }
0x266: {  	[tilespmem:s4+$0xC140] =	vst v3;
	v3 =	vadd.f32 v9, v4;
	v4 =	vld [tilespmem:s4+$0x500]  }
0x267: {  	v9 =	vld [tilespmem:s4+$0x6500]  }
0x268: {  	[tilespmem:s4+$0xC150] =	vst v3;
	v3 =	vadd.f32 v6, v5;
	v5 =	vld [tilespmem:s4+$0x510]  }
0x269: {  	v6 =	vld [tilespmem:s4+$0x6510]  }
0x26a: {  	[tilespmem:s4+$0xC160] =	vst v3;
	v3 =	vadd.f32 v8, v7;
	v7 =	vld [tilespmem:s4+$0x520]  }
0x26b: {  	v8 =	vld [tilespmem:s4+$0x6520]  }
0x26c: {  	[tilespmem:s4+$0xC170] =	vst v3;
	v3 =	vadd.f32 v9, v4;
	v4 =	vld [tilespmem:s4+$0x530]  }
0x26d: {  	v9 =	vld [tilespmem:s4+$0x6530]  }
0x26e: {  	[tilespmem:s4+$0xC500] =	vst v3;
	v3 =	vadd.f32 v6, v5;
	v5 =	vld [tilespmem:s4+$0x540]  }
0x26f: {  	v6 =	vld [tilespmem:s4+$0x6540]  }
0x270: {  	[tilespmem:s4+$0xC510] =	vst v3;
	v3 =	vadd.f32 v8, v7;
	v7 =	vld [tilespmem:s4+$0x550]  }
0x271: {  	v8 =	vld [tilespmem:s4+$0x6550]  }
0x272: {  	[tilespmem:s4+$0xC520] =	vst v3;
	v3 =	vadd.f32 v9, v4;
	v4 =	vld [tilespmem:s4+$0x560]  }
0x273: {  	v9 =	vld [tilespmem:s4+$0x6560]  }
0x274: {  	[tilespmem:s4+$0xC530] =	vst v3;
	v3 =	vadd.f32 v6, v5;
	v5 =	vld [tilespmem:s4+$0x570]  }
0x275: {  	v6 =	vld [tilespmem:s4+$0x6570]  }
0x276: {  	[tilespmem:s4+$0xC540] =	vst v3;
	v3 =	vadd.f32 v8, v7;
	v7 =	vld [tilespmem:s4+$0x900]  }
0x277: {  	v8 =	vld [tilespmem:s4+$0x6900]  }
0x278: {  	[tilespmem:s4+$0xC550] =	vst v3;
	v3 =	vadd.f32 v9, v4;
	v4 =	vld [tilespmem:s4+$0x910]  }
0x279: {  	v9 =	vld [tilespmem:s4+$0x6910]  }
0x27a: {  	[tilespmem:s4+$0xC560] =	vst v3;
	v3 =	vadd.f32 v6, v5;
	v5 =	vld [tilespmem:s4+$0x920]  }
0x27b: {  	v6 =	vld [tilespmem:s4+$0x6920]  }
0x27c: {  	[tilespmem:s4+$0xC570] =	vst v3;
	v3 =	vadd.f32 v8, v7;
	v7 =	vld [tilespmem:s4+$0x930]  }
0x27d: {  	v8 =	vld [tilespmem:s4+$0x6930]  }
0x27e: {  	[tilespmem:s4+$0xC900] =	vst v3;
	v3 =	vadd.f32 v9, v4;
	v4 =	vld [tilespmem:s4+$0x940]  }
0x27f: {  	v9 =	vld [tilespmem:s4+$0x6940]  }
0x280: {  	[tilespmem:s4+$0xC910] =	vst v3;
	v3 =	vadd.f32 v6, v5;
	v5 =	vld [tilespmem:s4+$0x950]  }
0x281: {  	v6 =	vld [tilespmem:s4+$0x6950]  }
0x282: {  	[tilespmem:s4+$0xC920] =	vst v3;
	v3 =	vadd.f32 v8, v7;
	v7 =	vld [tilespmem:s4+$0x960]  }
0x283: {  	v8 =	vld [tilespmem:s4+$0x6960]  }
0x284: {  	[tilespmem:s4+$0xC930] =	vst v3;
	v3 =	vadd.f32 v9, v4;
	v4 =	vld [tilespmem:s4+$0x970]  }
0x285: {  	v9 =	vld [tilespmem:s4+$0x6970]  }
0x286: {  	[tilespmem:s4+$0xC940] =	vst v3;
	v3 =	vadd.f32 v6, v5;
	v5 =	vld [tilespmem:s4+$0xD00]  }
0x287: {  	v6 =	vld [tilespmem:s4+$0x6D00]  }
0x288: {  	[tilespmem:s4+$0xC950] =	vst v3;
	v3 =	vadd.f32 v8, v7;
	v7 =	vld [tilespmem:s4+$0xD10]  }
0x289: {  	v8 =	vld [tilespmem:s4+$0x6D10]  }
0x28a: {  	[tilespmem:s4+$0xC960] =	vst v3;
	v3 =	vadd.f32 v9, v4;
	v4 =	vld [tilespmem:s4+$0xD20]  }
0x28b: {  	v9 =	vld [tilespmem:s4+$0x6D20]  }
0x28c: {  	[tilespmem:s4+$0xC970] =	vst v3;
	v3 =	vadd.f32 v6, v5;
	v5 =	vld [tilespmem:s4+$0xD30]  }
0x28d: {  	v6 =	vld [tilespmem:s4+$0x6D30]  }
0x28e: {  	[tilespmem:s4+$0xCD00] =	vst v3;
	v3 =	vadd.f32 v8, v7;
	v7 =	vld [tilespmem:s4+$0xD40]  }
0x28f: {  	v8 =	vld [tilespmem:s4+$0x6D40]  }
0x290: {  	[tilespmem:s4+$0xCD10] =	vst v3;
	v3 =	vadd.f32 v9, v4;
	v4 =	vld [tilespmem:s4+$0xD50]  }
0x291: {  	v9 =	vld [tilespmem:s4+$0x6D50]  }
0x292: {  	[tilespmem:s4+$0xCD20] =	vst v3;
	v3 =	vadd.f32 v6, v5;
	v5 =	vld [tilespmem:s4+$0xD60]  }
0x293: {  	v6 =	vld [tilespmem:s4+$0x6D60]  }
0x294: {  	[tilespmem:s4+$0xCD30] =	vst v3;
	v3 =	vadd.f32 v8, v7;
	v7 =	vld [tilespmem:s4+$0xD70]  }
0x295: {  	v8 =	vld [tilespmem:s4+$0x6D70]  }
0x296: {  	[tilespmem:s4+$0xCD40] =	vst v3;
	v3 =	vadd.f32 v9, v4;
	v4 =	vld [tilespmem:s4+$0x1100]  }
0x297: {  	v9 =	vld [tilespmem:s4+$0x7100]  }
0x298: {  	[tilespmem:s4+$0xCD50] =	vst v3;
	v3 =	vadd.f32 v6, v5;
	v5 =	vld [tilespmem:s4+$0x1110]  }
0x299: {  	v6 =	vld [tilespmem:s4+$0x7110]  }
0x29a: {  	[tilespmem:s4+$0xCD60] =	vst v3;
	v3 =	vadd.f32 v8, v7;
	v7 =	vld [tilespmem:s4+$0x1120]  }
0x29b: {  	v8 =	vld [tilespmem:s4+$0x7120]  }
0x29c: {  	[tilespmem:s4+$0xCD70] =	vst v3;
	v3 =	vadd.f32 v9, v4;
	v4 =	vld [tilespmem:s4+$0x1130]  }
0x29d: {  	v9 =	vld [tilespmem:s4+$0x7130]  }
0x29e: {  	[tilespmem:s4+$0xD100] =	vst v3;
	v3 =	vadd.f32 v6, v5;
	v5 =	vld [tilespmem:s4+$0x1140]  }
0x29f: {  	v6 =	vld [tilespmem:s4+$0x7140]  }
0x2a0: {  	[tilespmem:s4+$0xD110] =	vst v3;
	v3 =	vadd.f32 v8, v7;
	v7 =	vld [tilespmem:s4+$0x1150]  }
0x2a1: {  	v8 =	vld [tilespmem:s4+$0x7150]  }
0x2a2: {  	[tilespmem:s4+$0xD120] =	vst v3;
	v3 =	vadd.f32 v9, v4;
	v4 =	vld [tilespmem:s4+$0x1160]  }
0x2a3: {  	v9 =	vld [tilespmem:s4+$0x7160]  }
0x2a4: {  	[tilespmem:s4+$0xD130] =	vst v3;
	v3 =	vadd.f32 v6, v5;
	v5 =	vld [tilespmem:s4+$0x1170]  }
0x2a5: {  	v6 =	vld [tilespmem:s4+$0x7170]  }
0x2a6: {  	[tilespmem:s4+$0xD140] =	vst v3;
	v3 =	vadd.f32 v8, v7;
	v7 =	vld [tilespmem:s4+$0x1500]  }
0x2a7: {  	v8 =	vld [tilespmem:s4+$0x7500]  }
0x2a8: {  	[tilespmem:s4+$0xD150] =	vst v3;
	v3 =	vadd.f32 v9, v4;
	v4 =	vld [tilespmem:s4+$0x1510]  }
0x2a9: {  	v9 =	vld [tilespmem:s4+$0x7510]  }
0x2aa: {  	[tilespmem:s4+$0xD160] =	vst v3;
	v3 =	vadd.f32 v6, v5;
	v10 =	vld [tilespmem:s4+$0x1520]  }
0x2ab: {  	v11 =	vld [tilespmem:s4+$0x7520]  }
0x2ac: {  	[tilespmem:s4+$0xD170] =	vst v3;
	v3 =	vadd.f32 v8, v7;
	v5 =	vld [tilespmem:s4+$0x1530]  }
.Ltmp1:
0x2ad: {  	v7 =	vld [tilespmem:s4+$0x7530];
	(pc) =	sbr.rel @p0 .LBB2_4-.Ltmp1, $4  }
0x2ae: {  	[tilespmem:s4+$0xD500] =	vst v3;
	v4 =	vadd.f32 v9, v4;
	v3 =	vld [tilespmem:s4+$0x1540]  }
0x2af: {  	v6 =	vld [tilespmem:s4+$0x7540]  }
0x2b0: {  	s5 =	sshrl.u32 s24, $0x3;
	[tilespmem:s4+$0xD510] =	vst v4;
	v9 =	vadd.f32 v11, v10;
	v4 =	vld [tilespmem:s4+$0x1550]  }
0x2b1: {  	s23 =	sadd.s32 $0x80, s23;
	s24 =	sadd.s32 $0x1, s24;
	s5 =	smul.u32 $0x1800, s5;
	v8 =	vld [tilespmem:s4+$0x7550]  }
0x2b2: {  	s23 =	sand.u32 $0x380, s23;
	v56 =	vld [tilespmem:s4+$0x1560];
	v5 =	vadd.f32 v7, v5  }
0x2b3: {  	[tilespmem:s4+$0xD520] =	vst v9;
	v57 =	vld [tilespmem:s4+$0x7560];
	s23 =	sor.u32 s23, s5  }
0x2b4: {  	v10 =	vld [tilespmem:s23+$0x1570];
	[tilespmem:s4+$0xD530] =	vst v5;
	v3 =	vadd.f32 v6, v3  }
0x2b5: {  	v5 =	vld [tilespmem:s23+$0x7570]  }
0x2b6: {  	v58 =	vld [tilespmem:s23+$0x100];
	[tilespmem:s4+$0xD540] =	vst v3;
	v3 =	vadd.f32 v8, v4  }
0x2b7: {  	v59 =	vld [tilespmem:s23+$0x6100]  }
0x2b8: {  	v60 =	vld [tilespmem:s23+$0x110];
	[tilespmem:s4+$0xD550] =	vst v3;
	v3 =	vadd.f32 v57, v56  }
0x2b9: {  	v61 =	vld [tilespmem:s23+$0x6110]  }
0x2ba: {  	v62 =	vld [tilespmem:s23+$0x120];
	[tilespmem:s4+$0xD560] =	vst v3  }
0x2bb: {  	v3 =	vld [tilespmem:s23+$0x6120]  }
0x2bc: {  	v11 =	vld [tilespmem:s23+$0x130]  }
0x2bd: {  	v12 =	vld [tilespmem:s23+$0x6130]  }
0x2be: {  	v13 =	vld [tilespmem:s23+$0x140]  }
0x2bf: {  	v14 =	vld [tilespmem:s23+$0x6140]  }
0x2c0: {  	v15 =	vld [tilespmem:s23+$0x150]  }
0x2c1: {  	v16 =	vld [tilespmem:s23+$0x6150]  }
0x2c2: {  	v17 =	vld [tilespmem:s23+$0x160]  }
0x2c3: {  	v18 =	vld [tilespmem:s23+$0x6160]  }
0x2c4: {  	v19 =	vld [tilespmem:s23+$0x170]  }
0x2c5: {  	v20 =	vld [tilespmem:s23+$0x6170]  }
0x2c6: {  	v21 =	vld [tilespmem:s23+$0x500]  }
0x2c7: {  	v22 =	vld [tilespmem:s23+$0x6500]  }
0x2c8: {  	v23 =	vld [tilespmem:s23+$0x510]  }
0x2c9: {  	v24 =	vld [tilespmem:s23+$0x6510]  }
0x2ca: {  	v25 =	vld [tilespmem:s23+$0x520]  }
0x2cb: {  	v26 =	vld [tilespmem:s23+$0x6520]  }
0x2cc: {  	v27 =	vld [tilespmem:s23+$0x530]  }
0x2cd: {  	v28 =	vld [tilespmem:s23+$0x6530]  }
0x2ce: {  	v29 =	vld [tilespmem:s23+$0x540]  }
0x2cf: {  	v30 =	vld [tilespmem:s23+$0x6540]  }
0x2d0: {  	v31 =	vld [tilespmem:s23+$0x550]  }
0x2d1: {  	v32 =	vld [tilespmem:s23+$0x6550]  }
0x2d2: {  	v33 =	vld [tilespmem:s23+$0x560]  }
0x2d3: {  	v34 =	vld [tilespmem:s23+$0x6560]  }
0x2d4: {  	v35 =	vld [tilespmem:s23+$0x570]  }
0x2d5: {  	v36 =	vld [tilespmem:s23+$0x6570]  }
0x2d6: {  	v37 =	vld [tilespmem:s23+$0x900]  }
0x2d7: {  	v38 =	vld [tilespmem:s23+$0x6900]  }
0x2d8: {  	v39 =	vld [tilespmem:s23+$0x910]  }
0x2d9: {  	v40 =	vld [tilespmem:s23+$0x6910]  }
0x2da: {  	v41 =	vld [tilespmem:s23+$0x920]  }
0x2db: {  	v42 =	vld [tilespmem:s23+$0x6920]  }
0x2dc: {  	v43 =	vld [tilespmem:s23+$0x930]  }
0x2dd: {  	v44 =	vld [tilespmem:s23+$0x6930]  }
0x2de: {  	v45 =	vld [tilespmem:s23+$0x940]  }
0x2df: {  	v46 =	vld [tilespmem:s23+$0x6940]  }
0x2e0: {  	v47 =	vld [tilespmem:s23+$0x950]  }
0x2e1: {  	v48 =	vld [tilespmem:s23+$0x6950]  }
0x2e2: {  	v49 =	vld [tilespmem:s23+$0x960]  }
0x2e3: {  	v50 =	vld [tilespmem:s23+$0x6960]  }
0x2e4: {  	v51 =	vld [tilespmem:s23+$0x970]  }
0x2e5: {  	v52 =	vld [tilespmem:s23+$0x6970]  }
0x2e6: {  	v53 =	vld [tilespmem:s23+$0xD00]  }
0x2e7: {  	v54 =	vld [tilespmem:s23+$0x6D00]  }
0x2e8: {  	v55 =	vld [tilespmem:s23+$0xD10]  }
0x2e9: {  	v5 =	vadd.f32 v5, v10;
	v10 =	vld [tilespmem:s23+$0x6D10]  }
0x2ea: {  	v6 =	vld [tilespmem:s23+$0xD20];
	v4 =	vadd.f32 v59, v58  }
0x2eb: {  	v7 =	vld [tilespmem:s23+$0x6D20];
	[tilespmem:s23+$0xD570] =	vst v5;
	v63 =	vadd.f32 v61, v60  }
0x2ec: {  	v8 =	vld [tilespmem:s23+$0x6D30];
	[tilespmem:s23+$0xC100] =	vst v4;
	v3 =	vadd.f32 v3, v62  }
0x2ed: {  	v9 =	vld [tilespmem:s23+$0xD40];
	[tilespmem:s23+$0xC110] =	vst v63;
	v12 =	vadd.f32 v12, v11  }
0x2ee: {  	v57 =	vld [tilespmem:s23+$0x7120];
	[tilespmem:s23+$0xC120] =	vst v3;
	v3 =	vadd.f32 v14, v13  }
0x2ef: {  	v58 =	vld [tilespmem:s23+$0x1130];
	v16 =	vadd.f32 v16, v15;
	[tilespmem:s23+$0xC130] =	vst v12  }
0x2f0: {  	v4 =	vld [tilespmem:s23+$0xD30];
	[tilespmem:s23+$0xC140] =	vst v3;
	v3 =	vadd.f32 v18, v17  }
0x2f1: {  	v60 =	vld [tilespmem:s23+$0x7130];
	v20 =	vadd.f32 v20, v19;
	[tilespmem:s23+$0xC150] =	vst v16  }
0x2f2: {  	v61 =	vld [tilespmem:s23+$0x1140];
	[tilespmem:s23+$0xC160] =	vst v3;
	v3 =	vadd.f32 v22, v21  }
0x2f3: {  	v11 =	vld [tilespmem:s23+$0x6D40];
	v24 =	vadd.f32 v24, v23;
	[tilespmem:s23+$0xC170] =	vst v20  }
0x2f4: {  	v15 =	vld [tilespmem:s23+$0x6D60];
	[tilespmem:s23+$0xC500] =	vst v3;
	v3 =	vadd.f32 v26, v25  }
0x2f5: {  	v28 =	vadd.f32 v28, v27;
	v19 =	vld [tilespmem:s23+$0x7100];
	[tilespmem:s23+$0xC510] =	vst v24  }
0x2f6: {  	v63 =	vld [tilespmem:s23+$0x7140];
	[tilespmem:s23+$0xC520] =	vst v3;
	v3 =	vadd.f32 v30, v29  }
0x2f7: {  	v32 =	vadd.f32 v32, v31;
	v36 =	vadd.f32 v36, v35;
	v35 =	vld [tilespmem:s23+$0x7150];
	[tilespmem:s23+$0xC530] =	vst v28  }
0x2f8: {  	v56 =	vadd.f32 v40, v39;
	v39 =	vld [tilespmem:s23+$0x1170];
	[tilespmem:s23+$0xC540] =	vst v3;
	v3 =	vadd.f32 v34, v33  }
0x2f9: {  	v40 =	vld [tilespmem:s23+$0x7170];
	[tilespmem:s23+$0xC550] =	vst v32  }
0x2fa: {  	v59 =	vadd.f32 v44, v43;
	v43 =	vld [tilespmem:s23+$0x7500];
	[tilespmem:s23+$0xC560] =	vst v3;
	v3 =	vadd.f32 v38, v37  }
0x2fb: {  	v44 =	vld [tilespmem:s23+$0x1510];
	[tilespmem:s23+$0xC570] =	vst v36  }
0x2fc: {  	v62 =	vadd.f32 v48, v47;
	v47 =	vld [tilespmem:s23+$0x1520];
	[tilespmem:s23+$0xC900] =	vst v3;
	v3 =	vadd.f32 v42, v41  }
0x2fd: {  	v20 =	vld [tilespmem:s23+$0x1110];
	[tilespmem:s23+$0xC910] =	vst v56  }
0x2fe: {  	v21 =	vld [tilespmem:s23+$0x7110];
	[tilespmem:s23+$0xC920] =	vst v3;
	v3 =	vadd.f32 v46, v45  }
0x2ff: {  	v12 =	vld [tilespmem:s23+$0xD50];
	[tilespmem:s23+$0xC930] =	vst v59  }
0x300: {  	v13 =	vld [tilespmem:s23+$0x6D50];
	[tilespmem:s23+$0xC940] =	vst v3;
	v3 =	vadd.f32 v50, v49  }
0x301: {  	v14 =	vld [tilespmem:s23+$0xD60];
	[tilespmem:s23+$0xC950] =	vst v62;
	v4 =	vadd.f32 v8, v4  }
0x302: {  	v16 =	vld [tilespmem:s23+$0xD70];
	[tilespmem:s23+$0xC960] =	vst v3;
	v3 =	vadd.f32 v54, v53  }
0x303: {  	v36 =	vld [tilespmem:s23+$0x1160];
	[tilespmem:s23+$0xCD30] =	vst v4;
	v48 =	vadd.f32 v21, v20  }
0x304: {  	v56 =	vld [tilespmem:s23+$0x1550];
	[tilespmem:s23+$0xCD00] =	vst v3;
	v3 =	vadd.f32 v7, v6  }
0x305: {  	v18 =	vld [tilespmem:s23+$0x1100];
	v34 =	vadd.f32 v52, v51;
	[tilespmem:s23+$0xD110] =	vst v48  }
0x306: {  	v59 =	vld [tilespmem:s23+$0x1560];
	[tilespmem:s23+$0xCD20] =	vst v3;
	v3 =	vadd.f32 v11, v9  }
0x307: {  	v22 =	vld [tilespmem:s23+$0x1120];
	v51 =	vadd.f32 v60, v58;
	[tilespmem:s23+$0xC970] =	vst v34  }
0x308: {  	v17 =	vld [tilespmem:s23+$0x6D70];
	[tilespmem:s23+$0xCD40] =	vst v3;
	v3 =	vadd.f32 v15, v14  }
0x309: {  	v33 =	vld [tilespmem:s23+$0x1150];
	v37 =	vadd.f32 v10, v55;
	[tilespmem:s23+$0xD130] =	vst v51  }
0x30a: {  	v52 =	vld [tilespmem:s23+$0x7530];
	[tilespmem:s23+$0xCD60] =	vst v3;
	v3 =	vadd.f32 v19, v18  }
0x30b: {  	v38 =	vld [tilespmem:s23+$0x7160];
	[tilespmem:s23+$0xCD10] =	vst v37;
	v42 =	vadd.f32 v13, v12  }
0x30c: {  	v46 =	vld [tilespmem:s23+$0x7510];
	[tilespmem:s23+$0xD100] =	vst v3;
	v3 =	vadd.f32 v57, v22  }
0x30d: {  	v41 =	vld [tilespmem:s23+$0x1500];
	[tilespmem:s23+$0xCD50] =	vst v42;
	v45 =	vadd.f32 v17, v16  }
0x30e: {  	v50 =	vld [tilespmem:s23+$0x1530];
	[tilespmem:s23+$0xD120] =	vst v3;
	v3 =	vadd.f32 v63, v61  }
0x30f: {  	[tilespmem:s23+$0xCD70] =	vst v45;
	v49 =	vld [tilespmem:s23+$0x7520];
	v54 =	vadd.f32 v35, v33  }
0x310: {  	v55 =	vld [tilespmem:s23+$0x7540];
	[tilespmem:s23+$0xD140] =	vst v3;
	v3 =	vadd.f32 v38, v36  }
0x311: {  	v53 =	vld [tilespmem:s23+$0x1540];
	v60 =	vadd.f32 v46, v44;
	[tilespmem:s23+$0xD150] =	vst v54  }
0x312: {  	v58 =	vld [tilespmem:s23+$0x7550];
	[tilespmem:s23+$0xD160] =	vst v3;
	v3 =	vadd.f32 v43, v41  }
0x313: {  	[tilespmem:s23+$0xD510] =	vst v60;
	v62 =	vadd.f32 v52, v50;
	v61 =	vld [tilespmem:s23+$0x7560]  }
0x314: {  	[tilespmem:s23+$0xD500] =	vst v3;
	v3 =	vadd.f32 v49, v47  }
0x315: {  	[tilespmem:s23+$0xD530] =	vst v62;
	v57 =	vadd.f32 v40, v39  }
0x316: {  	[tilespmem:s23+$0xD520] =	vst v3;
	v3 =	vadd.f32 v55, v53  }
0x317: {  	[tilespmem:s23+$0xD170] =	vst v57;
	v63 =	vadd.f32 v58, v56  }
0x318: {  	s22 =	sadd.s32 $0x1, s22;
	[tilespmem:s23+$0xD540] =	vst v3;
	v3 =	vadd.f32 v61, v59  }
0x319: {  	p0 =	sne.s32 s22, s12;
	[tilespmem:s23+$0xD550] =	vst v63  }
.Ltmp2:
0x31a: {  	[tilespmem:s23+$0xD560] =	vst v3;
	(pc) =	sbr.rel @p0 .LBB2_1-.Ltmp2, $4  }
0x31b: {  	[hbm4b:s11+s1] =	stream.linear.scatter [tilespmem:s21], [sflag:$0x2], $0x6000, $0x38;
	[tilespmem:$0x12100] =	vst v63  }
0x31c: {  	_ =	swait.ge [sflag:s13], $0x6000  }
0x31d: {  	[sflag:s13] =	ssyncset.done $0x0  }
0x31e: {  	[sflag:s13] =	ssyncadd.s32 $0xFFFFA000  }
0x31f: {  	_ =	sfence.sel $0x180000  }
0x320: {  	[bflag:$0x0] =	sbarrier.arrive $0xFFFF  }
0x321: {  	_ =	strace $0x9000004D  }
0x322: {  	s0 =	stileid.u32;
	[bflag:$0x2] =	sbarrier.arrive $0xFFFF  }
0x323: {  	p0 =	sne.s32 s0, $0x0;
	s0 =	rddreg [dreg:$0x2]  }
0x324: {  	s0 =	sadd.s32 @!p0 $0x100000, s0  }
0x325: {  	[sflag:s0] =	ssyncadd.tile.s32 @!p0 $0x1;
	_ =	shalt  }
.Lfunc_end2:
_tile_overlayer_lowered:
.L_overlay_start_2:
0x326: {  	(tag) =	ssettag $0x2  }
0x327: {  	s0 =	rddreg [dreg:$0x0];
	s2 =	stileid.u32  }
0x328: {  	s1 =	rddreg [dreg:$0x1];
	p0 =	sne.s32 s2, $0x0  }
0x329: {  	s3 =	rddreg [dreg:$0x2];
	[bflag:$0x3] =	sbarrier.arrive $0xFFFF;
	s2 =	simm.s32 @!p0 $0x1C02  }
0x32a: {  	[timem:s3], [sflag:s2] =	dma.local @!p0 [hbm:s0], s1  }
0x32b: {  	s0 =	simm.s32 @!p0 $0x2  }
0x32c: {  	_ =	swait.ge @!p0 [sflag:s0], s1  }
0x32d: {  	s1 =	ssub.s32 @!p0 $0x0, s1;
	[sflag:s0] =	ssyncset.done @!p0 $0x0  }
0x32e: {  	[sflag:s0] =	ssyncadd.s32 @!p0 s1  }
0x32f: {  	[bflag:$0x3] =	sbarrier.arrive $0xFFFF  }
0x330: {  	_ =	shalt  }

// kernel: kernel.7.cloned.1.call-start
scs
__scs_entry_jumppad:
0x0: {  	(pc) =	sbr.rel $0x88, $3  }
0x1: {  	(tag) =	ssettag $0x0;
	lr =	simm.s32 $0x1  }
0x2: {  	[smem:$0x3F9B] =	sst lr;
	_ =	strace $0xD0000000  }
0x3: {  	_ = 	snop  }
0x4: {  	_ = 	snop  }
0x5: {  	_ = 	snop  }
0x6: {  	_ = 	snop  }
0x7: {  	_ = 	snop  }
__scs_overlays_trampoline_lowered:
0x8: {  	[smem:$0x3FAA] =	sst s0  }
0x9: {  	[smem:$0x3FAB] =	sst s1  }
0xa: {  	[smem:$0x3FAC] =	sst s2  }
0xb: {  	[smem:$0x3FAD] =	sst s3  }
0xc: {  	[smem:$0x3FAE] =	sst s4  }
0xd: {  	[smem:$0x3FAF] =	sst s5  }
0xe: {  	[smem:$0x3FB0] =	sst s6  }
0xf: {  	[smem:$0x3FB1] =	sst s7  }
0x10: {  	[smem:$0x3FB2] =	sst s8  }
0x11: {  	[smem:$0x3FB3] =	sst s9;
	s0 =	simm.s32 @!p0 $0x0  }
0x12: {  	s1 =	sld [smem:$0x3F99];
	s0 =	simm.s32 @p0 $0x1  }
0x13: {  	[smem:$0x3FB4] =	sst s0;
	s0 =	simm.s32 @!p1 $0x0  }
0x14: {  	s2 =	sld [smem:$0x3F98];
	s0 =	simm.s32 @p1 $0x1  }
0x15: {  	[smem:$0x3FB5] =	sst s0;
	s0 =	simm.s32 @!p2 $0x0  }
0x16: {  	s3 =	sld [smem:$0x3FDB];
	s0 =	simm.s32 @p2 $0x1  }
0x17: {  	s4 =	simm.s32 $0x1BF5;
	[smem:$0x3FB7] =	sst s0  }
0x18: {  	s0 =	sld [smem:$0x3F9A];
	_ =	swait.ge [sflag:s4], $0x0  }
0x19: {  	s7 =	sld [smem:$0x3F9B]  }
0x1a: {  	s8 =	sadd.s32 $0xFFFFE003, lr  }
0x1b: {  	s9 =	sadd.s32 $0xFFFFFEF7, lr;
	s5 =	simm.s32 $0xFFFFFFFF;
	p2 =	slt.u32 s8, $0xFFFFF086  }
0x1c: {  	p1 =	slt.u32 s9, $0xF7A;
	s5 =	simm.s32 @!p2 $0x0  }
0x1d: {  	s5 =	simm.s32 @p1 $0x1;
	p0 =	seq.s32 s7, s2  }
0x1e: {  	s7 =	smul.u32 @!p0 $0xF7A, s2;
	p2 =	seq.s32 @!p0 s5, $0x0  }
0x1f: {  	s9 =	smul.u32 $0xF7A, s1;
	s8 =	simm.s32 @!p0 $0x1BF5;
	p2 =	por !p2, p0  }
0x20: {  	[sflag:s8] =	ssyncset.s32 @!p0 $0xFFFFF086;
	s6 =	sadd.s32 @!p0 s3, s7;
	s7 =	simm.s32 @!p0 $0x108  }
0x21: {  	s3 =	sadd.s32 s3, s9;
	s6 =	sadd.s32 @!p0 $0x88, s6;
	s7 =	simm.s32 @p2 $0x1082  }
0x22: {  	[simem:s7], [sflag:s8] =	dma.local @!p0 [hbm:s6], $0xF7A  }
0x23: {  	s9 =	sor.u32 $0xD0000000, s2;
	s6 =	simm.s32 $0x108;
	_ =	swait.ge @!p0 [sflag:s8], $0x0  }
0x24: {  	s3 =	sadd.s32 $0x88, s3;
	s6 =	simm.s32 @!p1 $0x1082;
	[sflag:s4] =	ssyncset.s32 $0xFFFFF086  }
0x25: {  	[simem:s6], [sflag:s4] =	dma.local [hbm:s3], $0xF7A  }
0x26: {  	[smem:$0x3F9B] =	sst s1;
	(tag) =	ssettag s2;
	_ =	strace s9  }
0x27: {  	s1 =	sld [smem:$0x3FAB]  }
0x28: {  	s2 =	sld [smem:$0x3FAC]  }
0x29: {  	s4 =	sld [smem:$0x3FAE]  }
0x2a: {  	p0 =	seq.s32 s5, $0x0;
	s5 =	sld [smem:$0x3FAF]  }
0x2b: {  	s6 =	sld [smem:$0x3FB0]  }
0x2c: {  	s7 =	sld [smem:$0x3FB1]  }
0x2d: {  	s3 =	simm.s32 $0x108;
	s8 =	sld [smem:$0x3FB2]  }
0x2e: {  	s3 =	simm.s32 @!p0 $0x1082;
	s9 =	sld [smem:$0x3FB3]  }
0x2f: {  	lr =	sadd.s32 s0, s3;
	s0 =	sld [smem:$0x3FAA]  }
0x30: {  	s3 =	sld [smem:$0x3FAD]  }
0x31: {  	[smem:$0x3FB6] =	sst s10  }
0x32: {  	s10 =	sld [smem:$0x3FB4];
	_ =	sdelay $0x3  }
0x33: {  	p0 =	seq.s32 s10, $0x1;
	s10 =	sld [smem:$0x3FB6];
	_ =	sdelay $0x3  }
0x34: {  	[smem:$0x3FB6] =	sst s10  }
0x35: {  	s10 =	sld [smem:$0x3FB5];
	_ =	sdelay $0x3  }
0x36: {  	p1 =	seq.s32 s10, $0x1;
	s10 =	sld [smem:$0x3FB6];
	_ =	sdelay $0x3  }
0x37: {  	[smem:$0x3FB6] =	sst s10  }
0x38: {  	s10 =	sld [smem:$0x3FB7]  }
0x39: {  	_ = 	snop;
	(pc) =	sbr.ind lr, $3  }
0x3a: {  	_ = 	snop  }
0x3b: {  	_ = 	snop  }
0x3c: {  	p2 =	seq.s32 s10, $0x1;
	s10 =	sld [smem:$0x3FB6]  }
0x3d: {  	_ =	shalt  }
0x3e: {  	_ =	shalt  }
0x3f: {  	_ =	shalt  }
0x40: {  	_ =	shalt  }
0x41: {  	_ =	shalt  }
0x42: {  	_ =	shalt  }
0x43: {  	_ =	shalt  }
0x44: {  	_ =	shalt  }
0x45: {  	_ =	shalt  }
0x46: {  	_ =	shalt  }
0x47: {  	_ =	shalt  }
0x48: {  	_ =	shalt  }
0x49: {  	_ =	shalt  }
0x4a: {  	_ =	shalt  }
0x4b: {  	_ =	shalt  }
0x4c: {  	_ =	shalt  }
0x4d: {  	_ =	shalt  }
0x4e: {  	_ =	shalt  }
0x4f: {  	_ =	shalt  }
0x50: {  	_ =	shalt  }
0x51: {  	_ =	shalt  }
0x52: {  	_ =	shalt  }
0x53: {  	_ =	shalt  }
0x54: {  	_ =	shalt  }
0x55: {  	_ =	shalt  }
0x56: {  	_ =	shalt  }
0x57: {  	_ =	shalt  }
0x58: {  	_ =	shalt  }
0x59: {  	_ =	shalt  }
0x5a: {  	_ =	shalt  }
0x5b: {  	_ =	shalt  }
0x5c: {  	_ =	shalt  }
0x5d: {  	_ =	shalt  }
0x5e: {  	_ =	shalt  }
0x5f: {  	_ =	shalt  }
0x60: {  	_ =	shalt  }
0x61: {  	_ =	shalt  }
0x62: {  	_ =	shalt  }
0x63: {  	_ =	shalt  }
0x64: {  	_ =	shalt  }
0x65: {  	_ =	shalt  }
0x66: {  	_ =	shalt  }
0x67: {  	_ =	shalt  }
0x68: {  	_ =	shalt  }
0x69: {  	_ =	shalt  }
0x6a: {  	_ =	shalt  }
0x6b: {  	_ =	shalt  }
0x6c: {  	_ =	shalt  }
0x6d: {  	_ =	shalt  }
0x6e: {  	_ =	shalt  }
0x6f: {  	_ =	shalt  }
0x70: {  	_ =	shalt  }
0x71: {  	_ =	shalt  }
0x72: {  	_ =	shalt  }
0x73: {  	_ =	shalt  }
0x74: {  	_ =	shalt  }
0x75: {  	_ =	shalt  }
0x76: {  	_ =	shalt  }
0x77: {  	_ =	shalt  }
0x78: {  	_ =	shalt  }
0x79: {  	_ =	shalt  }
0x7a: {  	_ =	shalt  }
0x7b: {  	_ =	shalt  }
0x7c: {  	_ =	shalt  }
0x7d: {  	_ =	shalt  }
0x7e: {  	_ =	shalt  }
0x7f: {  	_ =	shalt  }
0x80: {  	_ =	shalt  }
0x81: {  	_ =	shalt  }
0x82: {  	_ =	shalt  }
0x83: {  	_ =	shalt  }
0x84: {  	_ =	shalt  }
0x85: {  	_ =	shalt  }
0x86: {  	_ =	shalt  }
0x87: {  	_ =	shalt  }
.Lfunc_end0:
.L_simem_size_0:
called_computation_lowered:
.L_overlay_start_0:
0x88: {  	s2 =	sld [smem:$0x3FD9]  }
0x89: {  	s3 =	sld [smem:$0x3FFE];
	_ =	sdelay $0x1  }
0x8a: {  	s1 =	srdreg.scid  }
0x8b: {  	s0 =	sand.u32 $0x1, s1  }
0x8c: {  	s17 =	sshll.u32 s0, $0xA;
	s2 =	sadd.s32 s3, s2  }
0x8d: {  	s2 =	sadd.s32 s2, s17  }
0x8e: {  	[smem:$0x3FC2] =	sst s2  }
0x8f: {  	_ = 	snop  }
0x90: {  	s2 =	sld [smem:$0x3FD0];
	(tm) =	ssettm $0x1  }
0x91: {  	s18 =	sld [smem:$0x3FFB];
	_ =	sdelay $0x3  }
0x92: {  	_ =	strace s18  }
0x93: {  	s3 =	sld [smem:$0x3FFC];
	_ =	sdelay $0x3  }
0x94: {  	_ =	strace s3  }
0x95: {  	s3 =	sld [smem:$0x3FFD];
	_ =	sdelay $0x3  }
0x96: {  	_ =	strace s3  }
0x97: {  	_ =	strace $0x8FFFFFFF  }
0x98: {  	s19 =	sld [smem:$0x3FDB];
	_ =	sdelay $0x1  }
0x99: {  	s4 =	simm.s32 $_scs_section_size  }
0x9a: {  	s5 =	simm.s32 $_size__tile_overlayer_lowered;
	s6 =	simm.s32 $_tile_overlayer_lowered  }
0x9b: {  	s22 =	simm.s32 $0x1BFF;
	s21 =	sshll.u32 s6, $0x1;
	s3 =	sadd.s32 s4, s19  }
0x9c: {  	s7 =	simm.s32 $0x0;
	s20 =	sshll.u32 s5, $0x1;
	s5 =	sadd.s32 s21, s3  }
0x9d: {  	[timem:s7], [sflag:s22] =	dma.local [hbm:s5], s20  }
0x9e: {  	_ =	swait.ge [sflag:s22], s20  }
0x9f: {  	s4 =	ssub.s32 $0x0, s20;
	[sflag:s22] =	ssyncset.done $0x0  }
0xa0: {  	[sflag:s22] =	ssyncadd.s32 s4;
	_ =	sdelay $0x1  }
0xa1: {  	s23 =	simm.s32 $0x1B8B  }
0xa2: {  	_ =	swait.ge [sflag:s23], $0x1  }
0xa3: {  	[sflag:s23] =	ssyncset.done $0x0  }
0xa4: {  	s25 =	simm.s32 $0x1B8E;
	s24 =	sld [smem:$0x3FFE];
	[sflag:s23] =	ssyncadd.s32 $0xFFFFFFFF  }
0xa5: {  	s26 =	simm.s32 $execute0_lowered;
	[smem:$0x3FD2] =	sst s25  }
0xa6: {  	s5 =	sshll.u32 s26, $0x1;
	_ =	strace $0x80000046;
	[dreg:$0x1] =	wrdreg $0xFFFFFFFF  }
0xa7: {  	s28 =	simm.s32 $_size_execute0_lowered;
	s3 =	sadd.s32 s3, s5;
	[dreg:$0x0] =	wrdreg $0x0  }
0xa8: {  	s5 =	sshll.u32 s28, $0x1;
	[dreg:$0x2] =	wrdreg s3  }
0xa9: {  	[dreg:$0x3] =	wrdreg s5  }
0xaa: {  	[dreg:$0x4] =	wrdreg $0xC0  }
0xab: {  	_ =	task [dreg:s7], $0x5FFFF  }
0xac: {  	[dreg:$0x1] =	wrdreg $0xFFFFFFFF  }
0xad: {  	[dreg:$0x0] =	wrdreg $0x60  }
0xae: {  	[dreg:$0x2] =	wrdreg s24  }
0xaf: {  	[dreg:$0x3] =	wrdreg s2  }
0xb0: {  	[dreg:$0x4] =	wrdreg $0x6800  }
0xb1: {  	[dreg:$0x5] =	wrdreg $0x8800  }
0xb2: {  	[dreg:$0x6] =	wrdreg $0x9  }
0xb3: {  	_ =	task.clear_ibuf [dreg:s7], $0x7FFFF;
	_ =	strace $0x90000046  }
0xb4: {  	s29 =	simm.s32 $0x9;
	_ =	strace $0x80000048  }
0xb5: {  	_ =	swait.ge [sflag:s29], $0x1  }
0xb6: {  	[sflag:s29] =	ssyncadd.s32 $0xFFFFFFFF  }
0xb7: {  	_ =	strace $0x90000048  }
0xb8: {  	_ =	sfence  }
0xb9: {  	s30 =	sld [smem:$0x0];
	_ =	sdelay $0x2  }
0xba: {  	s31 =	sshll.u32 s1, $0xD;
	s1 =	sshrl.u32 s1, $0x2  }
0xbb: {  	s3 =	sand.u32 $0x4000, s31;
	s1 =	sadd.s32 s1, s30  }
0xbc: {  	s0 =	sor.u32 s3, s0;
	s1 =	sshll.u32 s1, $0x11  }
0xbd: {  	s0 =	sor.u32 s1, s0  }
0xbe: {  	s0 =	sadd.s32 $0x8F2B, s0  }
0xbf: {  	[sflag:s0] =	ssyncadd.remote.s32 $0x1  }
0xc0: {  	_ =	sfence.sel $0xFFFF  }
0xc1: {  	[dreg:$0x0] =	wrdreg $0xFFFFFFFF;
	(pc) =	sbr.abs _section_cstart, $3  }
0xc2: {  	[dreg:$0x1] =	wrdreg $0xFFFFFFFF  }
0xc3: {  	_ =	task.clear_ibuf [dreg:s7], $0x2FFFF;
	_ =	strace $0x9FFFFFFF  }
0xc4: {  	(tm) =	ssettm $0x7FFFFFFF  }
0xc5: {  	_ =	shalt  }
tec
execute0_lowered:
.L_overlay_start_1:
0x0: {  	(tag) =	ssettag $0x1  }
0x1: {  	s5 =	rddreg [dreg:$0x0]  }
0x2: {  	s12 =	rddreg [dreg:$0x1]  }
0x3: {  	s1 =	rddreg [dreg:$0x2]  }
0x4: {  	s2 =	rddreg [dreg:$0x3]  }
0x5: {  	s0 =	rddreg [dreg:$0x4]  }
0x6: {  	s4 =	simm.s32 $0x0;
	s6 =	srdreg.scid;
	s3 =	stileid.u32  }
0x7: {  	[smem:$0x7FF] =	sst s4;
	s10 =	sand.u32 $0x1, s6;
	s16 =	sshll.u32 s3, $0x5  }
0x8: {  	v13 =	vlaneseq.u32;
	s11 =	sshll.u32 s3, $0x8;
	s15 =	sadd.s32 $0x1400, s5;
	s18 =	sshll.u32 s3, $0x9  }
0x9: {  	s29 =	sshll.u32 s3, $0x6;
	s7 =	ssub.s32 $0x2, s10;
	_ =	strace $0x80000047;
	v0 =	vor.u32 s11, v13  }
0xa: {  	s9 =	sor.u32 $0x10, s11;
	s13 =	sor.u32 $0x20, s11;
	s14 =	sor.u32 $0x30, s11;
	v0 =	vshrl.u32 v0, $0x1  }
0xb: {  	s19 =	sor.u32 $0x40, s11;
	s20 =	sor.u32 $0x50, s11;
	s21 =	sor.u32 $0x60, s11;
	v1 =	vor.u32 s9, v13;
	v2 =	vor.u32 s13, v13;
	v3 =	vor.u32 s14, v13  }
0xc: {  	s22 =	sor.u32 $0x70, s11;
	s23 =	sor.u32 $0x80, s11;
	s24 =	sor.u32 $0x90, s11;
	v4 =	vor.u32 s19, v13;
	v5 =	vor.u32 s20, v13;
	v6 =	vor.u32 s21, v13  }
0xd: {  	s25 =	sor.u32 $0xA0, s11;
	s26 =	sor.u32 $0xB0, s11;
	s28 =	sor.u32 $0xC0, s11;
	v7 =	vor.u32 s22, v13;
	v8 =	vor.u32 s23, v13;
	v9 =	vor.u32 s24, v13  }
0xe: {  	s30 =	sor.u32 $0xD0, s11;
	s31 =	sor.u32 $0xE0, s11;
	s11 =	sor.u32 $0xF0, s11;
	v10 =	vor.u32 s25, v13;
	v11 =	vor.u32 s26, v13;
	v12 =	vor.u32 s28, v13  }
0xf: {  	s8 =	sadd.s32 s16, s5;
	s5 =	sadd.s32 s18, s2;
	s6 =	sadd.s32 s18, s1;
	v14 =	vor.u32 s30, v13;
	v15 =	vor.u32 s31, v13;
	v16 =	vor.u32 s11, v13  }
0x10: {  	p0 =	seq.s32 s10, $0x0;
	p1 =	sne.s32 s10, $0x0;
	s10 =	simm.s32 $0x1;
	v1 =	vshrl.u32 v1, $0x1;
	v2 =	vshrl.u32 v2, $0x1;
	v3 =	vshrl.u32 v3, $0x1  }
0x11: {  	s17 =	sshrl.u32 s7, $0x1;
	s14 =	smov.u32 s6;
	s11 =	simm.s32 $0x400;
	v4 =	vshrl.u32 v4, $0x1;
	v5 =	vshrl.u32 v5, $0x1;
	v6 =	vshrl.u32 v6, $0x1  }
0x12: {  	s12 =	smov.u32 @p1 s15;
	s13 =	sor.u32 $0x1C01, s29;
	s16 =	ssub.s32 s7, s17;
	v7 =	vshrl.u32 v7, $0x1;
	v8 =	vshrl.u32 v8, $0x1;
	v9 =	vshrl.u32 v9, $0x1  }
0x13: {  	s7 =	sadd.s32 $0x1200, s8;
	s8 =	sadd.s32 $0x1000, s8;
	v10 =	vshrl.u32 v10, $0x1;
	v11 =	vshrl.u32 v11, $0x1;
	v12 =	vshrl.u32 v12, $0x1;
	s14 =	smov.u32 @p1 s5  }
0x14: {  	v13 =	vshrl.u32 v14, $0x1;
	v14 =	vshrl.u32 v15, $0x1;
	v15 =	vshrl.u32 v16, $0x1;
	s12 =	sadd.s32 s12, s29;
	s9 =	smax.u32 s16, $0x1;
	s14 =	sshrl.u32 s14, $0x3  }
.LBB2_1:
0x15: {  	v16 =	vimm.s32 @p0 $0x0  }
0x16: {  	[tilespmem:$0x0] =	vst @p0 v16  }
0x17: {  	[tilespmem:$0x10] =	vst @p0 v16  }
0x18: {  	[tilespmem:$0x20] =	vst @p0 v16  }
0x19: {  	[tilespmem:$0x30] =	vst @p0 v16  }
0x1a: {  	[tilespmem:$0x40] =	vst @p0 v16  }
0x1b: {  	[tilespmem:$0x50] =	vst @p0 v16  }
0x1c: {  	[tilespmem:$0x60] =	vst @p0 v16  }
0x1d: {  	[tilespmem:$0x70] =	vst @p0 v16  }
0x1e: {  	[tilespmem:$0x80] =	vst @p0 v16  }
0x1f: {  	[tilespmem:$0x90] =	vst @p0 v16  }
0x20: {  	[tilespmem:$0xA0] =	vst @p0 v16  }
0x21: {  	[tilespmem:$0xB0] =	vst @p0 v16  }
0x22: {  	[tilespmem:$0xC0] =	vst @p0 v16  }
0x23: {  	[tilespmem:$0xD0] =	vst @p0 v16  }
0x24: {  	[tilespmem:$0xE0] =	vst @p0 v16  }
0x25: {  	[tilespmem:$0xF0] =	vst @p0 v16  }
0x26: {  	[tilespmem:$0x100] =	vst @p0 v16  }
0x27: {  	[tilespmem:$0x110] =	vst @p0 v16  }
0x28: {  	[tilespmem:$0x120] =	vst @p0 v16  }
0x29: {  	[tilespmem:$0x130] =	vst @p0 v16  }
0x2a: {  	[tilespmem:$0x140] =	vst @p0 v16  }
0x2b: {  	[tilespmem:$0x150] =	vst @p0 v16  }
0x2c: {  	[tilespmem:$0x160] =	vst @p0 v16  }
0x2d: {  	[tilespmem:$0x170] =	vst @p0 v16  }
0x2e: {  	[tilespmem:$0x180] =	vst @p0 v16  }
0x2f: {  	[tilespmem:$0x190] =	vst @p0 v16  }
0x30: {  	[tilespmem:$0x1A0] =	vst @p0 v16  }
0x31: {  	[tilespmem:$0x1B0] =	vst @p0 v16  }
0x32: {  	[tilespmem:$0x1C0] =	vst @p0 v16  }
0x33: {  	[tilespmem:$0x1D0] =	vst @p0 v16  }
0x34: {  	[tilespmem:$0x1E0] =	vst @p0 v16  }
0x35: {  	s15 =	simm.s32 @p0 $0x0;
	[tilespmem:$0x1F0] =	vst @p0 v16  }
0x36: {  	v16 =	vimm.f32 @!p0 $0.0e+00;
	[spmem:s6] =	stream.linear.scatter @p0 [tilespmem:s15], [sflag:$0x1], $0x200, $0x38;
	[tilespmem:$0xA80] =	vst v63  }
0x37: {  	[tilespmem:$0x200] =	vst @!p0 v16  }
0x38: {  	[tilespmem:$0x210] =	vst @!p0 v16  }
0x39: {  	[tilespmem:$0x220] =	vst @!p0 v16  }
0x3a: {  	[tilespmem:$0x230] =	vst @!p0 v16  }
0x3b: {  	[tilespmem:$0x240] =	vst @!p0 v16  }
0x3c: {  	[tilespmem:$0x250] =	vst @!p0 v16  }
0x3d: {  	[tilespmem:$0x260] =	vst @!p0 v16  }
0x3e: {  	[tilespmem:$0x270] =	vst @!p0 v16  }
0x3f: {  	[tilespmem:$0x280] =	vst @!p0 v16  }
0x40: {  	[tilespmem:$0x290] =	vst @!p0 v16  }
0x41: {  	[tilespmem:$0x2A0] =	vst @!p0 v16  }
0x42: {  	[tilespmem:$0x2B0] =	vst @!p0 v16  }
0x43: {  	[tilespmem:$0x2C0] =	vst @!p0 v16  }
0x44: {  	[tilespmem:$0x2D0] =	vst @!p0 v16  }
0x45: {  	[tilespmem:$0x2E0] =	vst @!p0 v16  }
0x46: {  	[tilespmem:$0x2F0] =	vst @!p0 v16  }
0x47: {  	[tilespmem:$0x300] =	vst @!p0 v16  }
0x48: {  	[tilespmem:$0x310] =	vst @!p0 v16  }
0x49: {  	[tilespmem:$0x320] =	vst @!p0 v16  }
0x4a: {  	[tilespmem:$0x330] =	vst @!p0 v16  }
0x4b: {  	[tilespmem:$0x340] =	vst @!p0 v16  }
0x4c: {  	[tilespmem:$0x350] =	vst @!p0 v16  }
0x4d: {  	[tilespmem:$0x360] =	vst @!p0 v16  }
0x4e: {  	[tilespmem:$0x370] =	vst @!p0 v16  }
0x4f: {  	[tilespmem:$0x380] =	vst @!p0 v16  }
0x50: {  	[tilespmem:$0x390] =	vst @!p0 v16  }
0x51: {  	[tilespmem:$0x3A0] =	vst @!p0 v16  }
0x52: {  	[tilespmem:$0x3B0] =	vst @!p0 v16  }
0x53: {  	[tilespmem:$0x3C0] =	vst @!p0 v16  }
0x54: {  	[tilespmem:$0x3D0] =	vst @!p0 v16  }
0x55: {  	[tilespmem:$0x3E0] =	vst @!p0 v16  }
0x56: {  	s15 =	simm.s32 @!p0 $0x200;
	[tilespmem:$0x3F0] =	vst @!p0 v16  }
0x57: {  	[spmem:s5] =	stream.linear.scatter @!p0 [tilespmem:s15], [sflag:$0x1], $0x200, $0x38;
	[tilespmem:$0xA80] =	vst v63  }
0x58: {  	_ =	swait.ge [sflag:s10], $0x200  }
0x59: {  	[sflag:s10] =	ssyncset.done $0x0  }
0x5a: {  	[sflag:s10] =	ssyncadd.s32 $0xFFFFFE00  }
0x5b: {  	[bflag:$0x0] =	sbarrier.arrive $0xFFFF  }
0x5c: {  	[tilespmem:s11], [sflag:$0x1] =	stream.linear.gather [hbm4b:s7+s4], $0x100, $0x38;
	[tilespmem:$0xA80] =	vst v63  }
0x5d: {  	_ =	swait.ge [sflag:s10], $0x100  }
0x5e: {  	[sflag:s10] =	ssyncset.done $0x0  }
0x5f: {  	s16 =	simm.s32 @p1 $0x580;
	s15 =	simm.s32 @p1 $0x0;
	[sflag:s10] =	ssyncadd.s32 $0xFFFFFF00  }
0x60: {  	[tilespmem:s16], [sflag:$0x1] =	stream.linear.gather @p1 [hbm4b:s8+s15], $0x100, $0x38;
	[tilespmem:$0xA80] =	vst v63  }
0x61: {  	s15 =	simm.s32 @p1 $0x1  }
0x62: {  	_ =	swait.ge @p1 [sflag:s15], $0x100  }
0x63: {  	[sflag:s15] =	ssyncset.done @p1 $0x0  }
0x64: {  	s17 =	simm.s32 @p1 $0x80;
	s18 =	simm.s32 @p1 $0x400;
	[sflag:s15] =	ssyncadd.s32 @p1 $0xFFFFFF00  }
0x65: {  	[spmem:s2] =	stream.indirect.scatter.add.f32 @p1 [tilespmem:s16], [sflag:$0x1], $0x1, s18, s17, $0xb8;
	[tilespmem:$0xA80] =	vst v63  }
0x66: {  	_ =	swait.ge @p1 [sflag:s15], $0x80  }
0x67: {  	[sflag:s15] =	ssyncset.done @p1 $0x0  }
0x68: {  	s16 =	simm.s32 @p1 $0x600;
	[sflag:s15] =	ssyncadd.s32 @p1 $0xFFFFFF80;
	s15 =	simm.s32 @p1 $0x480  }
0x69: {  	[spmem:s2] =	stream.indirect.scatter.add.f32 @p1 [tilespmem:s16], [sflag:$0x1], $0x1, s15, s17, $0xb8;
	[tilespmem:$0xA80] =	vst v63  }
0x6a: {  	[tilespmem:$0x500] =	vst @!p1 v0  }
0x6b: {  	[tilespmem:$0x510] =	vst @!p1 v1  }
0x6c: {  	[tilespmem:$0x520] =	vst @!p1 v2  }
0x6d: {  	[tilespmem:$0x530] =	vst @!p1 v3  }
0x6e: {  	[tilespmem:$0x540] =	vst @!p1 v4  }
0x6f: {  	[tilespmem:$0x550] =	vst @!p1 v5  }
0x70: {  	[tilespmem:$0x560] =	vst @!p1 v6  }
0x71: {  	s15 =	simm.s32 @!p1 $0x80;
	s16 =	simm.s32 @!p1 $0x400;
	s17 =	simm.s32 @!p1 $0x500;
	[tilespmem:$0x570] =	vst @!p1 v7  }
0x72: {  	[spmem:s1] =	stream.indirect.scatter.add.s32 @!p1 [tilespmem:s17], [sflag:$0x1], $0x1, s16, s15, $0xb8;
	[tilespmem:$0xA80] =	vst v63  }
0x73: {  	s16 =	simm.s32 @!p1 $0x1  }
0x74: {  	_ =	swait.ge @!p1 [sflag:s16], $0x80  }
0x75: {  	[sflag:s16] =	ssyncset.done @!p1 $0x0  }
0x76: {  	[sflag:s16] =	ssyncadd.s32 @!p1 $0xFFFFFF80  }
0x77: {  	[tilespmem:$0x500] =	vst @!p1 v8  }
0x78: {  	[tilespmem:$0x510] =	vst @!p1 v9  }
0x79: {  	[tilespmem:$0x520] =	vst @!p1 v10  }
0x7a: {  	[tilespmem:$0x530] =	vst @!p1 v11  }
0x7b: {  	[tilespmem:$0x540] =	vst @!p1 v12  }
0x7c: {  	[tilespmem:$0x550] =	vst @!p1 v13  }
0x7d: {  	[tilespmem:$0x560] =	vst @!p1 v14  }
0x7e: {  	s16 =	simm.s32 @!p1 $0x480;
	[tilespmem:$0x570] =	vst @!p1 v15  }
0x7f: {  	[spmem:s1] =	stream.indirect.scatter.add.s32 @!p1 [tilespmem:s17], [sflag:$0x1], $0x1, s16, s15, $0xb8;
	[tilespmem:$0xA80] =	vst v63  }
0x80: {  	_ =	swait.ge [sflag:s10], $0x80  }
0x81: {  	s9 =	sadd.s32 $0xFFFFFFFF, s9;
	[sflag:s10] =	ssyncset.done $0x0  }
0x82: {  	p2 =	sne.s32 s9, $0x0;
	[sflag:s10] =	ssyncadd.s32 $0xFFFFFF80  }
.Ltmp0:
0x83: {  	[bflag:$0x0] =	sbarrier.arrive $0xFFFF;
	(pc) =	sbr.rel @p2 .LBB2_1-.Ltmp0, $4  }
0x84: {  	[hbm:s12], [sflag:s13] =	dma.local [spmem:s14], $0x40  }
0x85: {  	_ =	swait.ge [sflag:s10], $0x40  }
0x86: {  	[sflag:s10] =	ssyncset.done $0x0  }
0x87: {  	[sflag:s10] =	ssyncadd.s32 $0xFFFFFFC0  }
0x88: {  	_ =	sfence.sel $0x180000  }
0x89: {  	[bflag:$0x0] =	sbarrier.arrive $0xFFFF  }
0x8a: {  	p0 =	sne.s32 s3, $0x0;
	_ =	strace $0x90000047  }
0x8b: {  	s0 =	sadd.s32 @!p0 $0x100000, s0;
	[bflag:$0x2] =	sbarrier.arrive $0xFFFF  }
0x8c: {  	[sflag:s0] =	ssyncadd.tile.s32 @!p0 $0x1;
	_ =	shalt  }
.Lfunc_end2:
_tile_overlayer_lowered:
.L_overlay_start_2:
0x8d: {  	(tag) =	ssettag $0x2  }
0x8e: {  	s0 =	rddreg [dreg:$0x0];
	s2 =	stileid.u32  }
0x8f: {  	s1 =	rddreg [dreg:$0x1];
	p0 =	sne.s32 s2, $0x0  }
0x90: {  	s3 =	rddreg [dreg:$0x2];
	[bflag:$0x3] =	sbarrier.arrive $0xFFFF;
	s2 =	simm.s32 @!p0 $0x1C01  }
0x91: {  	[timem:s3], [sflag:s2] =	dma.local @!p0 [hbm:s0], s1  }
0x92: {  	s0 =	simm.s32 @!p0 $0x1  }
0x93: {  	_ =	swait.ge @!p0 [sflag:s0], s1  }
0x94: {  	s1 =	ssub.s32 @!p0 $0x0, s1;
	[sflag:s0] =	ssyncset.done @!p0 $0x0  }
0x95: {  	[sflag:s0] =	ssyncadd.s32 @!p0 s1  }
0x96: {  	[bflag:$0x3] =	sbarrier.arrive $0xFFFF  }
0x97: {  	_ =	shalt  }

</sc_bundles>
